<compile_context>
chip_gen: v7x
topology: tpu7x:2x2x1
jax: 0.10.2.dev20260603
libtpu: 0.0.44.dev20260713+nightly
codegen_flags: <defaults>
</compile_context>

<pallas_src>
import functools

import jax
import jax.numpy as jnp
from jax import lax
from jax.experimental import pallas as pl
from jax.experimental.pallas import tpu as pltpu, tpu_sc as plsc

B = 16384
L = 50
DIM = 64
EPS = 1e-5
NC = 2
NS = 16
NW = NC * NS
LANES = 16
BBLK = 128
BPW = B // BBLK // NW
LP = L // 2
CHUNK = 2 * BBLK
GROUPS = CHUNK // LANES


def _rsqrt(x):
    i = plsc.bitcast(x, jnp.int32)
    i = 0x5F3759DF - (i >> 1)
    y = plsc.bitcast(i, jnp.float32)
    for _ in range(3):
        y = y * (1.5 - 0.5 * x * y * y)
    return y


@functools.cache
def _build(vocab):
    n = B * L
    n_w = n // NW
    n_chunks = n_w // CHUNK

    mesh = plsc.VectorSubcoreMesh(
        core_axis_name="c", subcore_axis_name="s",
        num_cores=NC, num_subcores=NS)

    @functools.partial(
        pl.kernel,
        out_type=jax.ShapeDtypeStruct((L, DIM // 8, B // BBLK, 8 * BBLK),
                                      jnp.float32),
        mesh=mesh,
        scratch_types=[
            pltpu.VMEM((n_w,), jnp.int32),
            pltpu.VMEM((n_w,), jnp.int32),
            pltpu.VMEM((CHUNK, DIM), jnp.float32),
            pltpu.VMEM((CHUNK, DIM), jnp.float32),
            pltpu.VMEM((16, 8 * BBLK), jnp.float32),
            pltpu.VMEM((16, 8 * BBLK), jnp.float32),
            pltpu.VMEM((DIM,), jnp.float32),
            pltpu.VMEM((DIM,), jnp.float32),
            pltpu.SemaphoreType.DMA,
            pltpu.SemaphoreType.DMA,
        ],
        compiler_params=pltpu.CompilerParams(
            needs_layout_passes=False, use_tc_tiling_on_sc=False),
    )
    def emb_ln(idx_hbm, table_hbm, gamma_hbm, beta_hbm, out_hbm,
               idx_v, idx_r, rows0, rows1, outb0, outb1, gbuf, bbuf,
               gsem, osem):
        wid = lax.axis_index("s") * NC + lax.axis_index("c")
        base_w = wid * n_w
        pltpu.sync_copy(gamma_hbm, gbuf)
        pltpu.sync_copy(beta_hbm, bbuf)
        pltpu.sync_copy(idx_hbm.at[pl.ds(base_w, n_w)], idx_v)
        lane = lax.iota(jnp.int32, 16)

        @plsc.parallel_loop(0, n_w // LANES, unroll=4)
        def reorder(t):
            bq = t % (BBLK // LANES)
            r = t // (BBLK // LANES)
            ll = r % 2
            r = r // 2
            lp = r % LP
            blk = r // LP
            bvec = bq * LANES + lane
            src = blk * (L * BBLK) + bvec * L + lp * 2 + ll
            idx_r[pl.ds(t * LANES, LANES)] = plsc.load_gather(idx_v, [src])

        def issue_gather(c, rows):
            pltpu.async_copy(
                table_hbm.at[idx_r.at[pl.ds(c * CHUNK, CHUNK)]], rows, gsem)

        def wait_gather(rows):
            pltpu.make_async_copy(
                table_hbm.at[pl.ds(0, CHUNK)], rows, gsem).wait()

        def issue_out(c, outb):
            blk = c // LP
            lp = c % LP
            bh = wid * BPW + blk
            for i in range(16):
                pltpu.async_copy(
                    outb.at[i],
                    out_hbm.at[lp * 2 + i // 8, i % 8, bh], osem)

        def wait_out(outb):
            pltpu.make_async_copy(
                out_hbm.at[0, 0, pl.ds(0, 16)], outb, osem).wait()

        def compute(rows, outb):
            @plsc.parallel_loop(0, GROUPS)
            def group_body(g):
                rvec = lane + g * LANES
                acc = [jnp.zeros((16,), jnp.float32) for _ in range(8)]
                for j in range(DIM):
                    cj = (lane + j) & (DIM - 1)
                    x = plsc.load_gather(rows, [rvec, cj])
                    acc[j % 4] = acc[j % 4] + x
                    acc[4 + j % 4] = acc[4 + j % 4] + x * x
                s = (acc[0] + acc[1]) + (acc[2] + acc[3])
                q = (acc[4] + acc[5]) + (acc[6] + acc[7])
                mean = s * (1.0 / DIM)
                var = q * (1.0 / DIM) - mean * mean
                inv = _rsqrt(var + EPS)
                m2 = mean * inv
                obase = (g // 8) * (64 * BBLK) + (g % 8) * LANES

                @plsc.parallel_loop(0, DIM, unroll=8)
                def col_body(j):
                    cj = (lane + j) & (DIM - 1)
                    x = plsc.load_gather(rows, [rvec, cj])
                    z = x * inv - m2
                    z = (z * plsc.load_gather(gbuf, [cj])
                         + plsc.load_gather(bbuf, [cj]))
                    off = obase + cj * BBLK + lane
                    plsc.store_scatter(
                        outb, [off >> 10, off & 1023], z)

        issue_gather(0, rows0)

        def body2(c2, carry):
            for p, rows, outb, nrows in ((0, rows0, outb0, rows1),
                                         (1, rows1, outb1, rows0)):
                c = c2 * 2 + p
                wait_gather(rows)

                @pl.when(c + 1 < n_chunks)
                def _():
                    issue_gather(c + 1, nrows)

                @pl.when(c >= 2)
                def _():
                    wait_out(outb)

                compute(rows, outb)
                issue_out(c, outb)
            return carry

        lax.fori_loop(0, n_chunks // 2, body2, 0)
        wait_out(outb0)
        wait_out(outb1)

    return emb_ln


def kernel(tcword_id, table, gamma, beta):
    b, l = tcword_id.shape
    assert (b, l) == (B, L) and table.shape[1] == DIM
    idx = tcword_id.reshape(-1).astype(jnp.int32)
    fn = _build(table.shape[0])
    out = fn(idx, table, gamma, beta)
    out = out.reshape(L, DIM // 8, B // BBLK, 8, BBLK)
    return out.transpose((2, 4, 0, 1, 3)).reshape(B, L, DIM)

# --- scband reference (transcript-rebuilt; emitter-appended) ---
"""Pipeline reference for scband-embedding-wrapper-61091614818557 (READ-ONLY COPY).

The authoritative reference and input builder live on the scoring server;
editing this copy changes nothing except your own understanding.
"""

import jax, jax.numpy as jnp
import numpy as np

VOCAB = 1000000
DIM = 64
B = 16384
L = 50
EPS = 1e-5


def setup_inputs(seed: int = 0) -> dict:
    key = jax.random.key(seed)
    k1, k2 = jax.random.split(key, 2)
    tcword_id = jax.random.randint(k1, (B, L), 0, VOCAB, dtype=jnp.int64 if jax.config.jax_enable_x64 else jnp.int32)
    # nn.Embedding weight ~ N(0,1); padding_idx=0 row zeroed
    table = jax.random.normal(k2, (VOCAB, DIM), dtype=jnp.float32)
    table = table.at[0].set(0.0)
    # nn.LayerNorm elementwise affine params
    gamma = jnp.ones((DIM,), dtype=jnp.float32)
    beta = jnp.zeros((DIM,), dtype=jnp.float32)
    return {"tcword_id": tcword_id, "table": table, "gamma": gamma, "beta": beta}


def reference(tcword_id, table, gamma, beta):
    # h = self.embedding(tcword_id)
    h = jnp.take(table, tcword_id, axis=0)
    # do_layer_norm=True -> h = self.layer_norm(h)
    mean = jnp.mean(h, axis=-1, keepdims=True)
    var = jnp.var(h, axis=-1, keepdims=True)
    h_norm = (h - mean) / jnp.sqrt(var + EPS)
    return h_norm * gamma + beta

if __name__ == "__main__":
    import jax
    _d = setup_inputs()
    print(jax.jit(kernel)(*tuple(_d.values())))

</pallas_src>

<mosaic_0001>
#map = affine_map<(d0, d1) -> (0)>
#map1 = affine_map<(d0, d1) -> (0, 0)>
#map2 = affine_map<(d0, d1) -> (0, 0, 0, 0)>
module attributes {stable_mosaic.version = 14 : i64} {
  func.func @emb_ln(%arg0: i32, %arg1: i32, %arg2: memref<819200xi32, #tpu.memory_space<hbm>>, %arg3: memref<1000000x64xf32, #tpu.memory_space<hbm>>, %arg4: memref<64xf32, #tpu.memory_space<hbm>>, %arg5: memref<64xf32, #tpu.memory_space<hbm>>, %arg6: memref<50x8x128x1024xf32, #tpu.memory_space<hbm>>, %arg7: memref<25600xi32, #tpu.memory_space<vmem>>, %arg8: memref<25600xi32, #tpu.memory_space<vmem>>, %arg9: memref<256x64xf32, #tpu.memory_space<vmem>>, %arg10: memref<256x64xf32, #tpu.memory_space<vmem>>, %arg11: memref<16x1024xf32, #tpu.memory_space<vmem>>, %arg12: memref<16x1024xf32, #tpu.memory_space<vmem>>, %arg13: memref<64xf32, #tpu.memory_space<vmem>>, %arg14: memref<64xf32, #tpu.memory_space<vmem>>, %arg15: memref<!tpu.dma_semaphore, #tpu.memory_space<semaphore_mem>>, %arg16: memref<!tpu.dma_semaphore, #tpu.memory_space<semaphore_mem>>) attributes {dimension_semantics = [#tpu.dimension_semantics<core_parallel>, #tpu.dimension_semantics<subcore_parallel>], iteration_bounds = array<i64: 2, 16>, scalar_prefetch = 0 : i64, scratch_operands = 10 : i64, tpu.core_type = #tpu.core_type<sc_vector_subcore>, window_params = [{transform_indices = #map}, {transform_indices = #map1}, {transform_indices = #map}, {transform_indices = #map}, {transform_indices = #map2}]} {
    %mul3A = arith.constant 2 : i32
    %mul3A_0 = arith.muli %arg1, %mul3A : i32
    %add3A = arith.addi %mul3A_0, %arg0 : i32
    %mul3A_1 = arith.constant 25600 : i32
    %mul3A_2 = arith.muli %add3A, %mul3A_1 : i32
    "tpu.region"() ({
      %run_scoped3A = tpu.sem_alloc : memref<!tpu.dma_semaphore, #tpu.memory_space<semaphore_mem>>
      tpu.enqueue_dma source(%arg4 : memref<64xf32, #tpu.memory_space<hbm>>) target(%arg13 : memref<64xf32, #tpu.memory_space<vmem>>) target_semaphore(%run_scoped3A : memref<!tpu.dma_semaphore, #tpu.memory_space<semaphore_mem>>)
      tpu.wait_dma2 semaphore(%run_scoped3A : memref<!tpu.dma_semaphore, #tpu.memory_space<semaphore_mem>>) src(%arg4 : memref<64xf32, #tpu.memory_space<hbm>>) dst(%arg13 : memref<64xf32, #tpu.memory_space<vmem>>)
      tpu.yield
    }) : () -> ()
    "tpu.region"() ({
      %run_scoped3A = tpu.sem_alloc : memref<!tpu.dma_semaphore, #tpu.memory_space<semaphore_mem>>
      tpu.enqueue_dma source(%arg5 : memref<64xf32, #tpu.memory_space<hbm>>) target(%arg14 : memref<64xf32, #tpu.memory_space<vmem>>) target_semaphore(%run_scoped3A : memref<!tpu.dma_semaphore, #tpu.memory_space<semaphore_mem>>)
      tpu.wait_dma2 semaphore(%run_scoped3A : memref<!tpu.dma_semaphore, #tpu.memory_space<semaphore_mem>>) src(%arg5 : memref<64xf32, #tpu.memory_space<hbm>>) dst(%arg14 : memref<64xf32, #tpu.memory_space<vmem>>)
      tpu.yield
    }) : () -> ()
    "tpu.region"() ({
      %run_scoped3A = tpu.sem_alloc : memref<!tpu.dma_semaphore, #tpu.memory_space<semaphore_mem>>
      %dma_start3A_33 = tpu.memref_slice %arg2[%mul3A_2] : memref<819200xi32, #tpu.memory_space<hbm>> -> memref<25600xi32, #tpu.memory_space<hbm>>
      %dma_start3A_34 = tpu.memref_slice %arg2[%mul3A_2] : memref<819200xi32, #tpu.memory_space<hbm>> -> memref<25600xi32, #tpu.memory_space<hbm>>
      tpu.enqueue_dma source(%dma_start3A_34 : memref<25600xi32, #tpu.memory_space<hbm>>) target(%arg7 : memref<25600xi32, #tpu.memory_space<vmem>>) target_semaphore(%run_scoped3A : memref<!tpu.dma_semaphore, #tpu.memory_space<semaphore_mem>>)
      %dma_wait3A_35 = tpu.memref_slice %arg2[%mul3A_2] : memref<819200xi32, #tpu.memory_space<hbm>> -> memref<25600xi32, #tpu.memory_space<hbm>>
      %dma_wait3A_36 = tpu.memref_slice %arg2[%mul3A_2] : memref<819200xi32, #tpu.memory_space<hbm>> -> memref<25600xi32, #tpu.memory_space<hbm>>
      tpu.wait_dma2 semaphore(%run_scoped3A : memref<!tpu.dma_semaphore, #tpu.memory_space<semaphore_mem>>) src(%dma_wait3A_36 : memref<25600xi32, #tpu.memory_space<hbm>>) dst(%arg7 : memref<25600xi32, #tpu.memory_space<vmem>>)
      tpu.yield
    }) : () -> ()
    %iota3A = tpu.iota {dimensions = array<i32: 0>} : vector<16xi32>
    %parallel_loop3A = arith.constant 0 : i32
    %parallel_loop3A_3 = arith.constant 1600 : i32
    %parallel_loop3A_4 = arith.constant 1 : i32
    scf.for %parallel_loop3A_33 = %parallel_loop3A to %parallel_loop3A_3 step %parallel_loop3A_4  : i32 {
      %parallel_loop3A_34 = arith.constant 8 : i32
      %parallel_loop3A_35 = arith.constant 0 : i32
      %parallel_loop3A_36 = arith.cmpi eq, %parallel_loop3A_34, %parallel_loop3A_35 : i32
      %parallel_loop3A_37 = arith.constant 1 : i32
      %parallel_loop3A_38 = arith.select %parallel_loop3A_36, %parallel_loop3A_37, %parallel_loop3A_34 : i32
      %parallel_loop3A_39 = arith.remsi %parallel_loop3A_33, %parallel_loop3A_38 : i32
      %parallel_loop3A_40 = arith.constant 0 : i32
      %parallel_loop3A_41 = arith.cmpi ne, %parallel_loop3A_39, %parallel_loop3A_40 : i32
      %parallel_loop3A_42 = arith.constant 0 : i32
      %parallel_loop3A_43 = arith.cmpi slt, %parallel_loop3A_39, %parallel_loop3A_42 : i32
      %parallel_loop3A_44 = arith.constant 0 : i32
      %parallel_loop3A_45 = arith.cmpi slt, %parallel_loop3A_38, %parallel_loop3A_44 : i32
      %parallel_loop3A_46 = arith.xori %parallel_loop3A_43, %parallel_loop3A_45 : i1
      %parallel_loop3A_47 = arith.andi %parallel_loop3A_46, %parallel_loop3A_41 : i1
      %parallel_loop3A_48 = arith.addi %parallel_loop3A_39, %parallel_loop3A_38 : i32
      %parallel_loop3A_49 = arith.select %parallel_loop3A_47, %parallel_loop3A_48, %parallel_loop3A_39 : i32
      %parallel_loop3A_50 = arith.constant 8 : i32
      %parallel_loop3A_51 = arith.divsi %parallel_loop3A_33, %parallel_loop3A_50 : i32
      %parallel_loop3A_52 = arith.constant 0 : i32
      %parallel_loop3A_53 = arith.cmpi sgt, %parallel_loop3A_33, %parallel_loop3A_52 : i32
      %parallel_loop3A_54 = arith.extui %parallel_loop3A_53 : i1 to i32
      %parallel_loop3A_55 = arith.constant 0 : i32
      %parallel_loop3A_56 = arith.cmpi slt, %parallel_loop3A_33, %parallel_loop3A_55 : i32
      %parallel_loop3A_57 = arith.extui %parallel_loop3A_56 : i1 to i32
      %parallel_loop3A_58 = arith.subi %parallel_loop3A_54, %parallel_loop3A_57 : i32
      %parallel_loop3A_59 = arith.constant 0 : i32
      %parallel_loop3A_60 = arith.cmpi sgt, %parallel_loop3A_50, %parallel_loop3A_59 : i32
      %parallel_loop3A_61 = arith.extui %parallel_loop3A_60 : i1 to i32
      %parallel_loop3A_62 = arith.constant 0 : i32
      %parallel_loop3A_63 = arith.cmpi slt, %parallel_loop3A_50, %parallel_loop3A_62 : i32
      %parallel_loop3A_64 = arith.extui %parallel_loop3A_63 : i1 to i32
      %parallel_loop3A_65 = arith.subi %parallel_loop3A_61, %parallel_loop3A_64 : i32
      %parallel_loop3A_66 = arith.cmpi ne, %parallel_loop3A_58, %parallel_loop3A_65 : i32
      %parallel_loop3A_67 = arith.remsi %parallel_loop3A_33, %parallel_loop3A_50 : i32
      %parallel_loop3A_68 = arith.constant 0 : i32
      %parallel_loop3A_69 = arith.cmpi ne, %parallel_loop3A_67, %parallel_loop3A_68 : i32
      %parallel_loop3A_70 = arith.andi %parallel_loop3A_66, %parallel_loop3A_69 : i1
      %parallel_loop3A_71 = arith.constant 1 : i32
      %parallel_loop3A_72 = arith.subi %parallel_loop3A_51, %parallel_loop3A_71 : i32
      %parallel_loop3A_73 = arith.select %parallel_loop3A_70, %parallel_loop3A_72, %parallel_loop3A_51 : i32
      %parallel_loop3A_74 = arith.constant 2 : i32
      %parallel_loop3A_75 = arith.constant 0 : i32
      %parallel_loop3A_76 = arith.cmpi eq, %parallel_loop3A_74, %parallel_loop3A_75 : i32
      %parallel_loop3A_77 = arith.constant 1 : i32
      %parallel_loop3A_78 = arith.select %parallel_loop3A_76, %parallel_loop3A_77, %parallel_loop3A_74 : i32
      %parallel_loop3A_79 = arith.remsi %parallel_loop3A_73, %parallel_loop3A_78 : i32
      %parallel_loop3A_80 = arith.constant 0 : i32
      %parallel_loop3A_81 = arith.cmpi ne, %parallel_loop3A_79, %parallel_loop3A_80 : i32
      %parallel_loop3A_82 = arith.constant 0 : i32
      %parallel_loop3A_83 = arith.cmpi slt, %parallel_loop3A_79, %parallel_loop3A_82 : i32
      %parallel_loop3A_84 = arith.constant 0 : i32
      %parallel_loop3A_85 = arith.cmpi slt, %parallel_loop3A_78, %parallel_loop3A_84 : i32
      %parallel_loop3A_86 = arith.xori %parallel_loop3A_83, %parallel_loop3A_85 : i1
      %parallel_loop3A_87 = arith.andi %parallel_loop3A_86, %parallel_loop3A_81 : i1
      %parallel_loop3A_88 = arith.addi %parallel_loop3A_79, %parallel_loop3A_78 : i32
      %parallel_loop3A_89 = arith.select %parallel_loop3A_87, %parallel_loop3A_88, %parallel_loop3A_79 : i32
      %parallel_loop3A_90 = arith.constant 2 : i32
      %parallel_loop3A_91 = arith.divsi %parallel_loop3A_73, %parallel_loop3A_90 : i32
      %parallel_loop3A_92 = arith.constant 0 : i32
      %parallel_loop3A_93 = arith.cmpi sgt, %parallel_loop3A_73, %parallel_loop3A_92 : i32
      %parallel_loop3A_94 = arith.extui %parallel_loop3A_93 : i1 to i32
      %parallel_loop3A_95 = arith.constant 0 : i32
      %parallel_loop3A_96 = arith.cmpi slt, %parallel_loop3A_73, %parallel_loop3A_95 : i32
      %parallel_loop3A_97 = arith.extui %parallel_loop3A_96 : i1 to i32
      %parallel_loop3A_98 = arith.subi %parallel_loop3A_94, %parallel_loop3A_97 : i32
      %parallel_loop3A_99 = arith.constant 0 : i32
      %parallel_loop3A_100 = arith.cmpi sgt, %parallel_loop3A_90, %parallel_loop3A_99 : i32
      %parallel_loop3A_101 = arith.extui %parallel_loop3A_100 : i1 to i32
      %parallel_loop3A_102 = arith.constant 0 : i32
      %parallel_loop3A_103 = arith.cmpi slt, %parallel_loop3A_90, %parallel_loop3A_102 : i32
      %parallel_loop3A_104 = arith.extui %parallel_loop3A_103 : i1 to i32
      %parallel_loop3A_105 = arith.subi %parallel_loop3A_101, %parallel_loop3A_104 : i32
      %parallel_loop3A_106 = arith.cmpi ne, %parallel_loop3A_98, %parallel_loop3A_105 : i32
      %parallel_loop3A_107 = arith.remsi %parallel_loop3A_73, %parallel_loop3A_90 : i32
      %parallel_loop3A_108 = arith.constant 0 : i32
      %parallel_loop3A_109 = arith.cmpi ne, %parallel_loop3A_107, %parallel_loop3A_108 : i32
      %parallel_loop3A_110 = arith.andi %parallel_loop3A_106, %parallel_loop3A_109 : i1
      %parallel_loop3A_111 = arith.constant 1 : i32
      %parallel_loop3A_112 = arith.subi %parallel_loop3A_91, %parallel_loop3A_111 : i32
      %parallel_loop3A_113 = arith.select %parallel_loop3A_110, %parallel_loop3A_112, %parallel_loop3A_91 : i32
      %parallel_loop3A_114 = arith.constant 25 : i32
      %parallel_loop3A_115 = arith.constant 0 : i32
      %parallel_loop3A_116 = arith.cmpi eq, %parallel_loop3A_114, %parallel_loop3A_115 : i32
      %parallel_loop3A_117 = arith.constant 1 : i32
      %parallel_loop3A_118 = arith.select %parallel_loop3A_116, %parallel_loop3A_117, %parallel_loop3A_114 : i32
      %parallel_loop3A_119 = arith.remsi %parallel_loop3A_113, %parallel_loop3A_118 : i32
      %parallel_loop3A_120 = arith.constant 0 : i32
      %parallel_loop3A_121 = arith.cmpi ne, %parallel_loop3A_119, %parallel_loop3A_120 : i32
      %parallel_loop3A_122 = arith.constant 0 : i32
      %parallel_loop3A_123 = arith.cmpi slt, %parallel_loop3A_119, %parallel_loop3A_122 : i32
      %parallel_loop3A_124 = arith.constant 0 : i32
      %parallel_loop3A_125 = arith.cmpi slt, %parallel_loop3A_118, %parallel_loop3A_124 : i32
      %parallel_loop3A_126 = arith.xori %parallel_loop3A_123, %parallel_loop3A_125 : i1
      %parallel_loop3A_127 = arith.andi %parallel_loop3A_126, %parallel_loop3A_121 : i1
      %parallel_loop3A_128 = arith.addi %parallel_loop3A_119, %parallel_loop3A_118 : i32
      %parallel_loop3A_129 = arith.select %parallel_loop3A_127, %parallel_loop3A_128, %parallel_loop3A_119 : i32
      %parallel_loop3A_130 = arith.constant 25 : i32
      %parallel_loop3A_131 = arith.divsi %parallel_loop3A_113, %parallel_loop3A_130 : i32
      %parallel_loop3A_132 = arith.constant 0 : i32
      %parallel_loop3A_133 = arith.cmpi sgt, %parallel_loop3A_113, %parallel_loop3A_132 : i32
      %parallel_loop3A_134 = arith.extui %parallel_loop3A_133 : i1 to i32
      %parallel_loop3A_135 = arith.constant 0 : i32
      %parallel_loop3A_136 = arith.cmpi slt, %parallel_loop3A_113, %parallel_loop3A_135 : i32
      %parallel_loop3A_137 = arith.extui %parallel_loop3A_136 : i1 to i32
      %parallel_loop3A_138 = arith.subi %parallel_loop3A_134, %parallel_loop3A_137 : i32
      %parallel_loop3A_139 = arith.constant 0 : i32
      %parallel_loop3A_140 = arith.cmpi sgt, %parallel_loop3A_130, %parallel_loop3A_139 : i32
      %parallel_loop3A_141 = arith.extui %parallel_loop3A_140 : i1 to i32
      %parallel_loop3A_142 = arith.constant 0 : i32
      %parallel_loop3A_143 = arith.cmpi slt, %parallel_loop3A_130, %parallel_loop3A_142 : i32
      %parallel_loop3A_144 = arith.extui %parallel_loop3A_143 : i1 to i32
      %parallel_loop3A_145 = arith.subi %parallel_loop3A_141, %parallel_loop3A_144 : i32
      %parallel_loop3A_146 = arith.cmpi ne, %parallel_loop3A_138, %parallel_loop3A_145 : i32
      %parallel_loop3A_147 = arith.remsi %parallel_loop3A_113, %parallel_loop3A_130 : i32
      %parallel_loop3A_148 = arith.constant 0 : i32
      %parallel_loop3A_149 = arith.cmpi ne, %parallel_loop3A_147, %parallel_loop3A_148 : i32
      %parallel_loop3A_150 = arith.andi %parallel_loop3A_146, %parallel_loop3A_149 : i1
      %parallel_loop3A_151 = arith.constant 1 : i32
      %parallel_loop3A_152 = arith.subi %parallel_loop3A_131, %parallel_loop3A_151 : i32
      %parallel_loop3A_153 = arith.select %parallel_loop3A_150, %parallel_loop3A_152, %parallel_loop3A_131 : i32
      %parallel_loop3A_154 = arith.constant 16 : i32
      %parallel_loop3A_155 = arith.muli %parallel_loop3A_49, %parallel_loop3A_154 : i32
      %parallel_loop3A_156 = vector.broadcast %parallel_loop3A_155 : i32 to vector<16xi32>
      %parallel_loop3A_157 = arith.addi %parallel_loop3A_156, %iota3A : vector<16xi32>
      %parallel_loop3A_158 = arith.constant 6400 : i32
      %parallel_loop3A_159 = arith.muli %parallel_loop3A_153, %parallel_loop3A_158 : i32
      %parallel_loop3A_160 = arith.constant 50 : i32
      %parallel_loop3A_161 = vector.broadcast %parallel_loop3A_160 : i32 to vector<16xi32>
      %parallel_loop3A_162 = arith.muli %parallel_loop3A_157, %parallel_loop3A_161 : vector<16xi32>
      %parallel_loop3A_163 = vector.broadcast %parallel_loop3A_159 : i32 to vector<16xi32>
      %parallel_loop3A_164 = arith.addi %parallel_loop3A_163, %parallel_loop3A_162 : vector<16xi32>
      %parallel_loop3A_165 = arith.constant 2 : i32
      %parallel_loop3A_166 = arith.muli %parallel_loop3A_129, %parallel_loop3A_165 : i32
      %parallel_loop3A_167 = vector.broadcast %parallel_loop3A_166 : i32 to vector<16xi32>
      %parallel_loop3A_168 = arith.addi %parallel_loop3A_164, %parallel_loop3A_167 : vector<16xi32>
      %parallel_loop3A_169 = vector.broadcast %parallel_loop3A_89 : i32 to vector<16xi32>
      %parallel_loop3A_170 = arith.addi %parallel_loop3A_168, %parallel_loop3A_169 : vector<16xi32>
      %parallel_loop3A_171 = tpu.vector_load_idx %arg7[%parallel_loop3A_170] : memref<25600xi32, #tpu.memory_space<vmem>>[vector<16xi32>], vector<16xi32>,
      %parallel_loop3A_172 = arith.constant 16 : i32
      %parallel_loop3A_173 = arith.muli %parallel_loop3A_33, %parallel_loop3A_172 : i32
      %parallel_loop3A_174 = arith.index_cast %parallel_loop3A_173 : i32 to index
      %parallel_loop3A_175 = tpu.vector_load %arg8[%parallel_loop3A_174] {strides = array<i32>} : memref<25600xi32, #tpu.memory_space<vmem>>, vector<16xi32>,
      tpu.vector_store %arg8[%parallel_loop3A_174], %parallel_loop3A_171 {strides = array<i32>} : memref<25600xi32, #tpu.memory_space<vmem>>, vector<16xi32>,
    } {sc.loop_unroll_factor = 4 : i64, sc.parallel_access}
    %dma_start3A = arith.constant 0 : i32
    %dma_start3A_5 = tpu.memref_slice %arg8[%dma_start3A] : memref<25600xi32, #tpu.memory_space<vmem>> -> memref<256xi32, #tpu.memory_space<vmem>>
    %dma_start3A_6 = arith.constant 0 : i32
    %dma_start3A_7 = arith.constant 0 : i32
    %dma_start3A_8 = tpu.memref_slice %arg3[%dma_start3A_6, %dma_start3A_7] : memref<1000000x64xf32, #tpu.memory_space<hbm>> -> memref<1000000x64xf32, #tpu.memory_space<hbm>>
    tpu.enqueue_indirect_dma source(%dma_start3A_8 : memref<1000000x64xf32, #tpu.memory_space<hbm>>) target(%arg9 : memref<256x64xf32, #tpu.memory_space<vmem>>) offsets(%dma_start3A_5 : memref<256xi32, #tpu.memory_space<vmem>>) semaphore(%arg15 : memref<!tpu.dma_semaphore, #tpu.memory_space<semaphore_mem>>)
    %scan3A = arith.constant 0 : i32
    %scan3A_9 = arith.constant 0 : i32
    %scan3A_10 = arith.constant 50 : i32
    %scan3A_11 = arith.addi %scan3A_9, %scan3A_10 : i32
    %scan3A_12 = arith.constant 1 : i32
    scf.for %scan3A_33 = %scan3A_9 to %scan3A_11 step %scan3A_12  : i32 {
      %mul3A_34 = arith.constant 2 : i32
      %mul3A_35 = arith.muli %scan3A_33, %mul3A_34 : i32
      %add3A_36 = arith.constant 0 : i32
      %add3A_37 = arith.addi %mul3A_35, %add3A_36 : i32
      %dma_wait3A_38 = arith.constant 0 : i32
      %dma_wait3A_39 = arith.constant 0 : i32
      %dma_wait3A_40 = tpu.memref_slice %arg3[%dma_wait3A_38, %dma_wait3A_39] : memref<1000000x64xf32, #tpu.memory_space<hbm>> -> memref<256x64xf32, #tpu.memory_space<hbm>>
      %dma_wait3A_41 = arith.constant 0 : i32
      %dma_wait3A_42 = arith.constant 0 : i32
      %dma_wait3A_43 = tpu.memref_slice %arg3[%dma_wait3A_41, %dma_wait3A_42] : memref<1000000x64xf32, #tpu.memory_space<hbm>> -> memref<256x64xf32, #tpu.memory_space<hbm>>
      tpu.wait_dma2 semaphore(%arg15 : memref<!tpu.dma_semaphore, #tpu.memory_space<semaphore_mem>>) src(%dma_wait3A_43 : memref<256x64xf32, #tpu.memory_space<hbm>>) dst(%arg9 : memref<256x64xf32, #tpu.memory_space<vmem>>)
      %add3A_44 = arith.constant 1 : i32
      %add3A_45 = arith.addi %add3A_37, %add3A_44 : i32
      %lt3A = arith.constant 100 : i32
      %lt3A_46 = arith.cmpi slt, %add3A_45, %lt3A : i32
      %convert_element_type3A = arith.extui %lt3A_46 : i1 to i32
      %cond3A = arith.constant 0 : i32
      %cond3A_47 = arith.cmpi ne, %convert_element_type3A, %cond3A : i32
      scf.if %cond3A_47 {
        %add3A_733 = arith.constant 1 : i32
        %add3A_734 = arith.addi %add3A_37, %add3A_733 : i32
        %mul3A_735 = arith.constant 256 : i32
        %mul3A_736 = arith.muli %add3A_734, %mul3A_735 : i32
        %dma_start3A_737 = tpu.memref_slice %arg8[%mul3A_736] : memref<25600xi32, #tpu.memory_space<vmem>> -> memref<256xi32, #tpu.memory_space<vmem>>
        %dma_start3A_738 = arith.constant 0 : i32
        %dma_start3A_739 = arith.constant 0 : i32
        %dma_start3A_740 = tpu.memref_slice %arg3[%dma_start3A_738, %dma_start3A_739] : memref<1000000x64xf32, #tpu.memory_space<hbm>> -> memref<1000000x64xf32, #tpu.memory_space<hbm>>
        tpu.enqueue_indirect_dma source(%dma_start3A_740 : memref<1000000x64xf32, #tpu.memory_space<hbm>>) target(%arg10 : memref<256x64xf32, #tpu.memory_space<vmem>>) offsets(%dma_start3A_737 : memref<256xi32, #tpu.memory_space<vmem>>) semaphore(%arg15 : memref<!tpu.dma_semaphore, #tpu.memory_space<semaphore_mem>>)
      } else {
      }
      %ge3A = arith.constant 2 : i32
      %ge3A_48 = arith.cmpi sge, %add3A_37, %ge3A : i32
      %convert_element_type3A_49 = arith.extui %ge3A_48 : i1 to i32
      %cond3A_50 = arith.constant 0 : i32
      %cond3A_51 = arith.cmpi ne, %convert_element_type3A_49, %cond3A_50 : i32
      scf.if %cond3A_51 {
        %dma_wait3A_733 = arith.constant 0 : i32
        %dma_wait3A_734 = arith.constant 0 : i32
        %dma_wait3A_735 = arith.constant 0 : i32
        %dma_wait3A_736 = arith.constant 0 : i32
        %dma_wait3A_737 = tpu.memref_slice %arg6[%dma_wait3A_733, %dma_wait3A_734, %dma_wait3A_735, %dma_wait3A_736] : memref<50x8x128x1024xf32, #tpu.memory_space<hbm>> -> memref<1x1x16x1024xf32, #tpu.memory_space<hbm>>
        %dma_wait3A_738 = tpu.memref_squeeze %dma_wait3A_737 : memref<1x1x16x1024xf32, #tpu.memory_space<hbm>> -> memref<16x1024xf32, #tpu.memory_space<hbm>>
        %dma_wait3A_739 = arith.constant 0 : i32
        %dma_wait3A_740 = arith.constant 0 : i32
        %dma_wait3A_741 = tpu.memref_slice %arg6[%dma_wait3A_733, %dma_wait3A_734, %dma_wait3A_739, %dma_wait3A_740] : memref<50x8x128x1024xf32, #tpu.memory_space<hbm>> -> memref<1x1x16x1024xf32, #tpu.memory_space<hbm>>
        %dma_wait3A_742 = tpu.memref_squeeze %dma_wait3A_741 : memref<1x1x16x1024xf32, #tpu.memory_space<hbm>> -> memref<16x1024xf32, #tpu.memory_space<hbm>>
        tpu.wait_dma2 semaphore(%arg16 : memref<!tpu.dma_semaphore, #tpu.memory_space<semaphore_mem>>) src(%dma_wait3A_742 : memref<16x1024xf32, #tpu.memory_space<hbm>>) dst(%arg11 : memref<16x1024xf32, #tpu.memory_space<vmem>>)
      } else {
      }
      %parallel_loop3A_52 = arith.constant 0 : i32
      %parallel_loop3A_53 = arith.constant 16 : i32
      %parallel_loop3A_54 = arith.constant 1 : i32
      scf.for %parallel_loop3A_733 = %parallel_loop3A_52 to %parallel_loop3A_53 step %parallel_loop3A_54  : i32 {
        %parallel_loop3A_734 = arith.constant 16 : i32
        %parallel_loop3A_735 = arith.muli %parallel_loop3A_733, %parallel_loop3A_734 : i32
        %parallel_loop3A_736 = vector.broadcast %parallel_loop3A_735 : i32 to vector<16xi32>
        %parallel_loop3A_737 = arith.addi %iota3A, %parallel_loop3A_736 : vector<16xi32>
        %parallel_loop3A_738 = arith.constant 0.000000e+00 : f32
        %parallel_loop3A_739 = vector.broadcast %parallel_loop3A_738 : f32 to vector<16xf32>
        %parallel_loop3A_740 = arith.constant 0.000000e+00 : f32
        %parallel_loop3A_741 = vector.broadcast %parallel_loop3A_740 : f32 to vector<16xf32>
        %parallel_loop3A_742 = arith.constant 0.000000e+00 : f32
        %parallel_loop3A_743 = vector.broadcast %parallel_loop3A_742 : f32 to vector<16xf32>
        %parallel_loop3A_744 = arith.constant 0.000000e+00 : f32
        %parallel_loop3A_745 = vector.broadcast %parallel_loop3A_744 : f32 to vector<16xf32>
        %parallel_loop3A_746 = arith.constant 0.000000e+00 : f32
        %parallel_loop3A_747 = vector.broadcast %parallel_loop3A_746 : f32 to vector<16xf32>
        %parallel_loop3A_748 = arith.constant 0.000000e+00 : f32
        %parallel_loop3A_749 = vector.broadcast %parallel_loop3A_748 : f32 to vector<16xf32>
        %parallel_loop3A_750 = arith.constant 0.000000e+00 : f32
        %parallel_loop3A_751 = vector.broadcast %parallel_loop3A_750 : f32 to vector<16xf32>
        %parallel_loop3A_752 = arith.constant 0.000000e+00 : f32
        %parallel_loop3A_753 = vector.broadcast %parallel_loop3A_752 : f32 to vector<16xf32>
        %parallel_loop3A_754 = arith.constant 0 : i32
        %parallel_loop3A_755 = vector.broadcast %parallel_loop3A_754 : i32 to vector<16xi32>
        %parallel_loop3A_756 = arith.addi %iota3A, %parallel_loop3A_755 : vector<16xi32>
        %parallel_loop3A_757 = arith.constant 63 : i32
        %parallel_loop3A_758 = vector.broadcast %parallel_loop3A_757 : i32 to vector<16xi32>
        %parallel_loop3A_759 = arith.andi %parallel_loop3A_756, %parallel_loop3A_758 : vector<16xi32>
        %parallel_loop3A_760 = tpu.vector_load_idx %arg9[%parallel_loop3A_737, %parallel_loop3A_759] : memref<256x64xf32, #tpu.memory_space<vmem>>[vector<16xi32>, vector<16xi32>], vector<16xf32>,
        %parallel_loop3A_761 = arith.addf %parallel_loop3A_739, %parallel_loop3A_760 : vector<16xf32>
        %parallel_loop3A_762 = arith.mulf %parallel_loop3A_760, %parallel_loop3A_760 : vector<16xf32>
        %parallel_loop3A_763 = arith.addf %parallel_loop3A_747, %parallel_loop3A_762 : vector<16xf32>
        %parallel_loop3A_764 = arith.constant 1 : i32
        %parallel_loop3A_765 = vector.broadcast %parallel_loop3A_764 : i32 to vector<16xi32>
        %parallel_loop3A_766 = arith.addi %iota3A, %parallel_loop3A_765 : vector<16xi32>
        %parallel_loop3A_767 = arith.constant 63 : i32
        %parallel_loop3A_768 = vector.broadcast %parallel_loop3A_767 : i32 to vector<16xi32>
        %parallel_loop3A_769 = arith.andi %parallel_loop3A_766, %parallel_loop3A_768 : vector<16xi32>
        %parallel_loop3A_770 = tpu.vector_load_idx %arg9[%parallel_loop3A_737, %parallel_loop3A_769] : memref<256x64xf32, #tpu.memory_space<vmem>>[vector<16xi32>, vector<16xi32>], vector<16xf32>,
        %parallel_loop3A_771 = arith.addf %parallel_loop3A_741, %parallel_loop3A_770 : vector<16xf32>
        %parallel_loop3A_772 = arith.mulf %parallel_loop3A_770, %parallel_loop3A_770 : vector<16xf32>
        %parallel_loop3A_773 = arith.addf %parallel_loop3A_749, %parallel_loop3A_772 : vector<16xf32>
        %parallel_loop3A_774 = arith.constant 2 : i32
        %parallel_loop3A_775 = vector.broadcast %parallel_loop3A_774 : i32 to vector<16xi32>
        %parallel_loop3A_776 = arith.addi %iota3A, %parallel_loop3A_775 : vector<16xi32>
        %parallel_loop3A_777 = arith.constant 63 : i32
        %parallel_loop3A_778 = vector.broadcast %parallel_loop3A_777 : i32 to vector<16xi32>
        %parallel_loop3A_779 = arith.andi %parallel_loop3A_776, %parallel_loop3A_778 : vector<16xi32>
        %parallel_loop3A_780 = tpu.vector_load_idx %arg9[%parallel_loop3A_737, %parallel_loop3A_779] : memref<256x64xf32, #tpu.memory_space<vmem>>[vector<16xi32>, vector<16xi32>], vector<16xf32>,
        %parallel_loop3A_781 = arith.addf %parallel_loop3A_743, %parallel_loop3A_780 : vector<16xf32>
        %parallel_loop3A_782 = arith.mulf %parallel_loop3A_780, %parallel_loop3A_780 : vector<16xf32>
        %parallel_loop3A_783 = arith.addf %parallel_loop3A_751, %parallel_loop3A_782 : vector<16xf32>
        %parallel_loop3A_784 = arith.constant 3 : i32
        %parallel_loop3A_785 = vector.broadcast %parallel_loop3A_784 : i32 to vector<16xi32>
        %parallel_loop3A_786 = arith.addi %iota3A, %parallel_loop3A_785 : vector<16xi32>
        %parallel_loop3A_787 = arith.constant 63 : i32
        %parallel_loop3A_788 = vector.broadcast %parallel_loop3A_787 : i32 to vector<16xi32>
        %parallel_loop3A_789 = arith.andi %parallel_loop3A_786, %parallel_loop3A_788 : vector<16xi32>
        %parallel_loop3A_790 = tpu.vector_load_idx %arg9[%parallel_loop3A_737, %parallel_loop3A_789] : memref<256x64xf32, #tpu.memory_space<vmem>>[vector<16xi32>, vector<16xi32>], vector<16xf32>,
        %parallel_loop3A_791 = arith.addf %parallel_loop3A_745, %parallel_loop3A_790 : vector<16xf32>
        %parallel_loop3A_792 = arith.mulf %parallel_loop3A_790, %parallel_loop3A_790 : vector<16xf32>
        %parallel_loop3A_793 = arith.addf %parallel_loop3A_753, %parallel_loop3A_792 : vector<16xf32>
        %parallel_loop3A_794 = arith.constant 4 : i32
        %parallel_loop3A_795 = vector.broadcast %parallel_loop3A_794 : i32 to vector<16xi32>
        %parallel_loop3A_796 = arith.addi %iota3A, %parallel_loop3A_795 : vector<16xi32>
        %parallel_loop3A_797 = arith.constant 63 : i32
        %parallel_loop3A_798 = vector.broadcast %parallel_loop3A_797 : i32 to vector<16xi32>
        %parallel_loop3A_799 = arith.andi %parallel_loop3A_796, %parallel_loop3A_798 : vector<16xi32>
        %parallel_loop3A_800 = tpu.vector_load_idx %arg9[%parallel_loop3A_737, %parallel_loop3A_799] : memref<256x64xf32, #tpu.memory_space<vmem>>[vector<16xi32>, vector<16xi32>], vector<16xf32>,
        %parallel_loop3A_801 = arith.addf %parallel_loop3A_761, %parallel_loop3A_800 : vector<16xf32>
        %parallel_loop3A_802 = arith.mulf %parallel_loop3A_800, %parallel_loop3A_800 : vector<16xf32>
        %parallel_loop3A_803 = arith.addf %parallel_loop3A_763, %parallel_loop3A_802 : vector<16xf32>
        %parallel_loop3A_804 = arith.constant 5 : i32
        %parallel_loop3A_805 = vector.broadcast %parallel_loop3A_804 : i32 to vector<16xi32>
        %parallel_loop3A_806 = arith.addi %iota3A, %parallel_loop3A_805 : vector<16xi32>
        %parallel_loop3A_807 = arith.constant 63 : i32
        %parallel_loop3A_808 = vector.broadcast %parallel_loop3A_807 : i32 to vector<16xi32>
        %parallel_loop3A_809 = arith.andi %parallel_loop3A_806, %parallel_loop3A_808 : vector<16xi32>
        %parallel_loop3A_810 = tpu.vector_load_idx %arg9[%parallel_loop3A_737, %parallel_loop3A_809] : memref<256x64xf32, #tpu.memory_space<vmem>>[vector<16xi32>, vector<16xi32>], vector<16xf32>,
        %parallel_loop3A_811 = arith.addf %parallel_loop3A_771, %parallel_loop3A_810 : vector<16xf32>
        %parallel_loop3A_812 = arith.mulf %parallel_loop3A_810, %parallel_loop3A_810 : vector<16xf32>
        %parallel_loop3A_813 = arith.addf %parallel_loop3A_773, %parallel_loop3A_812 : vector<16xf32>
        %parallel_loop3A_814 = arith.constant 6 : i32
        %parallel_loop3A_815 = vector.broadcast %parallel_loop3A_814 : i32 to vector<16xi32>
        %parallel_loop3A_816 = arith.addi %iota3A, %parallel_loop3A_815 : vector<16xi32>
        %parallel_loop3A_817 = arith.constant 63 : i32
        %parallel_loop3A_818 = vector.broadcast %parallel_loop3A_817 : i32 to vector<16xi32>
        %parallel_loop3A_819 = arith.andi %parallel_loop3A_816, %parallel_loop3A_818 : vector<16xi32>
        %parallel_loop3A_820 = tpu.vector_load_idx %arg9[%parallel_loop3A_737, %parallel_loop3A_819] : memref<256x64xf32, #tpu.memory_space<vmem>>[vector<16xi32>, vector<16xi32>], vector<16xf32>,
        %parallel_loop3A_821 = arith.addf %parallel_loop3A_781, %parallel_loop3A_820 : vector<16xf32>
        %parallel_loop3A_822 = arith.mulf %parallel_loop3A_820, %parallel_loop3A_820 : vector<16xf32>
        %parallel_loop3A_823 = arith.addf %parallel_loop3A_783, %parallel_loop3A_822 : vector<16xf32>
        %parallel_loop3A_824 = arith.constant 7 : i32
        %parallel_loop3A_825 = vector.broadcast %parallel_loop3A_824 : i32 to vector<16xi32>
        %parallel_loop3A_826 = arith.addi %iota3A, %parallel_loop3A_825 : vector<16xi32>
        %parallel_loop3A_827 = arith.constant 63 : i32
        %parallel_loop3A_828 = vector.broadcast %parallel_loop3A_827 : i32 to vector<16xi32>
        %parallel_loop3A_829 = arith.andi %parallel_loop3A_826, %parallel_loop3A_828 : vector<16xi32>
        %parallel_loop3A_830 = tpu.vector_load_idx %arg9[%parallel_loop3A_737, %parallel_loop3A_829] : memref<256x64xf32, #tpu.memory_space<vmem>>[vector<16xi32>, vector<16xi32>], vector<16xf32>,
        %parallel_loop3A_831 = arith.addf %parallel_loop3A_791, %parallel_loop3A_830 : vector<16xf32>
        %parallel_loop3A_832 = arith.mulf %parallel_loop3A_830, %parallel_loop3A_830 : vector<16xf32>
        %parallel_loop3A_833 = arith.addf %parallel_loop3A_793, %parallel_loop3A_832 : vector<16xf32>
        %parallel_loop3A_834 = arith.constant 8 : i32
        %parallel_loop3A_835 = vector.broadcast %parallel_loop3A_834 : i32 to vector<16xi32>
        %parallel_loop3A_836 = arith.addi %iota3A, %parallel_loop3A_835 : vector<16xi32>
        %parallel_loop3A_837 = arith.constant 63 : i32
        %parallel_loop3A_838 = vector.broadcast %parallel_loop3A_837 : i32 to vector<16xi32>
        %parallel_loop3A_839 = arith.andi %parallel_loop3A_836, %parallel_loop3A_838 : vector<16xi32>
        %parallel_loop3A_840 = tpu.vector_load_idx %arg9[%parallel_loop3A_737, %parallel_loop3A_839] : memref<256x64xf32, #tpu.memory_space<vmem>>[vector<16xi32>, vector<16xi32>], vector<16xf32>,
        %parallel_loop3A_841 = arith.addf %parallel_loop3A_801, %parallel_loop3A_840 : vector<16xf32>
        %parallel_loop3A_842 = arith.mulf %parallel_loop3A_840, %parallel_loop3A_840 : vector<16xf32>
        %parallel_loop3A_843 = arith.addf %parallel_loop3A_803, %parallel_loop3A_842 : vector<16xf32>
        %parallel_loop3A_844 = arith.constant 9 : i32
        %parallel_loop3A_845 = vector.broadcast %parallel_loop3A_844 : i32 to vector<16xi32>
        %parallel_loop3A_846 = arith.addi %iota3A, %parallel_loop3A_845 : vector<16xi32>
        %parallel_loop3A_847 = arith.constant 63 : i32
        %parallel_loop3A_848 = vector.broadcast %parallel_loop3A_847 : i32 to vector<16xi32>
        %parallel_loop3A_849 = arith.andi %parallel_loop3A_846, %parallel_loop3A_848 : vector<16xi32>
        %parallel_loop3A_850 = tpu.vector_load_idx %arg9[%parallel_loop3A_737, %parallel_loop3A_849] : memref<256x64xf32, #tpu.memory_space<vmem>>[vector<16xi32>, vector<16xi32>], vector<16xf32>,
        %parallel_loop3A_851 = arith.addf %parallel_loop3A_811, %parallel_loop3A_850 : vector<16xf32>
        %parallel_loop3A_852 = arith.mulf %parallel_loop3A_850, %parallel_loop3A_850 : vector<16xf32>
        %parallel_loop3A_853 = arith.addf %parallel_loop3A_813, %parallel_loop3A_852 : vector<16xf32>
        %parallel_loop3A_854 = arith.constant 10 : i32
        %parallel_loop3A_855 = vector.broadcast %parallel_loop3A_854 : i32 to vector<16xi32>
        %parallel_loop3A_856 = arith.addi %iota3A, %parallel_loop3A_855 : vector<16xi32>
        %parallel_loop3A_857 = arith.constant 63 : i32
        %parallel_loop3A_858 = vector.broadcast %parallel_loop3A_857 : i32 to vector<16xi32>
        %parallel_loop3A_859 = arith.andi %parallel_loop3A_856, %parallel_loop3A_858 : vector<16xi32>
        %parallel_loop3A_860 = tpu.vector_load_idx %arg9[%parallel_loop3A_737, %parallel_loop3A_859] : memref<256x64xf32, #tpu.memory_space<vmem>>[vector<16xi32>, vector<16xi32>], vector<16xf32>,
        %parallel_loop3A_861 = arith.addf %parallel_loop3A_821, %parallel_loop3A_860 : vector<16xf32>
        %parallel_loop3A_862 = arith.mulf %parallel_loop3A_860, %parallel_loop3A_860 : vector<16xf32>
        %parallel_loop3A_863 = arith.addf %parallel_loop3A_823, %parallel_loop3A_862 : vector<16xf32>
        %parallel_loop3A_864 = arith.constant 11 : i32
        %parallel_loop3A_865 = vector.broadcast %parallel_loop3A_864 : i32 to vector<16xi32>
        %parallel_loop3A_866 = arith.addi %iota3A, %parallel_loop3A_865 : vector<16xi32>
        %parallel_loop3A_867 = arith.constant 63 : i32
        %parallel_loop3A_868 = vector.broadcast %parallel_loop3A_867 : i32 to vector<16xi32>
        %parallel_loop3A_869 = arith.andi %parallel_loop3A_866, %parallel_loop3A_868 : vector<16xi32>
        %parallel_loop3A_870 = tpu.vector_load_idx %arg9[%parallel_loop3A_737, %parallel_loop3A_869] : memref<256x64xf32, #tpu.memory_space<vmem>>[vector<16xi32>, vector<16xi32>], vector<16xf32>,
        %parallel_loop3A_871 = arith.addf %parallel_loop3A_831, %parallel_loop3A_870 : vector<16xf32>
        %parallel_loop3A_872 = arith.mulf %parallel_loop3A_870, %parallel_loop3A_870 : vector<16xf32>
        %parallel_loop3A_873 = arith.addf %parallel_loop3A_833, %parallel_loop3A_872 : vector<16xf32>
        %parallel_loop3A_874 = arith.constant 12 : i32
        %parallel_loop3A_875 = vector.broadcast %parallel_loop3A_874 : i32 to vector<16xi32>
        %parallel_loop3A_876 = arith.addi %iota3A, %parallel_loop3A_875 : vector<16xi32>
        %parallel_loop3A_877 = arith.constant 63 : i32
        %parallel_loop3A_878 = vector.broadcast %parallel_loop3A_877 : i32 to vector<16xi32>
        %parallel_loop3A_879 = arith.andi %parallel_loop3A_876, %parallel_loop3A_878 : vector<16xi32>
        %parallel_loop3A_880 = tpu.vector_load_idx %arg9[%parallel_loop3A_737, %parallel_loop3A_879] : memref<256x64xf32, #tpu.memory_space<vmem>>[vector<16xi32>, vector<16xi32>], vector<16xf32>,
        %parallel_loop3A_881 = arith.addf %parallel_loop3A_841, %parallel_loop3A_880 : vector<16xf32>
        %parallel_loop3A_882 = arith.mulf %parallel_loop3A_880, %parallel_loop3A_880 : vector<16xf32>
        %parallel_loop3A_883 = arith.addf %parallel_loop3A_843, %parallel_loop3A_882 : vector<16xf32>
        %parallel_loop3A_884 = arith.constant 13 : i32
        %parallel_loop3A_885 = vector.broadcast %parallel_loop3A_884 : i32 to vector<16xi32>
        %parallel_loop3A_886 = arith.addi %iota3A, %parallel_loop3A_885 : vector<16xi32>
        %parallel_loop3A_887 = arith.constant 63 : i32
        %parallel_loop3A_888 = vector.broadcast %parallel_loop3A_887 : i32 to vector<16xi32>
        %parallel_loop3A_889 = arith.andi %parallel_loop3A_886, %parallel_loop3A_888 : vector<16xi32>
        %parallel_loop3A_890 = tpu.vector_load_idx %arg9[%parallel_loop3A_737, %parallel_loop3A_889] : memref<256x64xf32, #tpu.memory_space<vmem>>[vector<16xi32>, vector<16xi32>], vector<16xf32>,
        %parallel_loop3A_891 = arith.addf %parallel_loop3A_851, %parallel_loop3A_890 : vector<16xf32>
        %parallel_loop3A_892 = arith.mulf %parallel_loop3A_890, %parallel_loop3A_890 : vector<16xf32>
        %parallel_loop3A_893 = arith.addf %parallel_loop3A_853, %parallel_loop3A_892 : vector<16xf32>
        %parallel_loop3A_894 = arith.constant 14 : i32
        %parallel_loop3A_895 = vector.broadcast %parallel_loop3A_894 : i32 to vector<16xi32>
        %parallel_loop3A_896 = arith.addi %iota3A, %parallel_loop3A_895 : vector<16xi32>
        %parallel_loop3A_897 = arith.constant 63 : i32
        %parallel_loop3A_898 = vector.broadcast %parallel_loop3A_897 : i32 to vector<16xi32>
        %parallel_loop3A_899 = arith.andi %parallel_loop3A_896, %parallel_loop3A_898 : vector<16xi32>
        %parallel_loop3A_900 = tpu.vector_load_idx %arg9[%parallel_loop3A_737, %parallel_loop3A_899] : memref<256x64xf32, #tpu.memory_space<vmem>>[vector<16xi32>, vector<16xi32>], vector<16xf32>,
        %parallel_loop3A_901 = arith.addf %parallel_loop3A_861, %parallel_loop3A_900 : vector<16xf32>
        %parallel_loop3A_902 = arith.mulf %parallel_loop3A_900, %parallel_loop3A_900 : vector<16xf32>
        %parallel_loop3A_903 = arith.addf %parallel_loop3A_863, %parallel_loop3A_902 : vector<16xf32>
        %parallel_loop3A_904 = arith.constant 15 : i32
        %parallel_loop3A_905 = vector.broadcast %parallel_loop3A_904 : i32 to vector<16xi32>
        %parallel_loop3A_906 = arith.addi %iota3A, %parallel_loop3A_905 : vector<16xi32>
        %parallel_loop3A_907 = arith.constant 63 : i32
        %parallel_loop3A_908 = vector.broadcast %parallel_loop3A_907 : i32 to vector<16xi32>
        %parallel_loop3A_909 = arith.andi %parallel_loop3A_906, %parallel_loop3A_908 : vector<16xi32>
        %parallel_loop3A_910 = tpu.vector_load_idx %arg9[%parallel_loop3A_737, %parallel_loop3A_909] : memref<256x64xf32, #tpu.memory_space<vmem>>[vector<16xi32>, vector<16xi32>], vector<16xf32>,
        %parallel_loop3A_911 = arith.addf %parallel_loop3A_871, %parallel_loop3A_910 : vector<16xf32>
        %parallel_loop3A_912 = arith.mulf %parallel_loop3A_910, %parallel_loop3A_910 : vector<16xf32>
        %parallel_loop3A_913 = arith.addf %parallel_loop3A_873, %parallel_loop3A_912 : vector<16xf32>
        %parallel_loop3A_914 = arith.constant 16 : i32
        %parallel_loop3A_915 = vector.broadcast %parallel_loop3A_914 : i32 to vector<16xi32>
        %parallel_loop3A_916 = arith.addi %iota3A, %parallel_loop3A_915 : vector<16xi32>
        %parallel_loop3A_917 = arith.constant 63 : i32
        %parallel_loop3A_918 = vector.broadcast %parallel_loop3A_917 : i32 to vector<16xi32>
        %parallel_loop3A_919 = arith.andi %parallel_loop3A_916, %parallel_loop3A_918 : vector<16xi32>
        %parallel_loop3A_920 = tpu.vector_load_idx %arg9[%parallel_loop3A_737, %parallel_loop3A_919] : memref<256x64xf32, #tpu.memory_space<vmem>>[vector<16xi32>, vector<16xi32>], vector<16xf32>,
        %parallel_loop3A_921 = arith.addf %parallel_loop3A_881, %parallel_loop3A_920 : vector<16xf32>
        %parallel_loop3A_922 = arith.mulf %parallel_loop3A_920, %parallel_loop3A_920 : vector<16xf32>
        %parallel_loop3A_923 = arith.addf %parallel_loop3A_883, %parallel_loop3A_922 : vector<16xf32>
        %parallel_loop3A_924 = arith.constant 17 : i32
        %parallel_loop3A_925 = vector.broadcast %parallel_loop3A_924 : i32 to vector<16xi32>
        %parallel_loop3A_926 = arith.addi %iota3A, %parallel_loop3A_925 : vector<16xi32>
        %parallel_loop3A_927 = arith.constant 63 : i32
        %parallel_loop3A_928 = vector.broadcast %parallel_loop3A_927 : i32 to vector<16xi32>
        %parallel_loop3A_929 = arith.andi %parallel_loop3A_926, %parallel_loop3A_928 : vector<16xi32>
        %parallel_loop3A_930 = tpu.vector_load_idx %arg9[%parallel_loop3A_737, %parallel_loop3A_929] : memref<256x64xf32, #tpu.memory_space<vmem>>[vector<16xi32>, vector<16xi32>], vector<16xf32>,
        %parallel_loop3A_931 = arith.addf %parallel_loop3A_891, %parallel_loop3A_930 : vector<16xf32>
        %parallel_loop3A_932 = arith.mulf %parallel_loop3A_930, %parallel_loop3A_930 : vector<16xf32>
        %parallel_loop3A_933 = arith.addf %parallel_loop3A_893, %parallel_loop3A_932 : vector<16xf32>
        %parallel_loop3A_934 = arith.constant 18 : i32
        %parallel_loop3A_935 = vector.broadcast %parallel_loop3A_934 : i32 to vector<16xi32>
        %parallel_loop3A_936 = arith.addi %iota3A, %parallel_loop3A_935 : vector<16xi32>
        %parallel_loop3A_937 = arith.constant 63 : i32
        %parallel_loop3A_938 = vector.broadcast %parallel_loop3A_937 : i32 to vector<16xi32>
        %parallel_loop3A_939 = arith.andi %parallel_loop3A_936, %parallel_loop3A_938 : vector<16xi32>
        %parallel_loop3A_940 = tpu.vector_load_idx %arg9[%parallel_loop3A_737, %parallel_loop3A_939] : memref<256x64xf32, #tpu.memory_space<vmem>>[vector<16xi32>, vector<16xi32>], vector<16xf32>,
        %parallel_loop3A_941 = arith.addf %parallel_loop3A_901, %parallel_loop3A_940 : vector<16xf32>
        %parallel_loop3A_942 = arith.mulf %parallel_loop3A_940, %parallel_loop3A_940 : vector<16xf32>
        %parallel_loop3A_943 = arith.addf %parallel_loop3A_903, %parallel_loop3A_942 : vector<16xf32>
        %parallel_loop3A_944 = arith.constant 19 : i32
        %parallel_loop3A_945 = vector.broadcast %parallel_loop3A_944 : i32 to vector<16xi32>
        %parallel_loop3A_946 = arith.addi %iota3A, %parallel_loop3A_945 : vector<16xi32>
        %parallel_loop3A_947 = arith.constant 63 : i32
        %parallel_loop3A_948 = vector.broadcast %parallel_loop3A_947 : i32 to vector<16xi32>
        %parallel_loop3A_949 = arith.andi %parallel_loop3A_946, %parallel_loop3A_948 : vector<16xi32>
        %parallel_loop3A_950 = tpu.vector_load_idx %arg9[%parallel_loop3A_737, %parallel_loop3A_949] : memref<256x64xf32, #tpu.memory_space<vmem>>[vector<16xi32>, vector<16xi32>], vector<16xf32>,
        %parallel_loop3A_951 = arith.addf %parallel_loop3A_911, %parallel_loop3A_950 : vector<16xf32>
        %parallel_loop3A_952 = arith.mulf %parallel_loop3A_950, %parallel_loop3A_950 : vector<16xf32>
        %parallel_loop3A_953 = arith.addf %parallel_loop3A_913, %parallel_loop3A_952 : vector<16xf32>
        %parallel_loop3A_954 = arith.constant 20 : i32
        %parallel_loop3A_955 = vector.broadcast %parallel_loop3A_954 : i32 to vector<16xi32>
        %parallel_loop3A_956 = arith.addi %iota3A, %parallel_loop3A_955 : vector<16xi32>
        %parallel_loop3A_957 = arith.constant 63 : i32
        %parallel_loop3A_958 = vector.broadcast %parallel_loop3A_957 : i32 to vector<16xi32>
        %parallel_loop3A_959 = arith.andi %parallel_loop3A_956, %parallel_loop3A_958 : vector<16xi32>
        %parallel_loop3A_960 = tpu.vector_load_idx %arg9[%parallel_loop3A_737, %parallel_loop3A_959] : memref<256x64xf32, #tpu.memory_space<vmem>>[vector<16xi32>, vector<16xi32>], vector<16xf32>,
        %parallel_loop3A_961 = arith.addf %parallel_loop3A_921, %parallel_loop3A_960 : vector<16xf32>
        %parallel_loop3A_962 = arith.mulf %parallel_loop3A_960, %parallel_loop3A_960 : vector<16xf32>
        %parallel_loop3A_963 = arith.addf %parallel_loop3A_923, %parallel_loop3A_962 : vector<16xf32>
        %parallel_loop3A_964 = arith.constant 21 : i32
        %parallel_loop3A_965 = vector.broadcast %parallel_loop3A_964 : i32 to vector<16xi32>
        %parallel_loop3A_966 = arith.addi %iota3A, %parallel_loop3A_965 : vector<16xi32>
        %parallel_loop3A_967 = arith.constant 63 : i32
        %parallel_loop3A_968 = vector.broadcast %parallel_loop3A_967 : i32 to vector<16xi32>
        %parallel_loop3A_969 = arith.andi %parallel_loop3A_966, %parallel_loop3A_968 : vector<16xi32>
        %parallel_loop3A_970 = tpu.vector_load_idx %arg9[%parallel_loop3A_737, %parallel_loop3A_969] : memref<256x64xf32, #tpu.memory_space<vmem>>[vector<16xi32>, vector<16xi32>], vector<16xf32>,
        %parallel_loop3A_971 = arith.addf %parallel_loop3A_931, %parallel_loop3A_970 : vector<16xf32>
        %parallel_loop3A_972 = arith.mulf %parallel_loop3A_970, %parallel_loop3A_970 : vector<16xf32>
        %parallel_loop3A_973 = arith.addf %parallel_loop3A_933, %parallel_loop3A_972 : vector<16xf32>
        %parallel_loop3A_974 = arith.constant 22 : i32
        %parallel_loop3A_975 = vector.broadcast %parallel_loop3A_974 : i32 to vector<16xi32>
        %parallel_loop3A_976 = arith.addi %iota3A, %parallel_loop3A_975 : vector<16xi32>
        %parallel_loop3A_977 = arith.constant 63 : i32
        %parallel_loop3A_978 = vector.broadcast %parallel_loop3A_977 : i32 to vector<16xi32>
        %parallel_loop3A_979 = arith.andi %parallel_loop3A_976, %parallel_loop3A_978 : vector<16xi32>
        %parallel_loop3A_980 = tpu.vector_load_idx %arg9[%parallel_loop3A_737, %parallel_loop3A_979] : memref<256x64xf32, #tpu.memory_space<vmem>>[vector<16xi32>, vector<16xi32>], vector<16xf32>,
        %parallel_loop3A_981 = arith.addf %parallel_loop3A_941, %parallel_loop3A_980 : vector<16xf32>
        %parallel_loop3A_982 = arith.mulf %parallel_loop3A_980, %parallel_loop3A_980 : vector<16xf32>
        %parallel_loop3A_983 = arith.addf %parallel_loop3A_943, %parallel_loop3A_982 : vector<16xf32>
        %parallel_loop3A_984 = arith.constant 23 : i32
        %parallel_loop3A_985 = vector.broadcast %parallel_loop3A_984 : i32 to vector<16xi32>
        %parallel_loop3A_986 = arith.addi %iota3A, %parallel_loop3A_985 : vector<16xi32>
        %parallel_loop3A_987 = arith.constant 63 : i32
        %parallel_loop3A_988 = vector.broadcast %parallel_loop3A_987 : i32 to vector<16xi32>
        %parallel_loop3A_989 = arith.andi %parallel_loop3A_986, %parallel_loop3A_988 : vector<16xi32>
        %parallel_loop3A_990 = tpu.vector_load_idx %arg9[%parallel_loop3A_737, %parallel_loop3A_989] : memref<256x64xf32, #tpu.memory_space<vmem>>[vector<16xi32>, vector<16xi32>], vector<16xf32>,
        %parallel_loop3A_991 = arith.addf %parallel_loop3A_951, %parallel_loop3A_990 : vector<16xf32>
        %parallel_loop3A_992 = arith.mulf %parallel_loop3A_990, %parallel_loop3A_990 : vector<16xf32>
        %parallel_loop3A_993 = arith.addf %parallel_loop3A_953, %parallel_loop3A_992 : vector<16xf32>
        %parallel_loop3A_994 = arith.constant 24 : i32
        %parallel_loop3A_995 = vector.broadcast %parallel_loop3A_994 : i32 to vector<16xi32>
        %parallel_loop3A_996 = arith.addi %iota3A, %parallel_loop3A_995 : vector<16xi32>
        %parallel_loop3A_997 = arith.constant 63 : i32
        %parallel_loop3A_998 = vector.broadcast %parallel_loop3A_997 : i32 to vector<16xi32>
        %parallel_loop3A_999 = arith.andi %parallel_loop3A_996, %parallel_loop3A_998 : vector<16xi32>
        %parallel_loop3A_1000 = tpu.vector_load_idx %arg9[%parallel_loop3A_737, %parallel_loop3A_999] : memref<256x64xf32, #tpu.memory_space<vmem>>[vector<16xi32>, vector<16xi32>], vector<16xf32>,
        %parallel_loop3A_1001 = arith.addf %parallel_loop3A_961, %parallel_loop3A_1000 : vector<16xf32>
        %parallel_loop3A_1002 = arith.mulf %parallel_loop3A_1000, %parallel_loop3A_1000 : vector<16xf32>
        %parallel_loop3A_1003 = arith.addf %parallel_loop3A_963, %parallel_loop3A_1002 : vector<16xf32>
        %parallel_loop3A_1004 = arith.constant 25 : i32
        %parallel_loop3A_1005 = vector.broadcast %parallel_loop3A_1004 : i32 to vector<16xi32>
        %parallel_loop3A_1006 = arith.addi %iota3A, %parallel_loop3A_1005 : vector<16xi32>
        %parallel_loop3A_1007 = arith.constant 63 : i32
        %parallel_loop3A_1008 = vector.broadcast %parallel_loop3A_1007 : i32 to vector<16xi32>
        %parallel_loop3A_1009 = arith.andi %parallel_loop3A_1006, %parallel_loop3A_1008 : vector<16xi32>
        %parallel_loop3A_1010 = tpu.vector_load_idx %arg9[%parallel_loop3A_737, %parallel_loop3A_1009] : memref<256x64xf32, #tpu.memory_space<vmem>>[vector<16xi32>, vector<16xi32>], vector<16xf32>,
        %parallel_loop3A_1011 = arith.addf %parallel_loop3A_971, %parallel_loop3A_1010 : vector<16xf32>
        %parallel_loop3A_1012 = arith.mulf %parallel_loop3A_1010, %parallel_loop3A_1010 : vector<16xf32>
        %parallel_loop3A_1013 = arith.addf %parallel_loop3A_973, %parallel_loop3A_1012 : vector<16xf32>
        %parallel_loop3A_1014 = arith.constant 26 : i32
        %parallel_loop3A_1015 = vector.broadcast %parallel_loop3A_1014 : i32 to vector<16xi32>
        %parallel_loop3A_1016 = arith.addi %iota3A, %parallel_loop3A_1015 : vector<16xi32>
        %parallel_loop3A_1017 = arith.constant 63 : i32
        %parallel_loop3A_1018 = vector.broadcast %parallel_loop3A_1017 : i32 to vector<16xi32>
        %parallel_loop3A_1019 = arith.andi %parallel_loop3A_1016, %parallel_loop3A_1018 : vector<16xi32>
        %parallel_loop3A_1020 = tpu.vector_load_idx %arg9[%parallel_loop3A_737, %parallel_loop3A_1019] : memref<256x64xf32, #tpu.memory_space<vmem>>[vector<16xi32>, vector<16xi32>], vector<16xf32>,
        %parallel_loop3A_1021 = arith.addf %parallel_loop3A_981, %parallel_loop3A_1020 : vector<16xf32>
        %parallel_loop3A_1022 = arith.mulf %parallel_loop3A_1020, %parallel_loop3A_1020 : vector<16xf32>
        %parallel_loop3A_1023 = arith.addf %parallel_loop3A_983, %parallel_loop3A_1022 : vector<16xf32>
        %parallel_loop3A_1024 = arith.constant 27 : i32
        %parallel_loop3A_1025 = vector.broadcast %parallel_loop3A_1024 : i32 to vector<16xi32>
        %parallel_loop3A_1026 = arith.addi %iota3A, %parallel_loop3A_1025 : vector<16xi32>
        %parallel_loop3A_1027 = arith.constant 63 : i32
        %parallel_loop3A_1028 = vector.broadcast %parallel_loop3A_1027 : i32 to vector<16xi32>
        %parallel_loop3A_1029 = arith.andi %parallel_loop3A_1026, %parallel_loop3A_1028 : vector<16xi32>
        %parallel_loop3A_1030 = tpu.vector_load_idx %arg9[%parallel_loop3A_737, %parallel_loop3A_1029] : memref<256x64xf32, #tpu.memory_space<vmem>>[vector<16xi32>, vector<16xi32>], vector<16xf32>,
        %parallel_loop3A_1031 = arith.addf %parallel_loop3A_991, %parallel_loop3A_1030 : vector<16xf32>
        %parallel_loop3A_1032 = arith.mulf %parallel_loop3A_1030, %parallel_loop3A_1030 : vector<16xf32>
        %parallel_loop3A_1033 = arith.addf %parallel_loop3A_993, %parallel_loop3A_1032 : vector<16xf32>
        %parallel_loop3A_1034 = arith.constant 28 : i32
        %parallel_loop3A_1035 = vector.broadcast %parallel_loop3A_1034 : i32 to vector<16xi32>
        %parallel_loop3A_1036 = arith.addi %iota3A, %parallel_loop3A_1035 : vector<16xi32>
        %parallel_loop3A_1037 = arith.constant 63 : i32
        %parallel_loop3A_1038 = vector.broadcast %parallel_loop3A_1037 : i32 to vector<16xi32>
        %parallel_loop3A_1039 = arith.andi %parallel_loop3A_1036, %parallel_loop3A_1038 : vector<16xi32>
        %parallel_loop3A_1040 = tpu.vector_load_idx %arg9[%parallel_loop3A_737, %parallel_loop3A_1039] : memref<256x64xf32, #tpu.memory_space<vmem>>[vector<16xi32>, vector<16xi32>], vector<16xf32>,
        %parallel_loop3A_1041 = arith.addf %parallel_loop3A_1001, %parallel_loop3A_1040 : vector<16xf32>
        %parallel_loop3A_1042 = arith.mulf %parallel_loop3A_1040, %parallel_loop3A_1040 : vector<16xf32>
        %parallel_loop3A_1043 = arith.addf %parallel_loop3A_1003, %parallel_loop3A_1042 : vector<16xf32>
        %parallel_loop3A_1044 = arith.constant 29 : i32
        %parallel_loop3A_1045 = vector.broadcast %parallel_loop3A_1044 : i32 to vector<16xi32>
        %parallel_loop3A_1046 = arith.addi %iota3A, %parallel_loop3A_1045 : vector<16xi32>
        %parallel_loop3A_1047 = arith.constant 63 : i32
        %parallel_loop3A_1048 = vector.broadcast %parallel_loop3A_1047 : i32 to vector<16xi32>
        %parallel_loop3A_1049 = arith.andi %parallel_loop3A_1046, %parallel_loop3A_1048 : vector<16xi32>
        %parallel_loop3A_1050 = tpu.vector_load_idx %arg9[%parallel_loop3A_737, %parallel_loop3A_1049] : memref<256x64xf32, #tpu.memory_space<vmem>>[vector<16xi32>, vector<16xi32>], vector<16xf32>,
        %parallel_loop3A_1051 = arith.addf %parallel_loop3A_1011, %parallel_loop3A_1050 : vector<16xf32>
        %parallel_loop3A_1052 = arith.mulf %parallel_loop3A_1050, %parallel_loop3A_1050 : vector<16xf32>
        %parallel_loop3A_1053 = arith.addf %parallel_loop3A_1013, %parallel_loop3A_1052 : vector<16xf32>
        %parallel_loop3A_1054 = arith.constant 30 : i32
        %parallel_loop3A_1055 = vector.broadcast %parallel_loop3A_1054 : i32 to vector<16xi32>
        %parallel_loop3A_1056 = arith.addi %iota3A, %parallel_loop3A_1055 : vector<16xi32>
        %parallel_loop3A_1057 = arith.constant 63 : i32
        %parallel_loop3A_1058 = vector.broadcast %parallel_loop3A_1057 : i32 to vector<16xi32>
        %parallel_loop3A_1059 = arith.andi %parallel_loop3A_1056, %parallel_loop3A_1058 : vector<16xi32>
        %parallel_loop3A_1060 = tpu.vector_load_idx %arg9[%parallel_loop3A_737, %parallel_loop3A_1059] : memref<256x64xf32, #tpu.memory_space<vmem>>[vector<16xi32>, vector<16xi32>], vector<16xf32>,
        %parallel_loop3A_1061 = arith.addf %parallel_loop3A_1021, %parallel_loop3A_1060 : vector<16xf32>
        %parallel_loop3A_1062 = arith.mulf %parallel_loop3A_1060, %parallel_loop3A_1060 : vector<16xf32>
        %parallel_loop3A_1063 = arith.addf %parallel_loop3A_1023, %parallel_loop3A_1062 : vector<16xf32>
        %parallel_loop3A_1064 = arith.constant 31 : i32
        %parallel_loop3A_1065 = vector.broadcast %parallel_loop3A_1064 : i32 to vector<16xi32>
        %parallel_loop3A_1066 = arith.addi %iota3A, %parallel_loop3A_1065 : vector<16xi32>
        %parallel_loop3A_1067 = arith.constant 63 : i32
        %parallel_loop3A_1068 = vector.broadcast %parallel_loop3A_1067 : i32 to vector<16xi32>
        %parallel_loop3A_1069 = arith.andi %parallel_loop3A_1066, %parallel_loop3A_1068 : vector<16xi32>
        %parallel_loop3A_1070 = tpu.vector_load_idx %arg9[%parallel_loop3A_737, %parallel_loop3A_1069] : memref<256x64xf32, #tpu.memory_space<vmem>>[vector<16xi32>, vector<16xi32>], vector<16xf32>,
        %parallel_loop3A_1071 = arith.addf %parallel_loop3A_1031, %parallel_loop3A_1070 : vector<16xf32>
        %parallel_loop3A_1072 = arith.mulf %parallel_loop3A_1070, %parallel_loop3A_1070 : vector<16xf32>
        %parallel_loop3A_1073 = arith.addf %parallel_loop3A_1033, %parallel_loop3A_1072 : vector<16xf32>
        %parallel_loop3A_1074 = arith.constant 32 : i32
        %parallel_loop3A_1075 = vector.broadcast %parallel_loop3A_1074 : i32 to vector<16xi32>
        %parallel_loop3A_1076 = arith.addi %iota3A, %parallel_loop3A_1075 : vector<16xi32>
        %parallel_loop3A_1077 = arith.constant 63 : i32
        %parallel_loop3A_1078 = vector.broadcast %parallel_loop3A_1077 : i32 to vector<16xi32>
        %parallel_loop3A_1079 = arith.andi %parallel_loop3A_1076, %parallel_loop3A_1078 : vector<16xi32>
        %parallel_loop3A_1080 = tpu.vector_load_idx %arg9[%parallel_loop3A_737, %parallel_loop3A_1079] : memref<256x64xf32, #tpu.memory_space<vmem>>[vector<16xi32>, vector<16xi32>], vector<16xf32>,
        %parallel_loop3A_1081 = arith.addf %parallel_loop3A_1041, %parallel_loop3A_1080 : vector<16xf32>
        %parallel_loop3A_1082 = arith.mulf %parallel_loop3A_1080, %parallel_loop3A_1080 : vector<16xf32>
        %parallel_loop3A_1083 = arith.addf %parallel_loop3A_1043, %parallel_loop3A_1082 : vector<16xf32>
        %parallel_loop3A_1084 = arith.constant 33 : i32
        %parallel_loop3A_1085 = vector.broadcast %parallel_loop3A_1084 : i32 to vector<16xi32>
        %parallel_loop3A_1086 = arith.addi %iota3A, %parallel_loop3A_1085 : vector<16xi32>
        %parallel_loop3A_1087 = arith.constant 63 : i32
        %parallel_loop3A_1088 = vector.broadcast %parallel_loop3A_1087 : i32 to vector<16xi32>
        %parallel_loop3A_1089 = arith.andi %parallel_loop3A_1086, %parallel_loop3A_1088 : vector<16xi32>
        %parallel_loop3A_1090 = tpu.vector_load_idx %arg9[%parallel_loop3A_737, %parallel_loop3A_1089] : memref<256x64xf32, #tpu.memory_space<vmem>>[vector<16xi32>, vector<16xi32>], vector<16xf32>,
        %parallel_loop3A_1091 = arith.addf %parallel_loop3A_1051, %parallel_loop3A_1090 : vector<16xf32>
        %parallel_loop3A_1092 = arith.mulf %parallel_loop3A_1090, %parallel_loop3A_1090 : vector<16xf32>
        %parallel_loop3A_1093 = arith.addf %parallel_loop3A_1053, %parallel_loop3A_1092 : vector<16xf32>
        %parallel_loop3A_1094 = arith.constant 34 : i32
        %parallel_loop3A_1095 = vector.broadcast %parallel_loop3A_1094 : i32 to vector<16xi32>
        %parallel_loop3A_1096 = arith.addi %iota3A, %parallel_loop3A_1095 : vector<16xi32>
        %parallel_loop3A_1097 = arith.constant 63 : i32
        %parallel_loop3A_1098 = vector.broadcast %parallel_loop3A_1097 : i32 to vector<16xi32>
        %parallel_loop3A_1099 = arith.andi %parallel_loop3A_1096, %parallel_loop3A_1098 : vector<16xi32>
        %parallel_loop3A_1100 = tpu.vector_load_idx %arg9[%parallel_loop3A_737, %parallel_loop3A_1099] : memref<256x64xf32, #tpu.memory_space<vmem>>[vector<16xi32>, vector<16xi32>], vector<16xf32>,
        %parallel_loop3A_1101 = arith.addf %parallel_loop3A_1061, %parallel_loop3A_1100 : vector<16xf32>
        %parallel_loop3A_1102 = arith.mulf %parallel_loop3A_1100, %parallel_loop3A_1100 : vector<16xf32>
        %parallel_loop3A_1103 = arith.addf %parallel_loop3A_1063, %parallel_loop3A_1102 : vector<16xf32>
        %parallel_loop3A_1104 = arith.constant 35 : i32
        %parallel_loop3A_1105 = vector.broadcast %parallel_loop3A_1104 : i32 to vector<16xi32>
        %parallel_loop3A_1106 = arith.addi %iota3A, %parallel_loop3A_1105 : vector<16xi32>
        %parallel_loop3A_1107 = arith.constant 63 : i32
        %parallel_loop3A_1108 = vector.broadcast %parallel_loop3A_1107 : i32 to vector<16xi32>
        %parallel_loop3A_1109 = arith.andi %parallel_loop3A_1106, %parallel_loop3A_1108 : vector<16xi32>
        %parallel_loop3A_1110 = tpu.vector_load_idx %arg9[%parallel_loop3A_737, %parallel_loop3A_1109] : memref<256x64xf32, #tpu.memory_space<vmem>>[vector<16xi32>, vector<16xi32>], vector<16xf32>,
        %parallel_loop3A_1111 = arith.addf %parallel_loop3A_1071, %parallel_loop3A_1110 : vector<16xf32>
        %parallel_loop3A_1112 = arith.mulf %parallel_loop3A_1110, %parallel_loop3A_1110 : vector<16xf32>
        %parallel_loop3A_1113 = arith.addf %parallel_loop3A_1073, %parallel_loop3A_1112 : vector<16xf32>
        %parallel_loop3A_1114 = arith.constant 36 : i32
        %parallel_loop3A_1115 = vector.broadcast %parallel_loop3A_1114 : i32 to vector<16xi32>
        %parallel_loop3A_1116 = arith.addi %iota3A, %parallel_loop3A_1115 : vector<16xi32>
        %parallel_loop3A_1117 = arith.constant 63 : i32
        %parallel_loop3A_1118 = vector.broadcast %parallel_loop3A_1117 : i32 to vector<16xi32>
        %parallel_loop3A_1119 = arith.andi %parallel_loop3A_1116, %parallel_loop3A_1118 : vector<16xi32>
        %parallel_loop3A_1120 = tpu.vector_load_idx %arg9[%parallel_loop3A_737, %parallel_loop3A_1119] : memref<256x64xf32, #tpu.memory_space<vmem>>[vector<16xi32>, vector<16xi32>], vector<16xf32>,
        %parallel_loop3A_1121 = arith.addf %parallel_loop3A_1081, %parallel_loop3A_1120 : vector<16xf32>
        %parallel_loop3A_1122 = arith.mulf %parallel_loop3A_1120, %parallel_loop3A_1120 : vector<16xf32>
        %parallel_loop3A_1123 = arith.addf %parallel_loop3A_1083, %parallel_loop3A_1122 : vector<16xf32>
        %parallel_loop3A_1124 = arith.constant 37 : i32
        %parallel_loop3A_1125 = vector.broadcast %parallel_loop3A_1124 : i32 to vector<16xi32>
        %parallel_loop3A_1126 = arith.addi %iota3A, %parallel_loop3A_1125 : vector<16xi32>
        %parallel_loop3A_1127 = arith.constant 63 : i32
        %parallel_loop3A_1128 = vector.broadcast %parallel_loop3A_1127 : i32 to vector<16xi32>
        %parallel_loop3A_1129 = arith.andi %parallel_loop3A_1126, %parallel_loop3A_1128 : vector<16xi32>
        %parallel_loop3A_1130 = tpu.vector_load_idx %arg9[%parallel_loop3A_737, %parallel_loop3A_1129] : memref<256x64xf32, #tpu.memory_space<vmem>>[vector<16xi32>, vector<16xi32>], vector<16xf32>,
        %parallel_loop3A_1131 = arith.addf %parallel_loop3A_1091, %parallel_loop3A_1130 : vector<16xf32>
        %parallel_loop3A_1132 = arith.mulf %parallel_loop3A_1130, %parallel_loop3A_1130 : vector<16xf32>
        %parallel_loop3A_1133 = arith.addf %parallel_loop3A_1093, %parallel_loop3A_1132 : vector<16xf32>
        %parallel_loop3A_1134 = arith.constant 38 : i32
        %parallel_loop3A_1135 = vector.broadcast %parallel_loop3A_1134 : i32 to vector<16xi32>
        %parallel_loop3A_1136 = arith.addi %iota3A, %parallel_loop3A_1135 : vector<16xi32>
        %parallel_loop3A_1137 = arith.constant 63 : i32
        %parallel_loop3A_1138 = vector.broadcast %parallel_loop3A_1137 : i32 to vector<16xi32>
        %parallel_loop3A_1139 = arith.andi %parallel_loop3A_1136, %parallel_loop3A_1138 : vector<16xi32>
        %parallel_loop3A_1140 = tpu.vector_load_idx %arg9[%parallel_loop3A_737, %parallel_loop3A_1139] : memref<256x64xf32, #tpu.memory_space<vmem>>[vector<16xi32>, vector<16xi32>], vector<16xf32>,
        %parallel_loop3A_1141 = arith.addf %parallel_loop3A_1101, %parallel_loop3A_1140 : vector<16xf32>
        %parallel_loop3A_1142 = arith.mulf %parallel_loop3A_1140, %parallel_loop3A_1140 : vector<16xf32>
        %parallel_loop3A_1143 = arith.addf %parallel_loop3A_1103, %parallel_loop3A_1142 : vector<16xf32>
        %parallel_loop3A_1144 = arith.constant 39 : i32
        %parallel_loop3A_1145 = vector.broadcast %parallel_loop3A_1144 : i32 to vector<16xi32>
        %parallel_loop3A_1146 = arith.addi %iota3A, %parallel_loop3A_1145 : vector<16xi32>
        %parallel_loop3A_1147 = arith.constant 63 : i32
        %parallel_loop3A_1148 = vector.broadcast %parallel_loop3A_1147 : i32 to vector<16xi32>
        %parallel_loop3A_1149 = arith.andi %parallel_loop3A_1146, %parallel_loop3A_1148 : vector<16xi32>
        %parallel_loop3A_1150 = tpu.vector_load_idx %arg9[%parallel_loop3A_737, %parallel_loop3A_1149] : memref<256x64xf32, #tpu.memory_space<vmem>>[vector<16xi32>, vector<16xi32>], vector<16xf32>,
        %parallel_loop3A_1151 = arith.addf %parallel_loop3A_1111, %parallel_loop3A_1150 : vector<16xf32>
        %parallel_loop3A_1152 = arith.mulf %parallel_loop3A_1150, %parallel_loop3A_1150 : vector<16xf32>
        %parallel_loop3A_1153 = arith.addf %parallel_loop3A_1113, %parallel_loop3A_1152 : vector<16xf32>
        %parallel_loop3A_1154 = arith.constant 40 : i32
        %parallel_loop3A_1155 = vector.broadcast %parallel_loop3A_1154 : i32 to vector<16xi32>
        %parallel_loop3A_1156 = arith.addi %iota3A, %parallel_loop3A_1155 : vector<16xi32>
        %parallel_loop3A_1157 = arith.constant 63 : i32
        %parallel_loop3A_1158 = vector.broadcast %parallel_loop3A_1157 : i32 to vector<16xi32>
        %parallel_loop3A_1159 = arith.andi %parallel_loop3A_1156, %parallel_loop3A_1158 : vector<16xi32>
        %parallel_loop3A_1160 = tpu.vector_load_idx %arg9[%parallel_loop3A_737, %parallel_loop3A_1159] : memref<256x64xf32, #tpu.memory_space<vmem>>[vector<16xi32>, vector<16xi32>], vector<16xf32>,
        %parallel_loop3A_1161 = arith.addf %parallel_loop3A_1121, %parallel_loop3A_1160 : vector<16xf32>
        %parallel_loop3A_1162 = arith.mulf %parallel_loop3A_1160, %parallel_loop3A_1160 : vector<16xf32>
        %parallel_loop3A_1163 = arith.addf %parallel_loop3A_1123, %parallel_loop3A_1162 : vector<16xf32>
        %parallel_loop3A_1164 = arith.constant 41 : i32
        %parallel_loop3A_1165 = vector.broadcast %parallel_loop3A_1164 : i32 to vector<16xi32>
        %parallel_loop3A_1166 = arith.addi %iota3A, %parallel_loop3A_1165 : vector<16xi32>
        %parallel_loop3A_1167 = arith.constant 63 : i32
        %parallel_loop3A_1168 = vector.broadcast %parallel_loop3A_1167 : i32 to vector<16xi32>
        %parallel_loop3A_1169 = arith.andi %parallel_loop3A_1166, %parallel_loop3A_1168 : vector<16xi32>
        %parallel_loop3A_1170 = tpu.vector_load_idx %arg9[%parallel_loop3A_737, %parallel_loop3A_1169] : memref<256x64xf32, #tpu.memory_space<vmem>>[vector<16xi32>, vector<16xi32>], vector<16xf32>,
        %parallel_loop3A_1171 = arith.addf %parallel_loop3A_1131, %parallel_loop3A_1170 : vector<16xf32>
        %parallel_loop3A_1172 = arith.mulf %parallel_loop3A_1170, %parallel_loop3A_1170 : vector<16xf32>
        %parallel_loop3A_1173 = arith.addf %parallel_loop3A_1133, %parallel_loop3A_1172 : vector<16xf32>
        %parallel_loop3A_1174 = arith.constant 42 : i32
        %parallel_loop3A_1175 = vector.broadcast %parallel_loop3A_1174 : i32 to vector<16xi32>
        %parallel_loop3A_1176 = arith.addi %iota3A, %parallel_loop3A_1175 : vector<16xi32>
        %parallel_loop3A_1177 = arith.constant 63 : i32
        %parallel_loop3A_1178 = vector.broadcast %parallel_loop3A_1177 : i32 to vector<16xi32>
        %parallel_loop3A_1179 = arith.andi %parallel_loop3A_1176, %parallel_loop3A_1178 : vector<16xi32>
        %parallel_loop3A_1180 = tpu.vector_load_idx %arg9[%parallel_loop3A_737, %parallel_loop3A_1179] : memref<256x64xf32, #tpu.memory_space<vmem>>[vector<16xi32>, vector<16xi32>], vector<16xf32>,
        %parallel_loop3A_1181 = arith.addf %parallel_loop3A_1141, %parallel_loop3A_1180 : vector<16xf32>
        %parallel_loop3A_1182 = arith.mulf %parallel_loop3A_1180, %parallel_loop3A_1180 : vector<16xf32>
        %parallel_loop3A_1183 = arith.addf %parallel_loop3A_1143, %parallel_loop3A_1182 : vector<16xf32>
        %parallel_loop3A_1184 = arith.constant 43 : i32
        %parallel_loop3A_1185 = vector.broadcast %parallel_loop3A_1184 : i32 to vector<16xi32>
        %parallel_loop3A_1186 = arith.addi %iota3A, %parallel_loop3A_1185 : vector<16xi32>
        %parallel_loop3A_1187 = arith.constant 63 : i32
        %parallel_loop3A_1188 = vector.broadcast %parallel_loop3A_1187 : i32 to vector<16xi32>
        %parallel_loop3A_1189 = arith.andi %parallel_loop3A_1186, %parallel_loop3A_1188 : vector<16xi32>
        %parallel_loop3A_1190 = tpu.vector_load_idx %arg9[%parallel_loop3A_737, %parallel_loop3A_1189] : memref<256x64xf32, #tpu.memory_space<vmem>>[vector<16xi32>, vector<16xi32>], vector<16xf32>,
        %parallel_loop3A_1191 = arith.addf %parallel_loop3A_1151, %parallel_loop3A_1190 : vector<16xf32>
        %parallel_loop3A_1192 = arith.mulf %parallel_loop3A_1190, %parallel_loop3A_1190 : vector<16xf32>
        %parallel_loop3A_1193 = arith.addf %parallel_loop3A_1153, %parallel_loop3A_1192 : vector<16xf32>
        %parallel_loop3A_1194 = arith.constant 44 : i32
        %parallel_loop3A_1195 = vector.broadcast %parallel_loop3A_1194 : i32 to vector<16xi32>
        %parallel_loop3A_1196 = arith.addi %iota3A, %parallel_loop3A_1195 : vector<16xi32>
        %parallel_loop3A_1197 = arith.constant 63 : i32
        %parallel_loop3A_1198 = vector.broadcast %parallel_loop3A_1197 : i32 to vector<16xi32>
        %parallel_loop3A_1199 = arith.andi %parallel_loop3A_1196, %parallel_loop3A_1198 : vector<16xi32>
        %parallel_loop3A_1200 = tpu.vector_load_idx %arg9[%parallel_loop3A_737, %parallel_loop3A_1199] : memref<256x64xf32, #tpu.memory_space<vmem>>[vector<16xi32>, vector<16xi32>], vector<16xf32>,
        %parallel_loop3A_1201 = arith.addf %parallel_loop3A_1161, %parallel_loop3A_1200 : vector<16xf32>
        %parallel_loop3A_1202 = arith.mulf %parallel_loop3A_1200, %parallel_loop3A_1200 : vector<16xf32>
        %parallel_loop3A_1203 = arith.addf %parallel_loop3A_1163, %parallel_loop3A_1202 : vector<16xf32>
        %parallel_loop3A_1204 = arith.constant 45 : i32
        %parallel_loop3A_1205 = vector.broadcast %parallel_loop3A_1204 : i32 to vector<16xi32>
        %parallel_loop3A_1206 = arith.addi %iota3A, %parallel_loop3A_1205 : vector<16xi32>
        %parallel_loop3A_1207 = arith.constant 63 : i32
        %parallel_loop3A_1208 = vector.broadcast %parallel_loop3A_1207 : i32 to vector<16xi32>
        %parallel_loop3A_1209 = arith.andi %parallel_loop3A_1206, %parallel_loop3A_1208 : vector<16xi32>
        %parallel_loop3A_1210 = tpu.vector_load_idx %arg9[%parallel_loop3A_737, %parallel_loop3A_1209] : memref<256x64xf32, #tpu.memory_space<vmem>>[vector<16xi32>, vector<16xi32>], vector<16xf32>,
        %parallel_loop3A_1211 = arith.addf %parallel_loop3A_1171, %parallel_loop3A_1210 : vector<16xf32>
        %parallel_loop3A_1212 = arith.mulf %parallel_loop3A_1210, %parallel_loop3A_1210 : vector<16xf32>
        %parallel_loop3A_1213 = arith.addf %parallel_loop3A_1173, %parallel_loop3A_1212 : vector<16xf32>
        %parallel_loop3A_1214 = arith.constant 46 : i32
        %parallel_loop3A_1215 = vector.broadcast %parallel_loop3A_1214 : i32 to vector<16xi32>
        %parallel_loop3A_1216 = arith.addi %iota3A, %parallel_loop3A_1215 : vector<16xi32>
        %parallel_loop3A_1217 = arith.constant 63 : i32
        %parallel_loop3A_1218 = vector.broadcast %parallel_loop3A_1217 : i32 to vector<16xi32>
        %parallel_loop3A_1219 = arith.andi %parallel_loop3A_1216, %parallel_loop3A_1218 : vector<16xi32>
        %parallel_loop3A_1220 = tpu.vector_load_idx %arg9[%parallel_loop3A_737, %parallel_loop3A_1219] : memref<256x64xf32, #tpu.memory_space<vmem>>[vector<16xi32>, vector<16xi32>], vector<16xf32>,
        %parallel_loop3A_1221 = arith.addf %parallel_loop3A_1181, %parallel_loop3A_1220 : vector<16xf32>
        %parallel_loop3A_1222 = arith.mulf %parallel_loop3A_1220, %parallel_loop3A_1220 : vector<16xf32>
        %parallel_loop3A_1223 = arith.addf %parallel_loop3A_1183, %parallel_loop3A_1222 : vector<16xf32>
        %parallel_loop3A_1224 = arith.constant 47 : i32
        %parallel_loop3A_1225 = vector.broadcast %parallel_loop3A_1224 : i32 to vector<16xi32>
        %parallel_loop3A_1226 = arith.addi %iota3A, %parallel_loop3A_1225 : vector<16xi32>
        %parallel_loop3A_1227 = arith.constant 63 : i32
        %parallel_loop3A_1228 = vector.broadcast %parallel_loop3A_1227 : i32 to vector<16xi32>
        %parallel_loop3A_1229 = arith.andi %parallel_loop3A_1226, %parallel_loop3A_1228 : vector<16xi32>
        %parallel_loop3A_1230 = tpu.vector_load_idx %arg9[%parallel_loop3A_737, %parallel_loop3A_1229] : memref<256x64xf32, #tpu.memory_space<vmem>>[vector<16xi32>, vector<16xi32>], vector<16xf32>,
        %parallel_loop3A_1231 = arith.addf %parallel_loop3A_1191, %parallel_loop3A_1230 : vector<16xf32>
        %parallel_loop3A_1232 = arith.mulf %parallel_loop3A_1230, %parallel_loop3A_1230 : vector<16xf32>
        %parallel_loop3A_1233 = arith.addf %parallel_loop3A_1193, %parallel_loop3A_1232 : vector<16xf32>
        %parallel_loop3A_1234 = arith.constant 48 : i32
        %parallel_loop3A_1235 = vector.broadcast %parallel_loop3A_1234 : i32 to vector<16xi32>
        %parallel_loop3A_1236 = arith.addi %iota3A, %parallel_loop3A_1235 : vector<16xi32>
        %parallel_loop3A_1237 = arith.constant 63 : i32
        %parallel_loop3A_1238 = vector.broadcast %parallel_loop3A_1237 : i32 to vector<16xi32>
        %parallel_loop3A_1239 = arith.andi %parallel_loop3A_1236, %parallel_loop3A_1238 : vector<16xi32>
        %parallel_loop3A_1240 = tpu.vector_load_idx %arg9[%parallel_loop3A_737, %parallel_loop3A_1239] : memref<256x64xf32, #tpu.memory_space<vmem>>[vector<16xi32>, vector<16xi32>], vector<16xf32>,
        %parallel_loop3A_1241 = arith.addf %parallel_loop3A_1201, %parallel_loop3A_1240 : vector<16xf32>
        %parallel_loop3A_1242 = arith.mulf %parallel_loop3A_1240, %parallel_loop3A_1240 : vector<16xf32>
        %parallel_loop3A_1243 = arith.addf %parallel_loop3A_1203, %parallel_loop3A_1242 : vector<16xf32>
        %parallel_loop3A_1244 = arith.constant 49 : i32
        %parallel_loop3A_1245 = vector.broadcast %parallel_loop3A_1244 : i32 to vector<16xi32>
        %parallel_loop3A_1246 = arith.addi %iota3A, %parallel_loop3A_1245 : vector<16xi32>
        %parallel_loop3A_1247 = arith.constant 63 : i32
        %parallel_loop3A_1248 = vector.broadcast %parallel_loop3A_1247 : i32 to vector<16xi32>
        %parallel_loop3A_1249 = arith.andi %parallel_loop3A_1246, %parallel_loop3A_1248 : vector<16xi32>
        %parallel_loop3A_1250 = tpu.vector_load_idx %arg9[%parallel_loop3A_737, %parallel_loop3A_1249] : memref<256x64xf32, #tpu.memory_space<vmem>>[vector<16xi32>, vector<16xi32>], vector<16xf32>,
        %parallel_loop3A_1251 = arith.addf %parallel_loop3A_1211, %parallel_loop3A_1250 : vector<16xf32>
        %parallel_loop3A_1252 = arith.mulf %parallel_loop3A_1250, %parallel_loop3A_1250 : vector<16xf32>
        %parallel_loop3A_1253 = arith.addf %parallel_loop3A_1213, %parallel_loop3A_1252 : vector<16xf32>
        %parallel_loop3A_1254 = arith.constant 50 : i32
        %parallel_loop3A_1255 = vector.broadcast %parallel_loop3A_1254 : i32 to vector<16xi32>
        %parallel_loop3A_1256 = arith.addi %iota3A, %parallel_loop3A_1255 : vector<16xi32>
        %parallel_loop3A_1257 = arith.constant 63 : i32
        %parallel_loop3A_1258 = vector.broadcast %parallel_loop3A_1257 : i32 to vector<16xi32>
        %parallel_loop3A_1259 = arith.andi %parallel_loop3A_1256, %parallel_loop3A_1258 : vector<16xi32>
        %parallel_loop3A_1260 = tpu.vector_load_idx %arg9[%parallel_loop3A_737, %parallel_loop3A_1259] : memref<256x64xf32, #tpu.memory_space<vmem>>[vector<16xi32>, vector<16xi32>], vector<16xf32>,
        %parallel_loop3A_1261 = arith.addf %parallel_loop3A_1221, %parallel_loop3A_1260 : vector<16xf32>
        %parallel_loop3A_1262 = arith.mulf %parallel_loop3A_1260, %parallel_loop3A_1260 : vector<16xf32>
        %parallel_loop3A_1263 = arith.addf %parallel_loop3A_1223, %parallel_loop3A_1262 : vector<16xf32>
        %parallel_loop3A_1264 = arith.constant 51 : i32
        %parallel_loop3A_1265 = vector.broadcast %parallel_loop3A_1264 : i32 to vector<16xi32>
        %parallel_loop3A_1266 = arith.addi %iota3A, %parallel_loop3A_1265 : vector<16xi32>
        %parallel_loop3A_1267 = arith.constant 63 : i32
        %parallel_loop3A_1268 = vector.broadcast %parallel_loop3A_1267 : i32 to vector<16xi32>
        %parallel_loop3A_1269 = arith.andi %parallel_loop3A_1266, %parallel_loop3A_1268 : vector<16xi32>
        %parallel_loop3A_1270 = tpu.vector_load_idx %arg9[%parallel_loop3A_737, %parallel_loop3A_1269] : memref<256x64xf32, #tpu.memory_space<vmem>>[vector<16xi32>, vector<16xi32>], vector<16xf32>,
        %parallel_loop3A_1271 = arith.addf %parallel_loop3A_1231, %parallel_loop3A_1270 : vector<16xf32>
        %parallel_loop3A_1272 = arith.mulf %parallel_loop3A_1270, %parallel_loop3A_1270 : vector<16xf32>
        %parallel_loop3A_1273 = arith.addf %parallel_loop3A_1233, %parallel_loop3A_1272 : vector<16xf32>
        %parallel_loop3A_1274 = arith.constant 52 : i32
        %parallel_loop3A_1275 = vector.broadcast %parallel_loop3A_1274 : i32 to vector<16xi32>
        %parallel_loop3A_1276 = arith.addi %iota3A, %parallel_loop3A_1275 : vector<16xi32>
        %parallel_loop3A_1277 = arith.constant 63 : i32
        %parallel_loop3A_1278 = vector.broadcast %parallel_loop3A_1277 : i32 to vector<16xi32>
        %parallel_loop3A_1279 = arith.andi %parallel_loop3A_1276, %parallel_loop3A_1278 : vector<16xi32>
        %parallel_loop3A_1280 = tpu.vector_load_idx %arg9[%parallel_loop3A_737, %parallel_loop3A_1279] : memref<256x64xf32, #tpu.memory_space<vmem>>[vector<16xi32>, vector<16xi32>], vector<16xf32>,
        %parallel_loop3A_1281 = arith.addf %parallel_loop3A_1241, %parallel_loop3A_1280 : vector<16xf32>
        %parallel_loop3A_1282 = arith.mulf %parallel_loop3A_1280, %parallel_loop3A_1280 : vector<16xf32>
        %parallel_loop3A_1283 = arith.addf %parallel_loop3A_1243, %parallel_loop3A_1282 : vector<16xf32>
        %parallel_loop3A_1284 = arith.constant 53 : i32
        %parallel_loop3A_1285 = vector.broadcast %parallel_loop3A_1284 : i32 to vector<16xi32>
        %parallel_loop3A_1286 = arith.addi %iota3A, %parallel_loop3A_1285 : vector<16xi32>
        %parallel_loop3A_1287 = arith.constant 63 : i32
        %parallel_loop3A_1288 = vector.broadcast %parallel_loop3A_1287 : i32 to vector<16xi32>
        %parallel_loop3A_1289 = arith.andi %parallel_loop3A_1286, %parallel_loop3A_1288 : vector<16xi32>
        %parallel_loop3A_1290 = tpu.vector_load_idx %arg9[%parallel_loop3A_737, %parallel_loop3A_1289] : memref<256x64xf32, #tpu.memory_space<vmem>>[vector<16xi32>, vector<16xi32>], vector<16xf32>,
        %parallel_loop3A_1291 = arith.addf %parallel_loop3A_1251, %parallel_loop3A_1290 : vector<16xf32>
        %parallel_loop3A_1292 = arith.mulf %parallel_loop3A_1290, %parallel_loop3A_1290 : vector<16xf32>
        %parallel_loop3A_1293 = arith.addf %parallel_loop3A_1253, %parallel_loop3A_1292 : vector<16xf32>
        %parallel_loop3A_1294 = arith.constant 54 : i32
        %parallel_loop3A_1295 = vector.broadcast %parallel_loop3A_1294 : i32 to vector<16xi32>
        %parallel_loop3A_1296 = arith.addi %iota3A, %parallel_loop3A_1295 : vector<16xi32>
        %parallel_loop3A_1297 = arith.constant 63 : i32
        %parallel_loop3A_1298 = vector.broadcast %parallel_loop3A_1297 : i32 to vector<16xi32>
        %parallel_loop3A_1299 = arith.andi %parallel_loop3A_1296, %parallel_loop3A_1298 : vector<16xi32>
        %parallel_loop3A_1300 = tpu.vector_load_idx %arg9[%parallel_loop3A_737, %parallel_loop3A_1299] : memref<256x64xf32, #tpu.memory_space<vmem>>[vector<16xi32>, vector<16xi32>], vector<16xf32>,
        %parallel_loop3A_1301 = arith.addf %parallel_loop3A_1261, %parallel_loop3A_1300 : vector<16xf32>
        %parallel_loop3A_1302 = arith.mulf %parallel_loop3A_1300, %parallel_loop3A_1300 : vector<16xf32>
        %parallel_loop3A_1303 = arith.addf %parallel_loop3A_1263, %parallel_loop3A_1302 : vector<16xf32>
        %parallel_loop3A_1304 = arith.constant 55 : i32
        %parallel_loop3A_1305 = vector.broadcast %parallel_loop3A_1304 : i32 to vector<16xi32>
        %parallel_loop3A_1306 = arith.addi %iota3A, %parallel_loop3A_1305 : vector<16xi32>
        %parallel_loop3A_1307 = arith.constant 63 : i32
        %parallel_loop3A_1308 = vector.broadcast %parallel_loop3A_1307 : i32 to vector<16xi32>
        %parallel_loop3A_1309 = arith.andi %parallel_loop3A_1306, %parallel_loop3A_1308 : vector<16xi32>
        %parallel_loop3A_1310 = tpu.vector_load_idx %arg9[%parallel_loop3A_737, %parallel_loop3A_1309] : memref<256x64xf32, #tpu.memory_space<vmem>>[vector<16xi32>, vector<16xi32>], vector<16xf32>,
        %parallel_loop3A_1311 = arith.addf %parallel_loop3A_1271, %parallel_loop3A_1310 : vector<16xf32>
        %parallel_loop3A_1312 = arith.mulf %parallel_loop3A_1310, %parallel_loop3A_1310 : vector<16xf32>
        %parallel_loop3A_1313 = arith.addf %parallel_loop3A_1273, %parallel_loop3A_1312 : vector<16xf32>
        %parallel_loop3A_1314 = arith.constant 56 : i32
        %parallel_loop3A_1315 = vector.broadcast %parallel_loop3A_1314 : i32 to vector<16xi32>
        %parallel_loop3A_1316 = arith.addi %iota3A, %parallel_loop3A_1315 : vector<16xi32>
        %parallel_loop3A_1317 = arith.constant 63 : i32
        %parallel_loop3A_1318 = vector.broadcast %parallel_loop3A_1317 : i32 to vector<16xi32>
        %parallel_loop3A_1319 = arith.andi %parallel_loop3A_1316, %parallel_loop3A_1318 : vector<16xi32>
        %parallel_loop3A_1320 = tpu.vector_load_idx %arg9[%parallel_loop3A_737, %parallel_loop3A_1319] : memref<256x64xf32, #tpu.memory_space<vmem>>[vector<16xi32>, vector<16xi32>], vector<16xf32>,
        %parallel_loop3A_1321 = arith.addf %parallel_loop3A_1281, %parallel_loop3A_1320 : vector<16xf32>
        %parallel_loop3A_1322 = arith.mulf %parallel_loop3A_1320, %parallel_loop3A_1320 : vector<16xf32>
        %parallel_loop3A_1323 = arith.addf %parallel_loop3A_1283, %parallel_loop3A_1322 : vector<16xf32>
        %parallel_loop3A_1324 = arith.constant 57 : i32
        %parallel_loop3A_1325 = vector.broadcast %parallel_loop3A_1324 : i32 to vector<16xi32>
        %parallel_loop3A_1326 = arith.addi %iota3A, %parallel_loop3A_1325 : vector<16xi32>
        %parallel_loop3A_1327 = arith.constant 63 : i32
        %parallel_loop3A_1328 = vector.broadcast %parallel_loop3A_1327 : i32 to vector<16xi32>
        %parallel_loop3A_1329 = arith.andi %parallel_loop3A_1326, %parallel_loop3A_1328 : vector<16xi32>
        %parallel_loop3A_1330 = tpu.vector_load_idx %arg9[%parallel_loop3A_737, %parallel_loop3A_1329] : memref<256x64xf32, #tpu.memory_space<vmem>>[vector<16xi32>, vector<16xi32>], vector<16xf32>,
        %parallel_loop3A_1331 = arith.addf %parallel_loop3A_1291, %parallel_loop3A_1330 : vector<16xf32>
        %parallel_loop3A_1332 = arith.mulf %parallel_loop3A_1330, %parallel_loop3A_1330 : vector<16xf32>
        %parallel_loop3A_1333 = arith.addf %parallel_loop3A_1293, %parallel_loop3A_1332 : vector<16xf32>
        %parallel_loop3A_1334 = arith.constant 58 : i32
        %parallel_loop3A_1335 = vector.broadcast %parallel_loop3A_1334 : i32 to vector<16xi32>
        %parallel_loop3A_1336 = arith.addi %iota3A, %parallel_loop3A_1335 : vector<16xi32>
        %parallel_loop3A_1337 = arith.constant 63 : i32
        %parallel_loop3A_1338 = vector.broadcast %parallel_loop3A_1337 : i32 to vector<16xi32>
        %parallel_loop3A_1339 = arith.andi %parallel_loop3A_1336, %parallel_loop3A_1338 : vector<16xi32>
        %parallel_loop3A_1340 = tpu.vector_load_idx %arg9[%parallel_loop3A_737, %parallel_loop3A_1339] : memref<256x64xf32, #tpu.memory_space<vmem>>[vector<16xi32>, vector<16xi32>], vector<16xf32>,
        %parallel_loop3A_1341 = arith.addf %parallel_loop3A_1301, %parallel_loop3A_1340 : vector<16xf32>
        %parallel_loop3A_1342 = arith.mulf %parallel_loop3A_1340, %parallel_loop3A_1340 : vector<16xf32>
        %parallel_loop3A_1343 = arith.addf %parallel_loop3A_1303, %parallel_loop3A_1342 : vector<16xf32>
        %parallel_loop3A_1344 = arith.constant 59 : i32
        %parallel_loop3A_1345 = vector.broadcast %parallel_loop3A_1344 : i32 to vector<16xi32>
        %parallel_loop3A_1346 = arith.addi %iota3A, %parallel_loop3A_1345 : vector<16xi32>
        %parallel_loop3A_1347 = arith.constant 63 : i32
        %parallel_loop3A_1348 = vector.broadcast %parallel_loop3A_1347 : i32 to vector<16xi32>
        %parallel_loop3A_1349 = arith.andi %parallel_loop3A_1346, %parallel_loop3A_1348 : vector<16xi32>
        %parallel_loop3A_1350 = tpu.vector_load_idx %arg9[%parallel_loop3A_737, %parallel_loop3A_1349] : memref<256x64xf32, #tpu.memory_space<vmem>>[vector<16xi32>, vector<16xi32>], vector<16xf32>,
        %parallel_loop3A_1351 = arith.addf %parallel_loop3A_1311, %parallel_loop3A_1350 : vector<16xf32>
        %parallel_loop3A_1352 = arith.mulf %parallel_loop3A_1350, %parallel_loop3A_1350 : vector<16xf32>
        %parallel_loop3A_1353 = arith.addf %parallel_loop3A_1313, %parallel_loop3A_1352 : vector<16xf32>
        %parallel_loop3A_1354 = arith.constant 60 : i32
        %parallel_loop3A_1355 = vector.broadcast %parallel_loop3A_1354 : i32 to vector<16xi32>
        %parallel_loop3A_1356 = arith.addi %iota3A, %parallel_loop3A_1355 : vector<16xi32>
        %parallel_loop3A_1357 = arith.constant 63 : i32
        %parallel_loop3A_1358 = vector.broadcast %parallel_loop3A_1357 : i32 to vector<16xi32>
        %parallel_loop3A_1359 = arith.andi %parallel_loop3A_1356, %parallel_loop3A_1358 : vector<16xi32>
        %parallel_loop3A_1360 = tpu.vector_load_idx %arg9[%parallel_loop3A_737, %parallel_loop3A_1359] : memref<256x64xf32, #tpu.memory_space<vmem>>[vector<16xi32>, vector<16xi32>], vector<16xf32>,
        %parallel_loop3A_1361 = arith.addf %parallel_loop3A_1321, %parallel_loop3A_1360 : vector<16xf32>
        %parallel_loop3A_1362 = arith.mulf %parallel_loop3A_1360, %parallel_loop3A_1360 : vector<16xf32>
        %parallel_loop3A_1363 = arith.addf %parallel_loop3A_1323, %parallel_loop3A_1362 : vector<16xf32>
        %parallel_loop3A_1364 = arith.constant 61 : i32
        %parallel_loop3A_1365 = vector.broadcast %parallel_loop3A_1364 : i32 to vector<16xi32>
        %parallel_loop3A_1366 = arith.addi %iota3A, %parallel_loop3A_1365 : vector<16xi32>
        %parallel_loop3A_1367 = arith.constant 63 : i32
        %parallel_loop3A_1368 = vector.broadcast %parallel_loop3A_1367 : i32 to vector<16xi32>
        %parallel_loop3A_1369 = arith.andi %parallel_loop3A_1366, %parallel_loop3A_1368 : vector<16xi32>
        %parallel_loop3A_1370 = tpu.vector_load_idx %arg9[%parallel_loop3A_737, %parallel_loop3A_1369] : memref<256x64xf32, #tpu.memory_space<vmem>>[vector<16xi32>, vector<16xi32>], vector<16xf32>,
        %parallel_loop3A_1371 = arith.addf %parallel_loop3A_1331, %parallel_loop3A_1370 : vector<16xf32>
        %parallel_loop3A_1372 = arith.mulf %parallel_loop3A_1370, %parallel_loop3A_1370 : vector<16xf32>
        %parallel_loop3A_1373 = arith.addf %parallel_loop3A_1333, %parallel_loop3A_1372 : vector<16xf32>
        %parallel_loop3A_1374 = arith.constant 62 : i32
        %parallel_loop3A_1375 = vector.broadcast %parallel_loop3A_1374 : i32 to vector<16xi32>
        %parallel_loop3A_1376 = arith.addi %iota3A, %parallel_loop3A_1375 : vector<16xi32>
        %parallel_loop3A_1377 = arith.constant 63 : i32
        %parallel_loop3A_1378 = vector.broadcast %parallel_loop3A_1377 : i32 to vector<16xi32>
        %parallel_loop3A_1379 = arith.andi %parallel_loop3A_1376, %parallel_loop3A_1378 : vector<16xi32>
        %parallel_loop3A_1380 = tpu.vector_load_idx %arg9[%parallel_loop3A_737, %parallel_loop3A_1379] : memref<256x64xf32, #tpu.memory_space<vmem>>[vector<16xi32>, vector<16xi32>], vector<16xf32>,
        %parallel_loop3A_1381 = arith.addf %parallel_loop3A_1341, %parallel_loop3A_1380 : vector<16xf32>
        %parallel_loop3A_1382 = arith.mulf %parallel_loop3A_1380, %parallel_loop3A_1380 : vector<16xf32>
        %parallel_loop3A_1383 = arith.addf %parallel_loop3A_1343, %parallel_loop3A_1382 : vector<16xf32>
        %parallel_loop3A_1384 = arith.constant 63 : i32
        %parallel_loop3A_1385 = vector.broadcast %parallel_loop3A_1384 : i32 to vector<16xi32>
        %parallel_loop3A_1386 = arith.addi %iota3A, %parallel_loop3A_1385 : vector<16xi32>
        %parallel_loop3A_1387 = arith.constant 63 : i32
        %parallel_loop3A_1388 = vector.broadcast %parallel_loop3A_1387 : i32 to vector<16xi32>
        %parallel_loop3A_1389 = arith.andi %parallel_loop3A_1386, %parallel_loop3A_1388 : vector<16xi32>
        %parallel_loop3A_1390 = tpu.vector_load_idx %arg9[%parallel_loop3A_737, %parallel_loop3A_1389] : memref<256x64xf32, #tpu.memory_space<vmem>>[vector<16xi32>, vector<16xi32>], vector<16xf32>,
        %parallel_loop3A_1391 = arith.addf %parallel_loop3A_1351, %parallel_loop3A_1390 : vector<16xf32>
        %parallel_loop3A_1392 = arith.mulf %parallel_loop3A_1390, %parallel_loop3A_1390 : vector<16xf32>
        %parallel_loop3A_1393 = arith.addf %parallel_loop3A_1353, %parallel_loop3A_1392 : vector<16xf32>
        %parallel_loop3A_1394 = arith.addf %parallel_loop3A_1361, %parallel_loop3A_1371 : vector<16xf32>
        %parallel_loop3A_1395 = arith.addf %parallel_loop3A_1381, %parallel_loop3A_1391 : vector<16xf32>
        %parallel_loop3A_1396 = arith.addf %parallel_loop3A_1394, %parallel_loop3A_1395 : vector<16xf32>
        %parallel_loop3A_1397 = arith.addf %parallel_loop3A_1363, %parallel_loop3A_1373 : vector<16xf32>
        %parallel_loop3A_1398 = arith.addf %parallel_loop3A_1383, %parallel_loop3A_1393 : vector<16xf32>
        %parallel_loop3A_1399 = arith.addf %parallel_loop3A_1397, %parallel_loop3A_1398 : vector<16xf32>
        %parallel_loop3A_1400 = arith.constant 1.562500e-02 : f32
        %parallel_loop3A_1401 = vector.broadcast %parallel_loop3A_1400 : f32 to vector<16xf32>
        %parallel_loop3A_1402 = arith.mulf %parallel_loop3A_1396, %parallel_loop3A_1401 : vector<16xf32>
        %parallel_loop3A_1403 = arith.constant 1.562500e-02 : f32
        %parallel_loop3A_1404 = vector.broadcast %parallel_loop3A_1403 : f32 to vector<16xf32>
        %parallel_loop3A_1405 = arith.mulf %parallel_loop3A_1399, %parallel_loop3A_1404 : vector<16xf32>
        %parallel_loop3A_1406 = arith.mulf %parallel_loop3A_1402, %parallel_loop3A_1402 : vector<16xf32>
        %parallel_loop3A_1407 = arith.subf %parallel_loop3A_1405, %parallel_loop3A_1406 : vector<16xf32>
        %parallel_loop3A_1408 = arith.constant 9.99999974E-6 : f32
        %parallel_loop3A_1409 = vector.broadcast %parallel_loop3A_1408 : f32 to vector<16xf32>
        %parallel_loop3A_1410 = arith.addf %parallel_loop3A_1407, %parallel_loop3A_1409 : vector<16xf32>
        %parallel_loop3A_1411 = vector.bitcast %parallel_loop3A_1410 : vector<16xf32> to vector<16xi32>
        %parallel_loop3A_1412 = arith.constant 1 : i32
        %parallel_loop3A_1413 = vector.broadcast %parallel_loop3A_1412 : i32 to vector<16xi32>
        %parallel_loop3A_1414 = arith.shrsi %parallel_loop3A_1411, %parallel_loop3A_1413 : vector<16xi32>
        %parallel_loop3A_1415 = arith.constant 1597463007 : i32
        %parallel_loop3A_1416 = vector.broadcast %parallel_loop3A_1415 : i32 to vector<16xi32>
        %parallel_loop3A_1417 = arith.subi %parallel_loop3A_1416, %parallel_loop3A_1414 : vector<16xi32>
        %parallel_loop3A_1418 = vector.bitcast %parallel_loop3A_1417 : vector<16xi32> to vector<16xf32>
        %parallel_loop3A_1419 = arith.constant 5.000000e-01 : f32
        %parallel_loop3A_1420 = vector.broadcast %parallel_loop3A_1419 : f32 to vector<16xf32>
        %parallel_loop3A_1421 = arith.mulf %parallel_loop3A_1420, %parallel_loop3A_1410 : vector<16xf32>
        %parallel_loop3A_1422 = arith.mulf %parallel_loop3A_1421, %parallel_loop3A_1418 : vector<16xf32>
        %parallel_loop3A_1423 = arith.mulf %parallel_loop3A_1422, %parallel_loop3A_1418 : vector<16xf32>
        %parallel_loop3A_1424 = arith.constant 1.500000e+00 : f32
        %parallel_loop3A_1425 = vector.broadcast %parallel_loop3A_1424 : f32 to vector<16xf32>
        %parallel_loop3A_1426 = arith.subf %parallel_loop3A_1425, %parallel_loop3A_1423 : vector<16xf32>
        %parallel_loop3A_1427 = arith.mulf %parallel_loop3A_1418, %parallel_loop3A_1426 : vector<16xf32>
        %parallel_loop3A_1428 = arith.constant 5.000000e-01 : f32
        %parallel_loop3A_1429 = vector.broadcast %parallel_loop3A_1428 : f32 to vector<16xf32>
        %parallel_loop3A_1430 = arith.mulf %parallel_loop3A_1429, %parallel_loop3A_1410 : vector<16xf32>
        %parallel_loop3A_1431 = arith.mulf %parallel_loop3A_1430, %parallel_loop3A_1427 : vector<16xf32>
        %parallel_loop3A_1432 = arith.mulf %parallel_loop3A_1431, %parallel_loop3A_1427 : vector<16xf32>
        %parallel_loop3A_1433 = arith.constant 1.500000e+00 : f32
        %parallel_loop3A_1434 = vector.broadcast %parallel_loop3A_1433 : f32 to vector<16xf32>
        %parallel_loop3A_1435 = arith.subf %parallel_loop3A_1434, %parallel_loop3A_1432 : vector<16xf32>
        %parallel_loop3A_1436 = arith.mulf %parallel_loop3A_1427, %parallel_loop3A_1435 : vector<16xf32>
        %parallel_loop3A_1437 = arith.constant 5.000000e-01 : f32
        %parallel_loop3A_1438 = vector.broadcast %parallel_loop3A_1437 : f32 to vector<16xf32>
        %parallel_loop3A_1439 = arith.mulf %parallel_loop3A_1438, %parallel_loop3A_1410 : vector<16xf32>
        %parallel_loop3A_1440 = arith.mulf %parallel_loop3A_1439, %parallel_loop3A_1436 : vector<16xf32>
        %parallel_loop3A_1441 = arith.mulf %parallel_loop3A_1440, %parallel_loop3A_1436 : vector<16xf32>
        %parallel_loop3A_1442 = arith.constant 1.500000e+00 : f32
        %parallel_loop3A_1443 = vector.broadcast %parallel_loop3A_1442 : f32 to vector<16xf32>
        %parallel_loop3A_1444 = arith.subf %parallel_loop3A_1443, %parallel_loop3A_1441 : vector<16xf32>
        %parallel_loop3A_1445 = arith.mulf %parallel_loop3A_1436, %parallel_loop3A_1444 : vector<16xf32>
        %parallel_loop3A_1446 = arith.mulf %parallel_loop3A_1402, %parallel_loop3A_1445 : vector<16xf32>
        %parallel_loop3A_1447 = arith.constant 8 : i32
        %parallel_loop3A_1448 = arith.divsi %parallel_loop3A_733, %parallel_loop3A_1447 : i32
        %parallel_loop3A_1449 = arith.constant 0 : i32
        %parallel_loop3A_1450 = arith.cmpi sgt, %parallel_loop3A_733, %parallel_loop3A_1449 : i32
        %parallel_loop3A_1451 = arith.extui %parallel_loop3A_1450 : i1 to i32
        %parallel_loop3A_1452 = arith.constant 0 : i32
        %parallel_loop3A_1453 = arith.cmpi slt, %parallel_loop3A_733, %parallel_loop3A_1452 : i32
        %parallel_loop3A_1454 = arith.extui %parallel_loop3A_1453 : i1 to i32
        %parallel_loop3A_1455 = arith.subi %parallel_loop3A_1451, %parallel_loop3A_1454 : i32
        %parallel_loop3A_1456 = arith.constant 0 : i32
        %parallel_loop3A_1457 = arith.cmpi sgt, %parallel_loop3A_1447, %parallel_loop3A_1456 : i32
        %parallel_loop3A_1458 = arith.extui %parallel_loop3A_1457 : i1 to i32
        %parallel_loop3A_1459 = arith.constant 0 : i32
        %parallel_loop3A_1460 = arith.cmpi slt, %parallel_loop3A_1447, %parallel_loop3A_1459 : i32
        %parallel_loop3A_1461 = arith.extui %parallel_loop3A_1460 : i1 to i32
        %parallel_loop3A_1462 = arith.subi %parallel_loop3A_1458, %parallel_loop3A_1461 : i32
        %parallel_loop3A_1463 = arith.cmpi ne, %parallel_loop3A_1455, %parallel_loop3A_1462 : i32
        %parallel_loop3A_1464 = arith.remsi %parallel_loop3A_733, %parallel_loop3A_1447 : i32
        %parallel_loop3A_1465 = arith.constant 0 : i32
        %parallel_loop3A_1466 = arith.cmpi ne, %parallel_loop3A_1464, %parallel_loop3A_1465 : i32
        %parallel_loop3A_1467 = arith.andi %parallel_loop3A_1463, %parallel_loop3A_1466 : i1
        %parallel_loop3A_1468 = arith.constant 1 : i32
        %parallel_loop3A_1469 = arith.subi %parallel_loop3A_1448, %parallel_loop3A_1468 : i32
        %parallel_loop3A_1470 = arith.select %parallel_loop3A_1467, %parallel_loop3A_1469, %parallel_loop3A_1448 : i32
        %parallel_loop3A_1471 = arith.constant 8192 : i32
        %parallel_loop3A_1472 = arith.muli %parallel_loop3A_1470, %parallel_loop3A_1471 : i32
        %parallel_loop3A_1473 = arith.constant 8 : i32
        %parallel_loop3A_1474 = arith.constant 0 : i32
        %parallel_loop3A_1475 = arith.cmpi eq, %parallel_loop3A_1473, %parallel_loop3A_1474 : i32
        %parallel_loop3A_1476 = arith.constant 1 : i32
        %parallel_loop3A_1477 = arith.select %parallel_loop3A_1475, %parallel_loop3A_1476, %parallel_loop3A_1473 : i32
        %parallel_loop3A_1478 = arith.remsi %parallel_loop3A_733, %parallel_loop3A_1477 : i32
        %parallel_loop3A_1479 = arith.constant 0 : i32
        %parallel_loop3A_1480 = arith.cmpi ne, %parallel_loop3A_1478, %parallel_loop3A_1479 : i32
        %parallel_loop3A_1481 = arith.constant 0 : i32
        %parallel_loop3A_1482 = arith.cmpi slt, %parallel_loop3A_1478, %parallel_loop3A_1481 : i32
        %parallel_loop3A_1483 = arith.constant 0 : i32
        %parallel_loop3A_1484 = arith.cmpi slt, %parallel_loop3A_1477, %parallel_loop3A_1483 : i32
        %parallel_loop3A_1485 = arith.xori %parallel_loop3A_1482, %parallel_loop3A_1484 : i1
        %parallel_loop3A_1486 = arith.andi %parallel_loop3A_1485, %parallel_loop3A_1480 : i1
        %parallel_loop3A_1487 = arith.addi %parallel_loop3A_1478, %parallel_loop3A_1477 : i32
        %parallel_loop3A_1488 = arith.select %parallel_loop3A_1486, %parallel_loop3A_1487, %parallel_loop3A_1478 : i32
        %parallel_loop3A_1489 = arith.constant 16 : i32
        %parallel_loop3A_1490 = arith.muli %parallel_loop3A_1488, %parallel_loop3A_1489 : i32
        %parallel_loop3A_1491 = arith.addi %parallel_loop3A_1472, %parallel_loop3A_1490 : i32
        %parallel_loop3A_1492 = arith.constant 0 : i32
        %parallel_loop3A_1493 = arith.constant 64 : i32
        %parallel_loop3A_1494 = arith.constant 1 : i32
        scf.for %parallel_loop3A_1495 = %parallel_loop3A_1492 to %parallel_loop3A_1493 step %parallel_loop3A_1494  : i32 {
          %parallel_loop3A_1496 = vector.broadcast %parallel_loop3A_1495 : i32 to vector<16xi32>
          %parallel_loop3A_1497 = arith.addi %iota3A, %parallel_loop3A_1496 : vector<16xi32>
          %parallel_loop3A_1498 = arith.constant 63 : i32
          %parallel_loop3A_1499 = vector.broadcast %parallel_loop3A_1498 : i32 to vector<16xi32>
          %parallel_loop3A_1500 = arith.andi %parallel_loop3A_1497, %parallel_loop3A_1499 : vector<16xi32>
          %parallel_loop3A_1501 = tpu.vector_load_idx %arg9[%parallel_loop3A_737, %parallel_loop3A_1500] : memref<256x64xf32, #tpu.memory_space<vmem>>[vector<16xi32>, vector<16xi32>], vector<16xf32>,
          %parallel_loop3A_1502 = arith.mulf %parallel_loop3A_1501, %parallel_loop3A_1445 : vector<16xf32>
          %parallel_loop3A_1503 = arith.subf %parallel_loop3A_1502, %parallel_loop3A_1446 : vector<16xf32>
          %parallel_loop3A_1504 = tpu.vector_load_idx %arg13[%parallel_loop3A_1500] : memref<64xf32, #tpu.memory_space<vmem>>[vector<16xi32>], vector<16xf32>,
          %parallel_loop3A_1505 = arith.mulf %parallel_loop3A_1503, %parallel_loop3A_1504 : vector<16xf32>
          %parallel_loop3A_1506 = tpu.vector_load_idx %arg14[%parallel_loop3A_1500] : memref<64xf32, #tpu.memory_space<vmem>>[vector<16xi32>], vector<16xf32>,
          %parallel_loop3A_1507 = arith.addf %parallel_loop3A_1505, %parallel_loop3A_1506 : vector<16xf32>
          %parallel_loop3A_1508 = arith.constant 128 : i32
          %parallel_loop3A_1509 = vector.broadcast %parallel_loop3A_1508 : i32 to vector<16xi32>
          %parallel_loop3A_1510 = arith.muli %parallel_loop3A_1500, %parallel_loop3A_1509 : vector<16xi32>
          %parallel_loop3A_1511 = vector.broadcast %parallel_loop3A_1491 : i32 to vector<16xi32>
          %parallel_loop3A_1512 = arith.addi %parallel_loop3A_1511, %parallel_loop3A_1510 : vector<16xi32>
          %parallel_loop3A_1513 = arith.addi %parallel_loop3A_1512, %iota3A : vector<16xi32>
          %parallel_loop3A_1514 = arith.constant 10 : i32
          %parallel_loop3A_1515 = vector.broadcast %parallel_loop3A_1514 : i32 to vector<16xi32>
          %parallel_loop3A_1516 = arith.shrsi %parallel_loop3A_1513, %parallel_loop3A_1515 : vector<16xi32>
          %parallel_loop3A_1517 = arith.constant 1023 : i32
          %parallel_loop3A_1518 = vector.broadcast %parallel_loop3A_1517 : i32 to vector<16xi32>
          %parallel_loop3A_1519 = arith.andi %parallel_loop3A_1513, %parallel_loop3A_1518 : vector<16xi32>
          tpu.vector_store_idx %arg11[%parallel_loop3A_1516, %parallel_loop3A_1519], %parallel_loop3A_1507 : memref<16x1024xf32, #tpu.memory_space<vmem>>[vector<16xi32>, vector<16xi32>], vector<16xf32>,
        } {sc.loop_unroll_factor = 8 : i64, sc.parallel_access}
      } {sc.loop_unroll_factor = 1 : i64, sc.parallel_access}
      %jit3A = arith.constant 25 : i32
      %div3A = arith.divsi %add3A_37, %jit3A : i32
      %sign3A = arith.constant 0 : i32
      %sign3A_55 = arith.cmpi sgt, %add3A_37, %sign3A : i32
      %sign3A_56 = arith.extui %sign3A_55 : i1 to i32
      %sign3A_57 = arith.constant 0 : i32
      %sign3A_58 = arith.cmpi slt, %add3A_37, %sign3A_57 : i32
      %sign3A_59 = arith.extui %sign3A_58 : i1 to i32
      %sign3A_60 = arith.subi %sign3A_56, %sign3A_59 : i32
      %sign3A_61 = arith.constant 0 : i32
      %sign3A_62 = arith.cmpi sgt, %jit3A, %sign3A_61 : i32
      %sign3A_63 = arith.extui %sign3A_62 : i1 to i32
      %sign3A_64 = arith.constant 0 : i32
      %sign3A_65 = arith.cmpi slt, %jit3A, %sign3A_64 : i32
      %sign3A_66 = arith.extui %sign3A_65 : i1 to i32
      %sign3A_67 = arith.subi %sign3A_63, %sign3A_66 : i32
      %ne3A = arith.cmpi ne, %sign3A_60, %sign3A_67 : i32
      %rem3A = arith.remsi %add3A_37, %jit3A : i32
      %ne3A_68 = arith.constant 0 : i32
      %ne3A_69 = arith.cmpi ne, %rem3A, %ne3A_68 : i32
      %and3A = arith.andi %ne3A, %ne3A_69 : i1
      %sub3A = arith.constant 1 : i32
      %sub3A_70 = arith.subi %div3A, %sub3A : i32
      %select_n3A = arith.select %and3A, %sub3A_70, %div3A : i32
      %jit3A_71 = arith.constant 25 : i32
      %eq3A = arith.constant 0 : i32
      %eq3A_72 = arith.cmpi eq, %jit3A_71, %eq3A : i32
      %jit3A_73 = arith.constant 1 : i32
      %select_n3A_74 = arith.select %eq3A_72, %jit3A_73, %jit3A_71 : i32
      %rem3A_75 = arith.remsi %add3A_37, %select_n3A_74 : i32
      %ne3A_76 = arith.constant 0 : i32
      %ne3A_77 = arith.cmpi ne, %rem3A_75, %ne3A_76 : i32
      %lt3A_78 = arith.constant 0 : i32
      %lt3A_79 = arith.cmpi slt, %rem3A_75, %lt3A_78 : i32
      %lt3A_80 = arith.constant 0 : i32
      %lt3A_81 = arith.cmpi slt, %select_n3A_74, %lt3A_80 : i32
      %ne3A_82 = arith.xori %lt3A_79, %lt3A_81 : i1
      %and3A_83 = arith.andi %ne3A_82, %ne3A_77 : i1
      %add3A_84 = arith.addi %rem3A_75, %select_n3A_74 : i32
      %select_n3A_85 = arith.select %and3A_83, %add3A_84, %rem3A_75 : i32
      %mul3A_86 = arith.constant 4 : i32
      %mul3A_87 = arith.muli %add3A, %mul3A_86 : i32
      %add3A_88 = arith.addi %mul3A_87, %select_n3A : i32
      %mul3A_89 = arith.constant 2 : i32
      %mul3A_90 = arith.muli %select_n3A_85, %mul3A_89 : i32
      %add3A_91 = arith.constant 0 : i32
      %add3A_92 = arith.addi %mul3A_90, %add3A_91 : i32
      %dma_start3A_93 = arith.constant 0 : i32
      %dma_start3A_94 = arith.constant 0 : i32
      %dma_start3A_95 = arith.constant 0 : i32
      %dma_start3A_96 = tpu.memref_slice %arg11[%dma_start3A_93, %dma_start3A_95] : memref<16x1024xf32, #tpu.memory_space<vmem>> -> memref<1x1024xf32, #tpu.memory_space<vmem>>
      %dma_start3A_97 = tpu.memref_squeeze %dma_start3A_96 : memref<1x1024xf32, #tpu.memory_space<vmem>> -> memref<1024xf32, #tpu.memory_space<vmem>>
      %dma_start3A_98 = arith.constant 0 : i32
      %dma_start3A_99 = tpu.memref_slice %arg6[%add3A_92, %dma_start3A_94, %add3A_88, %dma_start3A_98] : memref<50x8x128x1024xf32, #tpu.memory_space<hbm>> -> memref<1x1x1x1024xf32, #tpu.memory_space<hbm>>
      %dma_start3A_100 = tpu.memref_squeeze %dma_start3A_99 : memref<1x1x1x1024xf32, #tpu.memory_space<hbm>> -> memref<1024xf32, #tpu.memory_space<hbm>>
      %dma_start3A_101 = arith.constant 0 : i32
      %dma_start3A_102 = tpu.memref_slice %arg6[%add3A_92, %dma_start3A_94, %add3A_88, %dma_start3A_101] : memref<50x8x128x1024xf32, #tpu.memory_space<hbm>> -> memref<1x1x1x1024xf32, #tpu.memory_space<hbm>>
      %dma_start3A_103 = tpu.memref_squeeze %dma_start3A_102 : memref<1x1x1x1024xf32, #tpu.memory_space<hbm>> -> memref<1024xf32, #tpu.memory_space<hbm>>
      %dma_start3A_104 = arith.constant 0 : i32
      %dma_start3A_105 = tpu.memref_slice %arg11[%dma_start3A_93, %dma_start3A_104] : memref<16x1024xf32, #tpu.memory_space<vmem>> -> memref<1x1024xf32, #tpu.memory_space<vmem>>
      %dma_start3A_106 = tpu.memref_squeeze %dma_start3A_105 : memref<1x1024xf32, #tpu.memory_space<vmem>> -> memref<1024xf32, #tpu.memory_space<vmem>>
      tpu.enqueue_dma source(%dma_start3A_106 : memref<1024xf32, #tpu.memory_space<vmem>>) target(%dma_start3A_103 : memref<1024xf32, #tpu.memory_space<hbm>>) target_semaphore(%arg16 : memref<!tpu.dma_semaphore, #tpu.memory_space<semaphore_mem>>)
      %mul3A_107 = arith.constant 2 : i32
      %mul3A_108 = arith.muli %select_n3A_85, %mul3A_107 : i32
      %add3A_109 = arith.constant 0 : i32
      %add3A_110 = arith.addi %mul3A_108, %add3A_109 : i32
      %dma_start3A_111 = arith.constant 1 : i32
      %dma_start3A_112 = arith.constant 1 : i32
      %dma_start3A_113 = arith.constant 0 : i32
      %dma_start3A_114 = tpu.memref_slice %arg11[%dma_start3A_111, %dma_start3A_113] : memref<16x1024xf32, #tpu.memory_space<vmem>> -> memref<1x1024xf32, #tpu.memory_space<vmem>>
      %dma_start3A_115 = tpu.memref_squeeze %dma_start3A_114 : memref<1x1024xf32, #tpu.memory_space<vmem>> -> memref<1024xf32, #tpu.memory_space<vmem>>
      %dma_start3A_116 = arith.constant 0 : i32
      %dma_start3A_117 = tpu.memref_slice %arg6[%add3A_110, %dma_start3A_112, %add3A_88, %dma_start3A_116] : memref<50x8x128x1024xf32, #tpu.memory_space<hbm>> -> memref<1x1x1x1024xf32, #tpu.memory_space<hbm>>
      %dma_start3A_118 = tpu.memref_squeeze %dma_start3A_117 : memref<1x1x1x1024xf32, #tpu.memory_space<hbm>> -> memref<1024xf32, #tpu.memory_space<hbm>>
      %dma_start3A_119 = arith.constant 0 : i32
      %dma_start3A_120 = tpu.memref_slice %arg6[%add3A_110, %dma_start3A_112, %add3A_88, %dma_start3A_119] : memref<50x8x128x1024xf32, #tpu.memory_space<hbm>> -> memref<1x1x1x1024xf32, #tpu.memory_space<hbm>>
      %dma_start3A_121 = tpu.memref_squeeze %dma_start3A_120 : memref<1x1x1x1024xf32, #tpu.memory_space<hbm>> -> memref<1024xf32, #tpu.memory_space<hbm>>
      %dma_start3A_122 = arith.constant 0 : i32
      %dma_start3A_123 = tpu.memref_slice %arg11[%dma_start3A_111, %dma_start3A_122] : memref<16x1024xf32, #tpu.memory_space<vmem>> -> memref<1x1024xf32, #tpu.memory_space<vmem>>
      %dma_start3A_124 = tpu.memref_squeeze %dma_start3A_123 : memref<1x1024xf32, #tpu.memory_space<vmem>> -> memref<1024xf32, #tpu.memory_space<vmem>>
      tpu.enqueue_dma source(%dma_start3A_124 : memref<1024xf32, #tpu.memory_space<vmem>>) target(%dma_start3A_121 : memref<1024xf32, #tpu.memory_space<hbm>>) target_semaphore(%arg16 : memref<!tpu.dma_semaphore, #tpu.memory_space<semaphore_mem>>)
      %mul3A_125 = arith.constant 2 : i32
      %mul3A_126 = arith.muli %select_n3A_85, %mul3A_125 : i32
      %add3A_127 = arith.constant 0 : i32
      %add3A_128 = arith.addi %mul3A_126, %add3A_127 : i32
      %dma_start3A_129 = arith.constant 2 : i32
      %dma_start3A_130 = arith.constant 2 : i32
      %dma_start3A_131 = arith.constant 0 : i32
      %dma_start3A_132 = tpu.memref_slice %arg11[%dma_start3A_129, %dma_start3A_131] : memref<16x1024xf32, #tpu.memory_space<vmem>> -> memref<1x1024xf32, #tpu.memory_space<vmem>>
      %dma_start3A_133 = tpu.memref_squeeze %dma_start3A_132 : memref<1x1024xf32, #tpu.memory_space<vmem>> -> memref<1024xf32, #tpu.memory_space<vmem>>
      %dma_start3A_134 = arith.constant 0 : i32
      %dma_start3A_135 = tpu.memref_slice %arg6[%add3A_128, %dma_start3A_130, %add3A_88, %dma_start3A_134] : memref<50x8x128x1024xf32, #tpu.memory_space<hbm>> -> memref<1x1x1x1024xf32, #tpu.memory_space<hbm>>
      %dma_start3A_136 = tpu.memref_squeeze %dma_start3A_135 : memref<1x1x1x1024xf32, #tpu.memory_space<hbm>> -> memref<1024xf32, #tpu.memory_space<hbm>>
      %dma_start3A_137 = arith.constant 0 : i32
      %dma_start3A_138 = tpu.memref_slice %arg6[%add3A_128, %dma_start3A_130, %add3A_88, %dma_start3A_137] : memref<50x8x128x1024xf32, #tpu.memory_space<hbm>> -> memref<1x1x1x1024xf32, #tpu.memory_space<hbm>>
      %dma_start3A_139 = tpu.memref_squeeze %dma_start3A_138 : memref<1x1x1x1024xf32, #tpu.memory_space<hbm>> -> memref<1024xf32, #tpu.memory_space<hbm>>
      %dma_start3A_140 = arith.constant 0 : i32
      %dma_start3A_141 = tpu.memref_slice %arg11[%dma_start3A_129, %dma_start3A_140] : memref<16x1024xf32, #tpu.memory_space<vmem>> -> memref<1x1024xf32, #tpu.memory_space<vmem>>
      %dma_start3A_142 = tpu.memref_squeeze %dma_start3A_141 : memref<1x1024xf32, #tpu.memory_space<vmem>> -> memref<1024xf32, #tpu.memory_space<vmem>>
      tpu.enqueue_dma source(%dma_start3A_142 : memref<1024xf32, #tpu.memory_space<vmem>>) target(%dma_start3A_139 : memref<1024xf32, #tpu.memory_space<hbm>>) target_semaphore(%arg16 : memref<!tpu.dma_semaphore, #tpu.memory_space<semaphore_mem>>)
      %mul3A_143 = arith.constant 2 : i32
      %mul3A_144 = arith.muli %select_n3A_85, %mul3A_143 : i32
      %add3A_145 = arith.constant 0 : i32
      %add3A_146 = arith.addi %mul3A_144, %add3A_145 : i32
      %dma_start3A_147 = arith.constant 3 : i32
      %dma_start3A_148 = arith.constant 3 : i32
      %dma_start3A_149 = arith.constant 0 : i32
      %dma_start3A_150 = tpu.memref_slice %arg11[%dma_start3A_147, %dma_start3A_149] : memref<16x1024xf32, #tpu.memory_space<vmem>> -> memref<1x1024xf32, #tpu.memory_space<vmem>>
      %dma_start3A_151 = tpu.memref_squeeze %dma_start3A_150 : memref<1x1024xf32, #tpu.memory_space<vmem>> -> memref<1024xf32, #tpu.memory_space<vmem>>
      %dma_start3A_152 = arith.constant 0 : i32
      %dma_start3A_153 = tpu.memref_slice %arg6[%add3A_146, %dma_start3A_148, %add3A_88, %dma_start3A_152] : memref<50x8x128x1024xf32, #tpu.memory_space<hbm>> -> memref<1x1x1x1024xf32, #tpu.memory_space<hbm>>
      %dma_start3A_154 = tpu.memref_squeeze %dma_start3A_153 : memref<1x1x1x1024xf32, #tpu.memory_space<hbm>> -> memref<1024xf32, #tpu.memory_space<hbm>>
      %dma_start3A_155 = arith.constant 0 : i32
      %dma_start3A_156 = tpu.memref_slice %arg6[%add3A_146, %dma_start3A_148, %add3A_88, %dma_start3A_155] : memref<50x8x128x1024xf32, #tpu.memory_space<hbm>> -> memref<1x1x1x1024xf32, #tpu.memory_space<hbm>>
      %dma_start3A_157 = tpu.memref_squeeze %dma_start3A_156 : memref<1x1x1x1024xf32, #tpu.memory_space<hbm>> -> memref<1024xf32, #tpu.memory_space<hbm>>
      %dma_start3A_158 = arith.constant 0 : i32
      %dma_start3A_159 = tpu.memref_slice %arg11[%dma_start3A_147, %dma_start3A_158] : memref<16x1024xf32, #tpu.memory_space<vmem>> -> memref<1x1024xf32, #tpu.memory_space<vmem>>
      %dma_start3A_160 = tpu.memref_squeeze %dma_start3A_159 : memref<1x1024xf32, #tpu.memory_space<vmem>> -> memref<1024xf32, #tpu.memory_space<vmem>>
      tpu.enqueue_dma source(%dma_start3A_160 : memref<1024xf32, #tpu.memory_space<vmem>>) target(%dma_start3A_157 : memref<1024xf32, #tpu.memory_space<hbm>>) target_semaphore(%arg16 : memref<!tpu.dma_semaphore, #tpu.memory_space<semaphore_mem>>)
      %mul3A_161 = arith.constant 2 : i32
      %mul3A_162 = arith.muli %select_n3A_85, %mul3A_161 : i32
      %add3A_163 = arith.constant 0 : i32
      %add3A_164 = arith.addi %mul3A_162, %add3A_163 : i32
      %dma_start3A_165 = arith.constant 4 : i32
      %dma_start3A_166 = arith.constant 4 : i32
      %dma_start3A_167 = arith.constant 0 : i32
      %dma_start3A_168 = tpu.memref_slice %arg11[%dma_start3A_165, %dma_start3A_167] : memref<16x1024xf32, #tpu.memory_space<vmem>> -> memref<1x1024xf32, #tpu.memory_space<vmem>>
      %dma_start3A_169 = tpu.memref_squeeze %dma_start3A_168 : memref<1x1024xf32, #tpu.memory_space<vmem>> -> memref<1024xf32, #tpu.memory_space<vmem>>
      %dma_start3A_170 = arith.constant 0 : i32
      %dma_start3A_171 = tpu.memref_slice %arg6[%add3A_164, %dma_start3A_166, %add3A_88, %dma_start3A_170] : memref<50x8x128x1024xf32, #tpu.memory_space<hbm>> -> memref<1x1x1x1024xf32, #tpu.memory_space<hbm>>
      %dma_start3A_172 = tpu.memref_squeeze %dma_start3A_171 : memref<1x1x1x1024xf32, #tpu.memory_space<hbm>> -> memref<1024xf32, #tpu.memory_space<hbm>>
      %dma_start3A_173 = arith.constant 0 : i32
      %dma_start3A_174 = tpu.memref_slice %arg6[%add3A_164, %dma_start3A_166, %add3A_88, %dma_start3A_173] : memref<50x8x128x1024xf32, #tpu.memory_space<hbm>> -> memref<1x1x1x1024xf32, #tpu.memory_space<hbm>>
      %dma_start3A_175 = tpu.memref_squeeze %dma_start3A_174 : memref<1x1x1x1024xf32, #tpu.memory_space<hbm>> -> memref<1024xf32, #tpu.memory_space<hbm>>
      %dma_start3A_176 = arith.constant 0 : i32
      %dma_start3A_177 = tpu.memref_slice %arg11[%dma_start3A_165, %dma_start3A_176] : memref<16x1024xf32, #tpu.memory_space<vmem>> -> memref<1x1024xf32, #tpu.memory_space<vmem>>
      %dma_start3A_178 = tpu.memref_squeeze %dma_start3A_177 : memref<1x1024xf32, #tpu.memory_space<vmem>> -> memref<1024xf32, #tpu.memory_space<vmem>>
      tpu.enqueue_dma source(%dma_start3A_178 : memref<1024xf32, #tpu.memory_space<vmem>>) target(%dma_start3A_175 : memref<1024xf32, #tpu.memory_space<hbm>>) target_semaphore(%arg16 : memref<!tpu.dma_semaphore, #tpu.memory_space<semaphore_mem>>)
      %mul3A_179 = arith.constant 2 : i32
      %mul3A_180 = arith.muli %select_n3A_85, %mul3A_179 : i32
      %add3A_181 = arith.constant 0 : i32
      %add3A_182 = arith.addi %mul3A_180, %add3A_181 : i32
      %dma_start3A_183 = arith.constant 5 : i32
      %dma_start3A_184 = arith.constant 5 : i32
      %dma_start3A_185 = arith.constant 0 : i32
      %dma_start3A_186 = tpu.memref_slice %arg11[%dma_start3A_183, %dma_start3A_185] : memref<16x1024xf32, #tpu.memory_space<vmem>> -> memref<1x1024xf32, #tpu.memory_space<vmem>>
      %dma_start3A_187 = tpu.memref_squeeze %dma_start3A_186 : memref<1x1024xf32, #tpu.memory_space<vmem>> -> memref<1024xf32, #tpu.memory_space<vmem>>
      %dma_start3A_188 = arith.constant 0 : i32
      %dma_start3A_189 = tpu.memref_slice %arg6[%add3A_182, %dma_start3A_184, %add3A_88, %dma_start3A_188] : memref<50x8x128x1024xf32, #tpu.memory_space<hbm>> -> memref<1x1x1x1024xf32, #tpu.memory_space<hbm>>
      %dma_start3A_190 = tpu.memref_squeeze %dma_start3A_189 : memref<1x1x1x1024xf32, #tpu.memory_space<hbm>> -> memref<1024xf32, #tpu.memory_space<hbm>>
      %dma_start3A_191 = arith.constant 0 : i32
      %dma_start3A_192 = tpu.memref_slice %arg6[%add3A_182, %dma_start3A_184, %add3A_88, %dma_start3A_191] : memref<50x8x128x1024xf32, #tpu.memory_space<hbm>> -> memref<1x1x1x1024xf32, #tpu.memory_space<hbm>>
      %dma_start3A_193 = tpu.memref_squeeze %dma_start3A_192 : memref<1x1x1x1024xf32, #tpu.memory_space<hbm>> -> memref<1024xf32, #tpu.memory_space<hbm>>
      %dma_start3A_194 = arith.constant 0 : i32
      %dma_start3A_195 = tpu.memref_slice %arg11[%dma_start3A_183, %dma_start3A_194] : memref<16x1024xf32, #tpu.memory_space<vmem>> -> memref<1x1024xf32, #tpu.memory_space<vmem>>
      %dma_start3A_196 = tpu.memref_squeeze %dma_start3A_195 : memref<1x1024xf32, #tpu.memory_space<vmem>> -> memref<1024xf32, #tpu.memory_space<vmem>>
      tpu.enqueue_dma source(%dma_start3A_196 : memref<1024xf32, #tpu.memory_space<vmem>>) target(%dma_start3A_193 : memref<1024xf32, #tpu.memory_space<hbm>>) target_semaphore(%arg16 : memref<!tpu.dma_semaphore, #tpu.memory_space<semaphore_mem>>)
      %mul3A_197 = arith.constant 2 : i32
      %mul3A_198 = arith.muli %select_n3A_85, %mul3A_197 : i32
      %add3A_199 = arith.constant 0 : i32
      %add3A_200 = arith.addi %mul3A_198, %add3A_199 : i32
      %dma_start3A_201 = arith.constant 6 : i32
      %dma_start3A_202 = arith.constant 6 : i32
      %dma_start3A_203 = arith.constant 0 : i32
      %dma_start3A_204 = tpu.memref_slice %arg11[%dma_start3A_201, %dma_start3A_203] : memref<16x1024xf32, #tpu.memory_space<vmem>> -> memref<1x1024xf32, #tpu.memory_space<vmem>>
      %dma_start3A_205 = tpu.memref_squeeze %dma_start3A_204 : memref<1x1024xf32, #tpu.memory_space<vmem>> -> memref<1024xf32, #tpu.memory_space<vmem>>
      %dma_start3A_206 = arith.constant 0 : i32
      %dma_start3A_207 = tpu.memref_slice %arg6[%add3A_200, %dma_start3A_202, %add3A_88, %dma_start3A_206] : memref<50x8x128x1024xf32, #tpu.memory_space<hbm>> -> memref<1x1x1x1024xf32, #tpu.memory_space<hbm>>
      %dma_start3A_208 = tpu.memref_squeeze %dma_start3A_207 : memref<1x1x1x1024xf32, #tpu.memory_space<hbm>> -> memref<1024xf32, #tpu.memory_space<hbm>>
      %dma_start3A_209 = arith.constant 0 : i32
      %dma_start3A_210 = tpu.memref_slice %arg6[%add3A_200, %dma_start3A_202, %add3A_88, %dma_start3A_209] : memref<50x8x128x1024xf32, #tpu.memory_space<hbm>> -> memref<1x1x1x1024xf32, #tpu.memory_space<hbm>>
      %dma_start3A_211 = tpu.memref_squeeze %dma_start3A_210 : memref<1x1x1x1024xf32, #tpu.memory_space<hbm>> -> memref<1024xf32, #tpu.memory_space<hbm>>
      %dma_start3A_212 = arith.constant 0 : i32
      %dma_start3A_213 = tpu.memref_slice %arg11[%dma_start3A_201, %dma_start3A_212] : memref<16x1024xf32, #tpu.memory_space<vmem>> -> memref<1x1024xf32, #tpu.memory_space<vmem>>
      %dma_start3A_214 = tpu.memref_squeeze %dma_start3A_213 : memref<1x1024xf32, #tpu.memory_space<vmem>> -> memref<1024xf32, #tpu.memory_space<vmem>>
      tpu.enqueue_dma source(%dma_start3A_214 : memref<1024xf32, #tpu.memory_space<vmem>>) target(%dma_start3A_211 : memref<1024xf32, #tpu.memory_space<hbm>>) target_semaphore(%arg16 : memref<!tpu.dma_semaphore, #tpu.memory_space<semaphore_mem>>)
      %mul3A_215 = arith.constant 2 : i32
      %mul3A_216 = arith.muli %select_n3A_85, %mul3A_215 : i32
      %add3A_217 = arith.constant 0 : i32
      %add3A_218 = arith.addi %mul3A_216, %add3A_217 : i32
      %dma_start3A_219 = arith.constant 7 : i32
      %dma_start3A_220 = arith.constant 7 : i32
      %dma_start3A_221 = arith.constant 0 : i32
      %dma_start3A_222 = tpu.memref_slice %arg11[%dma_start3A_219, %dma_start3A_221] : memref<16x1024xf32, #tpu.memory_space<vmem>> -> memref<1x1024xf32, #tpu.memory_space<vmem>>
      %dma_start3A_223 = tpu.memref_squeeze %dma_start3A_222 : memref<1x1024xf32, #tpu.memory_space<vmem>> -> memref<1024xf32, #tpu.memory_space<vmem>>
      %dma_start3A_224 = arith.constant 0 : i32
      %dma_start3A_225 = tpu.memref_slice %arg6[%add3A_218, %dma_start3A_220, %add3A_88, %dma_start3A_224] : memref<50x8x128x1024xf32, #tpu.memory_space<hbm>> -> memref<1x1x1x1024xf32, #tpu.memory_space<hbm>>
      %dma_start3A_226 = tpu.memref_squeeze %dma_start3A_225 : memref<1x1x1x1024xf32, #tpu.memory_space<hbm>> -> memref<1024xf32, #tpu.memory_space<hbm>>
      %dma_start3A_227 = arith.constant 0 : i32
      %dma_start3A_228 = tpu.memref_slice %arg6[%add3A_218, %dma_start3A_220, %add3A_88, %dma_start3A_227] : memref<50x8x128x1024xf32, #tpu.memory_space<hbm>> -> memref<1x1x1x1024xf32, #tpu.memory_space<hbm>>
      %dma_start3A_229 = tpu.memref_squeeze %dma_start3A_228 : memref<1x1x1x1024xf32, #tpu.memory_space<hbm>> -> memref<1024xf32, #tpu.memory_space<hbm>>
      %dma_start3A_230 = arith.constant 0 : i32
      %dma_start3A_231 = tpu.memref_slice %arg11[%dma_start3A_219, %dma_start3A_230] : memref<16x1024xf32, #tpu.memory_space<vmem>> -> memref<1x1024xf32, #tpu.memory_space<vmem>>
      %dma_start3A_232 = tpu.memref_squeeze %dma_start3A_231 : memref<1x1024xf32, #tpu.memory_space<vmem>> -> memref<1024xf32, #tpu.memory_space<vmem>>
      tpu.enqueue_dma source(%dma_start3A_232 : memref<1024xf32, #tpu.memory_space<vmem>>) target(%dma_start3A_229 : memref<1024xf32, #tpu.memory_space<hbm>>) target_semaphore(%arg16 : memref<!tpu.dma_semaphore, #tpu.memory_space<semaphore_mem>>)
      %mul3A_233 = arith.constant 2 : i32
      %mul3A_234 = arith.muli %select_n3A_85, %mul3A_233 : i32
      %add3A_235 = arith.constant 1 : i32
      %add3A_236 = arith.addi %mul3A_234, %add3A_235 : i32
      %dma_start3A_237 = arith.constant 8 : i32
      %dma_start3A_238 = arith.constant 0 : i32
      %dma_start3A_239 = arith.constant 0 : i32
      %dma_start3A_240 = tpu.memref_slice %arg11[%dma_start3A_237, %dma_start3A_239] : memref<16x1024xf32, #tpu.memory_space<vmem>> -> memref<1x1024xf32, #tpu.memory_space<vmem>>
      %dma_start3A_241 = tpu.memref_squeeze %dma_start3A_240 : memref<1x1024xf32, #tpu.memory_space<vmem>> -> memref<1024xf32, #tpu.memory_space<vmem>>
      %dma_start3A_242 = arith.constant 0 : i32
      %dma_start3A_243 = tpu.memref_slice %arg6[%add3A_236, %dma_start3A_238, %add3A_88, %dma_start3A_242] : memref<50x8x128x1024xf32, #tpu.memory_space<hbm>> -> memref<1x1x1x1024xf32, #tpu.memory_space<hbm>>
      %dma_start3A_244 = tpu.memref_squeeze %dma_start3A_243 : memref<1x1x1x1024xf32, #tpu.memory_space<hbm>> -> memref<1024xf32, #tpu.memory_space<hbm>>
      %dma_start3A_245 = arith.constant 0 : i32
      %dma_start3A_246 = tpu.memref_slice %arg6[%add3A_236, %dma_start3A_238, %add3A_88, %dma_start3A_245] : memref<50x8x128x1024xf32, #tpu.memory_space<hbm>> -> memref<1x1x1x1024xf32, #tpu.memory_space<hbm>>
      %dma_start3A_247 = tpu.memref_squeeze %dma_start3A_246 : memref<1x1x1x1024xf32, #tpu.memory_space<hbm>> -> memref<1024xf32, #tpu.memory_space<hbm>>
      %dma_start3A_248 = arith.constant 0 : i32
      %dma_start3A_249 = tpu.memref_slice %arg11[%dma_start3A_237, %dma_start3A_248] : memref<16x1024xf32, #tpu.memory_space<vmem>> -> memref<1x1024xf32, #tpu.memory_space<vmem>>
      %dma_start3A_250 = tpu.memref_squeeze %dma_start3A_249 : memref<1x1024xf32, #tpu.memory_space<vmem>> -> memref<1024xf32, #tpu.memory_space<vmem>>
      tpu.enqueue_dma source(%dma_start3A_250 : memref<1024xf32, #tpu.memory_space<vmem>>) target(%dma_start3A_247 : memref<1024xf32, #tpu.memory_space<hbm>>) target_semaphore(%arg16 : memref<!tpu.dma_semaphore, #tpu.memory_space<semaphore_mem>>)
      %mul3A_251 = arith.constant 2 : i32
      %mul3A_252 = arith.muli %select_n3A_85, %mul3A_251 : i32
      %add3A_253 = arith.constant 1 : i32
      %add3A_254 = arith.addi %mul3A_252, %add3A_253 : i32
      %dma_start3A_255 = arith.constant 9 : i32
      %dma_start3A_256 = arith.constant 1 : i32
      %dma_start3A_257 = arith.constant 0 : i32
      %dma_start3A_258 = tpu.memref_slice %arg11[%dma_start3A_255, %dma_start3A_257] : memref<16x1024xf32, #tpu.memory_space<vmem>> -> memref<1x1024xf32, #tpu.memory_space<vmem>>
      %dma_start3A_259 = tpu.memref_squeeze %dma_start3A_258 : memref<1x1024xf32, #tpu.memory_space<vmem>> -> memref<1024xf32, #tpu.memory_space<vmem>>
      %dma_start3A_260 = arith.constant 0 : i32
      %dma_start3A_261 = tpu.memref_slice %arg6[%add3A_254, %dma_start3A_256, %add3A_88, %dma_start3A_260] : memref<50x8x128x1024xf32, #tpu.memory_space<hbm>> -> memref<1x1x1x1024xf32, #tpu.memory_space<hbm>>
      %dma_start3A_262 = tpu.memref_squeeze %dma_start3A_261 : memref<1x1x1x1024xf32, #tpu.memory_space<hbm>> -> memref<1024xf32, #tpu.memory_space<hbm>>
      %dma_start3A_263 = arith.constant 0 : i32
      %dma_start3A_264 = tpu.memref_slice %arg6[%add3A_254, %dma_start3A_256, %add3A_88, %dma_start3A_263] : memref<50x8x128x1024xf32, #tpu.memory_space<hbm>> -> memref<1x1x1x1024xf32, #tpu.memory_space<hbm>>
      %dma_start3A_265 = tpu.memref_squeeze %dma_start3A_264 : memref<1x1x1x1024xf32, #tpu.memory_space<hbm>> -> memref<1024xf32, #tpu.memory_space<hbm>>
      %dma_start3A_266 = arith.constant 0 : i32
      %dma_start3A_267 = tpu.memref_slice %arg11[%dma_start3A_255, %dma_start3A_266] : memref<16x1024xf32, #tpu.memory_space<vmem>> -> memref<1x1024xf32, #tpu.memory_space<vmem>>
      %dma_start3A_268 = tpu.memref_squeeze %dma_start3A_267 : memref<1x1024xf32, #tpu.memory_space<vmem>> -> memref<1024xf32, #tpu.memory_space<vmem>>
      tpu.enqueue_dma source(%dma_start3A_268 : memref<1024xf32, #tpu.memory_space<vmem>>) target(%dma_start3A_265 : memref<1024xf32, #tpu.memory_space<hbm>>) target_semaphore(%arg16 : memref<!tpu.dma_semaphore, #tpu.memory_space<semaphore_mem>>)
      %mul3A_269 = arith.constant 2 : i32
      %mul3A_270 = arith.muli %select_n3A_85, %mul3A_269 : i32
      %add3A_271 = arith.constant 1 : i32
      %add3A_272 = arith.addi %mul3A_270, %add3A_271 : i32
      %dma_start3A_273 = arith.constant 10 : i32
      %dma_start3A_274 = arith.constant 2 : i32
      %dma_start3A_275 = arith.constant 0 : i32
      %dma_start3A_276 = tpu.memref_slice %arg11[%dma_start3A_273, %dma_start3A_275] : memref<16x1024xf32, #tpu.memory_space<vmem>> -> memref<1x1024xf32, #tpu.memory_space<vmem>>
      %dma_start3A_277 = tpu.memref_squeeze %dma_start3A_276 : memref<1x1024xf32, #tpu.memory_space<vmem>> -> memref<1024xf32, #tpu.memory_space<vmem>>
      %dma_start3A_278 = arith.constant 0 : i32
      %dma_start3A_279 = tpu.memref_slice %arg6[%add3A_272, %dma_start3A_274, %add3A_88, %dma_start3A_278] : memref<50x8x128x1024xf32, #tpu.memory_space<hbm>> -> memref<1x1x1x1024xf32, #tpu.memory_space<hbm>>
      %dma_start3A_280 = tpu.memref_squeeze %dma_start3A_279 : memref<1x1x1x1024xf32, #tpu.memory_space<hbm>> -> memref<1024xf32, #tpu.memory_space<hbm>>
      %dma_start3A_281 = arith.constant 0 : i32
      %dma_start3A_282 = tpu.memref_slice %arg6[%add3A_272, %dma_start3A_274, %add3A_88, %dma_start3A_281] : memref<50x8x128x1024xf32, #tpu.memory_space<hbm>> -> memref<1x1x1x1024xf32, #tpu.memory_space<hbm>>
      %dma_start3A_283 = tpu.memref_squeeze %dma_start3A_282 : memref<1x1x1x1024xf32, #tpu.memory_space<hbm>> -> memref<1024xf32, #tpu.memory_space<hbm>>
      %dma_start3A_284 = arith.constant 0 : i32
      %dma_start3A_285 = tpu.memref_slice %arg11[%dma_start3A_273, %dma_start3A_284] : memref<16x1024xf32, #tpu.memory_space<vmem>> -> memref<1x1024xf32, #tpu.memory_space<vmem>>
      %dma_start3A_286 = tpu.memref_squeeze %dma_start3A_285 : memref<1x1024xf32, #tpu.memory_space<vmem>> -> memref<1024xf32, #tpu.memory_space<vmem>>
      tpu.enqueue_dma source(%dma_start3A_286 : memref<1024xf32, #tpu.memory_space<vmem>>) target(%dma_start3A_283 : memref<1024xf32, #tpu.memory_space<hbm>>) target_semaphore(%arg16 : memref<!tpu.dma_semaphore, #tpu.memory_space<semaphore_mem>>)
      %mul3A_287 = arith.constant 2 : i32
      %mul3A_288 = arith.muli %select_n3A_85, %mul3A_287 : i32
      %add3A_289 = arith.constant 1 : i32
      %add3A_290 = arith.addi %mul3A_288, %add3A_289 : i32
      %dma_start3A_291 = arith.constant 11 : i32
      %dma_start3A_292 = arith.constant 3 : i32
      %dma_start3A_293 = arith.constant 0 : i32
      %dma_start3A_294 = tpu.memref_slice %arg11[%dma_start3A_291, %dma_start3A_293] : memref<16x1024xf32, #tpu.memory_space<vmem>> -> memref<1x1024xf32, #tpu.memory_space<vmem>>
      %dma_start3A_295 = tpu.memref_squeeze %dma_start3A_294 : memref<1x1024xf32, #tpu.memory_space<vmem>> -> memref<1024xf32, #tpu.memory_space<vmem>>
      %dma_start3A_296 = arith.constant 0 : i32
      %dma_start3A_297 = tpu.memref_slice %arg6[%add3A_290, %dma_start3A_292, %add3A_88, %dma_start3A_296] : memref<50x8x128x1024xf32, #tpu.memory_space<hbm>> -> memref<1x1x1x1024xf32, #tpu.memory_space<hbm>>
      %dma_start3A_298 = tpu.memref_squeeze %dma_start3A_297 : memref<1x1x1x1024xf32, #tpu.memory_space<hbm>> -> memref<1024xf32, #tpu.memory_space<hbm>>
      %dma_start3A_299 = arith.constant 0 : i32
      %dma_start3A_300 = tpu.memref_slice %arg6[%add3A_290, %dma_start3A_292, %add3A_88, %dma_start3A_299] : memref<50x8x128x1024xf32, #tpu.memory_space<hbm>> -> memref<1x1x1x1024xf32, #tpu.memory_space<hbm>>
      %dma_start3A_301 = tpu.memref_squeeze %dma_start3A_300 : memref<1x1x1x1024xf32, #tpu.memory_space<hbm>> -> memref<1024xf32, #tpu.memory_space<hbm>>
      %dma_start3A_302 = arith.constant 0 : i32
      %dma_start3A_303 = tpu.memref_slice %arg11[%dma_start3A_291, %dma_start3A_302] : memref<16x1024xf32, #tpu.memory_space<vmem>> -> memref<1x1024xf32, #tpu.memory_space<vmem>>
      %dma_start3A_304 = tpu.memref_squeeze %dma_start3A_303 : memref<1x1024xf32, #tpu.memory_space<vmem>> -> memref<1024xf32, #tpu.memory_space<vmem>>
      tpu.enqueue_dma source(%dma_start3A_304 : memref<1024xf32, #tpu.memory_space<vmem>>) target(%dma_start3A_301 : memref<1024xf32, #tpu.memory_space<hbm>>) target_semaphore(%arg16 : memref<!tpu.dma_semaphore, #tpu.memory_space<semaphore_mem>>)
      %mul3A_305 = arith.constant 2 : i32
      %mul3A_306 = arith.muli %select_n3A_85, %mul3A_305 : i32
      %add3A_307 = arith.constant 1 : i32
      %add3A_308 = arith.addi %mul3A_306, %add3A_307 : i32
      %dma_start3A_309 = arith.constant 12 : i32
      %dma_start3A_310 = arith.constant 4 : i32
      %dma_start3A_311 = arith.constant 0 : i32
      %dma_start3A_312 = tpu.memref_slice %arg11[%dma_start3A_309, %dma_start3A_311] : memref<16x1024xf32, #tpu.memory_space<vmem>> -> memref<1x1024xf32, #tpu.memory_space<vmem>>
      %dma_start3A_313 = tpu.memref_squeeze %dma_start3A_312 : memref<1x1024xf32, #tpu.memory_space<vmem>> -> memref<1024xf32, #tpu.memory_space<vmem>>
      %dma_start3A_314 = arith.constant 0 : i32
      %dma_start3A_315 = tpu.memref_slice %arg6[%add3A_308, %dma_start3A_310, %add3A_88, %dma_start3A_314] : memref<50x8x128x1024xf32, #tpu.memory_space<hbm>> -> memref<1x1x1x1024xf32, #tpu.memory_space<hbm>>
      %dma_start3A_316 = tpu.memref_squeeze %dma_start3A_315 : memref<1x1x1x1024xf32, #tpu.memory_space<hbm>> -> memref<1024xf32, #tpu.memory_space<hbm>>
      %dma_start3A_317 = arith.constant 0 : i32
      %dma_start3A_318 = tpu.memref_slice %arg6[%add3A_308, %dma_start3A_310, %add3A_88, %dma_start3A_317] : memref<50x8x128x1024xf32, #tpu.memory_space<hbm>> -> memref<1x1x1x1024xf32, #tpu.memory_space<hbm>>
      %dma_start3A_319 = tpu.memref_squeeze %dma_start3A_318 : memref<1x1x1x1024xf32, #tpu.memory_space<hbm>> -> memref<1024xf32, #tpu.memory_space<hbm>>
      %dma_start3A_320 = arith.constant 0 : i32
      %dma_start3A_321 = tpu.memref_slice %arg11[%dma_start3A_309, %dma_start3A_320] : memref<16x1024xf32, #tpu.memory_space<vmem>> -> memref<1x1024xf32, #tpu.memory_space<vmem>>
      %dma_start3A_322 = tpu.memref_squeeze %dma_start3A_321 : memref<1x1024xf32, #tpu.memory_space<vmem>> -> memref<1024xf32, #tpu.memory_space<vmem>>
      tpu.enqueue_dma source(%dma_start3A_322 : memref<1024xf32, #tpu.memory_space<vmem>>) target(%dma_start3A_319 : memref<1024xf32, #tpu.memory_space<hbm>>) target_semaphore(%arg16 : memref<!tpu.dma_semaphore, #tpu.memory_space<semaphore_mem>>)
      %mul3A_323 = arith.constant 2 : i32
      %mul3A_324 = arith.muli %select_n3A_85, %mul3A_323 : i32
      %add3A_325 = arith.constant 1 : i32
      %add3A_326 = arith.addi %mul3A_324, %add3A_325 : i32
      %dma_start3A_327 = arith.constant 13 : i32
      %dma_start3A_328 = arith.constant 5 : i32
      %dma_start3A_329 = arith.constant 0 : i32
      %dma_start3A_330 = tpu.memref_slice %arg11[%dma_start3A_327, %dma_start3A_329] : memref<16x1024xf32, #tpu.memory_space<vmem>> -> memref<1x1024xf32, #tpu.memory_space<vmem>>
      %dma_start3A_331 = tpu.memref_squeeze %dma_start3A_330 : memref<1x1024xf32, #tpu.memory_space<vmem>> -> memref<1024xf32, #tpu.memory_space<vmem>>
      %dma_start3A_332 = arith.constant 0 : i32
      %dma_start3A_333 = tpu.memref_slice %arg6[%add3A_326, %dma_start3A_328, %add3A_88, %dma_start3A_332] : memref<50x8x128x1024xf32, #tpu.memory_space<hbm>> -> memref<1x1x1x1024xf32, #tpu.memory_space<hbm>>
      %dma_start3A_334 = tpu.memref_squeeze %dma_start3A_333 : memref<1x1x1x1024xf32, #tpu.memory_space<hbm>> -> memref<1024xf32, #tpu.memory_space<hbm>>
      %dma_start3A_335 = arith.constant 0 : i32
      %dma_start3A_336 = tpu.memref_slice %arg6[%add3A_326, %dma_start3A_328, %add3A_88, %dma_start3A_335] : memref<50x8x128x1024xf32, #tpu.memory_space<hbm>> -> memref<1x1x1x1024xf32, #tpu.memory_space<hbm>>
      %dma_start3A_337 = tpu.memref_squeeze %dma_start3A_336 : memref<1x1x1x1024xf32, #tpu.memory_space<hbm>> -> memref<1024xf32, #tpu.memory_space<hbm>>
      %dma_start3A_338 = arith.constant 0 : i32
      %dma_start3A_339 = tpu.memref_slice %arg11[%dma_start3A_327, %dma_start3A_338] : memref<16x1024xf32, #tpu.memory_space<vmem>> -> memref<1x1024xf32, #tpu.memory_space<vmem>>
      %dma_start3A_340 = tpu.memref_squeeze %dma_start3A_339 : memref<1x1024xf32, #tpu.memory_space<vmem>> -> memref<1024xf32, #tpu.memory_space<vmem>>
      tpu.enqueue_dma source(%dma_start3A_340 : memref<1024xf32, #tpu.memory_space<vmem>>) target(%dma_start3A_337 : memref<1024xf32, #tpu.memory_space<hbm>>) target_semaphore(%arg16 : memref<!tpu.dma_semaphore, #tpu.memory_space<semaphore_mem>>)
      %mul3A_341 = arith.constant 2 : i32
      %mul3A_342 = arith.muli %select_n3A_85, %mul3A_341 : i32
      %add3A_343 = arith.constant 1 : i32
      %add3A_344 = arith.addi %mul3A_342, %add3A_343 : i32
      %dma_start3A_345 = arith.constant 14 : i32
      %dma_start3A_346 = arith.constant 6 : i32
      %dma_start3A_347 = arith.constant 0 : i32
      %dma_start3A_348 = tpu.memref_slice %arg11[%dma_start3A_345, %dma_start3A_347] : memref<16x1024xf32, #tpu.memory_space<vmem>> -> memref<1x1024xf32, #tpu.memory_space<vmem>>
      %dma_start3A_349 = tpu.memref_squeeze %dma_start3A_348 : memref<1x1024xf32, #tpu.memory_space<vmem>> -> memref<1024xf32, #tpu.memory_space<vmem>>
      %dma_start3A_350 = arith.constant 0 : i32
      %dma_start3A_351 = tpu.memref_slice %arg6[%add3A_344, %dma_start3A_346, %add3A_88, %dma_start3A_350] : memref<50x8x128x1024xf32, #tpu.memory_space<hbm>> -> memref<1x1x1x1024xf32, #tpu.memory_space<hbm>>
      %dma_start3A_352 = tpu.memref_squeeze %dma_start3A_351 : memref<1x1x1x1024xf32, #tpu.memory_space<hbm>> -> memref<1024xf32, #tpu.memory_space<hbm>>
      %dma_start3A_353 = arith.constant 0 : i32
      %dma_start3A_354 = tpu.memref_slice %arg6[%add3A_344, %dma_start3A_346, %add3A_88, %dma_start3A_353] : memref<50x8x128x1024xf32, #tpu.memory_space<hbm>> -> memref<1x1x1x1024xf32, #tpu.memory_space<hbm>>
      %dma_start3A_355 = tpu.memref_squeeze %dma_start3A_354 : memref<1x1x1x1024xf32, #tpu.memory_space<hbm>> -> memref<1024xf32, #tpu.memory_space<hbm>>
      %dma_start3A_356 = arith.constant 0 : i32
      %dma_start3A_357 = tpu.memref_slice %arg11[%dma_start3A_345, %dma_start3A_356] : memref<16x1024xf32, #tpu.memory_space<vmem>> -> memref<1x1024xf32, #tpu.memory_space<vmem>>
      %dma_start3A_358 = tpu.memref_squeeze %dma_start3A_357 : memref<1x1024xf32, #tpu.memory_space<vmem>> -> memref<1024xf32, #tpu.memory_space<vmem>>
      tpu.enqueue_dma source(%dma_start3A_358 : memref<1024xf32, #tpu.memory_space<vmem>>) target(%dma_start3A_355 : memref<1024xf32, #tpu.memory_space<hbm>>) target_semaphore(%arg16 : memref<!tpu.dma_semaphore, #tpu.memory_space<semaphore_mem>>)
      %mul3A_359 = arith.constant 2 : i32
      %mul3A_360 = arith.muli %select_n3A_85, %mul3A_359 : i32
      %add3A_361 = arith.constant 1 : i32
      %add3A_362 = arith.addi %mul3A_360, %add3A_361 : i32
      %dma_start3A_363 = arith.constant 15 : i32
      %dma_start3A_364 = arith.constant 7 : i32
      %dma_start3A_365 = arith.constant 0 : i32
      %dma_start3A_366 = tpu.memref_slice %arg11[%dma_start3A_363, %dma_start3A_365] : memref<16x1024xf32, #tpu.memory_space<vmem>> -> memref<1x1024xf32, #tpu.memory_space<vmem>>
      %dma_start3A_367 = tpu.memref_squeeze %dma_start3A_366 : memref<1x1024xf32, #tpu.memory_space<vmem>> -> memref<1024xf32, #tpu.memory_space<vmem>>
      %dma_start3A_368 = arith.constant 0 : i32
      %dma_start3A_369 = tpu.memref_slice %arg6[%add3A_362, %dma_start3A_364, %add3A_88, %dma_start3A_368] : memref<50x8x128x1024xf32, #tpu.memory_space<hbm>> -> memref<1x1x1x1024xf32, #tpu.memory_space<hbm>>
      %dma_start3A_370 = tpu.memref_squeeze %dma_start3A_369 : memref<1x1x1x1024xf32, #tpu.memory_space<hbm>> -> memref<1024xf32, #tpu.memory_space<hbm>>
      %dma_start3A_371 = arith.constant 0 : i32
      %dma_start3A_372 = tpu.memref_slice %arg6[%add3A_362, %dma_start3A_364, %add3A_88, %dma_start3A_371] : memref<50x8x128x1024xf32, #tpu.memory_space<hbm>> -> memref<1x1x1x1024xf32, #tpu.memory_space<hbm>>
      %dma_start3A_373 = tpu.memref_squeeze %dma_start3A_372 : memref<1x1x1x1024xf32, #tpu.memory_space<hbm>> -> memref<1024xf32, #tpu.memory_space<hbm>>
      %dma_start3A_374 = arith.constant 0 : i32
      %dma_start3A_375 = tpu.memref_slice %arg11[%dma_start3A_363, %dma_start3A_374] : memref<16x1024xf32, #tpu.memory_space<vmem>> -> memref<1x1024xf32, #tpu.memory_space<vmem>>
      %dma_start3A_376 = tpu.memref_squeeze %dma_start3A_375 : memref<1x1024xf32, #tpu.memory_space<vmem>> -> memref<1024xf32, #tpu.memory_space<vmem>>
      tpu.enqueue_dma source(%dma_start3A_376 : memref<1024xf32, #tpu.memory_space<vmem>>) target(%dma_start3A_373 : memref<1024xf32, #tpu.memory_space<hbm>>) target_semaphore(%arg16 : memref<!tpu.dma_semaphore, #tpu.memory_space<semaphore_mem>>)
      %mul3A_377 = arith.constant 2 : i32
      %mul3A_378 = arith.muli %scan3A_33, %mul3A_377 : i32
      %add3A_379 = arith.constant 1 : i32
      %add3A_380 = arith.addi %mul3A_378, %add3A_379 : i32
      %dma_wait3A_381 = arith.constant 0 : i32
      %dma_wait3A_382 = arith.constant 0 : i32
      %dma_wait3A_383 = tpu.memref_slice %arg3[%dma_wait3A_381, %dma_wait3A_382] : memref<1000000x64xf32, #tpu.memory_space<hbm>> -> memref<256x64xf32, #tpu.memory_space<hbm>>
      %dma_wait3A_384 = arith.constant 0 : i32
      %dma_wait3A_385 = arith.constant 0 : i32
      %dma_wait3A_386 = tpu.memref_slice %arg3[%dma_wait3A_384, %dma_wait3A_385] : memref<1000000x64xf32, #tpu.memory_space<hbm>> -> memref<256x64xf32, #tpu.memory_space<hbm>>
      tpu.wait_dma2 semaphore(%arg15 : memref<!tpu.dma_semaphore, #tpu.memory_space<semaphore_mem>>) src(%dma_wait3A_386 : memref<256x64xf32, #tpu.memory_space<hbm>>) dst(%arg10 : memref<256x64xf32, #tpu.memory_space<vmem>>)
      %add3A_387 = arith.constant 1 : i32
      %add3A_388 = arith.addi %add3A_380, %add3A_387 : i32
      %lt3A_389 = arith.constant 100 : i32
      %lt3A_390 = arith.cmpi slt, %add3A_388, %lt3A_389 : i32
      %convert_element_type3A_391 = arith.extui %lt3A_390 : i1 to i32
      %cond3A_392 = arith.constant 0 : i32
      %cond3A_393 = arith.cmpi ne, %convert_element_type3A_391, %cond3A_392 : i32
      scf.if %cond3A_393 {
        %add3A_733 = arith.constant 1 : i32
        %add3A_734 = arith.addi %add3A_380, %add3A_733 : i32
        %mul3A_735 = arith.constant 256 : i32
        %mul3A_736 = arith.muli %add3A_734, %mul3A_735 : i32
        %dma_start3A_737 = tpu.memref_slice %arg8[%mul3A_736] : memref<25600xi32, #tpu.memory_space<vmem>> -> memref<256xi32, #tpu.memory_space<vmem>>
        %dma_start3A_738 = arith.constant 0 : i32
        %dma_start3A_739 = arith.constant 0 : i32
        %dma_start3A_740 = tpu.memref_slice %arg3[%dma_start3A_738, %dma_start3A_739] : memref<1000000x64xf32, #tpu.memory_space<hbm>> -> memref<1000000x64xf32, #tpu.memory_space<hbm>>
        tpu.enqueue_indirect_dma source(%dma_start3A_740 : memref<1000000x64xf32, #tpu.memory_space<hbm>>) target(%arg9 : memref<256x64xf32, #tpu.memory_space<vmem>>) offsets(%dma_start3A_737 : memref<256xi32, #tpu.memory_space<vmem>>) semaphore(%arg15 : memref<!tpu.dma_semaphore, #tpu.memory_space<semaphore_mem>>)
      } else {
      }
      %ge3A_394 = arith.constant 2 : i32
      %ge3A_395 = arith.cmpi sge, %add3A_380, %ge3A_394 : i32
      %convert_element_type3A_396 = arith.extui %ge3A_395 : i1 to i32
      %cond3A_397 = arith.constant 0 : i32
      %cond3A_398 = arith.cmpi ne, %convert_element_type3A_396, %cond3A_397 : i32
      scf.if %cond3A_398 {
        %dma_wait3A_733 = arith.constant 0 : i32
        %dma_wait3A_734 = arith.constant 0 : i32
        %dma_wait3A_735 = arith.constant 0 : i32
        %dma_wait3A_736 = arith.constant 0 : i32
        %dma_wait3A_737 = tpu.memref_slice %arg6[%dma_wait3A_733, %dma_wait3A_734, %dma_wait3A_735, %dma_wait3A_736] : memref<50x8x128x1024xf32, #tpu.memory_space<hbm>> -> memref<1x1x16x1024xf32, #tpu.memory_space<hbm>>
        %dma_wait3A_738 = tpu.memref_squeeze %dma_wait3A_737 : memref<1x1x16x1024xf32, #tpu.memory_space<hbm>> -> memref<16x1024xf32, #tpu.memory_space<hbm>>
        %dma_wait3A_739 = arith.constant 0 : i32
        %dma_wait3A_740 = arith.constant 0 : i32
        %dma_wait3A_741 = tpu.memref_slice %arg6[%dma_wait3A_733, %dma_wait3A_734, %dma_wait3A_739, %dma_wait3A_740] : memref<50x8x128x1024xf32, #tpu.memory_space<hbm>> -> memref<1x1x16x1024xf32, #tpu.memory_space<hbm>>
        %dma_wait3A_742 = tpu.memref_squeeze %dma_wait3A_741 : memref<1x1x16x1024xf32, #tpu.memory_space<hbm>> -> memref<16x1024xf32, #tpu.memory_space<hbm>>
        tpu.wait_dma2 semaphore(%arg16 : memref<!tpu.dma_semaphore, #tpu.memory_space<semaphore_mem>>) src(%dma_wait3A_742 : memref<16x1024xf32, #tpu.memory_space<hbm>>) dst(%arg12 : memref<16x1024xf32, #tpu.memory_space<vmem>>)
      } else {
      }
      %parallel_loop3A_399 = arith.constant 0 : i32
      %parallel_loop3A_400 = arith.constant 16 : i32
      %parallel_loop3A_401 = arith.constant 1 : i32
      scf.for %parallel_loop3A_733 = %parallel_loop3A_399 to %parallel_loop3A_400 step %parallel_loop3A_401  : i32 {
        %parallel_loop3A_734 = arith.constant 16 : i32
        %parallel_loop3A_735 = arith.muli %parallel_loop3A_733, %parallel_loop3A_734 : i32
        %parallel_loop3A_736 = vector.broadcast %parallel_loop3A_735 : i32 to vector<16xi32>
        %parallel_loop3A_737 = arith.addi %iota3A, %parallel_loop3A_736 : vector<16xi32>
        %parallel_loop3A_738 = arith.constant 0.000000e+00 : f32
        %parallel_loop3A_739 = vector.broadcast %parallel_loop3A_738 : f32 to vector<16xf32>
        %parallel_loop3A_740 = arith.constant 0.000000e+00 : f32
        %parallel_loop3A_741 = vector.broadcast %parallel_loop3A_740 : f32 to vector<16xf32>
        %parallel_loop3A_742 = arith.constant 0.000000e+00 : f32
        %parallel_loop3A_743 = vector.broadcast %parallel_loop3A_742 : f32 to vector<16xf32>
        %parallel_loop3A_744 = arith.constant 0.000000e+00 : f32
        %parallel_loop3A_745 = vector.broadcast %parallel_loop3A_744 : f32 to vector<16xf32>
        %parallel_loop3A_746 = arith.constant 0.000000e+00 : f32
        %parallel_loop3A_747 = vector.broadcast %parallel_loop3A_746 : f32 to vector<16xf32>
        %parallel_loop3A_748 = arith.constant 0.000000e+00 : f32
        %parallel_loop3A_749 = vector.broadcast %parallel_loop3A_748 : f32 to vector<16xf32>
        %parallel_loop3A_750 = arith.constant 0.000000e+00 : f32
        %parallel_loop3A_751 = vector.broadcast %parallel_loop3A_750 : f32 to vector<16xf32>
        %parallel_loop3A_752 = arith.constant 0.000000e+00 : f32
        %parallel_loop3A_753 = vector.broadcast %parallel_loop3A_752 : f32 to vector<16xf32>
        %parallel_loop3A_754 = arith.constant 0 : i32
        %parallel_loop3A_755 = vector.broadcast %parallel_loop3A_754 : i32 to vector<16xi32>
        %parallel_loop3A_756 = arith.addi %iota3A, %parallel_loop3A_755 : vector<16xi32>
        %parallel_loop3A_757 = arith.constant 63 : i32
        %parallel_loop3A_758 = vector.broadcast %parallel_loop3A_757 : i32 to vector<16xi32>
        %parallel_loop3A_759 = arith.andi %parallel_loop3A_756, %parallel_loop3A_758 : vector<16xi32>
        %parallel_loop3A_760 = tpu.vector_load_idx %arg10[%parallel_loop3A_737, %parallel_loop3A_759] : memref<256x64xf32, #tpu.memory_space<vmem>>[vector<16xi32>, vector<16xi32>], vector<16xf32>,
        %parallel_loop3A_761 = arith.addf %parallel_loop3A_739, %parallel_loop3A_760 : vector<16xf32>
        %parallel_loop3A_762 = arith.mulf %parallel_loop3A_760, %parallel_loop3A_760 : vector<16xf32>
        %parallel_loop3A_763 = arith.addf %parallel_loop3A_747, %parallel_loop3A_762 : vector<16xf32>
        %parallel_loop3A_764 = arith.constant 1 : i32
        %parallel_loop3A_765 = vector.broadcast %parallel_loop3A_764 : i32 to vector<16xi32>
        %parallel_loop3A_766 = arith.addi %iota3A, %parallel_loop3A_765 : vector<16xi32>
        %parallel_loop3A_767 = arith.constant 63 : i32
        %parallel_loop3A_768 = vector.broadcast %parallel_loop3A_767 : i32 to vector<16xi32>
        %parallel_loop3A_769 = arith.andi %parallel_loop3A_766, %parallel_loop3A_768 : vector<16xi32>
        %parallel_loop3A_770 = tpu.vector_load_idx %arg10[%parallel_loop3A_737, %parallel_loop3A_769] : memref<256x64xf32, #tpu.memory_space<vmem>>[vector<16xi32>, vector<16xi32>], vector<16xf32>,
        %parallel_loop3A_771 = arith.addf %parallel_loop3A_741, %parallel_loop3A_770 : vector<16xf32>
        %parallel_loop3A_772 = arith.mulf %parallel_loop3A_770, %parallel_loop3A_770 : vector<16xf32>
        %parallel_loop3A_773 = arith.addf %parallel_loop3A_749, %parallel_loop3A_772 : vector<16xf32>
        %parallel_loop3A_774 = arith.constant 2 : i32
        %parallel_loop3A_775 = vector.broadcast %parallel_loop3A_774 : i32 to vector<16xi32>
        %parallel_loop3A_776 = arith.addi %iota3A, %parallel_loop3A_775 : vector<16xi32>
        %parallel_loop3A_777 = arith.constant 63 : i32
        %parallel_loop3A_778 = vector.broadcast %parallel_loop3A_777 : i32 to vector<16xi32>
        %parallel_loop3A_779 = arith.andi %parallel_loop3A_776, %parallel_loop3A_778 : vector<16xi32>
        %parallel_loop3A_780 = tpu.vector_load_idx %arg10[%parallel_loop3A_737, %parallel_loop3A_779] : memref<256x64xf32, #tpu.memory_space<vmem>>[vector<16xi32>, vector<16xi32>], vector<16xf32>,
        %parallel_loop3A_781 = arith.addf %parallel_loop3A_743, %parallel_loop3A_780 : vector<16xf32>
        %parallel_loop3A_782 = arith.mulf %parallel_loop3A_780, %parallel_loop3A_780 : vector<16xf32>
        %parallel_loop3A_783 = arith.addf %parallel_loop3A_751, %parallel_loop3A_782 : vector<16xf32>
        %parallel_loop3A_784 = arith.constant 3 : i32
        %parallel_loop3A_785 = vector.broadcast %parallel_loop3A_784 : i32 to vector<16xi32>
        %parallel_loop3A_786 = arith.addi %iota3A, %parallel_loop3A_785 : vector<16xi32>
        %parallel_loop3A_787 = arith.constant 63 : i32
        %parallel_loop3A_788 = vector.broadcast %parallel_loop3A_787 : i32 to vector<16xi32>
        %parallel_loop3A_789 = arith.andi %parallel_loop3A_786, %parallel_loop3A_788 : vector<16xi32>
        %parallel_loop3A_790 = tpu.vector_load_idx %arg10[%parallel_loop3A_737, %parallel_loop3A_789] : memref<256x64xf32, #tpu.memory_space<vmem>>[vector<16xi32>, vector<16xi32>], vector<16xf32>,
        %parallel_loop3A_791 = arith.addf %parallel_loop3A_745, %parallel_loop3A_790 : vector<16xf32>
        %parallel_loop3A_792 = arith.mulf %parallel_loop3A_790, %parallel_loop3A_790 : vector<16xf32>
        %parallel_loop3A_793 = arith.addf %parallel_loop3A_753, %parallel_loop3A_792 : vector<16xf32>
        %parallel_loop3A_794 = arith.constant 4 : i32
        %parallel_loop3A_795 = vector.broadcast %parallel_loop3A_794 : i32 to vector<16xi32>
        %parallel_loop3A_796 = arith.addi %iota3A, %parallel_loop3A_795 : vector<16xi32>
        %parallel_loop3A_797 = arith.constant 63 : i32
        %parallel_loop3A_798 = vector.broadcast %parallel_loop3A_797 : i32 to vector<16xi32>
        %parallel_loop3A_799 = arith.andi %parallel_loop3A_796, %parallel_loop3A_798 : vector<16xi32>
        %parallel_loop3A_800 = tpu.vector_load_idx %arg10[%parallel_loop3A_737, %parallel_loop3A_799] : memref<256x64xf32, #tpu.memory_space<vmem>>[vector<16xi32>, vector<16xi32>], vector<16xf32>,
        %parallel_loop3A_801 = arith.addf %parallel_loop3A_761, %parallel_loop3A_800 : vector<16xf32>
        %parallel_loop3A_802 = arith.mulf %parallel_loop3A_800, %parallel_loop3A_800 : vector<16xf32>
        %parallel_loop3A_803 = arith.addf %parallel_loop3A_763, %parallel_loop3A_802 : vector<16xf32>
        %parallel_loop3A_804 = arith.constant 5 : i32
        %parallel_loop3A_805 = vector.broadcast %parallel_loop3A_804 : i32 to vector<16xi32>
        %parallel_loop3A_806 = arith.addi %iota3A, %parallel_loop3A_805 : vector<16xi32>
        %parallel_loop3A_807 = arith.constant 63 : i32
        %parallel_loop3A_808 = vector.broadcast %parallel_loop3A_807 : i32 to vector<16xi32>
        %parallel_loop3A_809 = arith.andi %parallel_loop3A_806, %parallel_loop3A_808 : vector<16xi32>
        %parallel_loop3A_810 = tpu.vector_load_idx %arg10[%parallel_loop3A_737, %parallel_loop3A_809] : memref<256x64xf32, #tpu.memory_space<vmem>>[vector<16xi32>, vector<16xi32>], vector<16xf32>,
        %parallel_loop3A_811 = arith.addf %parallel_loop3A_771, %parallel_loop3A_810 : vector<16xf32>
        %parallel_loop3A_812 = arith.mulf %parallel_loop3A_810, %parallel_loop3A_810 : vector<16xf32>
        %parallel_loop3A_813 = arith.addf %parallel_loop3A_773, %parallel_loop3A_812 : vector<16xf32>
        %parallel_loop3A_814 = arith.constant 6 : i32
        %parallel_loop3A_815 = vector.broadcast %parallel_loop3A_814 : i32 to vector<16xi32>
        %parallel_loop3A_816 = arith.addi %iota3A, %parallel_loop3A_815 : vector<16xi32>
        %parallel_loop3A_817 = arith.constant 63 : i32
        %parallel_loop3A_818 = vector.broadcast %parallel_loop3A_817 : i32 to vector<16xi32>
        %parallel_loop3A_819 = arith.andi %parallel_loop3A_816, %parallel_loop3A_818 : vector<16xi32>
        %parallel_loop3A_820 = tpu.vector_load_idx %arg10[%parallel_loop3A_737, %parallel_loop3A_819] : memref<256x64xf32, #tpu.memory_space<vmem>>[vector<16xi32>, vector<16xi32>], vector<16xf32>,
        %parallel_loop3A_821 = arith.addf %parallel_loop3A_781, %parallel_loop3A_820 : vector<16xf32>
        %parallel_loop3A_822 = arith.mulf %parallel_loop3A_820, %parallel_loop3A_820 : vector<16xf32>
        %parallel_loop3A_823 = arith.addf %parallel_loop3A_783, %parallel_loop3A_822 : vector<16xf32>
        %parallel_loop3A_824 = arith.constant 7 : i32
        %parallel_loop3A_825 = vector.broadcast %parallel_loop3A_824 : i32 to vector<16xi32>
        %parallel_loop3A_826 = arith.addi %iota3A, %parallel_loop3A_825 : vector<16xi32>
        %parallel_loop3A_827 = arith.constant 63 : i32
        %parallel_loop3A_828 = vector.broadcast %parallel_loop3A_827 : i32 to vector<16xi32>
        %parallel_loop3A_829 = arith.andi %parallel_loop3A_826, %parallel_loop3A_828 : vector<16xi32>
        %parallel_loop3A_830 = tpu.vector_load_idx %arg10[%parallel_loop3A_737, %parallel_loop3A_829] : memref<256x64xf32, #tpu.memory_space<vmem>>[vector<16xi32>, vector<16xi32>], vector<16xf32>,
        %parallel_loop3A_831 = arith.addf %parallel_loop3A_791, %parallel_loop3A_830 : vector<16xf32>
        %parallel_loop3A_832 = arith.mulf %parallel_loop3A_830, %parallel_loop3A_830 : vector<16xf32>
        %parallel_loop3A_833 = arith.addf %parallel_loop3A_793, %parallel_loop3A_832 : vector<16xf32>
        %parallel_loop3A_834 = arith.constant 8 : i32
        %parallel_loop3A_835 = vector.broadcast %parallel_loop3A_834 : i32 to vector<16xi32>
        %parallel_loop3A_836 = arith.addi %iota3A, %parallel_loop3A_835 : vector<16xi32>
        %parallel_loop3A_837 = arith.constant 63 : i32
        %parallel_loop3A_838 = vector.broadcast %parallel_loop3A_837 : i32 to vector<16xi32>
        %parallel_loop3A_839 = arith.andi %parallel_loop3A_836, %parallel_loop3A_838 : vector<16xi32>
        %parallel_loop3A_840 = tpu.vector_load_idx %arg10[%parallel_loop3A_737, %parallel_loop3A_839] : memref<256x64xf32, #tpu.memory_space<vmem>>[vector<16xi32>, vector<16xi32>], vector<16xf32>,
        %parallel_loop3A_841 = arith.addf %parallel_loop3A_801, %parallel_loop3A_840 : vector<16xf32>
        %parallel_loop3A_842 = arith.mulf %parallel_loop3A_840, %parallel_loop3A_840 : vector<16xf32>
        %parallel_loop3A_843 = arith.addf %parallel_loop3A_803, %parallel_loop3A_842 : vector<16xf32>
        %parallel_loop3A_844 = arith.constant 9 : i32
        %parallel_loop3A_845 = vector.broadcast %parallel_loop3A_844 : i32 to vector<16xi32>
        %parallel_loop3A_846 = arith.addi %iota3A, %parallel_loop3A_845 : vector<16xi32>
        %parallel_loop3A_847 = arith.constant 63 : i32
        %parallel_loop3A_848 = vector.broadcast %parallel_loop3A_847 : i32 to vector<16xi32>
        %parallel_loop3A_849 = arith.andi %parallel_loop3A_846, %parallel_loop3A_848 : vector<16xi32>
        %parallel_loop3A_850 = tpu.vector_load_idx %arg10[%parallel_loop3A_737, %parallel_loop3A_849] : memref<256x64xf32, #tpu.memory_space<vmem>>[vector<16xi32>, vector<16xi32>], vector<16xf32>,
        %parallel_loop3A_851 = arith.addf %parallel_loop3A_811, %parallel_loop3A_850 : vector<16xf32>
        %parallel_loop3A_852 = arith.mulf %parallel_loop3A_850, %parallel_loop3A_850 : vector<16xf32>
        %parallel_loop3A_853 = arith.addf %parallel_loop3A_813, %parallel_loop3A_852 : vector<16xf32>
        %parallel_loop3A_854 = arith.constant 10 : i32
        %parallel_loop3A_855 = vector.broadcast %parallel_loop3A_854 : i32 to vector<16xi32>
        %parallel_loop3A_856 = arith.addi %iota3A, %parallel_loop3A_855 : vector<16xi32>
        %parallel_loop3A_857 = arith.constant 63 : i32
        %parallel_loop3A_858 = vector.broadcast %parallel_loop3A_857 : i32 to vector<16xi32>
        %parallel_loop3A_859 = arith.andi %parallel_loop3A_856, %parallel_loop3A_858 : vector<16xi32>
        %parallel_loop3A_860 = tpu.vector_load_idx %arg10[%parallel_loop3A_737, %parallel_loop3A_859] : memref<256x64xf32, #tpu.memory_space<vmem>>[vector<16xi32>, vector<16xi32>], vector<16xf32>,
        %parallel_loop3A_861 = arith.addf %parallel_loop3A_821, %parallel_loop3A_860 : vector<16xf32>
        %parallel_loop3A_862 = arith.mulf %parallel_loop3A_860, %parallel_loop3A_860 : vector<16xf32>
        %parallel_loop3A_863 = arith.addf %parallel_loop3A_823, %parallel_loop3A_862 : vector<16xf32>
        %parallel_loop3A_864 = arith.constant 11 : i32
        %parallel_loop3A_865 = vector.broadcast %parallel_loop3A_864 : i32 to vector<16xi32>
        %parallel_loop3A_866 = arith.addi %iota3A, %parallel_loop3A_865 : vector<16xi32>
        %parallel_loop3A_867 = arith.constant 63 : i32
        %parallel_loop3A_868 = vector.broadcast %parallel_loop3A_867 : i32 to vector<16xi32>
        %parallel_loop3A_869 = arith.andi %parallel_loop3A_866, %parallel_loop3A_868 : vector<16xi32>
        %parallel_loop3A_870 = tpu.vector_load_idx %arg10[%parallel_loop3A_737, %parallel_loop3A_869] : memref<256x64xf32, #tpu.memory_space<vmem>>[vector<16xi32>, vector<16xi32>], vector<16xf32>,
        %parallel_loop3A_871 = arith.addf %parallel_loop3A_831, %parallel_loop3A_870 : vector<16xf32>
        %parallel_loop3A_872 = arith.mulf %parallel_loop3A_870, %parallel_loop3A_870 : vector<16xf32>
        %parallel_loop3A_873 = arith.addf %parallel_loop3A_833, %parallel_loop3A_872 : vector<16xf32>
        %parallel_loop3A_874 = arith.constant 12 : i32
        %parallel_loop3A_875 = vector.broadcast %parallel_loop3A_874 : i32 to vector<16xi32>
        %parallel_loop3A_876 = arith.addi %iota3A, %parallel_loop3A_875 : vector<16xi32>
        %parallel_loop3A_877 = arith.constant 63 : i32
        %parallel_loop3A_878 = vector.broadcast %parallel_loop3A_877 : i32 to vector<16xi32>
        %parallel_loop3A_879 = arith.andi %parallel_loop3A_876, %parallel_loop3A_878 : vector<16xi32>
        %parallel_loop3A_880 = tpu.vector_load_idx %arg10[%parallel_loop3A_737, %parallel_loop3A_879] : memref<256x64xf32, #tpu.memory_space<vmem>>[vector<16xi32>, vector<16xi32>], vector<16xf32>,
        %parallel_loop3A_881 = arith.addf %parallel_loop3A_841, %parallel_loop3A_880 : vector<16xf32>
        %parallel_loop3A_882 = arith.mulf %parallel_loop3A_880, %parallel_loop3A_880 : vector<16xf32>
        %parallel_loop3A_883 = arith.addf %parallel_loop3A_843, %parallel_loop3A_882 : vector<16xf32>
        %parallel_loop3A_884 = arith.constant 13 : i32
        %parallel_loop3A_885 = vector.broadcast %parallel_loop3A_884 : i32 to vector<16xi32>
        %parallel_loop3A_886 = arith.addi %iota3A, %parallel_loop3A_885 : vector<16xi32>
        %parallel_loop3A_887 = arith.constant 63 : i32
        %parallel_loop3A_888 = vector.broadcast %parallel_loop3A_887 : i32 to vector<16xi32>
        %parallel_loop3A_889 = arith.andi %parallel_loop3A_886, %parallel_loop3A_888 : vector<16xi32>
        %parallel_loop3A_890 = tpu.vector_load_idx %arg10[%parallel_loop3A_737, %parallel_loop3A_889] : memref<256x64xf32, #tpu.memory_space<vmem>>[vector<16xi32>, vector<16xi32>], vector<16xf32>,
        %parallel_loop3A_891 = arith.addf %parallel_loop3A_851, %parallel_loop3A_890 : vector<16xf32>
        %parallel_loop3A_892 = arith.mulf %parallel_loop3A_890, %parallel_loop3A_890 : vector<16xf32>
        %parallel_loop3A_893 = arith.addf %parallel_loop3A_853, %parallel_loop3A_892 : vector<16xf32>
        %parallel_loop3A_894 = arith.constant 14 : i32
        %parallel_loop3A_895 = vector.broadcast %parallel_loop3A_894 : i32 to vector<16xi32>
        %parallel_loop3A_896 = arith.addi %iota3A, %parallel_loop3A_895 : vector<16xi32>
        %parallel_loop3A_897 = arith.constant 63 : i32
        %parallel_loop3A_898 = vector.broadcast %parallel_loop3A_897 : i32 to vector<16xi32>
        %parallel_loop3A_899 = arith.andi %parallel_loop3A_896, %parallel_loop3A_898 : vector<16xi32>
        %parallel_loop3A_900 = tpu.vector_load_idx %arg10[%parallel_loop3A_737, %parallel_loop3A_899] : memref<256x64xf32, #tpu.memory_space<vmem>>[vector<16xi32>, vector<16xi32>], vector<16xf32>,
        %parallel_loop3A_901 = arith.addf %parallel_loop3A_861, %parallel_loop3A_900 : vector<16xf32>
        %parallel_loop3A_902 = arith.mulf %parallel_loop3A_900, %parallel_loop3A_900 : vector<16xf32>
        %parallel_loop3A_903 = arith.addf %parallel_loop3A_863, %parallel_loop3A_902 : vector<16xf32>
        %parallel_loop3A_904 = arith.constant 15 : i32
        %parallel_loop3A_905 = vector.broadcast %parallel_loop3A_904 : i32 to vector<16xi32>
        %parallel_loop3A_906 = arith.addi %iota3A, %parallel_loop3A_905 : vector<16xi32>
        %parallel_loop3A_907 = arith.constant 63 : i32
        %parallel_loop3A_908 = vector.broadcast %parallel_loop3A_907 : i32 to vector<16xi32>
        %parallel_loop3A_909 = arith.andi %parallel_loop3A_906, %parallel_loop3A_908 : vector<16xi32>
        %parallel_loop3A_910 = tpu.vector_load_idx %arg10[%parallel_loop3A_737, %parallel_loop3A_909] : memref<256x64xf32, #tpu.memory_space<vmem>>[vector<16xi32>, vector<16xi32>], vector<16xf32>,
        %parallel_loop3A_911 = arith.addf %parallel_loop3A_871, %parallel_loop3A_910 : vector<16xf32>
        %parallel_loop3A_912 = arith.mulf %parallel_loop3A_910, %parallel_loop3A_910 : vector<16xf32>
        %parallel_loop3A_913 = arith.addf %parallel_loop3A_873, %parallel_loop3A_912 : vector<16xf32>
        %parallel_loop3A_914 = arith.constant 16 : i32
        %parallel_loop3A_915 = vector.broadcast %parallel_loop3A_914 : i32 to vector<16xi32>
        %parallel_loop3A_916 = arith.addi %iota3A, %parallel_loop3A_915 : vector<16xi32>
        %parallel_loop3A_917 = arith.constant 63 : i32
        %parallel_loop3A_918 = vector.broadcast %parallel_loop3A_917 : i32 to vector<16xi32>
        %parallel_loop3A_919 = arith.andi %parallel_loop3A_916, %parallel_loop3A_918 : vector<16xi32>
        %parallel_loop3A_920 = tpu.vector_load_idx %arg10[%parallel_loop3A_737, %parallel_loop3A_919] : memref<256x64xf32, #tpu.memory_space<vmem>>[vector<16xi32>, vector<16xi32>], vector<16xf32>,
        %parallel_loop3A_921 = arith.addf %parallel_loop3A_881, %parallel_loop3A_920 : vector<16xf32>
        %parallel_loop3A_922 = arith.mulf %parallel_loop3A_920, %parallel_loop3A_920 : vector<16xf32>
        %parallel_loop3A_923 = arith.addf %parallel_loop3A_883, %parallel_loop3A_922 : vector<16xf32>
        %parallel_loop3A_924 = arith.constant 17 : i32
        %parallel_loop3A_925 = vector.broadcast %parallel_loop3A_924 : i32 to vector<16xi32>
        %parallel_loop3A_926 = arith.addi %iota3A, %parallel_loop3A_925 : vector<16xi32>
        %parallel_loop3A_927 = arith.constant 63 : i32
        %parallel_loop3A_928 = vector.broadcast %parallel_loop3A_927 : i32 to vector<16xi32>
        %parallel_loop3A_929 = arith.andi %parallel_loop3A_926, %parallel_loop3A_928 : vector<16xi32>
        %parallel_loop3A_930 = tpu.vector_load_idx %arg10[%parallel_loop3A_737, %parallel_loop3A_929] : memref<256x64xf32, #tpu.memory_space<vmem>>[vector<16xi32>, vector<16xi32>], vector<16xf32>,
        %parallel_loop3A_931 = arith.addf %parallel_loop3A_891, %parallel_loop3A_930 : vector<16xf32>
        %parallel_loop3A_932 = arith.mulf %parallel_loop3A_930, %parallel_loop3A_930 : vector<16xf32>
        %parallel_loop3A_933 = arith.addf %parallel_loop3A_893, %parallel_loop3A_932 : vector<16xf32>
        %parallel_loop3A_934 = arith.constant 18 : i32
        %parallel_loop3A_935 = vector.broadcast %parallel_loop3A_934 : i32 to vector<16xi32>
        %parallel_loop3A_936 = arith.addi %iota3A, %parallel_loop3A_935 : vector<16xi32>
        %parallel_loop3A_937 = arith.constant 63 : i32
        %parallel_loop3A_938 = vector.broadcast %parallel_loop3A_937 : i32 to vector<16xi32>
        %parallel_loop3A_939 = arith.andi %parallel_loop3A_936, %parallel_loop3A_938 : vector<16xi32>
        %parallel_loop3A_940 = tpu.vector_load_idx %arg10[%parallel_loop3A_737, %parallel_loop3A_939] : memref<256x64xf32, #tpu.memory_space<vmem>>[vector<16xi32>, vector<16xi32>], vector<16xf32>,
        %parallel_loop3A_941 = arith.addf %parallel_loop3A_901, %parallel_loop3A_940 : vector<16xf32>
        %parallel_loop3A_942 = arith.mulf %parallel_loop3A_940, %parallel_loop3A_940 : vector<16xf32>
        %parallel_loop3A_943 = arith.addf %parallel_loop3A_903, %parallel_loop3A_942 : vector<16xf32>
        %parallel_loop3A_944 = arith.constant 19 : i32
        %parallel_loop3A_945 = vector.broadcast %parallel_loop3A_944 : i32 to vector<16xi32>
        %parallel_loop3A_946 = arith.addi %iota3A, %parallel_loop3A_945 : vector<16xi32>
        %parallel_loop3A_947 = arith.constant 63 : i32
        %parallel_loop3A_948 = vector.broadcast %parallel_loop3A_947 : i32 to vector<16xi32>
        %parallel_loop3A_949 = arith.andi %parallel_loop3A_946, %parallel_loop3A_948 : vector<16xi32>
        %parallel_loop3A_950 = tpu.vector_load_idx %arg10[%parallel_loop3A_737, %parallel_loop3A_949] : memref<256x64xf32, #tpu.memory_space<vmem>>[vector<16xi32>, vector<16xi32>], vector<16xf32>,
        %parallel_loop3A_951 = arith.addf %parallel_loop3A_911, %parallel_loop3A_950 : vector<16xf32>
        %parallel_loop3A_952 = arith.mulf %parallel_loop3A_950, %parallel_loop3A_950 : vector<16xf32>
        %parallel_loop3A_953 = arith.addf %parallel_loop3A_913, %parallel_loop3A_952 : vector<16xf32>
        %parallel_loop3A_954 = arith.constant 20 : i32
        %parallel_loop3A_955 = vector.broadcast %parallel_loop3A_954 : i32 to vector<16xi32>
        %parallel_loop3A_956 = arith.addi %iota3A, %parallel_loop3A_955 : vector<16xi32>
        %parallel_loop3A_957 = arith.constant 63 : i32
        %parallel_loop3A_958 = vector.broadcast %parallel_loop3A_957 : i32 to vector<16xi32>
        %parallel_loop3A_959 = arith.andi %parallel_loop3A_956, %parallel_loop3A_958 : vector<16xi32>
        %parallel_loop3A_960 = tpu.vector_load_idx %arg10[%parallel_loop3A_737, %parallel_loop3A_959] : memref<256x64xf32, #tpu.memory_space<vmem>>[vector<16xi32>, vector<16xi32>], vector<16xf32>,
        %parallel_loop3A_961 = arith.addf %parallel_loop3A_921, %parallel_loop3A_960 : vector<16xf32>
        %parallel_loop3A_962 = arith.mulf %parallel_loop3A_960, %parallel_loop3A_960 : vector<16xf32>
        %parallel_loop3A_963 = arith.addf %parallel_loop3A_923, %parallel_loop3A_962 : vector<16xf32>
        %parallel_loop3A_964 = arith.constant 21 : i32
        %parallel_loop3A_965 = vector.broadcast %parallel_loop3A_964 : i32 to vector<16xi32>
        %parallel_loop3A_966 = arith.addi %iota3A, %parallel_loop3A_965 : vector<16xi32>
        %parallel_loop3A_967 = arith.constant 63 : i32
        %parallel_loop3A_968 = vector.broadcast %parallel_loop3A_967 : i32 to vector<16xi32>
        %parallel_loop3A_969 = arith.andi %parallel_loop3A_966, %parallel_loop3A_968 : vector<16xi32>
        %parallel_loop3A_970 = tpu.vector_load_idx %arg10[%parallel_loop3A_737, %parallel_loop3A_969] : memref<256x64xf32, #tpu.memory_space<vmem>>[vector<16xi32>, vector<16xi32>], vector<16xf32>,
        %parallel_loop3A_971 = arith.addf %parallel_loop3A_931, %parallel_loop3A_970 : vector<16xf32>
        %parallel_loop3A_972 = arith.mulf %parallel_loop3A_970, %parallel_loop3A_970 : vector<16xf32>
        %parallel_loop3A_973 = arith.addf %parallel_loop3A_933, %parallel_loop3A_972 : vector<16xf32>
        %parallel_loop3A_974 = arith.constant 22 : i32
        %parallel_loop3A_975 = vector.broadcast %parallel_loop3A_974 : i32 to vector<16xi32>
        %parallel_loop3A_976 = arith.addi %iota3A, %parallel_loop3A_975 : vector<16xi32>
        %parallel_loop3A_977 = arith.constant 63 : i32
        %parallel_loop3A_978 = vector.broadcast %parallel_loop3A_977 : i32 to vector<16xi32>
        %parallel_loop3A_979 = arith.andi %parallel_loop3A_976, %parallel_loop3A_978 : vector<16xi32>
        %parallel_loop3A_980 = tpu.vector_load_idx %arg10[%parallel_loop3A_737, %parallel_loop3A_979] : memref<256x64xf32, #tpu.memory_space<vmem>>[vector<16xi32>, vector<16xi32>], vector<16xf32>,
        %parallel_loop3A_981 = arith.addf %parallel_loop3A_941, %parallel_loop3A_980 : vector<16xf32>
        %parallel_loop3A_982 = arith.mulf %parallel_loop3A_980, %parallel_loop3A_980 : vector<16xf32>
        %parallel_loop3A_983 = arith.addf %parallel_loop3A_943, %parallel_loop3A_982 : vector<16xf32>
        %parallel_loop3A_984 = arith.constant 23 : i32
        %parallel_loop3A_985 = vector.broadcast %parallel_loop3A_984 : i32 to vector<16xi32>
        %parallel_loop3A_986 = arith.addi %iota3A, %parallel_loop3A_985 : vector<16xi32>
        %parallel_loop3A_987 = arith.constant 63 : i32
        %parallel_loop3A_988 = vector.broadcast %parallel_loop3A_987 : i32 to vector<16xi32>
        %parallel_loop3A_989 = arith.andi %parallel_loop3A_986, %parallel_loop3A_988 : vector<16xi32>
        %parallel_loop3A_990 = tpu.vector_load_idx %arg10[%parallel_loop3A_737, %parallel_loop3A_989] : memref<256x64xf32, #tpu.memory_space<vmem>>[vector<16xi32>, vector<16xi32>], vector<16xf32>,
        %parallel_loop3A_991 = arith.addf %parallel_loop3A_951, %parallel_loop3A_990 : vector<16xf32>
        %parallel_loop3A_992 = arith.mulf %parallel_loop3A_990, %parallel_loop3A_990 : vector<16xf32>
        %parallel_loop3A_993 = arith.addf %parallel_loop3A_953, %parallel_loop3A_992 : vector<16xf32>
        %parallel_loop3A_994 = arith.constant 24 : i32
        %parallel_loop3A_995 = vector.broadcast %parallel_loop3A_994 : i32 to vector<16xi32>
        %parallel_loop3A_996 = arith.addi %iota3A, %parallel_loop3A_995 : vector<16xi32>
        %parallel_loop3A_997 = arith.constant 63 : i32
        %parallel_loop3A_998 = vector.broadcast %parallel_loop3A_997 : i32 to vector<16xi32>
        %parallel_loop3A_999 = arith.andi %parallel_loop3A_996, %parallel_loop3A_998 : vector<16xi32>
        %parallel_loop3A_1000 = tpu.vector_load_idx %arg10[%parallel_loop3A_737, %parallel_loop3A_999] : memref<256x64xf32, #tpu.memory_space<vmem>>[vector<16xi32>, vector<16xi32>], vector<16xf32>,
        %parallel_loop3A_1001 = arith.addf %parallel_loop3A_961, %parallel_loop3A_1000 : vector<16xf32>
        %parallel_loop3A_1002 = arith.mulf %parallel_loop3A_1000, %parallel_loop3A_1000 : vector<16xf32>
        %parallel_loop3A_1003 = arith.addf %parallel_loop3A_963, %parallel_loop3A_1002 : vector<16xf32>
        %parallel_loop3A_1004 = arith.constant 25 : i32
        %parallel_loop3A_1005 = vector.broadcast %parallel_loop3A_1004 : i32 to vector<16xi32>
        %parallel_loop3A_1006 = arith.addi %iota3A, %parallel_loop3A_1005 : vector<16xi32>
        %parallel_loop3A_1007 = arith.constant 63 : i32
        %parallel_loop3A_1008 = vector.broadcast %parallel_loop3A_1007 : i32 to vector<16xi32>
        %parallel_loop3A_1009 = arith.andi %parallel_loop3A_1006, %parallel_loop3A_1008 : vector<16xi32>
        %parallel_loop3A_1010 = tpu.vector_load_idx %arg10[%parallel_loop3A_737, %parallel_loop3A_1009] : memref<256x64xf32, #tpu.memory_space<vmem>>[vector<16xi32>, vector<16xi32>], vector<16xf32>,
        %parallel_loop3A_1011 = arith.addf %parallel_loop3A_971, %parallel_loop3A_1010 : vector<16xf32>
        %parallel_loop3A_1012 = arith.mulf %parallel_loop3A_1010, %parallel_loop3A_1010 : vector<16xf32>
        %parallel_loop3A_1013 = arith.addf %parallel_loop3A_973, %parallel_loop3A_1012 : vector<16xf32>
        %parallel_loop3A_1014 = arith.constant 26 : i32
        %parallel_loop3A_1015 = vector.broadcast %parallel_loop3A_1014 : i32 to vector<16xi32>
        %parallel_loop3A_1016 = arith.addi %iota3A, %parallel_loop3A_1015 : vector<16xi32>
        %parallel_loop3A_1017 = arith.constant 63 : i32
        %parallel_loop3A_1018 = vector.broadcast %parallel_loop3A_1017 : i32 to vector<16xi32>
        %parallel_loop3A_1019 = arith.andi %parallel_loop3A_1016, %parallel_loop3A_1018 : vector<16xi32>
        %parallel_loop3A_1020 = tpu.vector_load_idx %arg10[%parallel_loop3A_737, %parallel_loop3A_1019] : memref<256x64xf32, #tpu.memory_space<vmem>>[vector<16xi32>, vector<16xi32>], vector<16xf32>,
        %parallel_loop3A_1021 = arith.addf %parallel_loop3A_981, %parallel_loop3A_1020 : vector<16xf32>
        %parallel_loop3A_1022 = arith.mulf %parallel_loop3A_1020, %parallel_loop3A_1020 : vector<16xf32>
        %parallel_loop3A_1023 = arith.addf %parallel_loop3A_983, %parallel_loop3A_1022 : vector<16xf32>
        %parallel_loop3A_1024 = arith.constant 27 : i32
        %parallel_loop3A_1025 = vector.broadcast %parallel_loop3A_1024 : i32 to vector<16xi32>
        %parallel_loop3A_1026 = arith.addi %iota3A, %parallel_loop3A_1025 : vector<16xi32>
        %parallel_loop3A_1027 = arith.constant 63 : i32
        %parallel_loop3A_1028 = vector.broadcast %parallel_loop3A_1027 : i32 to vector<16xi32>
        %parallel_loop3A_1029 = arith.andi %parallel_loop3A_1026, %parallel_loop3A_1028 : vector<16xi32>
        %parallel_loop3A_1030 = tpu.vector_load_idx %arg10[%parallel_loop3A_737, %parallel_loop3A_1029] : memref<256x64xf32, #tpu.memory_space<vmem>>[vector<16xi32>, vector<16xi32>], vector<16xf32>,
        %parallel_loop3A_1031 = arith.addf %parallel_loop3A_991, %parallel_loop3A_1030 : vector<16xf32>
        %parallel_loop3A_1032 = arith.mulf %parallel_loop3A_1030, %parallel_loop3A_1030 : vector<16xf32>
        %parallel_loop3A_1033 = arith.addf %parallel_loop3A_993, %parallel_loop3A_1032 : vector<16xf32>
        %parallel_loop3A_1034 = arith.constant 28 : i32
        %parallel_loop3A_1035 = vector.broadcast %parallel_loop3A_1034 : i32 to vector<16xi32>
        %parallel_loop3A_1036 = arith.addi %iota3A, %parallel_loop3A_1035 : vector<16xi32>
        %parallel_loop3A_1037 = arith.constant 63 : i32
        %parallel_loop3A_1038 = vector.broadcast %parallel_loop3A_1037 : i32 to vector<16xi32>
        %parallel_loop3A_1039 = arith.andi %parallel_loop3A_1036, %parallel_loop3A_1038 : vector<16xi32>
        %parallel_loop3A_1040 = tpu.vector_load_idx %arg10[%parallel_loop3A_737, %parallel_loop3A_1039] : memref<256x64xf32, #tpu.memory_space<vmem>>[vector<16xi32>, vector<16xi32>], vector<16xf32>,
        %parallel_loop3A_1041 = arith.addf %parallel_loop3A_1001, %parallel_loop3A_1040 : vector<16xf32>
        %parallel_loop3A_1042 = arith.mulf %parallel_loop3A_1040, %parallel_loop3A_1040 : vector<16xf32>
        %parallel_loop3A_1043 = arith.addf %parallel_loop3A_1003, %parallel_loop3A_1042 : vector<16xf32>
        %parallel_loop3A_1044 = arith.constant 29 : i32
        %parallel_loop3A_1045 = vector.broadcast %parallel_loop3A_1044 : i32 to vector<16xi32>
        %parallel_loop3A_1046 = arith.addi %iota3A, %parallel_loop3A_1045 : vector<16xi32>
        %parallel_loop3A_1047 = arith.constant 63 : i32
        %parallel_loop3A_1048 = vector.broadcast %parallel_loop3A_1047 : i32 to vector<16xi32>
        %parallel_loop3A_1049 = arith.andi %parallel_loop3A_1046, %parallel_loop3A_1048 : vector<16xi32>
        %parallel_loop3A_1050 = tpu.vector_load_idx %arg10[%parallel_loop3A_737, %parallel_loop3A_1049] : memref<256x64xf32, #tpu.memory_space<vmem>>[vector<16xi32>, vector<16xi32>], vector<16xf32>,
        %parallel_loop3A_1051 = arith.addf %parallel_loop3A_1011, %parallel_loop3A_1050 : vector<16xf32>
        %parallel_loop3A_1052 = arith.mulf %parallel_loop3A_1050, %parallel_loop3A_1050 : vector<16xf32>
        %parallel_loop3A_1053 = arith.addf %parallel_loop3A_1013, %parallel_loop3A_1052 : vector<16xf32>
        %parallel_loop3A_1054 = arith.constant 30 : i32
        %parallel_loop3A_1055 = vector.broadcast %parallel_loop3A_1054 : i32 to vector<16xi32>
        %parallel_loop3A_1056 = arith.addi %iota3A, %parallel_loop3A_1055 : vector<16xi32>
        %parallel_loop3A_1057 = arith.constant 63 : i32
        %parallel_loop3A_1058 = vector.broadcast %parallel_loop3A_1057 : i32 to vector<16xi32>
        %parallel_loop3A_1059 = arith.andi %parallel_loop3A_1056, %parallel_loop3A_1058 : vector<16xi32>
        %parallel_loop3A_1060 = tpu.vector_load_idx %arg10[%parallel_loop3A_737, %parallel_loop3A_1059] : memref<256x64xf32, #tpu.memory_space<vmem>>[vector<16xi32>, vector<16xi32>], vector<16xf32>,
        %parallel_loop3A_1061 = arith.addf %parallel_loop3A_1021, %parallel_loop3A_1060 : vector<16xf32>
        %parallel_loop3A_1062 = arith.mulf %parallel_loop3A_1060, %parallel_loop3A_1060 : vector<16xf32>
        %parallel_loop3A_1063 = arith.addf %parallel_loop3A_1023, %parallel_loop3A_1062 : vector<16xf32>
        %parallel_loop3A_1064 = arith.constant 31 : i32
        %parallel_loop3A_1065 = vector.broadcast %parallel_loop3A_1064 : i32 to vector<16xi32>
        %parallel_loop3A_1066 = arith.addi %iota3A, %parallel_loop3A_1065 : vector<16xi32>
        %parallel_loop3A_1067 = arith.constant 63 : i32
        %parallel_loop3A_1068 = vector.broadcast %parallel_loop3A_1067 : i32 to vector<16xi32>
        %parallel_loop3A_1069 = arith.andi %parallel_loop3A_1066, %parallel_loop3A_1068 : vector<16xi32>
        %parallel_loop3A_1070 = tpu.vector_load_idx %arg10[%parallel_loop3A_737, %parallel_loop3A_1069] : memref<256x64xf32, #tpu.memory_space<vmem>>[vector<16xi32>, vector<16xi32>], vector<16xf32>,
        %parallel_loop3A_1071 = arith.addf %parallel_loop3A_1031, %parallel_loop3A_1070 : vector<16xf32>
        %parallel_loop3A_1072 = arith.mulf %parallel_loop3A_1070, %parallel_loop3A_1070 : vector<16xf32>
        %parallel_loop3A_1073 = arith.addf %parallel_loop3A_1033, %parallel_loop3A_1072 : vector<16xf32>
        %parallel_loop3A_1074 = arith.constant 32 : i32
        %parallel_loop3A_1075 = vector.broadcast %parallel_loop3A_1074 : i32 to vector<16xi32>
        %parallel_loop3A_1076 = arith.addi %iota3A, %parallel_loop3A_1075 : vector<16xi32>
        %parallel_loop3A_1077 = arith.constant 63 : i32
        %parallel_loop3A_1078 = vector.broadcast %parallel_loop3A_1077 : i32 to vector<16xi32>
        %parallel_loop3A_1079 = arith.andi %parallel_loop3A_1076, %parallel_loop3A_1078 : vector<16xi32>
        %parallel_loop3A_1080 = tpu.vector_load_idx %arg10[%parallel_loop3A_737, %parallel_loop3A_1079] : memref<256x64xf32, #tpu.memory_space<vmem>>[vector<16xi32>, vector<16xi32>], vector<16xf32>,
        %parallel_loop3A_1081 = arith.addf %parallel_loop3A_1041, %parallel_loop3A_1080 : vector<16xf32>
        %parallel_loop3A_1082 = arith.mulf %parallel_loop3A_1080, %parallel_loop3A_1080 : vector<16xf32>
        %parallel_loop3A_1083 = arith.addf %parallel_loop3A_1043, %parallel_loop3A_1082 : vector<16xf32>
        %parallel_loop3A_1084 = arith.constant 33 : i32
        %parallel_loop3A_1085 = vector.broadcast %parallel_loop3A_1084 : i32 to vector<16xi32>
        %parallel_loop3A_1086 = arith.addi %iota3A, %parallel_loop3A_1085 : vector<16xi32>
        %parallel_loop3A_1087 = arith.constant 63 : i32
        %parallel_loop3A_1088 = vector.broadcast %parallel_loop3A_1087 : i32 to vector<16xi32>
        %parallel_loop3A_1089 = arith.andi %parallel_loop3A_1086, %parallel_loop3A_1088 : vector<16xi32>
        %parallel_loop3A_1090 = tpu.vector_load_idx %arg10[%parallel_loop3A_737, %parallel_loop3A_1089] : memref<256x64xf32, #tpu.memory_space<vmem>>[vector<16xi32>, vector<16xi32>], vector<16xf32>,
        %parallel_loop3A_1091 = arith.addf %parallel_loop3A_1051, %parallel_loop3A_1090 : vector<16xf32>
        %parallel_loop3A_1092 = arith.mulf %parallel_loop3A_1090, %parallel_loop3A_1090 : vector<16xf32>
        %parallel_loop3A_1093 = arith.addf %parallel_loop3A_1053, %parallel_loop3A_1092 : vector<16xf32>
        %parallel_loop3A_1094 = arith.constant 34 : i32
        %parallel_loop3A_1095 = vector.broadcast %parallel_loop3A_1094 : i32 to vector<16xi32>
        %parallel_loop3A_1096 = arith.addi %iota3A, %parallel_loop3A_1095 : vector<16xi32>
        %parallel_loop3A_1097 = arith.constant 63 : i32
        %parallel_loop3A_1098 = vector.broadcast %parallel_loop3A_1097 : i32 to vector<16xi32>
        %parallel_loop3A_1099 = arith.andi %parallel_loop3A_1096, %parallel_loop3A_1098 : vector<16xi32>
        %parallel_loop3A_1100 = tpu.vector_load_idx %arg10[%parallel_loop3A_737, %parallel_loop3A_1099] : memref<256x64xf32, #tpu.memory_space<vmem>>[vector<16xi32>, vector<16xi32>], vector<16xf32>,
        %parallel_loop3A_1101 = arith.addf %parallel_loop3A_1061, %parallel_loop3A_1100 : vector<16xf32>
        %parallel_loop3A_1102 = arith.mulf %parallel_loop3A_1100, %parallel_loop3A_1100 : vector<16xf32>
        %parallel_loop3A_1103 = arith.addf %parallel_loop3A_1063, %parallel_loop3A_1102 : vector<16xf32>
        %parallel_loop3A_1104 = arith.constant 35 : i32
        %parallel_loop3A_1105 = vector.broadcast %parallel_loop3A_1104 : i32 to vector<16xi32>
        %parallel_loop3A_1106 = arith.addi %iota3A, %parallel_loop3A_1105 : vector<16xi32>
        %parallel_loop3A_1107 = arith.constant 63 : i32
        %parallel_loop3A_1108 = vector.broadcast %parallel_loop3A_1107 : i32 to vector<16xi32>
        %parallel_loop3A_1109 = arith.andi %parallel_loop3A_1106, %parallel_loop3A_1108 : vector<16xi32>
        %parallel_loop3A_1110 = tpu.vector_load_idx %arg10[%parallel_loop3A_737, %parallel_loop3A_1109] : memref<256x64xf32, #tpu.memory_space<vmem>>[vector<16xi32>, vector<16xi32>], vector<16xf32>,
        %parallel_loop3A_1111 = arith.addf %parallel_loop3A_1071, %parallel_loop3A_1110 : vector<16xf32>
        %parallel_loop3A_1112 = arith.mulf %parallel_loop3A_1110, %parallel_loop3A_1110 : vector<16xf32>
        %parallel_loop3A_1113 = arith.addf %parallel_loop3A_1073, %parallel_loop3A_1112 : vector<16xf32>
        %parallel_loop3A_1114 = arith.constant 36 : i32
        %parallel_loop3A_1115 = vector.broadcast %parallel_loop3A_1114 : i32 to vector<16xi32>
        %parallel_loop3A_1116 = arith.addi %iota3A, %parallel_loop3A_1115 : vector<16xi32>
        %parallel_loop3A_1117 = arith.constant 63 : i32
        %parallel_loop3A_1118 = vector.broadcast %parallel_loop3A_1117 : i32 to vector<16xi32>
        %parallel_loop3A_1119 = arith.andi %parallel_loop3A_1116, %parallel_loop3A_1118 : vector<16xi32>
        %parallel_loop3A_1120 = tpu.vector_load_idx %arg10[%parallel_loop3A_737, %parallel_loop3A_1119] : memref<256x64xf32, #tpu.memory_space<vmem>>[vector<16xi32>, vector<16xi32>], vector<16xf32>,
        %parallel_loop3A_1121 = arith.addf %parallel_loop3A_1081, %parallel_loop3A_1120 : vector<16xf32>
        %parallel_loop3A_1122 = arith.mulf %parallel_loop3A_1120, %parallel_loop3A_1120 : vector<16xf32>
        %parallel_loop3A_1123 = arith.addf %parallel_loop3A_1083, %parallel_loop3A_1122 : vector<16xf32>
        %parallel_loop3A_1124 = arith.constant 37 : i32
        %parallel_loop3A_1125 = vector.broadcast %parallel_loop3A_1124 : i32 to vector<16xi32>
        %parallel_loop3A_1126 = arith.addi %iota3A, %parallel_loop3A_1125 : vector<16xi32>
        %parallel_loop3A_1127 = arith.constant 63 : i32
        %parallel_loop3A_1128 = vector.broadcast %parallel_loop3A_1127 : i32 to vector<16xi32>
        %parallel_loop3A_1129 = arith.andi %parallel_loop3A_1126, %parallel_loop3A_1128 : vector<16xi32>
        %parallel_loop3A_1130 = tpu.vector_load_idx %arg10[%parallel_loop3A_737, %parallel_loop3A_1129] : memref<256x64xf32, #tpu.memory_space<vmem>>[vector<16xi32>, vector<16xi32>], vector<16xf32>,
        %parallel_loop3A_1131 = arith.addf %parallel_loop3A_1091, %parallel_loop3A_1130 : vector<16xf32>
        %parallel_loop3A_1132 = arith.mulf %parallel_loop3A_1130, %parallel_loop3A_1130 : vector<16xf32>
        %parallel_loop3A_1133 = arith.addf %parallel_loop3A_1093, %parallel_loop3A_1132 : vector<16xf32>
        %parallel_loop3A_1134 = arith.constant 38 : i32
        %parallel_loop3A_1135 = vector.broadcast %parallel_loop3A_1134 : i32 to vector<16xi32>
        %parallel_loop3A_1136 = arith.addi %iota3A, %parallel_loop3A_1135 : vector<16xi32>
        %parallel_loop3A_1137 = arith.constant 63 : i32
        %parallel_loop3A_1138 = vector.broadcast %parallel_loop3A_1137 : i32 to vector<16xi32>
        %parallel_loop3A_1139 = arith.andi %parallel_loop3A_1136, %parallel_loop3A_1138 : vector<16xi32>
        %parallel_loop3A_1140 = tpu.vector_load_idx %arg10[%parallel_loop3A_737, %parallel_loop3A_1139] : memref<256x64xf32, #tpu.memory_space<vmem>>[vector<16xi32>, vector<16xi32>], vector<16xf32>,
        %parallel_loop3A_1141 = arith.addf %parallel_loop3A_1101, %parallel_loop3A_1140 : vector<16xf32>
        %parallel_loop3A_1142 = arith.mulf %parallel_loop3A_1140, %parallel_loop3A_1140 : vector<16xf32>
        %parallel_loop3A_1143 = arith.addf %parallel_loop3A_1103, %parallel_loop3A_1142 : vector<16xf32>
        %parallel_loop3A_1144 = arith.constant 39 : i32
        %parallel_loop3A_1145 = vector.broadcast %parallel_loop3A_1144 : i32 to vector<16xi32>
        %parallel_loop3A_1146 = arith.addi %iota3A, %parallel_loop3A_1145 : vector<16xi32>
        %parallel_loop3A_1147 = arith.constant 63 : i32
        %parallel_loop3A_1148 = vector.broadcast %parallel_loop3A_1147 : i32 to vector<16xi32>
        %parallel_loop3A_1149 = arith.andi %parallel_loop3A_1146, %parallel_loop3A_1148 : vector<16xi32>
        %parallel_loop3A_1150 = tpu.vector_load_idx %arg10[%parallel_loop3A_737, %parallel_loop3A_1149] : memref<256x64xf32, #tpu.memory_space<vmem>>[vector<16xi32>, vector<16xi32>], vector<16xf32>,
        %parallel_loop3A_1151 = arith.addf %parallel_loop3A_1111, %parallel_loop3A_1150 : vector<16xf32>
        %parallel_loop3A_1152 = arith.mulf %parallel_loop3A_1150, %parallel_loop3A_1150 : vector<16xf32>
        %parallel_loop3A_1153 = arith.addf %parallel_loop3A_1113, %parallel_loop3A_1152 : vector<16xf32>
        %parallel_loop3A_1154 = arith.constant 40 : i32
        %parallel_loop3A_1155 = vector.broadcast %parallel_loop3A_1154 : i32 to vector<16xi32>
        %parallel_loop3A_1156 = arith.addi %iota3A, %parallel_loop3A_1155 : vector<16xi32>
        %parallel_loop3A_1157 = arith.constant 63 : i32
        %parallel_loop3A_1158 = vector.broadcast %parallel_loop3A_1157 : i32 to vector<16xi32>
        %parallel_loop3A_1159 = arith.andi %parallel_loop3A_1156, %parallel_loop3A_1158 : vector<16xi32>
        %parallel_loop3A_1160 = tpu.vector_load_idx %arg10[%parallel_loop3A_737, %parallel_loop3A_1159] : memref<256x64xf32, #tpu.memory_space<vmem>>[vector<16xi32>, vector<16xi32>], vector<16xf32>,
        %parallel_loop3A_1161 = arith.addf %parallel_loop3A_1121, %parallel_loop3A_1160 : vector<16xf32>
        %parallel_loop3A_1162 = arith.mulf %parallel_loop3A_1160, %parallel_loop3A_1160 : vector<16xf32>
        %parallel_loop3A_1163 = arith.addf %parallel_loop3A_1123, %parallel_loop3A_1162 : vector<16xf32>
        %parallel_loop3A_1164 = arith.constant 41 : i32
        %parallel_loop3A_1165 = vector.broadcast %parallel_loop3A_1164 : i32 to vector<16xi32>
        %parallel_loop3A_1166 = arith.addi %iota3A, %parallel_loop3A_1165 : vector<16xi32>
        %parallel_loop3A_1167 = arith.constant 63 : i32
        %parallel_loop3A_1168 = vector.broadcast %parallel_loop3A_1167 : i32 to vector<16xi32>
        %parallel_loop3A_1169 = arith.andi %parallel_loop3A_1166, %parallel_loop3A_1168 : vector<16xi32>
        %parallel_loop3A_1170 = tpu.vector_load_idx %arg10[%parallel_loop3A_737, %parallel_loop3A_1169] : memref<256x64xf32, #tpu.memory_space<vmem>>[vector<16xi32>, vector<16xi32>], vector<16xf32>,
        %parallel_loop3A_1171 = arith.addf %parallel_loop3A_1131, %parallel_loop3A_1170 : vector<16xf32>
        %parallel_loop3A_1172 = arith.mulf %parallel_loop3A_1170, %parallel_loop3A_1170 : vector<16xf32>
        %parallel_loop3A_1173 = arith.addf %parallel_loop3A_1133, %parallel_loop3A_1172 : vector<16xf32>
        %parallel_loop3A_1174 = arith.constant 42 : i32
        %parallel_loop3A_1175 = vector.broadcast %parallel_loop3A_1174 : i32 to vector<16xi32>
        %parallel_loop3A_1176 = arith.addi %iota3A, %parallel_loop3A_1175 : vector<16xi32>
        %parallel_loop3A_1177 = arith.constant 63 : i32
        %parallel_loop3A_1178 = vector.broadcast %parallel_loop3A_1177 : i32 to vector<16xi32>
        %parallel_loop3A_1179 = arith.andi %parallel_loop3A_1176, %parallel_loop3A_1178 : vector<16xi32>
        %parallel_loop3A_1180 = tpu.vector_load_idx %arg10[%parallel_loop3A_737, %parallel_loop3A_1179] : memref<256x64xf32, #tpu.memory_space<vmem>>[vector<16xi32>, vector<16xi32>], vector<16xf32>,
        %parallel_loop3A_1181 = arith.addf %parallel_loop3A_1141, %parallel_loop3A_1180 : vector<16xf32>
        %parallel_loop3A_1182 = arith.mulf %parallel_loop3A_1180, %parallel_loop3A_1180 : vector<16xf32>
        %parallel_loop3A_1183 = arith.addf %parallel_loop3A_1143, %parallel_loop3A_1182 : vector<16xf32>
        %parallel_loop3A_1184 = arith.constant 43 : i32
        %parallel_loop3A_1185 = vector.broadcast %parallel_loop3A_1184 : i32 to vector<16xi32>
        %parallel_loop3A_1186 = arith.addi %iota3A, %parallel_loop3A_1185 : vector<16xi32>
        %parallel_loop3A_1187 = arith.constant 63 : i32
        %parallel_loop3A_1188 = vector.broadcast %parallel_loop3A_1187 : i32 to vector<16xi32>
        %parallel_loop3A_1189 = arith.andi %parallel_loop3A_1186, %parallel_loop3A_1188 : vector<16xi32>
        %parallel_loop3A_1190 = tpu.vector_load_idx %arg10[%parallel_loop3A_737, %parallel_loop3A_1189] : memref<256x64xf32, #tpu.memory_space<vmem>>[vector<16xi32>, vector<16xi32>], vector<16xf32>,
        %parallel_loop3A_1191 = arith.addf %parallel_loop3A_1151, %parallel_loop3A_1190 : vector<16xf32>
        %parallel_loop3A_1192 = arith.mulf %parallel_loop3A_1190, %parallel_loop3A_1190 : vector<16xf32>
        %parallel_loop3A_1193 = arith.addf %parallel_loop3A_1153, %parallel_loop3A_1192 : vector<16xf32>
        %parallel_loop3A_1194 = arith.constant 44 : i32
        %parallel_loop3A_1195 = vector.broadcast %parallel_loop3A_1194 : i32 to vector<16xi32>
        %parallel_loop3A_1196 = arith.addi %iota3A, %parallel_loop3A_1195 : vector<16xi32>
        %parallel_loop3A_1197 = arith.constant 63 : i32
        %parallel_loop3A_1198 = vector.broadcast %parallel_loop3A_1197 : i32 to vector<16xi32>
        %parallel_loop3A_1199 = arith.andi %parallel_loop3A_1196, %parallel_loop3A_1198 : vector<16xi32>
        %parallel_loop3A_1200 = tpu.vector_load_idx %arg10[%parallel_loop3A_737, %parallel_loop3A_1199] : memref<256x64xf32, #tpu.memory_space<vmem>>[vector<16xi32>, vector<16xi32>], vector<16xf32>,
        %parallel_loop3A_1201 = arith.addf %parallel_loop3A_1161, %parallel_loop3A_1200 : vector<16xf32>
        %parallel_loop3A_1202 = arith.mulf %parallel_loop3A_1200, %parallel_loop3A_1200 : vector<16xf32>
        %parallel_loop3A_1203 = arith.addf %parallel_loop3A_1163, %parallel_loop3A_1202 : vector<16xf32>
        %parallel_loop3A_1204 = arith.constant 45 : i32
        %parallel_loop3A_1205 = vector.broadcast %parallel_loop3A_1204 : i32 to vector<16xi32>
        %parallel_loop3A_1206 = arith.addi %iota3A, %parallel_loop3A_1205 : vector<16xi32>
        %parallel_loop3A_1207 = arith.constant 63 : i32
        %parallel_loop3A_1208 = vector.broadcast %parallel_loop3A_1207 : i32 to vector<16xi32>
        %parallel_loop3A_1209 = arith.andi %parallel_loop3A_1206, %parallel_loop3A_1208 : vector<16xi32>
        %parallel_loop3A_1210 = tpu.vector_load_idx %arg10[%parallel_loop3A_737, %parallel_loop3A_1209] : memref<256x64xf32, #tpu.memory_space<vmem>>[vector<16xi32>, vector<16xi32>], vector<16xf32>,
        %parallel_loop3A_1211 = arith.addf %parallel_loop3A_1171, %parallel_loop3A_1210 : vector<16xf32>
        %parallel_loop3A_1212 = arith.mulf %parallel_loop3A_1210, %parallel_loop3A_1210 : vector<16xf32>
        %parallel_loop3A_1213 = arith.addf %parallel_loop3A_1173, %parallel_loop3A_1212 : vector<16xf32>
        %parallel_loop3A_1214 = arith.constant 46 : i32
        %parallel_loop3A_1215 = vector.broadcast %parallel_loop3A_1214 : i32 to vector<16xi32>
        %parallel_loop3A_1216 = arith.addi %iota3A, %parallel_loop3A_1215 : vector<16xi32>
        %parallel_loop3A_1217 = arith.constant 63 : i32
        %parallel_loop3A_1218 = vector.broadcast %parallel_loop3A_1217 : i32 to vector<16xi32>
        %parallel_loop3A_1219 = arith.andi %parallel_loop3A_1216, %parallel_loop3A_1218 : vector<16xi32>
        %parallel_loop3A_1220 = tpu.vector_load_idx %arg10[%parallel_loop3A_737, %parallel_loop3A_1219] : memref<256x64xf32, #tpu.memory_space<vmem>>[vector<16xi32>, vector<16xi32>], vector<16xf32>,
        %parallel_loop3A_1221 = arith.addf %parallel_loop3A_1181, %parallel_loop3A_1220 : vector<16xf32>
        %parallel_loop3A_1222 = arith.mulf %parallel_loop3A_1220, %parallel_loop3A_1220 : vector<16xf32>
        %parallel_loop3A_1223 = arith.addf %parallel_loop3A_1183, %parallel_loop3A_1222 : vector<16xf32>
        %parallel_loop3A_1224 = arith.constant 47 : i32
        %parallel_loop3A_1225 = vector.broadcast %parallel_loop3A_1224 : i32 to vector<16xi32>
        %parallel_loop3A_1226 = arith.addi %iota3A, %parallel_loop3A_1225 : vector<16xi32>
        %parallel_loop3A_1227 = arith.constant 63 : i32
        %parallel_loop3A_1228 = vector.broadcast %parallel_loop3A_1227 : i32 to vector<16xi32>
        %parallel_loop3A_1229 = arith.andi %parallel_loop3A_1226, %parallel_loop3A_1228 : vector<16xi32>
        %parallel_loop3A_1230 = tpu.vector_load_idx %arg10[%parallel_loop3A_737, %parallel_loop3A_1229] : memref<256x64xf32, #tpu.memory_space<vmem>>[vector<16xi32>, vector<16xi32>], vector<16xf32>,
        %parallel_loop3A_1231 = arith.addf %parallel_loop3A_1191, %parallel_loop3A_1230 : vector<16xf32>
        %parallel_loop3A_1232 = arith.mulf %parallel_loop3A_1230, %parallel_loop3A_1230 : vector<16xf32>
        %parallel_loop3A_1233 = arith.addf %parallel_loop3A_1193, %parallel_loop3A_1232 : vector<16xf32>
        %parallel_loop3A_1234 = arith.constant 48 : i32
        %parallel_loop3A_1235 = vector.broadcast %parallel_loop3A_1234 : i32 to vector<16xi32>
        %parallel_loop3A_1236 = arith.addi %iota3A, %parallel_loop3A_1235 : vector<16xi32>
        %parallel_loop3A_1237 = arith.constant 63 : i32
        %parallel_loop3A_1238 = vector.broadcast %parallel_loop3A_1237 : i32 to vector<16xi32>
        %parallel_loop3A_1239 = arith.andi %parallel_loop3A_1236, %parallel_loop3A_1238 : vector<16xi32>
        %parallel_loop3A_1240 = tpu.vector_load_idx %arg10[%parallel_loop3A_737, %parallel_loop3A_1239] : memref<256x64xf32, #tpu.memory_space<vmem>>[vector<16xi32>, vector<16xi32>], vector<16xf32>,
        %parallel_loop3A_1241 = arith.addf %parallel_loop3A_1201, %parallel_loop3A_1240 : vector<16xf32>
        %parallel_loop3A_1242 = arith.mulf %parallel_loop3A_1240, %parallel_loop3A_1240 : vector<16xf32>
        %parallel_loop3A_1243 = arith.addf %parallel_loop3A_1203, %parallel_loop3A_1242 : vector<16xf32>
        %parallel_loop3A_1244 = arith.constant 49 : i32
        %parallel_loop3A_1245 = vector.broadcast %parallel_loop3A_1244 : i32 to vector<16xi32>
        %parallel_loop3A_1246 = arith.addi %iota3A, %parallel_loop3A_1245 : vector<16xi32>
        %parallel_loop3A_1247 = arith.constant 63 : i32
        %parallel_loop3A_1248 = vector.broadcast %parallel_loop3A_1247 : i32 to vector<16xi32>
        %parallel_loop3A_1249 = arith.andi %parallel_loop3A_1246, %parallel_loop3A_1248 : vector<16xi32>
        %parallel_loop3A_1250 = tpu.vector_load_idx %arg10[%parallel_loop3A_737, %parallel_loop3A_1249] : memref<256x64xf32, #tpu.memory_space<vmem>>[vector<16xi32>, vector<16xi32>], vector<16xf32>,
        %parallel_loop3A_1251 = arith.addf %parallel_loop3A_1211, %parallel_loop3A_1250 : vector<16xf32>
        %parallel_loop3A_1252 = arith.mulf %parallel_loop3A_1250, %parallel_loop3A_1250 : vector<16xf32>
        %parallel_loop3A_1253 = arith.addf %parallel_loop3A_1213, %parallel_loop3A_1252 : vector<16xf32>
        %parallel_loop3A_1254 = arith.constant 50 : i32
        %parallel_loop3A_1255 = vector.broadcast %parallel_loop3A_1254 : i32 to vector<16xi32>
        %parallel_loop3A_1256 = arith.addi %iota3A, %parallel_loop3A_1255 : vector<16xi32>
        %parallel_loop3A_1257 = arith.constant 63 : i32
        %parallel_loop3A_1258 = vector.broadcast %parallel_loop3A_1257 : i32 to vector<16xi32>
        %parallel_loop3A_1259 = arith.andi %parallel_loop3A_1256, %parallel_loop3A_1258 : vector<16xi32>
        %parallel_loop3A_1260 = tpu.vector_load_idx %arg10[%parallel_loop3A_737, %parallel_loop3A_1259] : memref<256x64xf32, #tpu.memory_space<vmem>>[vector<16xi32>, vector<16xi32>], vector<16xf32>,
        %parallel_loop3A_1261 = arith.addf %parallel_loop3A_1221, %parallel_loop3A_1260 : vector<16xf32>
        %parallel_loop3A_1262 = arith.mulf %parallel_loop3A_1260, %parallel_loop3A_1260 : vector<16xf32>
        %parallel_loop3A_1263 = arith.addf %parallel_loop3A_1223, %parallel_loop3A_1262 : vector<16xf32>
        %parallel_loop3A_1264 = arith.constant 51 : i32
        %parallel_loop3A_1265 = vector.broadcast %parallel_loop3A_1264 : i32 to vector<16xi32>
        %parallel_loop3A_1266 = arith.addi %iota3A, %parallel_loop3A_1265 : vector<16xi32>
        %parallel_loop3A_1267 = arith.constant 63 : i32
        %parallel_loop3A_1268 = vector.broadcast %parallel_loop3A_1267 : i32 to vector<16xi32>
        %parallel_loop3A_1269 = arith.andi %parallel_loop3A_1266, %parallel_loop3A_1268 : vector<16xi32>
        %parallel_loop3A_1270 = tpu.vector_load_idx %arg10[%parallel_loop3A_737, %parallel_loop3A_1269] : memref<256x64xf32, #tpu.memory_space<vmem>>[vector<16xi32>, vector<16xi32>], vector<16xf32>,
        %parallel_loop3A_1271 = arith.addf %parallel_loop3A_1231, %parallel_loop3A_1270 : vector<16xf32>
        %parallel_loop3A_1272 = arith.mulf %parallel_loop3A_1270, %parallel_loop3A_1270 : vector<16xf32>
        %parallel_loop3A_1273 = arith.addf %parallel_loop3A_1233, %parallel_loop3A_1272 : vector<16xf32>
        %parallel_loop3A_1274 = arith.constant 52 : i32
        %parallel_loop3A_1275 = vector.broadcast %parallel_loop3A_1274 : i32 to vector<16xi32>
        %parallel_loop3A_1276 = arith.addi %iota3A, %parallel_loop3A_1275 : vector<16xi32>
        %parallel_loop3A_1277 = arith.constant 63 : i32
        %parallel_loop3A_1278 = vector.broadcast %parallel_loop3A_1277 : i32 to vector<16xi32>
        %parallel_loop3A_1279 = arith.andi %parallel_loop3A_1276, %parallel_loop3A_1278 : vector<16xi32>
        %parallel_loop3A_1280 = tpu.vector_load_idx %arg10[%parallel_loop3A_737, %parallel_loop3A_1279] : memref<256x64xf32, #tpu.memory_space<vmem>>[vector<16xi32>, vector<16xi32>], vector<16xf32>,
        %parallel_loop3A_1281 = arith.addf %parallel_loop3A_1241, %parallel_loop3A_1280 : vector<16xf32>
        %parallel_loop3A_1282 = arith.mulf %parallel_loop3A_1280, %parallel_loop3A_1280 : vector<16xf32>
        %parallel_loop3A_1283 = arith.addf %parallel_loop3A_1243, %parallel_loop3A_1282 : vector<16xf32>
        %parallel_loop3A_1284 = arith.constant 53 : i32
        %parallel_loop3A_1285 = vector.broadcast %parallel_loop3A_1284 : i32 to vector<16xi32>
        %parallel_loop3A_1286 = arith.addi %iota3A, %parallel_loop3A_1285 : vector<16xi32>
        %parallel_loop3A_1287 = arith.constant 63 : i32
        %parallel_loop3A_1288 = vector.broadcast %parallel_loop3A_1287 : i32 to vector<16xi32>
        %parallel_loop3A_1289 = arith.andi %parallel_loop3A_1286, %parallel_loop3A_1288 : vector<16xi32>
        %parallel_loop3A_1290 = tpu.vector_load_idx %arg10[%parallel_loop3A_737, %parallel_loop3A_1289] : memref<256x64xf32, #tpu.memory_space<vmem>>[vector<16xi32>, vector<16xi32>], vector<16xf32>,
        %parallel_loop3A_1291 = arith.addf %parallel_loop3A_1251, %parallel_loop3A_1290 : vector<16xf32>
        %parallel_loop3A_1292 = arith.mulf %parallel_loop3A_1290, %parallel_loop3A_1290 : vector<16xf32>
        %parallel_loop3A_1293 = arith.addf %parallel_loop3A_1253, %parallel_loop3A_1292 : vector<16xf32>
        %parallel_loop3A_1294 = arith.constant 54 : i32
        %parallel_loop3A_1295 = vector.broadcast %parallel_loop3A_1294 : i32 to vector<16xi32>
        %parallel_loop3A_1296 = arith.addi %iota3A, %parallel_loop3A_1295 : vector<16xi32>
        %parallel_loop3A_1297 = arith.constant 63 : i32
        %parallel_loop3A_1298 = vector.broadcast %parallel_loop3A_1297 : i32 to vector<16xi32>
        %parallel_loop3A_1299 = arith.andi %parallel_loop3A_1296, %parallel_loop3A_1298 : vector<16xi32>
        %parallel_loop3A_1300 = tpu.vector_load_idx %arg10[%parallel_loop3A_737, %parallel_loop3A_1299] : memref<256x64xf32, #tpu.memory_space<vmem>>[vector<16xi32>, vector<16xi32>], vector<16xf32>,
        %parallel_loop3A_1301 = arith.addf %parallel_loop3A_1261, %parallel_loop3A_1300 : vector<16xf32>
        %parallel_loop3A_1302 = arith.mulf %parallel_loop3A_1300, %parallel_loop3A_1300 : vector<16xf32>
        %parallel_loop3A_1303 = arith.addf %parallel_loop3A_1263, %parallel_loop3A_1302 : vector<16xf32>
        %parallel_loop3A_1304 = arith.constant 55 : i32
        %parallel_loop3A_1305 = vector.broadcast %parallel_loop3A_1304 : i32 to vector<16xi32>
        %parallel_loop3A_1306 = arith.addi %iota3A, %parallel_loop3A_1305 : vector<16xi32>
        %parallel_loop3A_1307 = arith.constant 63 : i32
        %parallel_loop3A_1308 = vector.broadcast %parallel_loop3A_1307 : i32 to vector<16xi32>
        %parallel_loop3A_1309 = arith.andi %parallel_loop3A_1306, %parallel_loop3A_1308 : vector<16xi32>
        %parallel_loop3A_1310 = tpu.vector_load_idx %arg10[%parallel_loop3A_737, %parallel_loop3A_1309] : memref<256x64xf32, #tpu.memory_space<vmem>>[vector<16xi32>, vector<16xi32>], vector<16xf32>,
        %parallel_loop3A_1311 = arith.addf %parallel_loop3A_1271, %parallel_loop3A_1310 : vector<16xf32>
        %parallel_loop3A_1312 = arith.mulf %parallel_loop3A_1310, %parallel_loop3A_1310 : vector<16xf32>
        %parallel_loop3A_1313 = arith.addf %parallel_loop3A_1273, %parallel_loop3A_1312 : vector<16xf32>
        %parallel_loop3A_1314 = arith.constant 56 : i32
        %parallel_loop3A_1315 = vector.broadcast %parallel_loop3A_1314 : i32 to vector<16xi32>
        %parallel_loop3A_1316 = arith.addi %iota3A, %parallel_loop3A_1315 : vector<16xi32>
        %parallel_loop3A_1317 = arith.constant 63 : i32
        %parallel_loop3A_1318 = vector.broadcast %parallel_loop3A_1317 : i32 to vector<16xi32>
        %parallel_loop3A_1319 = arith.andi %parallel_loop3A_1316, %parallel_loop3A_1318 : vector<16xi32>
        %parallel_loop3A_1320 = tpu.vector_load_idx %arg10[%parallel_loop3A_737, %parallel_loop3A_1319] : memref<256x64xf32, #tpu.memory_space<vmem>>[vector<16xi32>, vector<16xi32>], vector<16xf32>,
        %parallel_loop3A_1321 = arith.addf %parallel_loop3A_1281, %parallel_loop3A_1320 : vector<16xf32>
        %parallel_loop3A_1322 = arith.mulf %parallel_loop3A_1320, %parallel_loop3A_1320 : vector<16xf32>
        %parallel_loop3A_1323 = arith.addf %parallel_loop3A_1283, %parallel_loop3A_1322 : vector<16xf32>
        %parallel_loop3A_1324 = arith.constant 57 : i32
        %parallel_loop3A_1325 = vector.broadcast %parallel_loop3A_1324 : i32 to vector<16xi32>
        %parallel_loop3A_1326 = arith.addi %iota3A, %parallel_loop3A_1325 : vector<16xi32>
        %parallel_loop3A_1327 = arith.constant 63 : i32
        %parallel_loop3A_1328 = vector.broadcast %parallel_loop3A_1327 : i32 to vector<16xi32>
        %parallel_loop3A_1329 = arith.andi %parallel_loop3A_1326, %parallel_loop3A_1328 : vector<16xi32>
        %parallel_loop3A_1330 = tpu.vector_load_idx %arg10[%parallel_loop3A_737, %parallel_loop3A_1329] : memref<256x64xf32, #tpu.memory_space<vmem>>[vector<16xi32>, vector<16xi32>], vector<16xf32>,
        %parallel_loop3A_1331 = arith.addf %parallel_loop3A_1291, %parallel_loop3A_1330 : vector<16xf32>
        %parallel_loop3A_1332 = arith.mulf %parallel_loop3A_1330, %parallel_loop3A_1330 : vector<16xf32>
        %parallel_loop3A_1333 = arith.addf %parallel_loop3A_1293, %parallel_loop3A_1332 : vector<16xf32>
        %parallel_loop3A_1334 = arith.constant 58 : i32
        %parallel_loop3A_1335 = vector.broadcast %parallel_loop3A_1334 : i32 to vector<16xi32>
        %parallel_loop3A_1336 = arith.addi %iota3A, %parallel_loop3A_1335 : vector<16xi32>
        %parallel_loop3A_1337 = arith.constant 63 : i32
        %parallel_loop3A_1338 = vector.broadcast %parallel_loop3A_1337 : i32 to vector<16xi32>
        %parallel_loop3A_1339 = arith.andi %parallel_loop3A_1336, %parallel_loop3A_1338 : vector<16xi32>
        %parallel_loop3A_1340 = tpu.vector_load_idx %arg10[%parallel_loop3A_737, %parallel_loop3A_1339] : memref<256x64xf32, #tpu.memory_space<vmem>>[vector<16xi32>, vector<16xi32>], vector<16xf32>,
        %parallel_loop3A_1341 = arith.addf %parallel_loop3A_1301, %parallel_loop3A_1340 : vector<16xf32>
        %parallel_loop3A_1342 = arith.mulf %parallel_loop3A_1340, %parallel_loop3A_1340 : vector<16xf32>
        %parallel_loop3A_1343 = arith.addf %parallel_loop3A_1303, %parallel_loop3A_1342 : vector<16xf32>
        %parallel_loop3A_1344 = arith.constant 59 : i32
        %parallel_loop3A_1345 = vector.broadcast %parallel_loop3A_1344 : i32 to vector<16xi32>
        %parallel_loop3A_1346 = arith.addi %iota3A, %parallel_loop3A_1345 : vector<16xi32>
        %parallel_loop3A_1347 = arith.constant 63 : i32
        %parallel_loop3A_1348 = vector.broadcast %parallel_loop3A_1347 : i32 to vector<16xi32>
        %parallel_loop3A_1349 = arith.andi %parallel_loop3A_1346, %parallel_loop3A_1348 : vector<16xi32>
        %parallel_loop3A_1350 = tpu.vector_load_idx %arg10[%parallel_loop3A_737, %parallel_loop3A_1349] : memref<256x64xf32, #tpu.memory_space<vmem>>[vector<16xi32>, vector<16xi32>], vector<16xf32>,
        %parallel_loop3A_1351 = arith.addf %parallel_loop3A_1311, %parallel_loop3A_1350 : vector<16xf32>
        %parallel_loop3A_1352 = arith.mulf %parallel_loop3A_1350, %parallel_loop3A_1350 : vector<16xf32>
        %parallel_loop3A_1353 = arith.addf %parallel_loop3A_1313, %parallel_loop3A_1352 : vector<16xf32>
        %parallel_loop3A_1354 = arith.constant 60 : i32
        %parallel_loop3A_1355 = vector.broadcast %parallel_loop3A_1354 : i32 to vector<16xi32>
        %parallel_loop3A_1356 = arith.addi %iota3A, %parallel_loop3A_1355 : vector<16xi32>
        %parallel_loop3A_1357 = arith.constant 63 : i32
        %parallel_loop3A_1358 = vector.broadcast %parallel_loop3A_1357 : i32 to vector<16xi32>
        %parallel_loop3A_1359 = arith.andi %parallel_loop3A_1356, %parallel_loop3A_1358 : vector<16xi32>
        %parallel_loop3A_1360 = tpu.vector_load_idx %arg10[%parallel_loop3A_737, %parallel_loop3A_1359] : memref<256x64xf32, #tpu.memory_space<vmem>>[vector<16xi32>, vector<16xi32>], vector<16xf32>,
        %parallel_loop3A_1361 = arith.addf %parallel_loop3A_1321, %parallel_loop3A_1360 : vector<16xf32>
        %parallel_loop3A_1362 = arith.mulf %parallel_loop3A_1360, %parallel_loop3A_1360 : vector<16xf32>
        %parallel_loop3A_1363 = arith.addf %parallel_loop3A_1323, %parallel_loop3A_1362 : vector<16xf32>
        %parallel_loop3A_1364 = arith.constant 61 : i32
        %parallel_loop3A_1365 = vector.broadcast %parallel_loop3A_1364 : i32 to vector<16xi32>
        %parallel_loop3A_1366 = arith.addi %iota3A, %parallel_loop3A_1365 : vector<16xi32>
        %parallel_loop3A_1367 = arith.constant 63 : i32
        %parallel_loop3A_1368 = vector.broadcast %parallel_loop3A_1367 : i32 to vector<16xi32>
        %parallel_loop3A_1369 = arith.andi %parallel_loop3A_1366, %parallel_loop3A_1368 : vector<16xi32>
        %parallel_loop3A_1370 = tpu.vector_load_idx %arg10[%parallel_loop3A_737, %parallel_loop3A_1369] : memref<256x64xf32, #tpu.memory_space<vmem>>[vector<16xi32>, vector<16xi32>], vector<16xf32>,
        %parallel_loop3A_1371 = arith.addf %parallel_loop3A_1331, %parallel_loop3A_1370 : vector<16xf32>
        %parallel_loop3A_1372 = arith.mulf %parallel_loop3A_1370, %parallel_loop3A_1370 : vector<16xf32>
        %parallel_loop3A_1373 = arith.addf %parallel_loop3A_1333, %parallel_loop3A_1372 : vector<16xf32>
        %parallel_loop3A_1374 = arith.constant 62 : i32
        %parallel_loop3A_1375 = vector.broadcast %parallel_loop3A_1374 : i32 to vector<16xi32>
        %parallel_loop3A_1376 = arith.addi %iota3A, %parallel_loop3A_1375 : vector<16xi32>
        %parallel_loop3A_1377 = arith.constant 63 : i32
        %parallel_loop3A_1378 = vector.broadcast %parallel_loop3A_1377 : i32 to vector<16xi32>
        %parallel_loop3A_1379 = arith.andi %parallel_loop3A_1376, %parallel_loop3A_1378 : vector<16xi32>
        %parallel_loop3A_1380 = tpu.vector_load_idx %arg10[%parallel_loop3A_737, %parallel_loop3A_1379] : memref<256x64xf32, #tpu.memory_space<vmem>>[vector<16xi32>, vector<16xi32>], vector<16xf32>,
        %parallel_loop3A_1381 = arith.addf %parallel_loop3A_1341, %parallel_loop3A_1380 : vector<16xf32>
        %parallel_loop3A_1382 = arith.mulf %parallel_loop3A_1380, %parallel_loop3A_1380 : vector<16xf32>
        %parallel_loop3A_1383 = arith.addf %parallel_loop3A_1343, %parallel_loop3A_1382 : vector<16xf32>
        %parallel_loop3A_1384 = arith.constant 63 : i32
        %parallel_loop3A_1385 = vector.broadcast %parallel_loop3A_1384 : i32 to vector<16xi32>
        %parallel_loop3A_1386 = arith.addi %iota3A, %parallel_loop3A_1385 : vector<16xi32>
        %parallel_loop3A_1387 = arith.constant 63 : i32
        %parallel_loop3A_1388 = vector.broadcast %parallel_loop3A_1387 : i32 to vector<16xi32>
        %parallel_loop3A_1389 = arith.andi %parallel_loop3A_1386, %parallel_loop3A_1388 : vector<16xi32>
        %parallel_loop3A_1390 = tpu.vector_load_idx %arg10[%parallel_loop3A_737, %parallel_loop3A_1389] : memref<256x64xf32, #tpu.memory_space<vmem>>[vector<16xi32>, vector<16xi32>], vector<16xf32>,
        %parallel_loop3A_1391 = arith.addf %parallel_loop3A_1351, %parallel_loop3A_1390 : vector<16xf32>
        %parallel_loop3A_1392 = arith.mulf %parallel_loop3A_1390, %parallel_loop3A_1390 : vector<16xf32>
        %parallel_loop3A_1393 = arith.addf %parallel_loop3A_1353, %parallel_loop3A_1392 : vector<16xf32>
        %parallel_loop3A_1394 = arith.addf %parallel_loop3A_1361, %parallel_loop3A_1371 : vector<16xf32>
        %parallel_loop3A_1395 = arith.addf %parallel_loop3A_1381, %parallel_loop3A_1391 : vector<16xf32>
        %parallel_loop3A_1396 = arith.addf %parallel_loop3A_1394, %parallel_loop3A_1395 : vector<16xf32>
        %parallel_loop3A_1397 = arith.addf %parallel_loop3A_1363, %parallel_loop3A_1373 : vector<16xf32>
        %parallel_loop3A_1398 = arith.addf %parallel_loop3A_1383, %parallel_loop3A_1393 : vector<16xf32>
        %parallel_loop3A_1399 = arith.addf %parallel_loop3A_1397, %parallel_loop3A_1398 : vector<16xf32>
        %parallel_loop3A_1400 = arith.constant 1.562500e-02 : f32
        %parallel_loop3A_1401 = vector.broadcast %parallel_loop3A_1400 : f32 to vector<16xf32>
        %parallel_loop3A_1402 = arith.mulf %parallel_loop3A_1396, %parallel_loop3A_1401 : vector<16xf32>
        %parallel_loop3A_1403 = arith.constant 1.562500e-02 : f32
        %parallel_loop3A_1404 = vector.broadcast %parallel_loop3A_1403 : f32 to vector<16xf32>
        %parallel_loop3A_1405 = arith.mulf %parallel_loop3A_1399, %parallel_loop3A_1404 : vector<16xf32>
        %parallel_loop3A_1406 = arith.mulf %parallel_loop3A_1402, %parallel_loop3A_1402 : vector<16xf32>
        %parallel_loop3A_1407 = arith.subf %parallel_loop3A_1405, %parallel_loop3A_1406 : vector<16xf32>
        %parallel_loop3A_1408 = arith.constant 9.99999974E-6 : f32
        %parallel_loop3A_1409 = vector.broadcast %parallel_loop3A_1408 : f32 to vector<16xf32>
        %parallel_loop3A_1410 = arith.addf %parallel_loop3A_1407, %parallel_loop3A_1409 : vector<16xf32>
        %parallel_loop3A_1411 = vector.bitcast %parallel_loop3A_1410 : vector<16xf32> to vector<16xi32>
        %parallel_loop3A_1412 = arith.constant 1 : i32
        %parallel_loop3A_1413 = vector.broadcast %parallel_loop3A_1412 : i32 to vector<16xi32>
        %parallel_loop3A_1414 = arith.shrsi %parallel_loop3A_1411, %parallel_loop3A_1413 : vector<16xi32>
        %parallel_loop3A_1415 = arith.constant 1597463007 : i32
        %parallel_loop3A_1416 = vector.broadcast %parallel_loop3A_1415 : i32 to vector<16xi32>
        %parallel_loop3A_1417 = arith.subi %parallel_loop3A_1416, %parallel_loop3A_1414 : vector<16xi32>
        %parallel_loop3A_1418 = vector.bitcast %parallel_loop3A_1417 : vector<16xi32> to vector<16xf32>
        %parallel_loop3A_1419 = arith.constant 5.000000e-01 : f32
        %parallel_loop3A_1420 = vector.broadcast %parallel_loop3A_1419 : f32 to vector<16xf32>
        %parallel_loop3A_1421 = arith.mulf %parallel_loop3A_1420, %parallel_loop3A_1410 : vector<16xf32>
        %parallel_loop3A_1422 = arith.mulf %parallel_loop3A_1421, %parallel_loop3A_1418 : vector<16xf32>
        %parallel_loop3A_1423 = arith.mulf %parallel_loop3A_1422, %parallel_loop3A_1418 : vector<16xf32>
        %parallel_loop3A_1424 = arith.constant 1.500000e+00 : f32
        %parallel_loop3A_1425 = vector.broadcast %parallel_loop3A_1424 : f32 to vector<16xf32>
        %parallel_loop3A_1426 = arith.subf %parallel_loop3A_1425, %parallel_loop3A_1423 : vector<16xf32>
        %parallel_loop3A_1427 = arith.mulf %parallel_loop3A_1418, %parallel_loop3A_1426 : vector<16xf32>
        %parallel_loop3A_1428 = arith.constant 5.000000e-01 : f32
        %parallel_loop3A_1429 = vector.broadcast %parallel_loop3A_1428 : f32 to vector<16xf32>
        %parallel_loop3A_1430 = arith.mulf %parallel_loop3A_1429, %parallel_loop3A_1410 : vector<16xf32>
        %parallel_loop3A_1431 = arith.mulf %parallel_loop3A_1430, %parallel_loop3A_1427 : vector<16xf32>
        %parallel_loop3A_1432 = arith.mulf %parallel_loop3A_1431, %parallel_loop3A_1427 : vector<16xf32>
        %parallel_loop3A_1433 = arith.constant 1.500000e+00 : f32
        %parallel_loop3A_1434 = vector.broadcast %parallel_loop3A_1433 : f32 to vector<16xf32>
        %parallel_loop3A_1435 = arith.subf %parallel_loop3A_1434, %parallel_loop3A_1432 : vector<16xf32>
        %parallel_loop3A_1436 = arith.mulf %parallel_loop3A_1427, %parallel_loop3A_1435 : vector<16xf32>
        %parallel_loop3A_1437 = arith.constant 5.000000e-01 : f32
        %parallel_loop3A_1438 = vector.broadcast %parallel_loop3A_1437 : f32 to vector<16xf32>
        %parallel_loop3A_1439 = arith.mulf %parallel_loop3A_1438, %parallel_loop3A_1410 : vector<16xf32>
        %parallel_loop3A_1440 = arith.mulf %parallel_loop3A_1439, %parallel_loop3A_1436 : vector<16xf32>
        %parallel_loop3A_1441 = arith.mulf %parallel_loop3A_1440, %parallel_loop3A_1436 : vector<16xf32>
        %parallel_loop3A_1442 = arith.constant 1.500000e+00 : f32
        %parallel_loop3A_1443 = vector.broadcast %parallel_loop3A_1442 : f32 to vector<16xf32>
        %parallel_loop3A_1444 = arith.subf %parallel_loop3A_1443, %parallel_loop3A_1441 : vector<16xf32>
        %parallel_loop3A_1445 = arith.mulf %parallel_loop3A_1436, %parallel_loop3A_1444 : vector<16xf32>
        %parallel_loop3A_1446 = arith.mulf %parallel_loop3A_1402, %parallel_loop3A_1445 : vector<16xf32>
        %parallel_loop3A_1447 = arith.constant 8 : i32
        %parallel_loop3A_1448 = arith.divsi %parallel_loop3A_733, %parallel_loop3A_1447 : i32
        %parallel_loop3A_1449 = arith.constant 0 : i32
        %parallel_loop3A_1450 = arith.cmpi sgt, %parallel_loop3A_733, %parallel_loop3A_1449 : i32
        %parallel_loop3A_1451 = arith.extui %parallel_loop3A_1450 : i1 to i32
        %parallel_loop3A_1452 = arith.constant 0 : i32
        %parallel_loop3A_1453 = arith.cmpi slt, %parallel_loop3A_733, %parallel_loop3A_1452 : i32
        %parallel_loop3A_1454 = arith.extui %parallel_loop3A_1453 : i1 to i32
        %parallel_loop3A_1455 = arith.subi %parallel_loop3A_1451, %parallel_loop3A_1454 : i32
        %parallel_loop3A_1456 = arith.constant 0 : i32
        %parallel_loop3A_1457 = arith.cmpi sgt, %parallel_loop3A_1447, %parallel_loop3A_1456 : i32
        %parallel_loop3A_1458 = arith.extui %parallel_loop3A_1457 : i1 to i32
        %parallel_loop3A_1459 = arith.constant 0 : i32
        %parallel_loop3A_1460 = arith.cmpi slt, %parallel_loop3A_1447, %parallel_loop3A_1459 : i32
        %parallel_loop3A_1461 = arith.extui %parallel_loop3A_1460 : i1 to i32
        %parallel_loop3A_1462 = arith.subi %parallel_loop3A_1458, %parallel_loop3A_1461 : i32
        %parallel_loop3A_1463 = arith.cmpi ne, %parallel_loop3A_1455, %parallel_loop3A_1462 : i32
        %parallel_loop3A_1464 = arith.remsi %parallel_loop3A_733, %parallel_loop3A_1447 : i32
        %parallel_loop3A_1465 = arith.constant 0 : i32
        %parallel_loop3A_1466 = arith.cmpi ne, %parallel_loop3A_1464, %parallel_loop3A_1465 : i32
        %parallel_loop3A_1467 = arith.andi %parallel_loop3A_1463, %parallel_loop3A_1466 : i1
        %parallel_loop3A_1468 = arith.constant 1 : i32
        %parallel_loop3A_1469 = arith.subi %parallel_loop3A_1448, %parallel_loop3A_1468 : i32
        %parallel_loop3A_1470 = arith.select %parallel_loop3A_1467, %parallel_loop3A_1469, %parallel_loop3A_1448 : i32
        %parallel_loop3A_1471 = arith.constant 8192 : i32
        %parallel_loop3A_1472 = arith.muli %parallel_loop3A_1470, %parallel_loop3A_1471 : i32
        %parallel_loop3A_1473 = arith.constant 8 : i32
        %parallel_loop3A_1474 = arith.constant 0 : i32
        %parallel_loop3A_1475 = arith.cmpi eq, %parallel_loop3A_1473, %parallel_loop3A_1474 : i32
        %parallel_loop3A_1476 = arith.constant 1 : i32
        %parallel_loop3A_1477 = arith.select %parallel_loop3A_1475, %parallel_loop3A_1476, %parallel_loop3A_1473 : i32
        %parallel_loop3A_1478 = arith.remsi %parallel_loop3A_733, %parallel_loop3A_1477 : i32
        %parallel_loop3A_1479 = arith.constant 0 : i32
        %parallel_loop3A_1480 = arith.cmpi ne, %parallel_loop3A_1478, %parallel_loop3A_1479 : i32
        %parallel_loop3A_1481 = arith.constant 0 : i32
        %parallel_loop3A_1482 = arith.cmpi slt, %parallel_loop3A_1478, %parallel_loop3A_1481 : i32
        %parallel_loop3A_1483 = arith.constant 0 : i32
        %parallel_loop3A_1484 = arith.cmpi slt, %parallel_loop3A_1477, %parallel_loop3A_1483 : i32
        %parallel_loop3A_1485 = arith.xori %parallel_loop3A_1482, %parallel_loop3A_1484 : i1
        %parallel_loop3A_1486 = arith.andi %parallel_loop3A_1485, %parallel_loop3A_1480 : i1
        %parallel_loop3A_1487 = arith.addi %parallel_loop3A_1478, %parallel_loop3A_1477 : i32
        %parallel_loop3A_1488 = arith.select %parallel_loop3A_1486, %parallel_loop3A_1487, %parallel_loop3A_1478 : i32
        %parallel_loop3A_1489 = arith.constant 16 : i32
        %parallel_loop3A_1490 = arith.muli %parallel_loop3A_1488, %parallel_loop3A_1489 : i32
        %parallel_loop3A_1491 = arith.addi %parallel_loop3A_1472, %parallel_loop3A_1490 : i32
        %parallel_loop3A_1492 = arith.constant 0 : i32
        %parallel_loop3A_1493 = arith.constant 64 : i32
        %parallel_loop3A_1494 = arith.constant 1 : i32
        scf.for %parallel_loop3A_1495 = %parallel_loop3A_1492 to %parallel_loop3A_1493 step %parallel_loop3A_1494  : i32 {
          %parallel_loop3A_1496 = vector.broadcast %parallel_loop3A_1495 : i32 to vector<16xi32>
          %parallel_loop3A_1497 = arith.addi %iota3A, %parallel_loop3A_1496 : vector<16xi32>
          %parallel_loop3A_1498 = arith.constant 63 : i32
          %parallel_loop3A_1499 = vector.broadcast %parallel_loop3A_1498 : i32 to vector<16xi32>
          %parallel_loop3A_1500 = arith.andi %parallel_loop3A_1497, %parallel_loop3A_1499 : vector<16xi32>
          %parallel_loop3A_1501 = tpu.vector_load_idx %arg10[%parallel_loop3A_737, %parallel_loop3A_1500] : memref<256x64xf32, #tpu.memory_space<vmem>>[vector<16xi32>, vector<16xi32>], vector<16xf32>,
          %parallel_loop3A_1502 = arith.mulf %parallel_loop3A_1501, %parallel_loop3A_1445 : vector<16xf32>
          %parallel_loop3A_1503 = arith.subf %parallel_loop3A_1502, %parallel_loop3A_1446 : vector<16xf32>
          %parallel_loop3A_1504 = tpu.vector_load_idx %arg13[%parallel_loop3A_1500] : memref<64xf32, #tpu.memory_space<vmem>>[vector<16xi32>], vector<16xf32>,
          %parallel_loop3A_1505 = arith.mulf %parallel_loop3A_1503, %parallel_loop3A_1504 : vector<16xf32>
          %parallel_loop3A_1506 = tpu.vector_load_idx %arg14[%parallel_loop3A_1500] : memref<64xf32, #tpu.memory_space<vmem>>[vector<16xi32>], vector<16xf32>,
          %parallel_loop3A_1507 = arith.addf %parallel_loop3A_1505, %parallel_loop3A_1506 : vector<16xf32>
          %parallel_loop3A_1508 = arith.constant 128 : i32
          %parallel_loop3A_1509 = vector.broadcast %parallel_loop3A_1508 : i32 to vector<16xi32>
          %parallel_loop3A_1510 = arith.muli %parallel_loop3A_1500, %parallel_loop3A_1509 : vector<16xi32>
          %parallel_loop3A_1511 = vector.broadcast %parallel_loop3A_1491 : i32 to vector<16xi32>
          %parallel_loop3A_1512 = arith.addi %parallel_loop3A_1511, %parallel_loop3A_1510 : vector<16xi32>
          %parallel_loop3A_1513 = arith.addi %parallel_loop3A_1512, %iota3A : vector<16xi32>
          %parallel_loop3A_1514 = arith.constant 10 : i32
          %parallel_loop3A_1515 = vector.broadcast %parallel_loop3A_1514 : i32 to vector<16xi32>
          %parallel_loop3A_1516 = arith.shrsi %parallel_loop3A_1513, %parallel_loop3A_1515 : vector<16xi32>
          %parallel_loop3A_1517 = arith.constant 1023 : i32
          %parallel_loop3A_1518 = vector.broadcast %parallel_loop3A_1517 : i32 to vector<16xi32>
          %parallel_loop3A_1519 = arith.andi %parallel_loop3A_1513, %parallel_loop3A_1518 : vector<16xi32>
          tpu.vector_store_idx %arg12[%parallel_loop3A_1516, %parallel_loop3A_1519], %parallel_loop3A_1507 : memref<16x1024xf32, #tpu.memory_space<vmem>>[vector<16xi32>, vector<16xi32>], vector<16xf32>,
        } {sc.loop_unroll_factor = 8 : i64, sc.parallel_access}
      } {sc.loop_unroll_factor = 1 : i64, sc.parallel_access}
      %jit3A_402 = arith.constant 25 : i32
      %div3A_403 = arith.divsi %add3A_380, %jit3A_402 : i32
      %sign3A_404 = arith.constant 0 : i32
      %sign3A_405 = arith.cmpi sgt, %add3A_380, %sign3A_404 : i32
      %sign3A_406 = arith.extui %sign3A_405 : i1 to i32
      %sign3A_407 = arith.constant 0 : i32
      %sign3A_408 = arith.cmpi slt, %add3A_380, %sign3A_407 : i32
      %sign3A_409 = arith.extui %sign3A_408 : i1 to i32
      %sign3A_410 = arith.subi %sign3A_406, %sign3A_409 : i32
      %sign3A_411 = arith.constant 0 : i32
      %sign3A_412 = arith.cmpi sgt, %jit3A_402, %sign3A_411 : i32
      %sign3A_413 = arith.extui %sign3A_412 : i1 to i32
      %sign3A_414 = arith.constant 0 : i32
      %sign3A_415 = arith.cmpi slt, %jit3A_402, %sign3A_414 : i32
      %sign3A_416 = arith.extui %sign3A_415 : i1 to i32
      %sign3A_417 = arith.subi %sign3A_413, %sign3A_416 : i32
      %ne3A_418 = arith.cmpi ne, %sign3A_410, %sign3A_417 : i32
      %rem3A_419 = arith.remsi %add3A_380, %jit3A_402 : i32
      %ne3A_420 = arith.constant 0 : i32
      %ne3A_421 = arith.cmpi ne, %rem3A_419, %ne3A_420 : i32
      %and3A_422 = arith.andi %ne3A_418, %ne3A_421 : i1
      %sub3A_423 = arith.constant 1 : i32
      %sub3A_424 = arith.subi %div3A_403, %sub3A_423 : i32
      %select_n3A_425 = arith.select %and3A_422, %sub3A_424, %div3A_403 : i32
      %jit3A_426 = arith.constant 25 : i32
      %eq3A_427 = arith.constant 0 : i32
      %eq3A_428 = arith.cmpi eq, %jit3A_426, %eq3A_427 : i32
      %jit3A_429 = arith.constant 1 : i32
      %select_n3A_430 = arith.select %eq3A_428, %jit3A_429, %jit3A_426 : i32
      %rem3A_431 = arith.remsi %add3A_380, %select_n3A_430 : i32
      %ne3A_432 = arith.constant 0 : i32
      %ne3A_433 = arith.cmpi ne, %rem3A_431, %ne3A_432 : i32
      %lt3A_434 = arith.constant 0 : i32
      %lt3A_435 = arith.cmpi slt, %rem3A_431, %lt3A_434 : i32
      %lt3A_436 = arith.constant 0 : i32
      %lt3A_437 = arith.cmpi slt, %select_n3A_430, %lt3A_436 : i32
      %ne3A_438 = arith.xori %lt3A_435, %lt3A_437 : i1
      %and3A_439 = arith.andi %ne3A_438, %ne3A_433 : i1
      %add3A_440 = arith.addi %rem3A_431, %select_n3A_430 : i32
      %select_n3A_441 = arith.select %and3A_439, %add3A_440, %rem3A_431 : i32
      %mul3A_442 = arith.constant 4 : i32
      %mul3A_443 = arith.muli %add3A, %mul3A_442 : i32
      %add3A_444 = arith.addi %mul3A_443, %select_n3A_425 : i32
      %mul3A_445 = arith.constant 2 : i32
      %mul3A_446 = arith.muli %select_n3A_441, %mul3A_445 : i32
      %add3A_447 = arith.constant 0 : i32
      %add3A_448 = arith.addi %mul3A_446, %add3A_447 : i32
      %dma_start3A_449 = arith.constant 0 : i32
      %dma_start3A_450 = arith.constant 0 : i32
      %dma_start3A_451 = arith.constant 0 : i32
      %dma_start3A_452 = tpu.memref_slice %arg12[%dma_start3A_449, %dma_start3A_451] : memref<16x1024xf32, #tpu.memory_space<vmem>> -> memref<1x1024xf32, #tpu.memory_space<vmem>>
      %dma_start3A_453 = tpu.memref_squeeze %dma_start3A_452 : memref<1x1024xf32, #tpu.memory_space<vmem>> -> memref<1024xf32, #tpu.memory_space<vmem>>
      %dma_start3A_454 = arith.constant 0 : i32
      %dma_start3A_455 = tpu.memref_slice %arg6[%add3A_448, %dma_start3A_450, %add3A_444, %dma_start3A_454] : memref<50x8x128x1024xf32, #tpu.memory_space<hbm>> -> memref<1x1x1x1024xf32, #tpu.memory_space<hbm>>
      %dma_start3A_456 = tpu.memref_squeeze %dma_start3A_455 : memref<1x1x1x1024xf32, #tpu.memory_space<hbm>> -> memref<1024xf32, #tpu.memory_space<hbm>>
      %dma_start3A_457 = arith.constant 0 : i32
      %dma_start3A_458 = tpu.memref_slice %arg6[%add3A_448, %dma_start3A_450, %add3A_444, %dma_start3A_457] : memref<50x8x128x1024xf32, #tpu.memory_space<hbm>> -> memref<1x1x1x1024xf32, #tpu.memory_space<hbm>>
      %dma_start3A_459 = tpu.memref_squeeze %dma_start3A_458 : memref<1x1x1x1024xf32, #tpu.memory_space<hbm>> -> memref<1024xf32, #tpu.memory_space<hbm>>
      %dma_start3A_460 = arith.constant 0 : i32
      %dma_start3A_461 = tpu.memref_slice %arg12[%dma_start3A_449, %dma_start3A_460] : memref<16x1024xf32, #tpu.memory_space<vmem>> -> memref<1x1024xf32, #tpu.memory_space<vmem>>
      %dma_start3A_462 = tpu.memref_squeeze %dma_start3A_461 : memref<1x1024xf32, #tpu.memory_space<vmem>> -> memref<1024xf32, #tpu.memory_space<vmem>>
      tpu.enqueue_dma source(%dma_start3A_462 : memref<1024xf32, #tpu.memory_space<vmem>>) target(%dma_start3A_459 : memref<1024xf32, #tpu.memory_space<hbm>>) target_semaphore(%arg16 : memref<!tpu.dma_semaphore, #tpu.memory_space<semaphore_mem>>)
      %mul3A_463 = arith.constant 2 : i32
      %mul3A_464 = arith.muli %select_n3A_441, %mul3A_463 : i32
      %add3A_465 = arith.constant 0 : i32
      %add3A_466 = arith.addi %mul3A_464, %add3A_465 : i32
      %dma_start3A_467 = arith.constant 1 : i32
      %dma_start3A_468 = arith.constant 1 : i32
      %dma_start3A_469 = arith.constant 0 : i32
      %dma_start3A_470 = tpu.memref_slice %arg12[%dma_start3A_467, %dma_start3A_469] : memref<16x1024xf32, #tpu.memory_space<vmem>> -> memref<1x1024xf32, #tpu.memory_space<vmem>>
      %dma_start3A_471 = tpu.memref_squeeze %dma_start3A_470 : memref<1x1024xf32, #tpu.memory_space<vmem>> -> memref<1024xf32, #tpu.memory_space<vmem>>
      %dma_start3A_472 = arith.constant 0 : i32
      %dma_start3A_473 = tpu.memref_slice %arg6[%add3A_466, %dma_start3A_468, %add3A_444, %dma_start3A_472] : memref<50x8x128x1024xf32, #tpu.memory_space<hbm>> -> memref<1x1x1x1024xf32, #tpu.memory_space<hbm>>
      %dma_start3A_474 = tpu.memref_squeeze %dma_start3A_473 : memref<1x1x1x1024xf32, #tpu.memory_space<hbm>> -> memref<1024xf32, #tpu.memory_space<hbm>>
      %dma_start3A_475 = arith.constant 0 : i32
      %dma_start3A_476 = tpu.memref_slice %arg6[%add3A_466, %dma_start3A_468, %add3A_444, %dma_start3A_475] : memref<50x8x128x1024xf32, #tpu.memory_space<hbm>> -> memref<1x1x1x1024xf32, #tpu.memory_space<hbm>>
      %dma_start3A_477 = tpu.memref_squeeze %dma_start3A_476 : memref<1x1x1x1024xf32, #tpu.memory_space<hbm>> -> memref<1024xf32, #tpu.memory_space<hbm>>
      %dma_start3A_478 = arith.constant 0 : i32
      %dma_start3A_479 = tpu.memref_slice %arg12[%dma_start3A_467, %dma_start3A_478] : memref<16x1024xf32, #tpu.memory_space<vmem>> -> memref<1x1024xf32, #tpu.memory_space<vmem>>
      %dma_start3A_480 = tpu.memref_squeeze %dma_start3A_479 : memref<1x1024xf32, #tpu.memory_space<vmem>> -> memref<1024xf32, #tpu.memory_space<vmem>>
      tpu.enqueue_dma source(%dma_start3A_480 : memref<1024xf32, #tpu.memory_space<vmem>>) target(%dma_start3A_477 : memref<1024xf32, #tpu.memory_space<hbm>>) target_semaphore(%arg16 : memref<!tpu.dma_semaphore, #tpu.memory_space<semaphore_mem>>)
      %mul3A_481 = arith.constant 2 : i32
      %mul3A_482 = arith.muli %select_n3A_441, %mul3A_481 : i32
      %add3A_483 = arith.constant 0 : i32
      %add3A_484 = arith.addi %mul3A_482, %add3A_483 : i32
      %dma_start3A_485 = arith.constant 2 : i32
      %dma_start3A_486 = arith.constant 2 : i32
      %dma_start3A_487 = arith.constant 0 : i32
      %dma_start3A_488 = tpu.memref_slice %arg12[%dma_start3A_485, %dma_start3A_487] : memref<16x1024xf32, #tpu.memory_space<vmem>> -> memref<1x1024xf32, #tpu.memory_space<vmem>>
      %dma_start3A_489 = tpu.memref_squeeze %dma_start3A_488 : memref<1x1024xf32, #tpu.memory_space<vmem>> -> memref<1024xf32, #tpu.memory_space<vmem>>
      %dma_start3A_490 = arith.constant 0 : i32
      %dma_start3A_491 = tpu.memref_slice %arg6[%add3A_484, %dma_start3A_486, %add3A_444, %dma_start3A_490] : memref<50x8x128x1024xf32, #tpu.memory_space<hbm>> -> memref<1x1x1x1024xf32, #tpu.memory_space<hbm>>
      %dma_start3A_492 = tpu.memref_squeeze %dma_start3A_491 : memref<1x1x1x1024xf32, #tpu.memory_space<hbm>> -> memref<1024xf32, #tpu.memory_space<hbm>>
      %dma_start3A_493 = arith.constant 0 : i32
      %dma_start3A_494 = tpu.memref_slice %arg6[%add3A_484, %dma_start3A_486, %add3A_444, %dma_start3A_493] : memref<50x8x128x1024xf32, #tpu.memory_space<hbm>> -> memref<1x1x1x1024xf32, #tpu.memory_space<hbm>>
      %dma_start3A_495 = tpu.memref_squeeze %dma_start3A_494 : memref<1x1x1x1024xf32, #tpu.memory_space<hbm>> -> memref<1024xf32, #tpu.memory_space<hbm>>
      %dma_start3A_496 = arith.constant 0 : i32
      %dma_start3A_497 = tpu.memref_slice %arg12[%dma_start3A_485, %dma_start3A_496] : memref<16x1024xf32, #tpu.memory_space<vmem>> -> memref<1x1024xf32, #tpu.memory_space<vmem>>
      %dma_start3A_498 = tpu.memref_squeeze %dma_start3A_497 : memref<1x1024xf32, #tpu.memory_space<vmem>> -> memref<1024xf32, #tpu.memory_space<vmem>>
      tpu.enqueue_dma source(%dma_start3A_498 : memref<1024xf32, #tpu.memory_space<vmem>>) target(%dma_start3A_495 : memref<1024xf32, #tpu.memory_space<hbm>>) target_semaphore(%arg16 : memref<!tpu.dma_semaphore, #tpu.memory_space<semaphore_mem>>)
      %mul3A_499 = arith.constant 2 : i32
      %mul3A_500 = arith.muli %select_n3A_441, %mul3A_499 : i32
      %add3A_501 = arith.constant 0 : i32
      %add3A_502 = arith.addi %mul3A_500, %add3A_501 : i32
      %dma_start3A_503 = arith.constant 3 : i32
      %dma_start3A_504 = arith.constant 3 : i32
      %dma_start3A_505 = arith.constant 0 : i32
      %dma_start3A_506 = tpu.memref_slice %arg12[%dma_start3A_503, %dma_start3A_505] : memref<16x1024xf32, #tpu.memory_space<vmem>> -> memref<1x1024xf32, #tpu.memory_space<vmem>>
      %dma_start3A_507 = tpu.memref_squeeze %dma_start3A_506 : memref<1x1024xf32, #tpu.memory_space<vmem>> -> memref<1024xf32, #tpu.memory_space<vmem>>
      %dma_start3A_508 = arith.constant 0 : i32
      %dma_start3A_509 = tpu.memref_slice %arg6[%add3A_502, %dma_start3A_504, %add3A_444, %dma_start3A_508] : memref<50x8x128x1024xf32, #tpu.memory_space<hbm>> -> memref<1x1x1x1024xf32, #tpu.memory_space<hbm>>
      %dma_start3A_510 = tpu.memref_squeeze %dma_start3A_509 : memref<1x1x1x1024xf32, #tpu.memory_space<hbm>> -> memref<1024xf32, #tpu.memory_space<hbm>>
      %dma_start3A_511 = arith.constant 0 : i32
      %dma_start3A_512 = tpu.memref_slice %arg6[%add3A_502, %dma_start3A_504, %add3A_444, %dma_start3A_511] : memref<50x8x128x1024xf32, #tpu.memory_space<hbm>> -> memref<1x1x1x1024xf32, #tpu.memory_space<hbm>>
      %dma_start3A_513 = tpu.memref_squeeze %dma_start3A_512 : memref<1x1x1x1024xf32, #tpu.memory_space<hbm>> -> memref<1024xf32, #tpu.memory_space<hbm>>
      %dma_start3A_514 = arith.constant 0 : i32
      %dma_start3A_515 = tpu.memref_slice %arg12[%dma_start3A_503, %dma_start3A_514] : memref<16x1024xf32, #tpu.memory_space<vmem>> -> memref<1x1024xf32, #tpu.memory_space<vmem>>
      %dma_start3A_516 = tpu.memref_squeeze %dma_start3A_515 : memref<1x1024xf32, #tpu.memory_space<vmem>> -> memref<1024xf32, #tpu.memory_space<vmem>>
      tpu.enqueue_dma source(%dma_start3A_516 : memref<1024xf32, #tpu.memory_space<vmem>>) target(%dma_start3A_513 : memref<1024xf32, #tpu.memory_space<hbm>>) target_semaphore(%arg16 : memref<!tpu.dma_semaphore, #tpu.memory_space<semaphore_mem>>)
      %mul3A_517 = arith.constant 2 : i32
      %mul3A_518 = arith.muli %select_n3A_441, %mul3A_517 : i32
      %add3A_519 = arith.constant 0 : i32
      %add3A_520 = arith.addi %mul3A_518, %add3A_519 : i32
      %dma_start3A_521 = arith.constant 4 : i32
      %dma_start3A_522 = arith.constant 4 : i32
      %dma_start3A_523 = arith.constant 0 : i32
      %dma_start3A_524 = tpu.memref_slice %arg12[%dma_start3A_521, %dma_start3A_523] : memref<16x1024xf32, #tpu.memory_space<vmem>> -> memref<1x1024xf32, #tpu.memory_space<vmem>>
      %dma_start3A_525 = tpu.memref_squeeze %dma_start3A_524 : memref<1x1024xf32, #tpu.memory_space<vmem>> -> memref<1024xf32, #tpu.memory_space<vmem>>
      %dma_start3A_526 = arith.constant 0 : i32
      %dma_start3A_527 = tpu.memref_slice %arg6[%add3A_520, %dma_start3A_522, %add3A_444, %dma_start3A_526] : memref<50x8x128x1024xf32, #tpu.memory_space<hbm>> -> memref<1x1x1x1024xf32, #tpu.memory_space<hbm>>
      %dma_start3A_528 = tpu.memref_squeeze %dma_start3A_527 : memref<1x1x1x1024xf32, #tpu.memory_space<hbm>> -> memref<1024xf32, #tpu.memory_space<hbm>>
      %dma_start3A_529 = arith.constant 0 : i32
      %dma_start3A_530 = tpu.memref_slice %arg6[%add3A_520, %dma_start3A_522, %add3A_444, %dma_start3A_529] : memref<50x8x128x1024xf32, #tpu.memory_space<hbm>> -> memref<1x1x1x1024xf32, #tpu.memory_space<hbm>>
      %dma_start3A_531 = tpu.memref_squeeze %dma_start3A_530 : memref<1x1x1x1024xf32, #tpu.memory_space<hbm>> -> memref<1024xf32, #tpu.memory_space<hbm>>
      %dma_start3A_532 = arith.constant 0 : i32
      %dma_start3A_533 = tpu.memref_slice %arg12[%dma_start3A_521, %dma_start3A_532] : memref<16x1024xf32, #tpu.memory_space<vmem>> -> memref<1x1024xf32, #tpu.memory_space<vmem>>
      %dma_start3A_534 = tpu.memref_squeeze %dma_start3A_533 : memref<1x1024xf32, #tpu.memory_space<vmem>> -> memref<1024xf32, #tpu.memory_space<vmem>>
      tpu.enqueue_dma source(%dma_start3A_534 : memref<1024xf32, #tpu.memory_space<vmem>>) target(%dma_start3A_531 : memref<1024xf32, #tpu.memory_space<hbm>>) target_semaphore(%arg16 : memref<!tpu.dma_semaphore, #tpu.memory_space<semaphore_mem>>)
      %mul3A_535 = arith.constant 2 : i32
      %mul3A_536 = arith.muli %select_n3A_441, %mul3A_535 : i32
      %add3A_537 = arith.constant 0 : i32
      %add3A_538 = arith.addi %mul3A_536, %add3A_537 : i32
      %dma_start3A_539 = arith.constant 5 : i32
      %dma_start3A_540 = arith.constant 5 : i32
      %dma_start3A_541 = arith.constant 0 : i32
      %dma_start3A_542 = tpu.memref_slice %arg12[%dma_start3A_539, %dma_start3A_541] : memref<16x1024xf32, #tpu.memory_space<vmem>> -> memref<1x1024xf32, #tpu.memory_space<vmem>>
      %dma_start3A_543 = tpu.memref_squeeze %dma_start3A_542 : memref<1x1024xf32, #tpu.memory_space<vmem>> -> memref<1024xf32, #tpu.memory_space<vmem>>
      %dma_start3A_544 = arith.constant 0 : i32
      %dma_start3A_545 = tpu.memref_slice %arg6[%add3A_538, %dma_start3A_540, %add3A_444, %dma_start3A_544] : memref<50x8x128x1024xf32, #tpu.memory_space<hbm>> -> memref<1x1x1x1024xf32, #tpu.memory_space<hbm>>
      %dma_start3A_546 = tpu.memref_squeeze %dma_start3A_545 : memref<1x1x1x1024xf32, #tpu.memory_space<hbm>> -> memref<1024xf32, #tpu.memory_space<hbm>>
      %dma_start3A_547 = arith.constant 0 : i32
      %dma_start3A_548 = tpu.memref_slice %arg6[%add3A_538, %dma_start3A_540, %add3A_444, %dma_start3A_547] : memref<50x8x128x1024xf32, #tpu.memory_space<hbm>> -> memref<1x1x1x1024xf32, #tpu.memory_space<hbm>>
      %dma_start3A_549 = tpu.memref_squeeze %dma_start3A_548 : memref<1x1x1x1024xf32, #tpu.memory_space<hbm>> -> memref<1024xf32, #tpu.memory_space<hbm>>
      %dma_start3A_550 = arith.constant 0 : i32
      %dma_start3A_551 = tpu.memref_slice %arg12[%dma_start3A_539, %dma_start3A_550] : memref<16x1024xf32, #tpu.memory_space<vmem>> -> memref<1x1024xf32, #tpu.memory_space<vmem>>
      %dma_start3A_552 = tpu.memref_squeeze %dma_start3A_551 : memref<1x1024xf32, #tpu.memory_space<vmem>> -> memref<1024xf32, #tpu.memory_space<vmem>>
      tpu.enqueue_dma source(%dma_start3A_552 : memref<1024xf32, #tpu.memory_space<vmem>>) target(%dma_start3A_549 : memref<1024xf32, #tpu.memory_space<hbm>>) target_semaphore(%arg16 : memref<!tpu.dma_semaphore, #tpu.memory_space<semaphore_mem>>)
      %mul3A_553 = arith.constant 2 : i32
      %mul3A_554 = arith.muli %select_n3A_441, %mul3A_553 : i32
      %add3A_555 = arith.constant 0 : i32
      %add3A_556 = arith.addi %mul3A_554, %add3A_555 : i32
      %dma_start3A_557 = arith.constant 6 : i32
      %dma_start3A_558 = arith.constant 6 : i32
      %dma_start3A_559 = arith.constant 0 : i32
      %dma_start3A_560 = tpu.memref_slice %arg12[%dma_start3A_557, %dma_start3A_559] : memref<16x1024xf32, #tpu.memory_space<vmem>> -> memref<1x1024xf32, #tpu.memory_space<vmem>>
      %dma_start3A_561 = tpu.memref_squeeze %dma_start3A_560 : memref<1x1024xf32, #tpu.memory_space<vmem>> -> memref<1024xf32, #tpu.memory_space<vmem>>
      %dma_start3A_562 = arith.constant 0 : i32
      %dma_start3A_563 = tpu.memref_slice %arg6[%add3A_556, %dma_start3A_558, %add3A_444, %dma_start3A_562] : memref<50x8x128x1024xf32, #tpu.memory_space<hbm>> -> memref<1x1x1x1024xf32, #tpu.memory_space<hbm>>
      %dma_start3A_564 = tpu.memref_squeeze %dma_start3A_563 : memref<1x1x1x1024xf32, #tpu.memory_space<hbm>> -> memref<1024xf32, #tpu.memory_space<hbm>>
      %dma_start3A_565 = arith.constant 0 : i32
      %dma_start3A_566 = tpu.memref_slice %arg6[%add3A_556, %dma_start3A_558, %add3A_444, %dma_start3A_565] : memref<50x8x128x1024xf32, #tpu.memory_space<hbm>> -> memref<1x1x1x1024xf32, #tpu.memory_space<hbm>>
      %dma_start3A_567 = tpu.memref_squeeze %dma_start3A_566 : memref<1x1x1x1024xf32, #tpu.memory_space<hbm>> -> memref<1024xf32, #tpu.memory_space<hbm>>
      %dma_start3A_568 = arith.constant 0 : i32
      %dma_start3A_569 = tpu.memref_slice %arg12[%dma_start3A_557, %dma_start3A_568] : memref<16x1024xf32, #tpu.memory_space<vmem>> -> memref<1x1024xf32, #tpu.memory_space<vmem>>
      %dma_start3A_570 = tpu.memref_squeeze %dma_start3A_569 : memref<1x1024xf32, #tpu.memory_space<vmem>> -> memref<1024xf32, #tpu.memory_space<vmem>>
      tpu.enqueue_dma source(%dma_start3A_570 : memref<1024xf32, #tpu.memory_space<vmem>>) target(%dma_start3A_567 : memref<1024xf32, #tpu.memory_space<hbm>>) target_semaphore(%arg16 : memref<!tpu.dma_semaphore, #tpu.memory_space<semaphore_mem>>)
      %mul3A_571 = arith.constant 2 : i32
      %mul3A_572 = arith.muli %select_n3A_441, %mul3A_571 : i32
      %add3A_573 = arith.constant 0 : i32
      %add3A_574 = arith.addi %mul3A_572, %add3A_573 : i32
      %dma_start3A_575 = arith.constant 7 : i32
      %dma_start3A_576 = arith.constant 7 : i32
      %dma_start3A_577 = arith.constant 0 : i32
      %dma_start3A_578 = tpu.memref_slice %arg12[%dma_start3A_575, %dma_start3A_577] : memref<16x1024xf32, #tpu.memory_space<vmem>> -> memref<1x1024xf32, #tpu.memory_space<vmem>>
      %dma_start3A_579 = tpu.memref_squeeze %dma_start3A_578 : memref<1x1024xf32, #tpu.memory_space<vmem>> -> memref<1024xf32, #tpu.memory_space<vmem>>
      %dma_start3A_580 = arith.constant 0 : i32
      %dma_start3A_581 = tpu.memref_slice %arg6[%add3A_574, %dma_start3A_576, %add3A_444, %dma_start3A_580] : memref<50x8x128x1024xf32, #tpu.memory_space<hbm>> -> memref<1x1x1x1024xf32, #tpu.memory_space<hbm>>
      %dma_start3A_582 = tpu.memref_squeeze %dma_start3A_581 : memref<1x1x1x1024xf32, #tpu.memory_space<hbm>> -> memref<1024xf32, #tpu.memory_space<hbm>>
      %dma_start3A_583 = arith.constant 0 : i32
      %dma_start3A_584 = tpu.memref_slice %arg6[%add3A_574, %dma_start3A_576, %add3A_444, %dma_start3A_583] : memref<50x8x128x1024xf32, #tpu.memory_space<hbm>> -> memref<1x1x1x1024xf32, #tpu.memory_space<hbm>>
      %dma_start3A_585 = tpu.memref_squeeze %dma_start3A_584 : memref<1x1x1x1024xf32, #tpu.memory_space<hbm>> -> memref<1024xf32, #tpu.memory_space<hbm>>
      %dma_start3A_586 = arith.constant 0 : i32
      %dma_start3A_587 = tpu.memref_slice %arg12[%dma_start3A_575, %dma_start3A_586] : memref<16x1024xf32, #tpu.memory_space<vmem>> -> memref<1x1024xf32, #tpu.memory_space<vmem>>
      %dma_start3A_588 = tpu.memref_squeeze %dma_start3A_587 : memref<1x1024xf32, #tpu.memory_space<vmem>> -> memref<1024xf32, #tpu.memory_space<vmem>>
      tpu.enqueue_dma source(%dma_start3A_588 : memref<1024xf32, #tpu.memory_space<vmem>>) target(%dma_start3A_585 : memref<1024xf32, #tpu.memory_space<hbm>>) target_semaphore(%arg16 : memref<!tpu.dma_semaphore, #tpu.memory_space<semaphore_mem>>)
      %mul3A_589 = arith.constant 2 : i32
      %mul3A_590 = arith.muli %select_n3A_441, %mul3A_589 : i32
      %add3A_591 = arith.constant 1 : i32
      %add3A_592 = arith.addi %mul3A_590, %add3A_591 : i32
      %dma_start3A_593 = arith.constant 8 : i32
      %dma_start3A_594 = arith.constant 0 : i32
      %dma_start3A_595 = arith.constant 0 : i32
      %dma_start3A_596 = tpu.memref_slice %arg12[%dma_start3A_593, %dma_start3A_595] : memref<16x1024xf32, #tpu.memory_space<vmem>> -> memref<1x1024xf32, #tpu.memory_space<vmem>>
      %dma_start3A_597 = tpu.memref_squeeze %dma_start3A_596 : memref<1x1024xf32, #tpu.memory_space<vmem>> -> memref<1024xf32, #tpu.memory_space<vmem>>
      %dma_start3A_598 = arith.constant 0 : i32
      %dma_start3A_599 = tpu.memref_slice %arg6[%add3A_592, %dma_start3A_594, %add3A_444, %dma_start3A_598] : memref<50x8x128x1024xf32, #tpu.memory_space<hbm>> -> memref<1x1x1x1024xf32, #tpu.memory_space<hbm>>
      %dma_start3A_600 = tpu.memref_squeeze %dma_start3A_599 : memref<1x1x1x1024xf32, #tpu.memory_space<hbm>> -> memref<1024xf32, #tpu.memory_space<hbm>>
      %dma_start3A_601 = arith.constant 0 : i32
      %dma_start3A_602 = tpu.memref_slice %arg6[%add3A_592, %dma_start3A_594, %add3A_444, %dma_start3A_601] : memref<50x8x128x1024xf32, #tpu.memory_space<hbm>> -> memref<1x1x1x1024xf32, #tpu.memory_space<hbm>>
      %dma_start3A_603 = tpu.memref_squeeze %dma_start3A_602 : memref<1x1x1x1024xf32, #tpu.memory_space<hbm>> -> memref<1024xf32, #tpu.memory_space<hbm>>
      %dma_start3A_604 = arith.constant 0 : i32
      %dma_start3A_605 = tpu.memref_slice %arg12[%dma_start3A_593, %dma_start3A_604] : memref<16x1024xf32, #tpu.memory_space<vmem>> -> memref<1x1024xf32, #tpu.memory_space<vmem>>
      %dma_start3A_606 = tpu.memref_squeeze %dma_start3A_605 : memref<1x1024xf32, #tpu.memory_space<vmem>> -> memref<1024xf32, #tpu.memory_space<vmem>>
      tpu.enqueue_dma source(%dma_start3A_606 : memref<1024xf32, #tpu.memory_space<vmem>>) target(%dma_start3A_603 : memref<1024xf32, #tpu.memory_space<hbm>>) target_semaphore(%arg16 : memref<!tpu.dma_semaphore, #tpu.memory_space<semaphore_mem>>)
      %mul3A_607 = arith.constant 2 : i32
      %mul3A_608 = arith.muli %select_n3A_441, %mul3A_607 : i32
      %add3A_609 = arith.constant 1 : i32
      %add3A_610 = arith.addi %mul3A_608, %add3A_609 : i32
      %dma_start3A_611 = arith.constant 9 : i32
      %dma_start3A_612 = arith.constant 1 : i32
      %dma_start3A_613 = arith.constant 0 : i32
      %dma_start3A_614 = tpu.memref_slice %arg12[%dma_start3A_611, %dma_start3A_613] : memref<16x1024xf32, #tpu.memory_space<vmem>> -> memref<1x1024xf32, #tpu.memory_space<vmem>>
      %dma_start3A_615 = tpu.memref_squeeze %dma_start3A_614 : memref<1x1024xf32, #tpu.memory_space<vmem>> -> memref<1024xf32, #tpu.memory_space<vmem>>
      %dma_start3A_616 = arith.constant 0 : i32
      %dma_start3A_617 = tpu.memref_slice %arg6[%add3A_610, %dma_start3A_612, %add3A_444, %dma_start3A_616] : memref<50x8x128x1024xf32, #tpu.memory_space<hbm>> -> memref<1x1x1x1024xf32, #tpu.memory_space<hbm>>
      %dma_start3A_618 = tpu.memref_squeeze %dma_start3A_617 : memref<1x1x1x1024xf32, #tpu.memory_space<hbm>> -> memref<1024xf32, #tpu.memory_space<hbm>>
      %dma_start3A_619 = arith.constant 0 : i32
      %dma_start3A_620 = tpu.memref_slice %arg6[%add3A_610, %dma_start3A_612, %add3A_444, %dma_start3A_619] : memref<50x8x128x1024xf32, #tpu.memory_space<hbm>> -> memref<1x1x1x1024xf32, #tpu.memory_space<hbm>>
      %dma_start3A_621 = tpu.memref_squeeze %dma_start3A_620 : memref<1x1x1x1024xf32, #tpu.memory_space<hbm>> -> memref<1024xf32, #tpu.memory_space<hbm>>
      %dma_start3A_622 = arith.constant 0 : i32
      %dma_start3A_623 = tpu.memref_slice %arg12[%dma_start3A_611, %dma_start3A_622] : memref<16x1024xf32, #tpu.memory_space<vmem>> -> memref<1x1024xf32, #tpu.memory_space<vmem>>
      %dma_start3A_624 = tpu.memref_squeeze %dma_start3A_623 : memref<1x1024xf32, #tpu.memory_space<vmem>> -> memref<1024xf32, #tpu.memory_space<vmem>>
      tpu.enqueue_dma source(%dma_start3A_624 : memref<1024xf32, #tpu.memory_space<vmem>>) target(%dma_start3A_621 : memref<1024xf32, #tpu.memory_space<hbm>>) target_semaphore(%arg16 : memref<!tpu.dma_semaphore, #tpu.memory_space<semaphore_mem>>)
      %mul3A_625 = arith.constant 2 : i32
      %mul3A_626 = arith.muli %select_n3A_441, %mul3A_625 : i32
      %add3A_627 = arith.constant 1 : i32
      %add3A_628 = arith.addi %mul3A_626, %add3A_627 : i32
      %dma_start3A_629 = arith.constant 10 : i32
      %dma_start3A_630 = arith.constant 2 : i32
      %dma_start3A_631 = arith.constant 0 : i32
      %dma_start3A_632 = tpu.memref_slice %arg12[%dma_start3A_629, %dma_start3A_631] : memref<16x1024xf32, #tpu.memory_space<vmem>> -> memref<1x1024xf32, #tpu.memory_space<vmem>>
      %dma_start3A_633 = tpu.memref_squeeze %dma_start3A_632 : memref<1x1024xf32, #tpu.memory_space<vmem>> -> memref<1024xf32, #tpu.memory_space<vmem>>
      %dma_start3A_634 = arith.constant 0 : i32
      %dma_start3A_635 = tpu.memref_slice %arg6[%add3A_628, %dma_start3A_630, %add3A_444, %dma_start3A_634] : memref<50x8x128x1024xf32, #tpu.memory_space<hbm>> -> memref<1x1x1x1024xf32, #tpu.memory_space<hbm>>
      %dma_start3A_636 = tpu.memref_squeeze %dma_start3A_635 : memref<1x1x1x1024xf32, #tpu.memory_space<hbm>> -> memref<1024xf32, #tpu.memory_space<hbm>>
      %dma_start3A_637 = arith.constant 0 : i32
      %dma_start3A_638 = tpu.memref_slice %arg6[%add3A_628, %dma_start3A_630, %add3A_444, %dma_start3A_637] : memref<50x8x128x1024xf32, #tpu.memory_space<hbm>> -> memref<1x1x1x1024xf32, #tpu.memory_space<hbm>>
      %dma_start3A_639 = tpu.memref_squeeze %dma_start3A_638 : memref<1x1x1x1024xf32, #tpu.memory_space<hbm>> -> memref<1024xf32, #tpu.memory_space<hbm>>
      %dma_start3A_640 = arith.constant 0 : i32
      %dma_start3A_641 = tpu.memref_slice %arg12[%dma_start3A_629, %dma_start3A_640] : memref<16x1024xf32, #tpu.memory_space<vmem>> -> memref<1x1024xf32, #tpu.memory_space<vmem>>
      %dma_start3A_642 = tpu.memref_squeeze %dma_start3A_641 : memref<1x1024xf32, #tpu.memory_space<vmem>> -> memref<1024xf32, #tpu.memory_space<vmem>>
      tpu.enqueue_dma source(%dma_start3A_642 : memref<1024xf32, #tpu.memory_space<vmem>>) target(%dma_start3A_639 : memref<1024xf32, #tpu.memory_space<hbm>>) target_semaphore(%arg16 : memref<!tpu.dma_semaphore, #tpu.memory_space<semaphore_mem>>)
      %mul3A_643 = arith.constant 2 : i32
      %mul3A_644 = arith.muli %select_n3A_441, %mul3A_643 : i32
      %add3A_645 = arith.constant 1 : i32
      %add3A_646 = arith.addi %mul3A_644, %add3A_645 : i32
      %dma_start3A_647 = arith.constant 11 : i32
      %dma_start3A_648 = arith.constant 3 : i32
      %dma_start3A_649 = arith.constant 0 : i32
      %dma_start3A_650 = tpu.memref_slice %arg12[%dma_start3A_647, %dma_start3A_649] : memref<16x1024xf32, #tpu.memory_space<vmem>> -> memref<1x1024xf32, #tpu.memory_space<vmem>>
      %dma_start3A_651 = tpu.memref_squeeze %dma_start3A_650 : memref<1x1024xf32, #tpu.memory_space<vmem>> -> memref<1024xf32, #tpu.memory_space<vmem>>
      %dma_start3A_652 = arith.constant 0 : i32
      %dma_start3A_653 = tpu.memref_slice %arg6[%add3A_646, %dma_start3A_648, %add3A_444, %dma_start3A_652] : memref<50x8x128x1024xf32, #tpu.memory_space<hbm>> -> memref<1x1x1x1024xf32, #tpu.memory_space<hbm>>
      %dma_start3A_654 = tpu.memref_squeeze %dma_start3A_653 : memref<1x1x1x1024xf32, #tpu.memory_space<hbm>> -> memref<1024xf32, #tpu.memory_space<hbm>>
      %dma_start3A_655 = arith.constant 0 : i32
      %dma_start3A_656 = tpu.memref_slice %arg6[%add3A_646, %dma_start3A_648, %add3A_444, %dma_start3A_655] : memref<50x8x128x1024xf32, #tpu.memory_space<hbm>> -> memref<1x1x1x1024xf32, #tpu.memory_space<hbm>>
      %dma_start3A_657 = tpu.memref_squeeze %dma_start3A_656 : memref<1x1x1x1024xf32, #tpu.memory_space<hbm>> -> memref<1024xf32, #tpu.memory_space<hbm>>
      %dma_start3A_658 = arith.constant 0 : i32
      %dma_start3A_659 = tpu.memref_slice %arg12[%dma_start3A_647, %dma_start3A_658] : memref<16x1024xf32, #tpu.memory_space<vmem>> -> memref<1x1024xf32, #tpu.memory_space<vmem>>
      %dma_start3A_660 = tpu.memref_squeeze %dma_start3A_659 : memref<1x1024xf32, #tpu.memory_space<vmem>> -> memref<1024xf32, #tpu.memory_space<vmem>>
      tpu.enqueue_dma source(%dma_start3A_660 : memref<1024xf32, #tpu.memory_space<vmem>>) target(%dma_start3A_657 : memref<1024xf32, #tpu.memory_space<hbm>>) target_semaphore(%arg16 : memref<!tpu.dma_semaphore, #tpu.memory_space<semaphore_mem>>)
      %mul3A_661 = arith.constant 2 : i32
      %mul3A_662 = arith.muli %select_n3A_441, %mul3A_661 : i32
      %add3A_663 = arith.constant 1 : i32
      %add3A_664 = arith.addi %mul3A_662, %add3A_663 : i32
      %dma_start3A_665 = arith.constant 12 : i32
      %dma_start3A_666 = arith.constant 4 : i32
      %dma_start3A_667 = arith.constant 0 : i32
      %dma_start3A_668 = tpu.memref_slice %arg12[%dma_start3A_665, %dma_start3A_667] : memref<16x1024xf32, #tpu.memory_space<vmem>> -> memref<1x1024xf32, #tpu.memory_space<vmem>>
      %dma_start3A_669 = tpu.memref_squeeze %dma_start3A_668 : memref<1x1024xf32, #tpu.memory_space<vmem>> -> memref<1024xf32, #tpu.memory_space<vmem>>
      %dma_start3A_670 = arith.constant 0 : i32
      %dma_start3A_671 = tpu.memref_slice %arg6[%add3A_664, %dma_start3A_666, %add3A_444, %dma_start3A_670] : memref<50x8x128x1024xf32, #tpu.memory_space<hbm>> -> memref<1x1x1x1024xf32, #tpu.memory_space<hbm>>
      %dma_start3A_672 = tpu.memref_squeeze %dma_start3A_671 : memref<1x1x1x1024xf32, #tpu.memory_space<hbm>> -> memref<1024xf32, #tpu.memory_space<hbm>>
      %dma_start3A_673 = arith.constant 0 : i32
      %dma_start3A_674 = tpu.memref_slice %arg6[%add3A_664, %dma_start3A_666, %add3A_444, %dma_start3A_673] : memref<50x8x128x1024xf32, #tpu.memory_space<hbm>> -> memref<1x1x1x1024xf32, #tpu.memory_space<hbm>>
      %dma_start3A_675 = tpu.memref_squeeze %dma_start3A_674 : memref<1x1x1x1024xf32, #tpu.memory_space<hbm>> -> memref<1024xf32, #tpu.memory_space<hbm>>
      %dma_start3A_676 = arith.constant 0 : i32
      %dma_start3A_677 = tpu.memref_slice %arg12[%dma_start3A_665, %dma_start3A_676] : memref<16x1024xf32, #tpu.memory_space<vmem>> -> memref<1x1024xf32, #tpu.memory_space<vmem>>
      %dma_start3A_678 = tpu.memref_squeeze %dma_start3A_677 : memref<1x1024xf32, #tpu.memory_space<vmem>> -> memref<1024xf32, #tpu.memory_space<vmem>>
      tpu.enqueue_dma source(%dma_start3A_678 : memref<1024xf32, #tpu.memory_space<vmem>>) target(%dma_start3A_675 : memref<1024xf32, #tpu.memory_space<hbm>>) target_semaphore(%arg16 : memref<!tpu.dma_semaphore, #tpu.memory_space<semaphore_mem>>)
      %mul3A_679 = arith.constant 2 : i32
      %mul3A_680 = arith.muli %select_n3A_441, %mul3A_679 : i32
      %add3A_681 = arith.constant 1 : i32
      %add3A_682 = arith.addi %mul3A_680, %add3A_681 : i32
      %dma_start3A_683 = arith.constant 13 : i32
      %dma_start3A_684 = arith.constant 5 : i32
      %dma_start3A_685 = arith.constant 0 : i32
      %dma_start3A_686 = tpu.memref_slice %arg12[%dma_start3A_683, %dma_start3A_685] : memref<16x1024xf32, #tpu.memory_space<vmem>> -> memref<1x1024xf32, #tpu.memory_space<vmem>>
      %dma_start3A_687 = tpu.memref_squeeze %dma_start3A_686 : memref<1x1024xf32, #tpu.memory_space<vmem>> -> memref<1024xf32, #tpu.memory_space<vmem>>
      %dma_start3A_688 = arith.constant 0 : i32
      %dma_start3A_689 = tpu.memref_slice %arg6[%add3A_682, %dma_start3A_684, %add3A_444, %dma_start3A_688] : memref<50x8x128x1024xf32, #tpu.memory_space<hbm>> -> memref<1x1x1x1024xf32, #tpu.memory_space<hbm>>
      %dma_start3A_690 = tpu.memref_squeeze %dma_start3A_689 : memref<1x1x1x1024xf32, #tpu.memory_space<hbm>> -> memref<1024xf32, #tpu.memory_space<hbm>>
      %dma_start3A_691 = arith.constant 0 : i32
      %dma_start3A_692 = tpu.memref_slice %arg6[%add3A_682, %dma_start3A_684, %add3A_444, %dma_start3A_691] : memref<50x8x128x1024xf32, #tpu.memory_space<hbm>> -> memref<1x1x1x1024xf32, #tpu.memory_space<hbm>>
      %dma_start3A_693 = tpu.memref_squeeze %dma_start3A_692 : memref<1x1x1x1024xf32, #tpu.memory_space<hbm>> -> memref<1024xf32, #tpu.memory_space<hbm>>
      %dma_start3A_694 = arith.constant 0 : i32
      %dma_start3A_695 = tpu.memref_slice %arg12[%dma_start3A_683, %dma_start3A_694] : memref<16x1024xf32, #tpu.memory_space<vmem>> -> memref<1x1024xf32, #tpu.memory_space<vmem>>
      %dma_start3A_696 = tpu.memref_squeeze %dma_start3A_695 : memref<1x1024xf32, #tpu.memory_space<vmem>> -> memref<1024xf32, #tpu.memory_space<vmem>>
      tpu.enqueue_dma source(%dma_start3A_696 : memref<1024xf32, #tpu.memory_space<vmem>>) target(%dma_start3A_693 : memref<1024xf32, #tpu.memory_space<hbm>>) target_semaphore(%arg16 : memref<!tpu.dma_semaphore, #tpu.memory_space<semaphore_mem>>)
      %mul3A_697 = arith.constant 2 : i32
      %mul3A_698 = arith.muli %select_n3A_441, %mul3A_697 : i32
      %add3A_699 = arith.constant 1 : i32
      %add3A_700 = arith.addi %mul3A_698, %add3A_699 : i32
      %dma_start3A_701 = arith.constant 14 : i32
      %dma_start3A_702 = arith.constant 6 : i32
      %dma_start3A_703 = arith.constant 0 : i32
      %dma_start3A_704 = tpu.memref_slice %arg12[%dma_start3A_701, %dma_start3A_703] : memref<16x1024xf32, #tpu.memory_space<vmem>> -> memref<1x1024xf32, #tpu.memory_space<vmem>>
      %dma_start3A_705 = tpu.memref_squeeze %dma_start3A_704 : memref<1x1024xf32, #tpu.memory_space<vmem>> -> memref<1024xf32, #tpu.memory_space<vmem>>
      %dma_start3A_706 = arith.constant 0 : i32
      %dma_start3A_707 = tpu.memref_slice %arg6[%add3A_700, %dma_start3A_702, %add3A_444, %dma_start3A_706] : memref<50x8x128x1024xf32, #tpu.memory_space<hbm>> -> memref<1x1x1x1024xf32, #tpu.memory_space<hbm>>
      %dma_start3A_708 = tpu.memref_squeeze %dma_start3A_707 : memref<1x1x1x1024xf32, #tpu.memory_space<hbm>> -> memref<1024xf32, #tpu.memory_space<hbm>>
      %dma_start3A_709 = arith.constant 0 : i32
      %dma_start3A_710 = tpu.memref_slice %arg6[%add3A_700, %dma_start3A_702, %add3A_444, %dma_start3A_709] : memref<50x8x128x1024xf32, #tpu.memory_space<hbm>> -> memref<1x1x1x1024xf32, #tpu.memory_space<hbm>>
      %dma_start3A_711 = tpu.memref_squeeze %dma_start3A_710 : memref<1x1x1x1024xf32, #tpu.memory_space<hbm>> -> memref<1024xf32, #tpu.memory_space<hbm>>
      %dma_start3A_712 = arith.constant 0 : i32
      %dma_start3A_713 = tpu.memref_slice %arg12[%dma_start3A_701, %dma_start3A_712] : memref<16x1024xf32, #tpu.memory_space<vmem>> -> memref<1x1024xf32, #tpu.memory_space<vmem>>
      %dma_start3A_714 = tpu.memref_squeeze %dma_start3A_713 : memref<1x1024xf32, #tpu.memory_space<vmem>> -> memref<1024xf32, #tpu.memory_space<vmem>>
      tpu.enqueue_dma source(%dma_start3A_714 : memref<1024xf32, #tpu.memory_space<vmem>>) target(%dma_start3A_711 : memref<1024xf32, #tpu.memory_space<hbm>>) target_semaphore(%arg16 : memref<!tpu.dma_semaphore, #tpu.memory_space<semaphore_mem>>)
      %mul3A_715 = arith.constant 2 : i32
      %mul3A_716 = arith.muli %select_n3A_441, %mul3A_715 : i32
      %add3A_717 = arith.constant 1 : i32
      %add3A_718 = arith.addi %mul3A_716, %add3A_717 : i32
      %dma_start3A_719 = arith.constant 15 : i32
      %dma_start3A_720 = arith.constant 7 : i32
      %dma_start3A_721 = arith.constant 0 : i32
      %dma_start3A_722 = tpu.memref_slice %arg12[%dma_start3A_719, %dma_start3A_721] : memref<16x1024xf32, #tpu.memory_space<vmem>> -> memref<1x1024xf32, #tpu.memory_space<vmem>>
      %dma_start3A_723 = tpu.memref_squeeze %dma_start3A_722 : memref<1x1024xf32, #tpu.memory_space<vmem>> -> memref<1024xf32, #tpu.memory_space<vmem>>
      %dma_start3A_724 = arith.constant 0 : i32
      %dma_start3A_725 = tpu.memref_slice %arg6[%add3A_718, %dma_start3A_720, %add3A_444, %dma_start3A_724] : memref<50x8x128x1024xf32, #tpu.memory_space<hbm>> -> memref<1x1x1x1024xf32, #tpu.memory_space<hbm>>
      %dma_start3A_726 = tpu.memref_squeeze %dma_start3A_725 : memref<1x1x1x1024xf32, #tpu.memory_space<hbm>> -> memref<1024xf32, #tpu.memory_space<hbm>>
      %dma_start3A_727 = arith.constant 0 : i32
      %dma_start3A_728 = tpu.memref_slice %arg6[%add3A_718, %dma_start3A_720, %add3A_444, %dma_start3A_727] : memref<50x8x128x1024xf32, #tpu.memory_space<hbm>> -> memref<1x1x1x1024xf32, #tpu.memory_space<hbm>>
      %dma_start3A_729 = tpu.memref_squeeze %dma_start3A_728 : memref<1x1x1x1024xf32, #tpu.memory_space<hbm>> -> memref<1024xf32, #tpu.memory_space<hbm>>
      %dma_start3A_730 = arith.constant 0 : i32
      %dma_start3A_731 = tpu.memref_slice %arg12[%dma_start3A_719, %dma_start3A_730] : memref<16x1024xf32, #tpu.memory_space<vmem>> -> memref<1x1024xf32, #tpu.memory_space<vmem>>
      %dma_start3A_732 = tpu.memref_squeeze %dma_start3A_731 : memref<1x1024xf32, #tpu.memory_space<vmem>> -> memref<1024xf32, #tpu.memory_space<vmem>>
      tpu.enqueue_dma source(%dma_start3A_732 : memref<1024xf32, #tpu.memory_space<vmem>>) target(%dma_start3A_729 : memref<1024xf32, #tpu.memory_space<hbm>>) target_semaphore(%arg16 : memref<!tpu.dma_semaphore, #tpu.memory_space<semaphore_mem>>)
    }
    %scan3A_13 = arith.constant 50 : i32
    %dma_wait3A = arith.constant 0 : i32
    %dma_wait3A_14 = arith.constant 0 : i32
    %dma_wait3A_15 = arith.constant 0 : i32
    %dma_wait3A_16 = arith.constant 0 : i32
    %dma_wait3A_17 = tpu.memref_slice %arg6[%dma_wait3A, %dma_wait3A_14, %dma_wait3A_15, %dma_wait3A_16] : memref<50x8x128x1024xf32, #tpu.memory_space<hbm>> -> memref<1x1x16x1024xf32, #tpu.memory_space<hbm>>
    %dma_wait3A_18 = tpu.memref_squeeze %dma_wait3A_17 : memref<1x1x16x1024xf32, #tpu.memory_space<hbm>> -> memref<16x1024xf32, #tpu.memory_space<hbm>>
    %dma_wait3A_19 = arith.constant 0 : i32
    %dma_wait3A_20 = arith.constant 0 : i32
    %dma_wait3A_21 = tpu.memref_slice %arg6[%dma_wait3A, %dma_wait3A_14, %dma_wait3A_19, %dma_wait3A_20] : memref<50x8x128x1024xf32, #tpu.memory_space<hbm>> -> memref<1x1x16x1024xf32, #tpu.memory_space<hbm>>
    %dma_wait3A_22 = tpu.memref_squeeze %dma_wait3A_21 : memref<1x1x16x1024xf32, #tpu.memory_space<hbm>> -> memref<16x1024xf32, #tpu.memory_space<hbm>>
    tpu.wait_dma2 semaphore(%arg16 : memref<!tpu.dma_semaphore, #tpu.memory_space<semaphore_mem>>) src(%dma_wait3A_22 : memref<16x1024xf32, #tpu.memory_space<hbm>>) dst(%arg11 : memref<16x1024xf32, #tpu.memory_space<vmem>>)
    %dma_wait3A_23 = arith.constant 0 : i32
    %dma_wait3A_24 = arith.constant 0 : i32
    %dma_wait3A_25 = arith.constant 0 : i32
    %dma_wait3A_26 = arith.constant 0 : i32
    %dma_wait3A_27 = tpu.memref_slice %arg6[%dma_wait3A_23, %dma_wait3A_24, %dma_wait3A_25, %dma_wait3A_26] : memref<50x8x128x1024xf32, #tpu.memory_space<hbm>> -> memref<1x1x16x1024xf32, #tpu.memory_space<hbm>>
    %dma_wait3A_28 = tpu.memref_squeeze %dma_wait3A_27 : memref<1x1x16x1024xf32, #tpu.memory_space<hbm>> -> memref<16x1024xf32, #tpu.memory_space<hbm>>
    %dma_wait3A_29 = arith.constant 0 : i32
    %dma_wait3A_30 = arith.constant 0 : i32
    %dma_wait3A_31 = tpu.memref_slice %arg6[%dma_wait3A_23, %dma_wait3A_24, %dma_wait3A_29, %dma_wait3A_30] : memref<50x8x128x1024xf32, #tpu.memory_space<hbm>> -> memref<1x1x16x1024xf32, #tpu.memory_space<hbm>>
    %dma_wait3A_32 = tpu.memref_squeeze %dma_wait3A_31 : memref<1x1x16x1024xf32, #tpu.memory_space<hbm>> -> memref<16x1024xf32, #tpu.memory_space<hbm>>
    tpu.wait_dma2 semaphore(%arg16 : memref<!tpu.dma_semaphore, #tpu.memory_space<semaphore_mem>>) src(%dma_wait3A_32 : memref<16x1024xf32, #tpu.memory_space<hbm>>) dst(%arg12 : memref<16x1024xf32, #tpu.memory_space<vmem>>)
    return
  }
}

</mosaic_0001>

<sc_bundles>
// kernel: kernel.3.cloned.1.call-start
scs
__scs_entry_jumppad:
0x0: {  	(pc) =	sbr.rel $0x88, $3  }
0x1: {  	(tag) =	ssettag $0x0;
	lr =	simm.s32 $0x1  }
0x2: {  	[smem:$0x3F9D] =	sst lr;
	_ =	strace $0xD0000000  }
0x3: {  	_ = 	snop  }
0x4: {  	_ = 	snop  }
0x5: {  	_ = 	snop  }
0x6: {  	_ = 	snop  }
0x7: {  	_ = 	snop  }
__scs_overlays_trampoline_lowered:
0x8: {  	[smem:$0x3FAC] =	sst s0  }
0x9: {  	[smem:$0x3FAD] =	sst s1  }
0xa: {  	[smem:$0x3FAE] =	sst s2  }
0xb: {  	[smem:$0x3FAF] =	sst s3  }
0xc: {  	[smem:$0x3FB0] =	sst s4  }
0xd: {  	[smem:$0x3FB1] =	sst s5  }
0xe: {  	[smem:$0x3FB2] =	sst s6  }
0xf: {  	[smem:$0x3FB3] =	sst s7  }
0x10: {  	[smem:$0x3FB4] =	sst s8  }
0x11: {  	[smem:$0x3FB5] =	sst s9;
	s0 =	simm.s32 @!p0 $0x0  }
0x12: {  	s1 =	sld [smem:$0x3F9B];
	s0 =	simm.s32 @p0 $0x1  }
0x13: {  	[smem:$0x3FB6] =	sst s0;
	s0 =	simm.s32 @!p1 $0x0  }
0x14: {  	s2 =	sld [smem:$0x3F9A];
	s0 =	simm.s32 @p1 $0x1  }
0x15: {  	[smem:$0x3FB7] =	sst s0;
	s0 =	simm.s32 @!p2 $0x0  }
0x16: {  	s3 =	sld [smem:$0x3FDB];
	s0 =	simm.s32 @p2 $0x1  }
0x17: {  	s4 =	simm.s32 $0x1BF5;
	[smem:$0x3FB9] =	sst s0  }
0x18: {  	s0 =	sld [smem:$0x3F9C];
	_ =	swait.ge [sflag:s4], $0x0  }
0x19: {  	s7 =	sld [smem:$0x3F9D]  }
0x1a: {  	s8 =	sadd.s32 $0xFFFFE003, lr  }
0x1b: {  	s9 =	sadd.s32 $0xFFFFFEF7, lr;
	s5 =	simm.s32 $0xFFFFFFFF;
	p2 =	slt.u32 s8, $0xFFFFF086  }
0x1c: {  	p1 =	slt.u32 s9, $0xF7A;
	s5 =	simm.s32 @!p2 $0x0  }
0x1d: {  	s5 =	simm.s32 @p1 $0x1;
	p0 =	seq.s32 s7, s2  }
0x1e: {  	s7 =	smul.u32 @!p0 $0xF7A, s2;
	p2 =	seq.s32 @!p0 s5, $0x0  }
0x1f: {  	s9 =	smul.u32 $0xF7A, s1;
	s8 =	simm.s32 @!p0 $0x1BF5;
	p2 =	por !p2, p0  }
0x20: {  	[sflag:s8] =	ssyncset.s32 @!p0 $0xFFFFF086;
	s6 =	sadd.s32 @!p0 s3, s7;
	s7 =	simm.s32 @!p0 $0x108  }
0x21: {  	s3 =	sadd.s32 s3, s9;
	s6 =	sadd.s32 @!p0 $0x88, s6;
	s7 =	simm.s32 @p2 $0x1082  }
0x22: {  	[simem:s7], [sflag:s8] =	dma.local @!p0 [hbm:s6], $0xF7A  }
0x23: {  	s9 =	sor.u32 $0xD0000000, s2;
	s6 =	simm.s32 $0x108;
	_ =	swait.ge @!p0 [sflag:s8], $0x0  }
0x24: {  	s3 =	sadd.s32 $0x88, s3;
	s6 =	simm.s32 @!p1 $0x1082;
	[sflag:s4] =	ssyncset.s32 $0xFFFFF086  }
0x25: {  	[simem:s6], [sflag:s4] =	dma.local [hbm:s3], $0xF7A  }
0x26: {  	[smem:$0x3F9D] =	sst s1;
	(tag) =	ssettag s2;
	_ =	strace s9  }
0x27: {  	s1 =	sld [smem:$0x3FAD]  }
0x28: {  	s2 =	sld [smem:$0x3FAE]  }
0x29: {  	s4 =	sld [smem:$0x3FB0]  }
0x2a: {  	p0 =	seq.s32 s5, $0x0;
	s5 =	sld [smem:$0x3FB1]  }
0x2b: {  	s6 =	sld [smem:$0x3FB2]  }
0x2c: {  	s7 =	sld [smem:$0x3FB3]  }
0x2d: {  	s3 =	simm.s32 $0x108;
	s8 =	sld [smem:$0x3FB4]  }
0x2e: {  	s3 =	simm.s32 @!p0 $0x1082;
	s9 =	sld [smem:$0x3FB5]  }
0x2f: {  	lr =	sadd.s32 s0, s3;
	s0 =	sld [smem:$0x3FAC]  }
0x30: {  	s3 =	sld [smem:$0x3FAF]  }
0x31: {  	[smem:$0x3FB8] =	sst s10  }
0x32: {  	s10 =	sld [smem:$0x3FB6];
	_ =	sdelay $0x3  }
0x33: {  	p0 =	seq.s32 s10, $0x1;
	s10 =	sld [smem:$0x3FB8];
	_ =	sdelay $0x3  }
0x34: {  	[smem:$0x3FB8] =	sst s10  }
0x35: {  	s10 =	sld [smem:$0x3FB7];
	_ =	sdelay $0x3  }
0x36: {  	p1 =	seq.s32 s10, $0x1;
	s10 =	sld [smem:$0x3FB8];
	_ =	sdelay $0x3  }
0x37: {  	[smem:$0x3FB8] =	sst s10  }
0x38: {  	s10 =	sld [smem:$0x3FB9]  }
0x39: {  	_ = 	snop;
	(pc) =	sbr.ind lr, $3  }
0x3a: {  	_ = 	snop  }
0x3b: {  	_ = 	snop  }
0x3c: {  	p2 =	seq.s32 s10, $0x1;
	s10 =	sld [smem:$0x3FB8]  }
0x3d: {  	_ =	shalt  }
0x3e: {  	_ =	shalt  }
0x3f: {  	_ =	shalt  }
0x40: {  	_ =	shalt  }
0x41: {  	_ =	shalt  }
0x42: {  	_ =	shalt  }
0x43: {  	_ =	shalt  }
0x44: {  	_ =	shalt  }
0x45: {  	_ =	shalt  }
0x46: {  	_ =	shalt  }
0x47: {  	_ =	shalt  }
0x48: {  	_ =	shalt  }
0x49: {  	_ =	shalt  }
0x4a: {  	_ =	shalt  }
0x4b: {  	_ =	shalt  }
0x4c: {  	_ =	shalt  }
0x4d: {  	_ =	shalt  }
0x4e: {  	_ =	shalt  }
0x4f: {  	_ =	shalt  }
0x50: {  	_ =	shalt  }
0x51: {  	_ =	shalt  }
0x52: {  	_ =	shalt  }
0x53: {  	_ =	shalt  }
0x54: {  	_ =	shalt  }
0x55: {  	_ =	shalt  }
0x56: {  	_ =	shalt  }
0x57: {  	_ =	shalt  }
0x58: {  	_ =	shalt  }
0x59: {  	_ =	shalt  }
0x5a: {  	_ =	shalt  }
0x5b: {  	_ =	shalt  }
0x5c: {  	_ =	shalt  }
0x5d: {  	_ =	shalt  }
0x5e: {  	_ =	shalt  }
0x5f: {  	_ =	shalt  }
0x60: {  	_ =	shalt  }
0x61: {  	_ =	shalt  }
0x62: {  	_ =	shalt  }
0x63: {  	_ =	shalt  }
0x64: {  	_ =	shalt  }
0x65: {  	_ =	shalt  }
0x66: {  	_ =	shalt  }
0x67: {  	_ =	shalt  }
0x68: {  	_ =	shalt  }
0x69: {  	_ =	shalt  }
0x6a: {  	_ =	shalt  }
0x6b: {  	_ =	shalt  }
0x6c: {  	_ =	shalt  }
0x6d: {  	_ =	shalt  }
0x6e: {  	_ =	shalt  }
0x6f: {  	_ =	shalt  }
0x70: {  	_ =	shalt  }
0x71: {  	_ =	shalt  }
0x72: {  	_ =	shalt  }
0x73: {  	_ =	shalt  }
0x74: {  	_ =	shalt  }
0x75: {  	_ =	shalt  }
0x76: {  	_ =	shalt  }
0x77: {  	_ =	shalt  }
0x78: {  	_ =	shalt  }
0x79: {  	_ =	shalt  }
0x7a: {  	_ =	shalt  }
0x7b: {  	_ =	shalt  }
0x7c: {  	_ =	shalt  }
0x7d: {  	_ =	shalt  }
0x7e: {  	_ =	shalt  }
0x7f: {  	_ =	shalt  }
0x80: {  	_ =	shalt  }
0x81: {  	_ =	shalt  }
0x82: {  	_ =	shalt  }
0x83: {  	_ =	shalt  }
0x84: {  	_ =	shalt  }
0x85: {  	_ =	shalt  }
0x86: {  	_ =	shalt  }
0x87: {  	_ =	shalt  }
.Lfunc_end0:
.L_simem_size_0:
called_computation_lowered:
.L_overlay_start_0:
0x88: {  	s2 =	sld [smem:$0x3FD9]  }
0x89: {  	s3 =	sld [smem:$0x3FFE];
	_ =	sdelay $0x1  }
0x8a: {  	s1 =	srdreg.scid  }
0x8b: {  	s0 =	sand.u32 $0x1, s1  }
0x8c: {  	s17 =	sshll.u32 s0, $0xA;
	s2 =	sadd.s32 s3, s2  }
0x8d: {  	s2 =	sadd.s32 s2, s17  }
0x8e: {  	[smem:$0x3FC4] =	sst s2  }
0x8f: {  	_ = 	snop  }
0x90: {  	s2 =	sld [smem:$0x3FC7]  }
0x91: {  	s18 =	sld [smem:$0x3FC6]  }
0x92: {  	s4 =	sld [smem:$0x3FD0];
	(tm) =	ssettm $0x1  }
0x93: {  	s5 =	sld [smem:$0x3FFB];
	_ =	sdelay $0x3  }
0x94: {  	_ =	strace s5  }
0x95: {  	s5 =	sld [smem:$0x3FFC];
	_ =	sdelay $0x3  }
0x96: {  	_ =	strace s5  }
0x97: {  	s5 =	sld [smem:$0x3FFD];
	_ =	sdelay $0x3  }
0x98: {  	_ =	strace s5  }
0x99: {  	_ =	strace $0x8FFFFFFF  }
0x9a: {  	s19 =	sld [smem:$0x3FDB];
	_ =	sdelay $0x1  }
0x9b: {  	s6 =	simm.s32 $_scs_section_size  }
0x9c: {  	s7 =	simm.s32 $_size__tile_overlayer_lowered;
	s8 =	simm.s32 $_tile_overlayer_lowered  }
0x9d: {  	s22 =	simm.s32 $0x1BFF;
	s21 =	sshll.u32 s8, $0x1;
	s5 =	sadd.s32 s6, s19  }
0x9e: {  	s9 =	simm.s32 $0x0;
	s20 =	sshll.u32 s7, $0x1;
	s7 =	sadd.s32 s21, s5  }
0x9f: {  	[timem:s9], [sflag:s22] =	dma.local [hbm:s7], s20  }
0xa0: {  	_ =	swait.ge [sflag:s22], s20  }
0xa1: {  	s6 =	ssub.s32 $0x0, s20;
	[sflag:s22] =	ssyncset.done $0x0  }
0xa2: {  	[sflag:s22] =	ssyncadd.s32 s6;
	_ =	sdelay $0x1  }
0xa3: {  	s23 =	simm.s32 $0x1B8B  }
0xa4: {  	_ =	swait.ge [sflag:s23], $0x1  }
0xa5: {  	[sflag:s23] =	ssyncset.done $0x0  }
0xa6: {  	s25 =	simm.s32 $0x1B8E;
	s24 =	sld [smem:$0x3FFE];
	[sflag:s23] =	ssyncadd.s32 $0xFFFFFFFF  }
0xa7: {  	s26 =	simm.s32 $execute0_lowered;
	[smem:$0x3FD2] =	sst s25  }
0xa8: {  	s7 =	sshll.u32 s26, $0x1;
	_ =	strace $0x80000046;
	[dreg:$0x1] =	wrdreg $0xFFFFFFFF  }
0xa9: {  	s28 =	simm.s32 $_size_execute0_lowered;
	s5 =	sadd.s32 s5, s7;
	[dreg:$0x0] =	wrdreg $0x0  }
0xaa: {  	s7 =	sshll.u32 s28, $0x1;
	[dreg:$0x2] =	wrdreg s5  }
0xab: {  	[dreg:$0x3] =	wrdreg s7  }
0xac: {  	[dreg:$0x4] =	wrdreg $0xC0  }
0xad: {  	_ =	task [dreg:s9], $0x5FFFF  }
0xae: {  	[dreg:$0x1] =	wrdreg $0xFFFFFFFF  }
0xaf: {  	[dreg:$0x0] =	wrdreg $0x60  }
0xb0: {  	[dreg:$0x2] =	wrdreg s24  }
0xb1: {  	[dreg:$0x3] =	wrdreg s2  }
0xb2: {  	[dreg:$0x4] =	wrdreg s18  }
0xb3: {  	[dreg:$0x5] =	wrdreg s4  }
0xb4: {  	[dreg:$0x6] =	wrdreg $0x9  }
0xb5: {  	_ =	task.clear_ibuf [dreg:s9], $0x7FFFF;
	_ =	strace $0x90000046  }
0xb6: {  	s29 =	simm.s32 $0x9;
	_ =	strace $0x80000048  }
0xb7: {  	_ =	swait.ge [sflag:s29], $0x1  }
0xb8: {  	[sflag:s29] =	ssyncadd.s32 $0xFFFFFFFF  }
0xb9: {  	_ =	strace $0x90000048  }
0xba: {  	_ =	sfence  }
0xbb: {  	s30 =	sld [smem:$0x0];
	_ =	sdelay $0x2  }
0xbc: {  	s31 =	sshll.u32 s1, $0xD;
	s1 =	sshrl.u32 s1, $0x2  }
0xbd: {  	s3 =	sand.u32 $0x4000, s31;
	s1 =	sadd.s32 s1, s30  }
0xbe: {  	s0 =	sor.u32 s3, s0;
	s1 =	sshll.u32 s1, $0x11  }
0xbf: {  	s0 =	sor.u32 s1, s0  }
0xc0: {  	s0 =	sadd.s32 $0x8F2B, s0  }
0xc1: {  	[sflag:s0] =	ssyncadd.remote.s32 $0x1  }
0xc2: {  	_ =	sfence.sel $0xFFFF  }
0xc3: {  	[dreg:$0x0] =	wrdreg $0xFFFFFFFF;
	(pc) =	sbr.abs _section_cstart, $3  }
0xc4: {  	[dreg:$0x1] =	wrdreg $0xFFFFFFFF  }
0xc5: {  	_ =	task.clear_ibuf [dreg:s9], $0x2FFFF;
	_ =	strace $0x9FFFFFFF  }
0xc6: {  	(tm) =	ssettm $0x7FFFFFFF  }
0xc7: {  	_ =	shalt  }
tec
execute0_lowered:
.L_overlay_start_1:
0x0: {  	(tag) =	ssettag $0x1  }
0x1: {  	v0 =	vlaneseq.u32  }
0x2: {  	v2 =	vmul.u32 $0x40, v0;
	_ =	sdelay $0x1  }
0x3: {  	[tilespmem:$0x1FC00] =	vst v2;
	v2 =	vadd.s32 $0x1, v0  }
0x4: {  	[tilespmem:$0x1FC10] =	vst v2;
	v2 =	vadd.s32 $0x2, v0  }
0x5: {  	[tilespmem:$0x1FC20] =	vst v2;
	v2 =	vadd.s32 $0x3, v0  }
0x6: {  	[tilespmem:$0x1FC30] =	vst v2;
	v2 =	vadd.s32 $0x4, v0  }
0x7: {  	[tilespmem:$0x1FC40] =	vst v2;
	v2 =	vadd.s32 $0x5, v0  }
0x8: {  	[tilespmem:$0x1FC50] =	vst v2;
	v2 =	vadd.s32 $0x6, v0  }
0x9: {  	[tilespmem:$0x1FC60] =	vst v2;
	v2 =	vadd.s32 $0x7, v0  }
0xa: {  	[tilespmem:$0x1FC70] =	vst v2;
	v2 =	vadd.s32 $0x8, v0  }
0xb: {  	[tilespmem:$0x1FC80] =	vst v2;
	v2 =	vadd.s32 $0x9, v0  }
0xc: {  	[tilespmem:$0x1FC90] =	vst v2;
	v2 =	vadd.s32 $0xA, v0  }
0xd: {  	[tilespmem:$0x1FCA0] =	vst v2;
	v2 =	vadd.s32 $0xB, v0  }
0xe: {  	[tilespmem:$0x1FCB0] =	vst v2;
	v2 =	vadd.s32 $0xC, v0  }
0xf: {  	[tilespmem:$0x1FCC0] =	vst v2;
	v2 =	vadd.s32 $0xD, v0  }
0x10: {  	[tilespmem:$0x1FCD0] =	vst v2;
	v2 =	vadd.s32 $0xE, v0  }
0x11: {  	[tilespmem:$0x1FCE0] =	vst v2;
	v2 =	vadd.s32 $0xF, v0  }
0x12: {  	[tilespmem:$0x1FCF0] =	vst v2;
	v2 =	vor.u32 $0x10, v0  }
0x13: {  	[tilespmem:$0x1FD00] =	vst v2;
	v2 =	vadd.s32 $0x11, v0  }
0x14: {  	[tilespmem:$0x1FD10] =	vst v2;
	v2 =	vadd.s32 $0x12, v0  }
0x15: {  	[tilespmem:$0x1FD20] =	vst v2;
	v2 =	vadd.s32 $0x13, v0  }
0x16: {  	[tilespmem:$0x1FD30] =	vst v2;
	v2 =	vadd.s32 $0x14, v0  }
0x17: {  	[tilespmem:$0x1FD40] =	vst v2;
	v2 =	vadd.s32 $0x15, v0  }
0x18: {  	[tilespmem:$0x1FD50] =	vst v2;
	v2 =	vadd.s32 $0x16, v0  }
0x19: {  	[tilespmem:$0x1FD60] =	vst v2;
	v2 =	vadd.s32 $0x17, v0  }
0x1a: {  	[tilespmem:$0x1FD70] =	vst v2;
	v2 =	vadd.s32 $0x18, v0  }
0x1b: {  	[tilespmem:$0x1FD80] =	vst v2;
	v2 =	vadd.s32 $0x19, v0  }
0x1c: {  	[tilespmem:$0x1FD90] =	vst v2;
	v2 =	vadd.s32 $0x1A, v0  }
0x1d: {  	[tilespmem:$0x1FDA0] =	vst v2;
	v2 =	vadd.s32 $0x1B, v0  }
0x1e: {  	[tilespmem:$0x1FDB0] =	vst v2;
	v2 =	vadd.s32 $0x1C, v0  }
0x1f: {  	[tilespmem:$0x1FDC0] =	vst v2;
	v2 =	vadd.s32 $0x1D, v0  }
0x20: {  	[tilespmem:$0x1FDD0] =	vst v2;
	v2 =	vadd.s32 $0x1E, v0  }
0x21: {  	[tilespmem:$0x1FDE0] =	vst v2;
	v2 =	vadd.s32 $0x1F, v0  }
0x22: {  	v3 =	vimm.s32 $0x38373635;
	vm0 =	vcmask $0x1F10;
	[tilespmem:$0x1FDF0] =	vst v2;
	v2 =	vor.u32 $0x20, v0  }
0x23: {  	v4 =	vimm.s32 $0x3F3E3D;
	v5 =	vimm.s32 $0x35343332;
	[tilespmem:$0x1FE00] =	vst v2;
	v2 =	vadd.s32 $0x21, v0  }
0x24: {  	v26 =	vimm.s32 $0x39383736;
	v6 =	vimm.s32 $0x3D3C3B3A;
	[tilespmem:$0x1FE10] =	vst v2;
	v2 =	vadd.s32 $0x22, v0  }
0x25: {  	v7 =	vimm.s32 $0x1003F3E;
	v31 =	vimm.s32 $0x3A393837;
	[tilespmem:$0x1FE20] =	vst v2;
	v2 =	vadd.s32 $0x23, v0  }
0x26: {  	v8 =	vunpack.c.0.s8.s32 v3;
	v3 =	vimm.s32 $0x3C3B3A39;
	[tilespmem:$0x1FE30] =	vst v2;
	v2 =	vimm.s32 $0x34333231  }
0x27: {  	v9 =	vunpack.c.0.s8.s32 v3;
	v3 =	vunpack.c.0.s8.s32 v4;
	v2 =	vunpack.c.0.s8.s32 v2  }
0x28: {  	v25 =	vunpack.c.0.s8.s32 v5;
	v10 =	vunpack.c.0.s8.s32 v26;
	v11 =	vunpack.c.0.s8.s32 v6  }
0x29: {  	v27 =	vunpack.c.0.s8.s32 v7;
	v30 =	vsel vm0, v3, v9;
	v2 =	vsel vm0, v8, v2  }
0x2a: {  	v32 =	vimm.s32 $0x3020100;
	v35 =	vimm.s32 $0x3F3E3D3C;
	v2 =	vcombine.low v2, v30  }
0x2b: {  	v36 =	vimm.s32 $0x37363534;
	v4 =	vsel vm0, v10, v25;
	v7 =	vsel vm0, v27, v11  }
0x2c: {  	v37 =	vimm.s32 $0x3B3A3938;
	v28 =	vadd.s32 $0x24, v0;
	[tilespmem:$0x1FEA0] =	vst v2;
	v2 =	vcombine.low v4, v7  }
0x2d: {  	v40 =	vimm.s32 $0x87654321;
	v41 =	vimm.s32 $0x4030201;
	[tilespmem:$0x1FE40] =	vst v28  }
0x2e: {  	v42 =	vimm.s32 $0x98765432;
	v29 =	vadd.s32 $0x25, v0;
	[tilespmem:$0x1FEB0] =	vst v2;
	v2 =	vimm.s32 $0x36353433  }
0x2f: {  	v12 =	vimm.s32 $0x32107654;
	v33 =	vunpack.c.0.s8.s32 v31;
	[tilespmem:$0x1FE50] =	vst v29;
	v2 =	vunpack.c.0.s8.s32 v2  }
0x30: {  	v49 =	vimm.s32 $0x43218765;
	vm1 =	vcmask $0x2F10;
	v50 =	vimm.s32 $0xB0A0908;
	[tilespmem:$0x1FE60] =	vst v8  }
0x31: {  	v34 =	vunpack.c.0.s8.s32 v32;
	[tilespmem:$0x1FE70] =	vst v9;
	v9 =	vunpack.c.l.s4.s8 v40;
	v2 =	vsel vm0, v33, v2  }
0x32: {  	v13 =	vunpack.c.0.s8.s32 v35;
	v38 =	vunpack.c.0.s8.s32 v37;
	[tilespmem:$0x1FED0] =	vst v2;
	v2 =	vunpack.c.0.s8.s32 v36  }
0x33: {  	vm2 =	vcmask $0x3F30;
	[tilespmem:$0x1FE90] =	vst v11;
	v11 =	vunpack.c.l.s4.s8 v42;
	v9 =	vunpack.c.0.s8.s32 v9  }
0x34: {  	v12 =	vunpack.c.l.s4.s8 v12;
	[tilespmem:$0x1FE80] =	vst v10;
	v4 =	vsel vm0, v34, v13;
	v2 =	vsel vm0, v38, v2  }
0x35: {  	[tilespmem:$0x1FEC0] =	vst v33;
	v44 =	vunpack.c.0.s8.s32 v11;
	v43 =	vand.u32 $0xF, v9;
	v2 =	vcombine.low v2, v4  }
0x36: {  	[tilespmem:$0x1FEE0] =	vst v38;
	v10 =	vunpack.c.0.s8.s32 v41;
	v45 =	vunpack.c.0.s8.s32 v12;
	v4 =	vcombine.low v30, v43  }
0x37: {  	v52 =	vunpack.c.0.s8.s32 v50;
	v47 =	vand.u32 $0xF, v44;
	v9 =	vunpack.c.l.s4.s8 v49;
	[tilespmem:$0x1FEF0] =	vst v2  }
0x38: {  	s0 =	rddreg [dreg:$0x0];
	s5 =	simm.s32 $0x0;
	v48 =	vand.u32 $0xF, v45;
	v2 =	vsel vm0, v10, v3;
	[tilespmem:$0x1FF10] =	vst v4;
	v4 =	vcombine.low v7, v47  }
0x39: {  	v54 =	vimm.s32 $0x54329876;
	[smem:$0x7FF] =	sst s5;
	v51 =	vsel vm1, v48, v13;
	v53 =	vunpack.c.0.s8.s32 v9;
	[tilespmem:$0x1FF00] =	vst v2  }
0x3a: {  	s4 =	rddreg [dreg:$0x3];
	v55 =	vimm.s32 $0xC0B0A09;
	v56 =	vunpack.c.l.s4.s8 v54;
	_ =	strace $0x80000047;
	[tilespmem:$0x1FF20] =	vst v4;
	v4 =	vsel vm2, v52, v51  }
0x3b: {  	v7 =	vand.u32 $0xF, v53;
	v2 =	vimm.s32 $0x5040302;
	[tilespmem:$0x1FF40] =	vst v4;
	v4 =	vunpack.c.0.s8.s32 v55  }
0x3c: {  	v3 =	vsel vm1, v7, v3;
	v2 =	vunpack.c.0.s8.s32 v2  }
0x3d: {  	v6 =	vunpack.c.0.s8.s32 v56;
	v3 =	vsel vm2, v4, v3  }
0x3e: {  	v58 =	vimm.s32 $0x6543A987;
	v2 =	vsel vm0, v2, v27;
	[tilespmem:$0x1FF50] =	vst v3;
	v3 =	vimm.s32 $0xD0C0B0A  }
0x3f: {  	v59 =	vunpack.c.l.s4.s8 v58;
	[tilespmem:$0x1FF60] =	vst v2;
	v2 =	vand.u32 $0xF, v6;
	v3 =	vunpack.c.0.s8.s32 v3  }
0x40: {  	v2 =	vsel vm1, v2, v27  }
0x41: {  	v39 =	vimm.s32 $0x201003F;
	v4 =	vunpack.c.0.s8.s32 v59;
	v2 =	vsel vm2, v3, v2  }
0x42: {  	v61 =	vunpack.c.0.s8.s32 v39;
	[tilespmem:$0x1FF70] =	vst v2;
	v2 =	vimm.s32 $0xE0D0C0B  }
0x43: {  	v4 =	vand.u32 $0xF, v4;
	v2 =	vunpack.c.0.s8.s32 v2  }
0x44: {  	s1 =	srdreg.scid;
	v4 =	vsel vm1, v4, v61  }
0x45: {  	s2 =	stileid.u32;
	v46 =	vimm.s32 $0x6050403;
	s10 =	simm.s32 $0x1C800;
	s12 =	simm.s32 $0x1C840;
	v57 =	vimm.s32 $0x76543210;
	v2 =	vsel vm2, v2, v4  }
0x46: {  	s15 =	simm.s32 $0xC800;
	s16 =	simm.s32 $0x1;
	s17 =	simm.s32 $0x10800;
	[tilespmem:$0x1FF80] =	vst v2;
	v2 =	vimm.s32 $0x3E3D3C3B  }
0x47: {  	s18 =	simm.s32 $0x14800;
	v60 =	vimm.s32 $0xA9876543;
	s21 =	simm.s32 $0x1A400;
	s22 =	simm.s32 $0x1A800;
	v62 =	vunpack.c.0.s8.s32 v46;
	v2 =	vunpack.c.0.s8.s32 v2  }
0x48: {  	s23 =	simm.s32 $0x1AC00;
	s1 =	sand.u32 $0x1, s1;
	s2 =	sshll.u32 s2, $0x1;
	v63 =	vunpack.c.l.s4.s8 v57;
	[tilespmem:$0x1FF30] =	vst v13;
	v3 =	vunpack.c.l.s4.s8 v60  }
0x49: {  	s24 =	simm.s32 $0x1B000;
	s28 =	simm.s32 $0x1BC00;
	s2 =	sor.u32 s1, s2;
	[tilespmem:$0x1FF90] =	vst v2;
	v2 =	vsel vm0, v62, v61  }
0x4a: {  	s29 =	simm.s32 $0x1C000;
	s30 =	simm.s32 $0x1C400;
	s3 =	smul.u32 $0xC80, s2;
	v3 =	vunpack.c.0.s8.s32 v3;
	[tilespmem:$0x1FFB0] =	vst v2;
	v2 =	vunpack.c.0.s8.s32 v63  }
0x4b: {  	s31 =	simm.s32 $0x2;
	v1 =	vmul.u32 $0x32, v0;
	s6 =	sadd.s32 $0xF42A00, s0;
	s1 =	ssub.s32 $0x2, s1;
	[tilespmem:$0x1FFA0] =	vst v61  }
0x4c: {  	v46 =	vadd.s32 $0x2A, v0;
	v57 =	vor.u32 $0x30, v0;
	s7 =	sshrl.u32 s1, $0x1;
	s8 =	sshll.u32 s2, $0x2;
	s3 =	sadd.s32 s3, s0;
	[tilespmem:$0x1FFC0] =	vst v2;
	v2 =	vand.u32 $0xF, v3  }
0x4d: {  	v41 =	vadd.s32 $0x29, v0;
	v56 =	vadd.s32 $0x2F, v0;
	s2 =	simm.s32 $0x0;
	s25 =	ssub.s32 s1, s7;
	s26 =	sadd.s32 $0x600, s3;
	[tilespmem:$0x1FFD0] =	vst v2;
	v2 =	vadd.s32 $0x26, v0  }
0x4e: {  	s1 =	simm.s32 $0x18800;
	v40 =	vadd.s32 $0x28, v0;
	s0 =	smax.u32 s25, $0x1;
	v48 =	vadd.s32 $0x2C, v0;
	[dreg:$0x5] =	wrdreg s26;
	[tilespmem:$0x1FFE0] =	vst v2;
	v2 =	vadd.s32 $0x27, v0  }
0x4f: {  	s25 =	simm.s32 $0x1B400;
	v49 =	vadd.s32 $0x2D, v0;
	v47 =	vadd.s32 $0x2B, v0;
	[dreg:$0x6] =	wrdreg s0;
	s26 =	simm.s32 $0x1B800;
	v51 =	vadd.s32 $0x2E, v0;
	[tilespmem:$0x1FFF0] =	vst v2  }
.LBB2_1:
0x50: {  	[dreg:$0x7] =	wrdreg s2  }
0x51: {  	s0 =	rddreg [dreg:$0x1];
	s13 =	simm.s32 $0x3  }
0x52: {  	s11 =	simm.s32 $0x0;
	s14 =	simm.s32 $0x0;
	s3 =	simm.s32 $0x30  }
0x53: {  	[tilespmem:s10], [sflag:$0x3] =	stream.linear.gather [hbm4b:s0+s5], $0x40, $0x38;
	[tilespmem:$0x1C880] =	vst v63  }
0x54: {  	s19 =	simm.s32 $0x4;
	s20 =	simm.s32 $0x0;
	s2 =	smul.u32 $0x29, s14  }
0x55: {  	s0 =	sand.u32 $0xFFF0, s11;
	s3 =	sand.u32 $0x70, s3;
	_ =	swait.ge [sflag:s13], $0x40  }
0x56: {  	s11 =	simm.s32 $0x20;
	s0 =	sshrl.u32 s0, $0x4;
	[sflag:s13] =	ssyncset.done $0x0  }
0x57: {  	v2 =	vmov s3;
	s3 =	sand.u32 $0xFFF0, s19;
	s2 =	sshrl.u32 s2, $0xA;
	[sflag:s13] =	ssyncadd.s32 $0xFFFFFFC0  }
0x58: {  	s0 =	smul.u32 $0xA3E, s0;
	s2 =	sand.u32 $0x3F, s2;
	s7 =	rddreg [dreg:$0x2]  }
0x59: {  	[tilespmem:s12], [sflag:$0x3] =	stream.linear.gather [hbm4b:s7+s5], $0x40, $0x38;
	[tilespmem:$0x1C880] =	vst v63  }
0x5a: {  	s2 =	smul.u32 $0x19, s2;
	s0 =	sshrl.u32 s0, $0x10;
	_ =	swait.ge [sflag:s13], $0x40  }
0x5b: {  	s14 =	sand.u32 $0x60, s11;
	s0 =	smul.u32 $0x1900, s0;
	[sflag:s13] =	ssyncset.done $0x0  }
0x5c: {  	s7 =	simm.s32 $0x10;
	s9 =	rddreg [dreg:$0x5];
	[sflag:s13] =	ssyncadd.s32 $0xFFFFFFC0  }
0x5d: {  	[tilespmem:s5], [sflag:$0x3] =	stream.linear.gather [hbm4b:s9+s5], $0x6400, $0x38;
	[tilespmem:$0x1C880] =	vst v63  }
0x5e: {  	s3 =	sshrl.u32 s3, $0x4;
	s7 =	sand.u32 $0x50, s7;
	s9 =	simm.s32 $0x0  }
0x5f: {  	v2 =	vmul.u32 $0x32, v2;
	s2 =	ssub.s32 $0x0, s2;
	s0 =	sand.u32 $0xFF00, s0;
	s9 =	sand.u32 $0x1, s9  }
0x60: {  	s3 =	smul.u32 $0xA3E, s3;
	v3 =	vmov s7;
	s2 =	sshll.u32 s2, $0x1;
	s0 =	sor.u32 s9, s0  }
0x61: {  	s19 =	sand.u32 $0x40, s5;
	v4 =	vmov s14;
	s7 =	smul.u32 $0x29, s20;
	v3 =	vmul.u32 $0x32, v3;
	s2 =	sand.u32 $0xFE, s2;
	v2 =	vadd.s32 s0, v2  }
0x62: {  	v5 =	vmov s19;
	s14 =	simm.s32 $0x50;
	s19 =	simm.s32 $0x60;
	v4 =	vmul.u32 $0x32, v4;
	v2 =	vadd.s32 s2, v2  }
0x63: {  	v5 =	vmul.u32 $0x32, v5;
	s14 =	sand.u32 $0x50, s14;
	s3 =	sshrl.u32 s3, $0x10;
	s7 =	sshrl.u32 s7, $0xA;
	v3 =	vadd.s32 s0, v3;
	v2 =	vbroadcast v2, $0x0  }
0x64: {  	s3 =	smul.u32 $0x1900, s3;
	_ =	swait.ge [sflag:s13], $0x6400;
	s7 =	sand.u32 $0x3F, s7;
	v4 =	vadd.s32 s0, v4;
	v3 =	vadd.s32 s2, v3  }
0x65: {  	s20 =	simm.s32 $0x70;
	[sflag:s13] =	ssyncset.done $0x0;
	s7 =	smul.u32 $0x19, s7;
	v5 =	vadd.s32 s0, v5;
	v3 =	vbroadcast v3, $0x0;
	v2 =	vadd.s32 v1, v2  }
0x66: {  	v7 =	vmov s14;
	[sflag:s13] =	ssyncadd.s32 $0xFFFF9C00;
	s13 =	sand.u32 $0x70, s20;
	s20 =	simm.s32 $0x0;
	v4 =	vadd.s32 s2, v4;
	v5 =	vadd.s32 s2, v5  }
0x67: {  	s14 =	simm.s32 $0x0;
	s9 =	simm.s32 $0x40;
	s11 =	sand.u32 $0x1, s20;
	v6 =	vmov s13;
	v4 =	vbroadcast v4, $0x0;
	v3 =	vadd.s32 v1, v3  }
0x68: {  	s7 =	ssub.s32 $0x0, s7;
	s13 =	sand.u32 $0xFF00, s3;
	s2 =	simm.s32 $0x8;
	v5 =	vbroadcast v5, $0x0;
	v6 =	vmul.u32 $0x32, v6  }
0x69: {  	v7 =	vmul.u32 $0x32, v7;
	s20 =	sand.u32 $0x60, s19;
	s3 =	sshll.u32 s7, $0x1;
	s7 =	sor.u32 s11, s13;
	v4 =	vadd.s32 v1, v4  }
0x6a: {  	s9 =	sand.u32 $0x40, s9;
	s13 =	sand.u32 $0xFFF0, s2;
	s11 =	sand.u32 $0xFE, s3;
	v8 =	vadd.s32 v1, v5;
	v5 =	vmov s20;
	v9 =	vld.idx.msk [tilespmem:v2+s5+$0x0], $0xffff;
	v2 =	vadd.s32 s7, v6  }
0x6b: {  	s0 =	smul.u32 $0x29, s14;
	s14 =	sshrl.u32 s13, $0x4;
	v5 =	vmul.u32 $0x32, v5;
	v6 =	vmov s9;
	v2 =	vadd.s32 s11, v2  }
0x6c: {  	v7 =	vadd.s32 s7, v7;
	s14 =	smul.u32 $0xA3E, s14;
	v10 =	vld.idx.msk [tilespmem:v3+s5+$0x0], $0xffff;
	v3 =	vmul.u32 $0x32, v6;
	v2 =	vbroadcast v2, $0x0  }
0x6d: {  	s19 =	sshrl.u32 s0, $0xA;
	v5 =	vadd.s32 s7, v5;
	v6 =	vadd.s32 s11, v7  }
0x6e: {  	s0 =	simm.s32 $0x6420;
	s3 =	simm.s32 $0x80;
	s14 =	sshrl.u32 s14, $0x10;
	v6 =	vbroadcast v6, $0x0;
	v7 =	vadd.s32 s7, v3;
	v3 =	vadd.s32 v1, v2;
	v2 =	vld.idx.msk [tilespmem:v4+s5+$0x0], $0xffff  }
0x6f: {  	s13 =	smul.u32 $0x1900, s14;
	v5 =	vadd.s32 s11, v5;
	s9 =	sand.u32 $0x3F, s19;
	s19 =	simm.s32 $0xB0;
	v4 =	vld.idx.msk [tilespmem:v8+s5+$0x0], $0xffff  }
0x70: {  	s20 =	simm.s32 $0x90;
	v11 =	vbroadcast v5, $0x0;
	s9 =	smul.u32 $0x19, s9;
	s14 =	sand.u32 $0x70, s19;
	v7 =	vadd.s32 s11, v7;
	v5 =	vadd.s32 v1, v6  }
0x71: {  	s20 =	sand.u32 $0x50, s20;
	s19 =	simm.s32 $0x1;
	s7 =	simm.s32 $0xA0;
	v6 =	vmov s14;
	[tilespmem:s0+$0x10] =	vst v9;
	v7 =	vbroadcast v7, $0x0  }
0x72: {  	s9 =	ssub.s32 $0x0, s9;
	s14 =	sand.u32 $0x1, s19;
	s11 =	sand.u32 $0xFF00, s13;
	[tilespmem:s0+$0xFFFFFFF0] =	vst v10;
	v9 =	vmov s20;
	v8 =	vmul.u32 $0x32, v6;
	v6 =	vadd.s32 v1, v11  }
.LBB2_2:
0x73: {  	s2 =	sadd.s32 $0x4, s2;
	s9 =	sshll.u32 s9, $0x1;
	s11 =	sor.u32 s14, s11;
	v9 =	vmul.u32 $0x32, v9;
	v7 =	vadd.s32 v1, v7;
	v10 =	vld.idx.msk [tilespmem:v3+s5+$0x0], $0xffff;
	[tilespmem:s0+$0x0] =	vst v2  }
0x74: {  	s7 =	sand.u32 $0x60, s7;
	s13 =	sshrl.u32 s2, $0x4;
	s9 =	sand.u32 $0xFE, s9;
	v2 =	vadd.s32 s11, v8;
	[tilespmem:s0+$0xFFFFFFE0] =	vst v4  }
0x75: {  	s20 =	sand.u32 $0x40, s3;
	s19 =	sand.u32 $0xFFF0, s2;
	v4 =	vmov s7;
	s14 =	smul.u32 $0x29, s13;
	v3 =	vadd.s32 s11, v9;
	v2 =	vadd.s32 s9, v2;
	v8 =	vld.idx.msk [tilespmem:v5+s5+$0x0], $0xffff  }
0x76: {  	p0 =	slt.u32 s2, $0x63C;
	s7 =	sshrl.u32 s19, $0x4;
	v5 =	vmov s20;
	v4 =	vmul.u32 $0x32, v4;
	v9 =	vbroadcast v2, $0x0  }
0x77: {  	s3 =	sadd.s32 $0x40, s3;
	s7 =	smul.u32 $0xA3E, s7;
	v5 =	vmul.u32 $0x32, v5;
	v3 =	vadd.s32 s9, v3;
	s14 =	sshrl.u32 s14, $0xA;
	v2 =	vld.idx.msk [tilespmem:v6+s5+$0x0], $0xffff  }
.Ltmp0:
0x78: {  	s0 =	sadd.s32 $0x40, s0;
	v6 =	vbroadcast v3, $0x0;
	v11 =	vadd.s32 s11, v4;
	s14 =	sand.u32 $0x3F, s14;
	v3 =	vadd.s32 v1, v9;
	v4 =	vld.idx.msk [tilespmem:v7+s5+$0x0], $0xffff;
	(pc) =	sbr.rel @p0 .LBB2_2-.Ltmp0, $4  }
0x79: {  	s7 =	sshrl.u32 s7, $0x10;
	v5 =	vadd.s32 s11, v5;
	v7 =	vadd.s32 s9, v11;
	s19 =	smul.u32 $0x19, s14;
	s14 =	sadd.s32 $0x30, s3;
	[tilespmem:s0+$0x10] =	vst v10  }
0x7a: {  	s11 =	smul.u32 $0x1900, s7;
	s7 =	sadd.s32 $0x10, s3;
	v9 =	vadd.s32 s9, v5;
	v5 =	vadd.s32 v1, v6;
	v6 =	vbroadcast v7, $0x0;
	s14 =	sand.u32 $0x70, s14  }
0x7b: {  	s9 =	sshrl.u32 s2, $0x3;
	s20 =	sand.u32 $0x50, s7;
	s7 =	sadd.s32 $0x20, s3;
	v7 =	vbroadcast v9, $0x0;
	v10 =	vmov s14;
	[tilespmem:s0+$0xFFFFFFF0] =	vst v8  }
0x7c: {  	s14 =	sand.u32 $0x1, s9;
	s9 =	ssub.s32 s13, s19;
	s11 =	sand.u32 $0xFF00, s11;
	v9 =	vmov s20;
	v6 =	vadd.s32 v1, v6;
	v8 =	vmul.u32 $0x32, v10  }
0x7d: {  	s2 =	sand.u32 $0x60, s7  }
0x7e: {  	s9 =	sshll.u32 s9, $0x1;
	s11 =	sor.u32 s14, s11;
	v9 =	vmul.u32 $0x32, v9;
	v7 =	vadd.s32 v1, v7;
	s3 =	sand.u32 $0x40, s3;
	v10 =	vmov s2  }
0x7f: {  	s13 =	sand.u32 $0xFE, s9;
	v8 =	vadd.s32 s11, v8;
	v11 =	vmov s3;
	v10 =	vmul.u32 $0x32, v10  }
0x80: {  	v9 =	vadd.s32 s11, v9;
	v8 =	vadd.s32 s13, v8;
	v11 =	vmul.u32 $0x32, v11  }
0x81: {  	v8 =	vbroadcast v8, $0x0;
	v9 =	vadd.s32 s13, v9;
	v10 =	vadd.s32 s11, v10  }
0x82: {  	v9 =	vbroadcast v9, $0x0;
	v11 =	vadd.s32 s11, v11;
	v10 =	vadd.s32 s13, v10  }
0x83: {  	v8 =	vadd.s32 v1, v8;
	v11 =	vadd.s32 s13, v11;
	v10 =	vbroadcast v10, $0x0  }
0x84: {  	v3 =	vld.idx.msk [tilespmem:v3+s5+$0x0], $0xffff;
	v9 =	vadd.s32 v1, v9;
	v11 =	vbroadcast v11, $0x0  }
0x85: {  	v5 =	vld.idx.msk [tilespmem:v5+s5+$0x0], $0xffff;
	v10 =	vadd.s32 v1, v10  }
0x86: {  	v6 =	vld.idx.msk [tilespmem:v6+s5+$0x0], $0xffff;
	v11 =	vadd.s32 v1, v11  }
0x87: {  	[tilespmem:s0+$0x0] =	vst v2;
	v2 =	vld.idx.msk [tilespmem:v7+s5+$0x0], $0xffff  }
0x88: {  	[tilespmem:s0+$0xFFFFFFE0] =	vst v4;
	s14 =	sadd.s32 $0x40, s0;
	v61 =	vld.idx.msk [tilespmem:v8+s5+$0x0], $0xffff  }
0x89: {  	[tilespmem:s14+$0x10] =	vst v3;
	v3 =	vld.idx.msk [tilespmem:v9+s5+$0x0], $0xffff  }
0x8a: {  	[tilespmem:s14+$0xFFFFFFF0] =	vst v5;
	v62 =	vld.idx.msk [tilespmem:v10+s5+$0x0], $0xffff  }
0x8b: {  	[tilespmem:s14+$0x0] =	vst v6;
	v63 =	vld.idx.msk [tilespmem:v11+s5+$0x0], $0xffff  }
0x8c: {  	s0 =	sadd.s32 $0x40, s14;
	[tilespmem:s14+$0xFFFFFFE0] =	vst v2  }
0x8d: {  	[tilespmem:s0+$0x10] =	vst v61  }
0x8e: {  	[tilespmem:s0+$0xFFFFFFF0] =	vst v3  }
0x8f: {  	[tilespmem:s0+$0x0] =	vst v62  }
0x90: {  	s20 =	simm.s32 $0x100;
	s19 =	simm.s32 $0x6400;
	s3 =	simm.s32 $0x0;
	[tilespmem:s0+$0xFFFFFFE0] =	vst v63  }
0x91: {  	[tilespmem:s15], [sflag:$0x1] =	stream.indirect.gather [hbm4b:s6+s20], $0x40, s19, s20, $0xb8;
	[tilespmem:$0x1C880] =	vst v63  }
.LBB2_4:
0x92: {  	s2 =	sshllo.u32 s3, $0x1  }
0x93: {  	_ =	swait.ge [sflag:s16], $0x4000;
	s0 =	sshll.u32 s2, $0x8  }
0x94: {  	p0 =	seq.s32 s3, $0x0;
	[sflag:s16] =	ssyncset.done $0x0;
	s0 =	sand.u32 $0x3FFFFF00, s0  }
0x95: {  	s7 =	simm.s32 @!p0 $0x2;
	[sflag:s16] =	ssyncadd.s32 $0xFFFFC000;
	s0 =	sadd.s32 $0x6400, s0  }
0x96: {  	[tilespmem:s17], [sflag:$0x1] =	stream.indirect.gather [hbm4b:s6+s20], $0x40, s0, s20, $0xb8;
	[tilespmem:$0x1C880] =	vst v63  }
0x97: {  	_ =	swait.ge @!p0 [sflag:s7], $0x4000  }
0x98: {  	[sflag:s7] =	ssyncset.done @!p0 $0x0  }
0x99: {  	s14 =	simm.s32 $0x0;
	s0 =	sshll.u32 s3, $0x1;
	[sflag:s7] =	ssyncadd.s32 @!p0 $0xFFFFC000  }
.LBB2_5:
0x9a: {  	v3 =	vld [tilespmem:$0x1FC00]  }
0x9b: {  	v4 =	vld [tilespmem:$0x1FC20]  }
0x9c: {  	v5 =	vld [tilespmem:$0x1FC30]  }
0x9d: {  	v7 =	vld [tilespmem:$0x1FC40]  }
0x9e: {  	s7 =	sshll.u32 s14, $0x4;
	v8 =	vld [tilespmem:$0x1FC50]  }
0x9f: {  	v9 =	vld [tilespmem:$0x1FC60];
	v2 =	vmov s7  }
0xa0: {  	v10 =	vld [tilespmem:$0x1FC70];
	v2 =	vshll.u32 v2, $0x6  }
0xa1: {  	v6 =	vor.u32 v3, v2;
	v3 =	vld [tilespmem:$0x1FC10]  }
0xa2: {  	v11 =	vld [tilespmem:$0x1FC80];
	v2 =	vor.u32 v0, v6  }
0xa3: {  	v13 =	vld [tilespmem:$0x1FC90];
	v4 =	vor.u32 v4, v6  }
0xa4: {  	v16 =	vld [tilespmem:$0x1FCA0];
	v7 =	vor.u32 v7, v6  }
0xa5: {  	v19 =	vld [tilespmem:$0x1FCB0];
	v8 =	vor.u32 v8, v6  }
0xa6: {  	v20 =	vld [tilespmem:$0x1FCC0];
	v3 =	vor.u32 v3, v6  }
0xa7: {  	v5 =	vor.u32 v5, v6;
	v2 =	vld.idx.msk [tilespmem:v2+s15+$0x0], $0xffff  }
0xa8: {  	v9 =	vor.u32 v9, v6;
	v4 =	vld.idx.msk [tilespmem:v4+s15+$0x0], $0xffff  }
0xa9: {  	v10 =	vor.u32 v10, v6;
	v7 =	vld.idx.msk [tilespmem:v7+s15+$0x0], $0xffff  }
0xaa: {  	v11 =	vor.u32 v11, v6;
	v8 =	vld.idx.msk [tilespmem:v8+s15+$0x0], $0xffff  }
0xab: {  	v13 =	vor.u32 v13, v6;
	v3 =	vld.idx.msk [tilespmem:v3+s15+$0x0], $0xffff  }
0xac: {  	v16 =	vor.u32 v16, v6;
	v5 =	vld.idx.msk [tilespmem:v5+s15+$0x0], $0xffff  }
0xad: {  	v9 =	vld.idx.msk [tilespmem:v9+s15+$0x0], $0xffff;
	v12 =	vadd.f32 $0.0e+00, v2  }
0xae: {  	v19 =	vor.u32 v19, v6;
	v10 =	vld.idx.msk [tilespmem:v10+s15+$0x0], $0xffff  }
0xaf: {  	v20 =	vor.u32 v20, v6;
	v11 =	vld.idx.msk [tilespmem:v11+s15+$0x0], $0xffff;
	v18 =	vmul.f32 v7, v7;
	v7 =	vadd.f32 v7, v12  }
0xb0: {  	v13 =	vld.idx.msk [tilespmem:v13+s15+$0x0], $0xffff;
	v12 =	vmul.f32 v8, v8;
	v14 =	vadd.f32 $0.0e+00, v3;
	v3 =	vmul.f32 v3, v3  }
0xb1: {  	v16 =	vld.idx.msk [tilespmem:v16+s15+$0x0], $0xffff;
	v2 =	vmul.f32 v2, v2;
	v15 =	vadd.f32 $0.0e+00, v4;
	v4 =	vmul.f32 v4, v4  }
0xb2: {  	v8 =	vadd.f32 v8, v14;
	v3 =	vadd.f32 v12, v3;
	v12 =	vmul.f32 v9, v9;
	v14 =	vld [tilespmem:$0x1FCD0]  }
0xb3: {  	v17 =	vadd.f32 $0.0e+00, v5;
	v5 =	vmul.f32 v5, v5;
	v2 =	vadd.f32 v18, v2;
	v18 =	vld [tilespmem:$0x1FCE0]  }
0xb4: {  	v9 =	vadd.f32 v9, v15;
	v15 =	vmul.f32 v10, v10;
	v4 =	vadd.f32 v12, v4;
	v12 =	vld.idx.msk [tilespmem:v19+s15+$0x0], $0xffff  }
0xb5: {  	v7 =	vadd.f32 v11, v7;
	v19 =	vld [tilespmem:$0x1FCF0]  }
0xb6: {  	v10 =	vadd.f32 v10, v17;
	v17 =	vld.idx.msk [tilespmem:v20+s15+$0x0], $0xffff;
	v5 =	vadd.f32 v15, v5  }
0xb7: {  	v15 =	vmul.f32 v11, v11;
	v11 =	vmul.f32 v13, v13;
	v14 =	vor.u32 v14, v6  }
0xb8: {  	v18 =	vor.u32 v18, v6  }
0xb9: {  	v20 =	vld [tilespmem:$0x1FD00];
	v3 =	vadd.f32 v11, v3;
	v11 =	vmul.f32 v16, v16  }
0xba: {  	v2 =	vadd.f32 v15, v2;
	v15 =	vld [tilespmem:$0x1FD10];
	v19 =	vor.u32 v19, v6  }
0xbb: {  	v7 =	vadd.f32 v17, v7;
	v4 =	vadd.f32 v11, v4;
	v11 =	vmul.f32 v17, v17;
	v17 =	vld [tilespmem:$0x1FD30]  }
0xbc: {  	v8 =	vadd.f32 v13, v8;
	v13 =	vld.idx.msk [tilespmem:v14+s15+$0x0], $0xffff  }
0xbd: {  	v14 =	vld.idx.msk [tilespmem:v18+s15+$0x0], $0xffff  }
0xbe: {  	v20 =	vor.u32 v20, v6;
	v18 =	vld [tilespmem:$0x1FD20]  }
0xbf: {  	v9 =	vadd.f32 v16, v9;
	v16 =	vmul.f32 v12, v12;
	v10 =	vadd.f32 v12, v10;
	v12 =	vld.idx.msk [tilespmem:v19+s15+$0x0], $0xffff  }
0xc0: {  	v15 =	vor.u32 v15, v6;
	v19 =	vld [tilespmem:$0x1FD40];
	_ =	sdelay $0x1  }
0xc1: {  	v17 =	vor.u32 v17, v6  }
0xc2: {  	v5 =	vadd.f32 v16, v5;
	v16 =	vld.idx.msk [tilespmem:v20+s15+$0x0], $0xffff;
	v18 =	vor.u32 v18, v6  }
0xc3: {  	v20 =	vld [tilespmem:$0x1FD50]  }
0xc4: {  	v2 =	vadd.f32 v11, v2;
	v15 =	vld.idx.msk [tilespmem:v15+s15+$0x0], $0xffff;
	v11 =	vmul.f32 v13, v13;
	v19 =	vor.u32 v19, v6  }
0xc5: {  	v8 =	vadd.f32 v13, v8;
	v13 =	vmul.f32 v14, v14;
	v9 =	vadd.f32 v14, v9;
	v14 =	vld [tilespmem:$0x1FD60]  }
0xc6: {  	v17 =	vld.idx.msk [tilespmem:v17+s15+$0x0], $0xffff  }
0xc7: {  	v3 =	vadd.f32 v11, v3;
	v4 =	vadd.f32 v13, v4;
	v13 =	vmul.f32 v12, v12;
	v11 =	vld.idx.msk [tilespmem:v18+s15+$0x0], $0xffff  }
0xc8: {  	v20 =	vor.u32 v20, v6;
	v18 =	vld [tilespmem:$0x1FD70]  }
0xc9: {  	v10 =	vadd.f32 v12, v10;
	v12 =	vmul.f32 v16, v16;
	v5 =	vadd.f32 v13, v5;
	v13 =	vld.idx.msk [tilespmem:v19+s15+$0x0], $0xffff  }
0xca: {  	v14 =	vor.u32 v14, v6;
	v19 =	vld [tilespmem:$0x1FD80]  }
0xcb: {  	v2 =	vadd.f32 v12, v2;
	v12 =	vmul.f32 v15, v15  }
0xcc: {  	v7 =	vadd.f32 v16, v7  }
0xcd: {  	v8 =	vadd.f32 v15, v8;
	v16 =	vld.idx.msk [tilespmem:v20+s15+$0x0], $0xffff;
	v3 =	vadd.f32 v12, v3;
	v18 =	vor.u32 v18, v6  }
0xce: {  	v20 =	vld [tilespmem:$0x1FD90];
	v12 =	vmul.f32 v17, v17;
	v10 =	vadd.f32 v17, v10;
	v15 =	vmul.f32 v11, v11  }
0xcf: {  	v9 =	vadd.f32 v11, v9;
	v11 =	vld.idx.msk [tilespmem:v14+s15+$0x0], $0xffff;
	v19 =	vor.u32 v19, v6;
	v17 =	vmul.f32 v13, v13  }
0xd0: {  	v4 =	vadd.f32 v15, v4;
	v15 =	vld [tilespmem:$0x1FDA0]  }
0xd1: {  	v2 =	vadd.f32 v17, v2;
	v17 =	vld [tilespmem:$0x1FDC0]  }
0xd2: {  	v14 =	vld.idx.msk [tilespmem:v18+s15+$0x0], $0xffff  }
0xd3: {  	v20 =	vor.u32 v20, v6;
	v18 =	vld [tilespmem:$0x1FDB0]  }
0xd4: {  	v7 =	vadd.f32 v13, v7;
	v13 =	vld.idx.msk [tilespmem:v19+s15+$0x0], $0xffff  }
0xd5: {  	v19 =	vld [tilespmem:$0x1FDD0]  }
0xd6: {  	v15 =	vor.u32 v15, v6  }
0xd7: {  	v5 =	vadd.f32 v12, v5;
	v12 =	vmul.f32 v16, v16;
	v17 =	vor.u32 v17, v6  }
0xd8: {  	v8 =	vadd.f32 v16, v8;
	v16 =	vld.idx.msk [tilespmem:v20+s15+$0x0], $0xffff;
	v18 =	vor.u32 v18, v6  }
0xd9: {  	v3 =	vadd.f32 v12, v3;
	v12 =	vmul.f32 v11, v11;
	v9 =	vadd.f32 v11, v9;
	v20 =	vld [tilespmem:$0x1FDE0]  }
0xda: {  	v11 =	vmul.f32 v14, v14;
	v10 =	vadd.f32 v14, v10;
	v14 =	vld [tilespmem:$0x1FDF0];
	v19 =	vor.u32 v19, v6  }
0xdb: {  	v15 =	vld.idx.msk [tilespmem:v15+s15+$0x0], $0xffff  }
0xdc: {  	v17 =	vld.idx.msk [tilespmem:v17+s15+$0x0], $0xffff  }
0xdd: {  	v4 =	vadd.f32 v12, v4;
	v5 =	vadd.f32 v11, v5;
	v11 =	vmul.f32 v13, v13;
	v12 =	vld.idx.msk [tilespmem:v18+s15+$0x0], $0xffff  }
0xde: {  	v18 =	vld [tilespmem:$0x1FE00]  }
0xdf: {  	v20 =	vor.u32 v20, v6;
	v2 =	vadd.f32 v11, v2;
	v11 =	vld.idx.msk [tilespmem:v19+s15+$0x0], $0xffff  }
0xe0: {  	v19 =	vld [tilespmem:$0x1FE10]  }
0xe1: {  	v7 =	vadd.f32 v13, v7;
	v13 =	vmul.f32 v16, v16;
	v14 =	vor.u32 v14, v6;
	_ =	sdelay $0x1  }
0xe2: {  	v21 =	vld [tilespmem:$0x1FE50];
	v8 =	vadd.f32 v16, v8;
	v3 =	vadd.f32 v13, v3  }
0xe3: {  	v16 =	vld.idx.msk [tilespmem:v20+s15+$0x0], $0xffff;
	v13 =	vmul.f32 v15, v15;
	v9 =	vadd.f32 v15, v9;
	v18 =	vor.u32 v18, v6  }
0xe4: {  	v20 =	vld [tilespmem:$0x1FE20];
	v7 =	vadd.f32 v17, v7;
	v15 =	vmul.f32 v12, v12;
	v19 =	vor.u32 v19, v6  }
0xe5: {  	v10 =	vadd.f32 v12, v10;
	v12 =	vld.idx.msk [tilespmem:v14+s15+$0x0], $0xffff;
	v14 =	vmul.f32 v17, v17;
	v17 =	vmul.f32 v11, v11  }
0xe6: {  	v4 =	vadd.f32 v13, v4;
	v13 =	vld [tilespmem:$0x1FE30]  }
0xe7: {  	v3 =	vadd.f32 v17, v3;
	v17 =	vld [tilespmem:$0x1FFE0]  }
0xe8: {  	v5 =	vadd.f32 v15, v5;
	v15 =	vld.idx.msk [tilespmem:v18+s15+$0x0], $0xffff  }
0xe9: {  	v20 =	vor.u32 v20, v6;
	v2 =	vadd.f32 v14, v2;
	v14 =	vld.idx.msk [tilespmem:v19+s15+$0x0], $0xffff  }
0xea: {  	v19 =	vld [tilespmem:$0x1FFF0]  }
0xeb: {  	v18 =	vld [tilespmem:$0x1FE40]  }
0xec: {  	v13 =	vor.u32 v13, v6  }
0xed: {  	v21 =	vor.u32 v21, v6;
	v9 =	vadd.f32 v16, v9  }
0xee: {  	v8 =	vadd.f32 v11, v8;
	v11 =	vmul.f32 v16, v16;
	v16 =	vld.idx.msk [tilespmem:v20+s15+$0x0], $0xffff;
	v17 =	vor.u32 v17, v6  }
0xef: {  	v19 =	vor.u32 v19, v6  }
0xf0: {  	v4 =	vadd.f32 v11, v4;
	v11 =	vmul.f32 v12, v12;
	v18 =	vor.u32 v18, v6  }
0xf1: {  	v10 =	vadd.f32 v12, v10;
	v13 =	vld.idx.msk [tilespmem:v13+s15+$0x0], $0xffff;
	v12 =	vmul.f32 v15, v15  }
0xf2: {  	v20 =	vor.u32 v40, v6;
	v5 =	vadd.f32 v11, v5;
	v11 =	vld.idx.msk [tilespmem:v21+s15+$0x0], $0xffff;
	v7 =	vadd.f32 v15, v7  }
0xf3: {  	v15 =	vor.u32 v41, v6;
	v9 =	vadd.f32 v16, v9;
	v2 =	vadd.f32 v12, v2;
	v17 =	vld.idx.msk [tilespmem:v17+s15+$0x0], $0xffff  }
0xf4: {  	v12 =	vmul.f32 v14, v14;
	v8 =	vadd.f32 v14, v8;
	v14 =	vmul.f32 v16, v16;
	v16 =	vld.idx.msk [tilespmem:v19+s15+$0x0], $0xffff  }
0xf5: {  	v22 =	vor.u32 v47, v6;
	v18 =	vld.idx.msk [tilespmem:v18+s15+$0x0], $0xffff  }
0xf6: {  	v3 =	vadd.f32 v12, v3;
	v12 =	vmul.f32 v13, v13;
	v19 =	vor.u32 v48, v6  }
0xf7: {  	v21 =	vor.u32 v46, v6;
	v4 =	vadd.f32 v14, v4  }
0xf8: {  	v8 =	vadd.f32 v11, v8;
	v15 =	vld.idx.msk [tilespmem:v15+s15+$0x0], $0xffff;
	v5 =	vadd.f32 v12, v5;
	v12 =	vmul.f32 v11, v11  }
0xf9: {  	v14 =	vld.idx.msk [tilespmem:v20+s15+$0x0], $0xffff;
	v11 =	vmul.f32 v17, v17;
	v9 =	vadd.f32 v17, v9;
	v17 =	vmul.f32 v16, v16  }
0xfa: {  	v10 =	vadd.f32 v13, v10;
	v3 =	vadd.f32 v12, v3;
	v12 =	vld.idx.msk [tilespmem:v22+s15+$0x0], $0xffff;
	v13 =	vmul.f32 v18, v18  }
0xfb: {  	v7 =	vadd.f32 v18, v7;
	v18 =	vor.u32 v49, v6;
	v5 =	vadd.f32 v17, v5;
	v17 =	vld.idx.msk [tilespmem:v19+s15+$0x0], $0xffff;
	_ =	sdelay $0x1  }
0xfc: {  	v8 =	vadd.f32 v15, v8;
	v4 =	vadd.f32 v11, v4  }
0xfd: {  	v22 =	vld [tilespmem:$0x1FF90];
	v11 =	vmul.f32 v14, v14;
	v2 =	vadd.f32 v13, v2;
	v10 =	vadd.f32 v16, v10  }
0xfe: {  	v13 =	vld.idx.msk [tilespmem:v21+s15+$0x0], $0xffff;
	v16 =	vmul.f32 v15, v15;
	v7 =	vadd.f32 v14, v7;
	v15 =	vmul.f32 v12, v12  }
0xff: {  	v2 =	vadd.f32 v11, v2;
	v10 =	vadd.f32 v12, v10;
	v14 =	vld.idx.msk [tilespmem:v18+s15+$0x0], $0xffff;
	v12 =	vmul.f32 v17, v17  }
0x100: {  	v18 =	vld [tilespmem:$0x1FFA0]  }
0x101: {  	v12 =	vadd.f32 v12, v2;
	v2 =	vld [tilespmem:$0x1FED0];
	_ =	sdelay $0x1  }
0x102: {  	v20 =	vor.u32 v51, v6  }
0x103: {  	v19 =	vor.u32 v56, v6  }
0x104: {  	v18 =	vsel vm0, v18, v22  }
0x105: {  	v11 =	vmul.f32 v13, v13;
	v61 =	vcombine.low v2, v18;
	v2 =	vld [tilespmem:$0x1FEB0];
	_ =	sdelay $0x1  }
0x106: {  	v4 =	vadd.f32 v11, v4;
	v11 =	vld.idx.msk [tilespmem:v20+s15+$0x0], $0xffff  }
0x107: {  	v3 =	vadd.f32 v16, v3;
	v9 =	vadd.f32 v13, v9;
	v13 =	vld.idx.msk [tilespmem:v19+s15+$0x0], $0xffff;
	v16 =	vmul.f32 v14, v14  }
0x108: {  	v19 =	vld [tilespmem:$0x1FE70]  }
0x109: {  	v8 =	vadd.f32 v14, v8;
	v14 =	vadd.f32 v16, v3;
	v3 =	vor.u32 v2, v6;
	v2 =	vld [tilespmem:$0x1FE60]  }
0x10a: {  	v20 =	vld [tilespmem:$0x1FF00];
	_ =	sdelay $0x3  }
0x10b: {  	v2 =	vsel vm0, v19, v2  }
0x10c: {  	v62 =	vcombine.low v2, v20;
	v2 =	vld [tilespmem:$0x1FE80]  }
0x10d: {  	v20 =	vld [tilespmem:$0x1FE90]  }
0x10e: {  	v21 =	vld [tilespmem:$0x1FF60];
	_ =	sdelay $0x3  }
0x10f: {  	v2 =	vsel vm0, v20, v2  }
0x110: {  	v63 =	vcombine.low v2, v21;
	v2 =	vld [tilespmem:$0x1FEC0];
	_ =	sdelay $0x2  }
0x111: {  	v5 =	vadd.f32 v15, v5;
	v15 =	vor.u32 v57, v6;
	v7 =	vadd.f32 v17, v7;
	v17 =	vld [tilespmem:$0x1FEA0];
	_ =	sdelay $0x1  }
0x112: {  	v2 =	vsel vm0, v22, v2;
	v22 =	vld [tilespmem:$0x1FFB0];
	_ =	sdelay $0x1  }
0x113: {  	v23 =	vld [tilespmem:$0x1FEE0];
	v9 =	vadd.f32 v11, v9;
	v11 =	vmul.f32 v11, v11  }
0x114: {  	v15 =	vld.idx.msk [tilespmem:v15+s15+$0x0], $0xffff;
	v17 =	vor.u32 v17, v6  }
0x115: {  	v11 =	vadd.f32 v11, v4;
	v4 =	vld [tilespmem:$0x1FF10]  }
0x116: {  	v2 =	vcombine.low v2, v22;
	v22 =	vld [tilespmem:$0x1FF30]  }
0x117: {  	v20 =	vld [tilespmem:$0x1FEF0]  }
0x118: {  	v26 =	vld [tilespmem:$0x1FF80];
	v16 =	vor.u32 v61, v6  }
0x119: {  	v17 =	vld.idx.msk [tilespmem:v17+s15+$0x0], $0xffff;
	v21 =	vor.u32 v62, v6  }
0x11a: {  	v25 =	vor.u32 v4, v6;
	v4 =	vld [tilespmem:$0x1FFD0];
	v24 =	vor.u32 v63, v6  }
0x11b: {  	v22 =	vsel vm0, v22, v23;
	v23 =	vld.idx.msk [tilespmem:v3+s15+$0x0], $0xffff  }
0x11c: {  	v7 =	vadd.f32 v15, v7;
	v15 =	vmul.f32 v15, v15;
	v20 =	vor.u32 v20, v6;
	v3 =	vld [tilespmem:$0x1FFC0]  }
0x11d: {  	v10 =	vadd.f32 v13, v10;
	v19 =	vmul.f32 v13, v13;
	v13 =	vld.idx.msk [tilespmem:v16+s15+$0x0], $0xffff  }
0x11e: {  	v12 =	vadd.f32 v15, v12;
	v15 =	vld.idx.msk [tilespmem:v21+s15+$0x0], $0xffff  }
0x11f: {  	v21 =	vld.idx.msk [tilespmem:v24+s15+$0x0], $0xffff  }
0x120: {  	v8 =	vadd.f32 v17, v8;
	v4 =	vcombine.low v18, v4;
	v5 =	vadd.f32 v19, v5;
	v24 =	vld [tilespmem:$0x1FF40]  }
0x121: {  	v20 =	vld.idx.msk [tilespmem:v20+s15+$0x0], $0xffff;
	v16 =	vor.u32 v2, v6;
	v3 =	vcombine.low v22, v3;
	v18 =	vmul.f32 v23, v23  }
0x122: {  	v22 =	vmul.f32 v17, v17;
	v17 =	vld [tilespmem:$0x1FF20];
	v9 =	vadd.f32 v23, v9;
	v23 =	vmul.f32 v13, v13  }
0x123: {  	v11 =	vadd.f32 v18, v11;
	v18 =	vld [tilespmem:$0x1FF50]  }
0x124: {  	v19 =	vor.u32 v3, v6;
	v5 =	vadd.f32 v23, v5;
	v23 =	vld.idx.msk [tilespmem:v25+s15+$0x0], $0xffff  }
0x125: {  	v25 =	vld [tilespmem:$0x1FF70]  }
0x126: {  	v16 =	vld.idx.msk [tilespmem:v16+s15+$0x0], $0xffff;
	v14 =	vadd.f32 v22, v14;
	v22 =	vor.u32 v4, v6  }
0x127: {  	v26 =	vor.u32 v26, v6;
	v17 =	vor.u32 v17, v6  }
0x128: {  	v10 =	vadd.f32 v13, v10;
	v8 =	vadd.f32 v15, v8;
	v24 =	vor.u32 v24, v6  }
0x129: {  	v7 =	vadd.f32 v20, v7;
	v13 =	vld.idx.msk [tilespmem:v19+s15+$0x0], $0xffff;
	v19 =	vmul.f32 v20, v20;
	v20 =	vmul.f32 v15, v15  }
0x12a: {  	v18 =	vor.u32 v18, v6;
	v25 =	vor.u32 v25, v6;
	v15 =	vmul.f32 v21, v21  }
0x12b: {  	v12 =	vadd.f32 v19, v12;
	v19 =	vld.idx.msk [tilespmem:v22+s15+$0x0], $0xffff;
	v14 =	vadd.f32 v20, v14;
	v20 =	vmul.f32 v16, v16  }
0x12c: {  	v9 =	vadd.f32 v21, v9;
	v17 =	vld.idx.msk [tilespmem:v17+s15+$0x0], $0xffff  }
0x12d: {  	v21 =	vld.idx.msk [tilespmem:v24+s15+$0x0], $0xffff;
	v11 =	vadd.f32 v15, v11;
	v5 =	vadd.f32 v20, v5  }
0x12e: {  	v20 =	vld.idx.msk [tilespmem:v26+s15+$0x0], $0xffff;
	v15 =	vmul.f32 v13, v13;
	v7 =	vadd.f32 v13, v7;
	v13 =	vmul.f32 v23, v23  }
0x12f: {  	v10 =	vadd.f32 v16, v10;
	v8 =	vadd.f32 v23, v8;
	v16 =	vld.idx.msk [tilespmem:v18+s15+$0x0], $0xffff  }
0x130: {  	v18 =	vld.idx.msk [tilespmem:v25+s15+$0x0], $0xffff;
	v12 =	vadd.f32 v15, v12;
	v13 =	vadd.f32 v13, v14  }
0x131: {  	v14 =	vmul.f32 v19, v19;
	v10 =	vadd.f32 v19, v10;
	v15 =	vmul.f32 v17, v17  }
0x132: {  	v7 =	vadd.f32 v21, v7;
	v9 =	vadd.f32 v17, v9  }
0x133: {  	v5 =	vadd.f32 v14, v5;
	v11 =	vadd.f32 v15, v11;
	v15 =	vmul.f32 v21, v21  }
0x134: {  	v10 =	vadd.f32 v20, v10;
	v8 =	vadd.f32 v16, v8;
	v14 =	vmul.f32 v16, v16  }
0x135: {  	v9 =	vadd.f32 v18, v9;
	v12 =	vadd.f32 v15, v12  }
0x136: {  	v13 =	vadd.f32 v14, v13;
	v14 =	vmul.f32 v18, v18;
	v15 =	vmul.f32 v20, v20  }
0x137: {  	v7 =	vadd.f32 v8, v7;
	v8 =	vadd.f32 v10, v9  }
0x138: {  	v9 =	vadd.f32 v14, v11;
	v5 =	vadd.f32 v15, v5  }
0x139: {  	v7 =	vadd.f32 v8, v7  }
0x13a: {  	v8 =	vadd.f32 v13, v12;
	v5 =	vadd.f32 v5, v9;
	_ =	sdelay $0x1  }
0x13b: {  	v7 =	vmul.f32 $1.562500000e-02, v7;
	v5 =	vadd.f32 v5, v8;
	_ =	sdelay $0x1  }
0x13c: {  	v8 =	vmul.f32 v7, v7;
	v5 =	vmul.f32 $1.562500000e-02, v5;
	_ =	sdelay $0x1  }
0x13d: {  	v5 =	vsub.f32 v5, v8;
	_ =	sdelay $0x1  }
0x13e: {  	v5 =	vadd.f32 $9.999999740e-06, v5;
	_ =	sdelay $0x1  }
0x13f: {  	v8 =	vshra.s32 v5, $0x1;
	v5 =	vmul.f32 $5.000000000e-01, v5  }
0x140: {  	v8 =	vsub.s32 $0x5F3759DF, v8  }
0x141: {  	v9 =	vmul.f32 v8, v5;
	_ =	sdelay $0x1  }
0x142: {  	v9 =	vmul.f32 v8, v9;
	_ =	sdelay $0x1  }
0x143: {  	v9 =	vsub.f32 $1.500000000e+00, v9;
	_ =	sdelay $0x1  }
0x144: {  	v8 =	vmul.f32 v8, v9;
	_ =	sdelay $0x1  }
0x145: {  	v9 =	vmul.f32 v8, v5;
	_ =	sdelay $0x1  }
0x146: {  	v9 =	vmul.f32 v9, v8  }
0x147: {  	s9 =	simm.s32 $0x1  }
0x148: {  	v16 =	vadd.s32 s9, v0;
	v9 =	vsub.f32 $1.500000000e+00, v9  }
0x149: {  	s11 =	simm.s32 $0x7;
	v13 =	vand.u32 $0x3F, v16  }
0x14a: {  	v17 =	vadd.s32 s11, v0;
	v8 =	vmul.f32 v9, v8;
	v9 =	vor.u32 v6, v13  }
0x14b: {  	v21 =	vand.u32 $0x3F, v17  }
0x14c: {  	s13 =	sshll.u32 s14, $0xA;
	s19 =	simm.s32 $0x0;
	v11 =	vor.u32 v6, v21;
	v5 =	vmul.f32 v8, v5  }
0x14d: {  	s7 =	sand.u32 $0x70, s7;
	s11 =	simm.s32 $0x5;
	s9 =	sand.u32 $0x2000, s13  }
0x14e: {  	v23 =	vadd.s32 s11, v0;
	s13 =	simm.s32 $0x3;
	s7 =	sor.u32 s7, s9;
	s9 =	simm.s32 $0x2;
	v5 =	vmul.f32 v5, v8  }
0x14f: {  	v24 =	vadd.s32 s13, v0;
	v18 =	vadd.s32 s19, v0;
	s19 =	simm.s32 $0x4;
	v19 =	vadd.s32 s9, v0;
	v15 =	vld.idx.msk [tilespmem:v9+s15+$0x0], $0xffff  }
0x150: {  	v22 =	vadd.s32 s19, v0;
	s19 =	simm.s32 $0x6;
	v25 =	vand.u32 $0x38, v18;
	v5 =	vsub.f32 $1.500000000e+00, v5  }
0x151: {  	v14 =	vand.u32 $0x3F, v19;
	v26 =	vadd.s32 s19, v0;
	v12 =	vand.u32 $0x3F, v22;
	v20 =	vld.idx.msk [tilespmem:v11+s15+$0x0], $0xffff  }
0x152: {  	v16 =	vshll.u32 v16, $0x7;
	v27 =	vld.idx.msk [tilespmem:v13+s10+$0x0], $0xffff;
	v8 =	vmul.f32 v5, v8;
	v5 =	vand.u32 $0x7, v0  }
0x153: {  	v28 =	vor.u32 v6, v14;
	v30 =	vld.idx.msk [tilespmem:v13+s12+$0x0], $0xffff;
	v13 =	vand.u32 $0x3F, v23;
	v10 =	vor.u32 v5, v6  }
0x154: {  	v7 =	vmul.f32 v8, v7;
	v29 =	vor.u32 v25, v10;
	v31 =	vmul.f32 v15, v8  }
0x155: {  	v32 =	vor.u32 v6, v12;
	v36 =	vand.u32 $0x1F80, v16;
	v35 =	vor.u32 v6, v13  }
0x156: {  	v34 =	vld.idx.msk [tilespmem:v21+s10+$0x0], $0xffff;
	v11 =	vand.u32 $0x3F, v24;
	v33 =	vor.u32 v5, v25;
	v25 =	vsub.f32 v31, v7  }
0x157: {  	v24 =	vshll.u32 v24, $0x7;
	v23 =	vshll.u32 v23, $0x7;
	v20 =	vmul.f32 v20, v8  }
0x158: {  	v37 =	vld.idx.msk [tilespmem:v12+s10+$0x0], $0xffff;
	v9 =	vor.u32 s7, v0;
	v31 =	vor.u32 v6, v11;
	v16 =	vmul.f32 v25, v27  }
0x159: {  	v15 =	vand.u32 $0x3F, v26;
	v20 =	vsub.f32 v20, v7;
	v27 =	vshll.u32 v18, $0x7;
	v29 =	vld.idx.msk [tilespmem:v29+s15+$0x0], $0xffff  }
0x15a: {  	v59 =	vld.idx.msk [tilespmem:v35+s15+$0x0], $0xffff;
	v18 =	vshll.u32 v26, $0x7;
	v25 =	vadd.f32 v16, v30;
	v30 =	vor.u32 v6, v15  }
0x15b: {  	v26 =	vmul.f32 v20, v34;
	v16 =	vshll.u32 v17, $0x7;
	v17 =	vand.u32 $0x1F80, v24;
	v24 =	vld.idx.msk [tilespmem:v32+s15+$0x0], $0xffff  }
0x15c: {  	v42 =	vld.idx.msk [tilespmem:v33+s10+$0x0], $0xffff;
	v20 =	vand.u32 $0x1F80, v18;
	v58 =	vand.u32 $0x1F80, v16;
	v16 =	vshll.u32 v19, $0x7  }
0x15d: {  	v18 =	vshll.u32 v22, $0x7;
	v27 =	vand.u32 $0x1F80, v27;
	v22 =	vld.idx.msk [tilespmem:v31+s15+$0x0], $0xffff;
	v16 =	vand.u32 $0x1F80, v16  }
0x15e: {  	v19 =	vor.u32 v16, v9;
	v16 =	vand.u32 $0x1F80, v23;
	v23 =	vld.idx.msk [tilespmem:v28+s15+$0x0], $0xffff;
	v28 =	vmul.f32 v29, v8  }
0x15f: {  	v34 =	vmul.f32 v59, v8;
	v18 =	vand.u32 $0x1F80, v18;
	v27 =	vor.u32 v27, v9;
	v60 =	vld.idx.msk [tilespmem:v30+s15+$0x0], $0xffff  }
0x160: {  	v31 =	vor.u32 v36, v9;
	v43 =	vmul.f32 v24, v8;
	v30 =	vld.idx.msk [tilespmem:v21+s12+$0x0], $0xffff;
	v28 =	vsub.f32 v28, v7  }
0x161: {  	v34 =	vsub.f32 v34, v7;
	v18 =	vor.u32 v18, v9;
	v29 =	vld.idx.msk [tilespmem:v33+s12+$0x0], $0xffff;
	v24 =	vor.u32 v58, v9  }
0x162: {  	v21 =	vmul.f32 v22, v8;
	v22 =	vsub.f32 v43, v7;
	v33 =	vmul.f32 v28, v42;
	v28 =	vld.idx.msk [tilespmem:v13+s10+$0x0], $0xffff  }
0x163: {  	v17 =	vor.u32 v17, v9;
	v16 =	vor.u32 v16, v9;
	v32 =	vmul.f32 v23, v8  }
0x164: {  	s7 =	simm.s32 $0x8;
	v23 =	vsub.f32 v21, v7;
	v21 =	vmul.f32 v22, v37;
	v22 =	vld.idx.msk [tilespmem:v14+s12+$0x0], $0xffff;
	v35 =	vmul.f32 v60, v8  }
.LBB2_6:
0x165: {  	v36 =	vadd.s32 s7, v0;
	s9 =	sadd.s32 $0x1, s7;
	s11 =	sadd.s32 $0x2, s7;
	s13 =	sadd.s32 $0x3, s7;
	[tilespmem:v31+s18+$0x0] =	vst.idx.msk $0xffff, v25;
	v20 =	vor.u32 v20, v9;
	v25 =	vadd.f32 v26, v30  }
0x166: {  	s19 =	sadd.s32 $0x6, s7;
	v29 =	vadd.f32 v33, v29;
	v26 =	vadd.s32 s9, v0;
	v30 =	vadd.s32 s11, v0;
	s9 =	sadd.s32 $0x4, s7;
	s11 =	sadd.s32 $0x5, s7;
	v31 =	vld.idx.msk [tilespmem:v14+s10+$0x0], $0xffff  }
0x167: {  	p0 =	slt.u32 s7, $0x38;
	v28 =	vmul.f32 v34, v28;
	v33 =	vadd.s32 s9, v0;
	v37 =	vadd.s32 s11, v0;
	s9 =	sadd.s32 $0x7, s7;
	s7 =	sadd.s32 $0x8, s7;
	v34 =	vld.idx.msk [tilespmem:v15+s10+$0x0], $0xffff;
	[tilespmem:v24+s18+$0x0] =	vst.idx.msk $0xffff, v25  }
0x168: {  	v24 =	vand.u32 $0x3F, v26;
	v25 =	vadd.s32 s9, v0;
	[tilespmem:v27+s18+$0x0] =	vst.idx.msk $0xffff, v29;
	v27 =	vsub.f32 v32, v7;
	v29 =	vld.idx.msk [tilespmem:v11+s10+$0x0], $0xffff  }
0x169: {  	v35 =	vsub.f32 v35, v7;
	v32 =	vadd.s32 s13, v0;
	v42 =	vand.u32 $0x3F, v25;
	v43 =	vld.idx.msk [tilespmem:v13+s12+$0x0], $0xffff  }
0x16a: {  	v44 =	vand.u32 $0x38, v36;
	v14 =	vand.u32 $0x3F, v30;
	v45 =	vor.u32 v6, v42;
	v50 =	vld.idx.msk [tilespmem:v15+s12+$0x0], $0xffff  }
0x16b: {  	v53 =	vadd.s32 s19, v0;
	v52 =	vor.u32 v6, v24;
	v54 =	vld.idx.msk [tilespmem:v11+s12+$0x0], $0xffff;
	v11 =	vand.u32 $0x3F, v32  }
0x16c: {  	v55 =	vor.u32 v6, v14;
	v13 =	vand.u32 $0x3F, v37;
	v58 =	vld.idx.msk [tilespmem:v12+s12+$0x0], $0xffff;
	v12 =	vand.u32 $0x3F, v33  }
0x16d: {  	v59 =	vor.u32 v44, v10;
	v34 =	vmul.f32 v35, v34;
	v60 =	vld.idx.msk [tilespmem:v24+s12+$0x0], $0xffff;
	v38 =	vor.u32 v6, v12  }
0x16e: {  	v15 =	vand.u32 $0x3F, v53;
	v35 =	vor.u32 v5, v44;
	v23 =	vmul.f32 v23, v29;
	v44 =	vld.idx.msk [tilespmem:v42+s10+$0x0], $0xffff  }
0x16f: {  	v39 =	vor.u32 v6, v13;
	v27 =	vmul.f32 v27, v31;
	v29 =	vor.u32 v6, v11;
	v24 =	vld.idx.msk [tilespmem:v24+s10+$0x0], $0xffff  }
0x170: {  	v26 =	vshll.u32 v26, $0x7;
	v28 =	vadd.f32 v28, v43;
	v34 =	vadd.f32 v34, v50;
	v31 =	vld.idx.msk [tilespmem:v52+s15+$0x0], $0xffff  }
0x171: {  	v26 =	vand.u32 $0x1F80, v26;
	v22 =	vadd.f32 v27, v22;
	v23 =	vadd.f32 v23, v54;
	v43 =	vld.idx.msk [tilespmem:v12+s10+$0x0], $0xffff  }
0x172: {  	v27 =	vshll.u32 v36, $0x7;
	v36 =	vshll.u32 v53, $0x7;
	v21 =	vadd.f32 v21, v58;
	v45 =	vld.idx.msk [tilespmem:v45+s15+$0x0], $0xffff;
	[tilespmem:v20+s18+$0x0] =	vst.idx.msk $0xffff, v34  }
0x173: {  	v25 =	vshll.u32 v25, $0x7;
	v32 =	vshll.u32 v32, $0x7;
	v20 =	vand.u32 $0x1F80, v36;
	v34 =	vld.idx.msk [tilespmem:v59+s15+$0x0], $0xffff;
	[tilespmem:v19+s18+$0x0] =	vst.idx.msk $0xffff, v22  }
0x174: {  	v25 =	vand.u32 $0x1F80, v25;
	v32 =	vand.u32 $0x1F80, v32;
	v36 =	vor.u32 v6, v15;
	v22 =	vld.idx.msk [tilespmem:v35+s10+$0x0], $0xffff;
	[tilespmem:v18+s18+$0x0] =	vst.idx.msk $0xffff, v21  }
0x175: {  	v19 =	vshll.u32 v33, $0x7;
	v18 =	vshll.u32 v30, $0x7;
	v30 =	vshll.u32 v37, $0x7;
	v21 =	vld.idx.msk [tilespmem:v38+s15+$0x0], $0xffff;
	[tilespmem:v16+s18+$0x0] =	vst.idx.msk $0xffff, v28  }
0x176: {  	v16 =	vmul.f32 v31, v8;
	v18 =	vand.u32 $0x1F80, v18;
	v28 =	vld.idx.msk [tilespmem:v29+s15+$0x0], $0xffff;
	v29 =	vand.u32 $0x1F80, v19;
	[tilespmem:v17+s18+$0x0] =	vst.idx.msk $0xffff, v23  }
0x177: {  	v19 =	vor.u32 v18, v9;
	v17 =	vand.u32 $0x1F80, v30;
	v18 =	vor.u32 v29, v9;
	v23 =	vld.idx.msk [tilespmem:v39+s15+$0x0], $0xffff  }
0x178: {  	v29 =	vsub.f32 v16, v7;
	v16 =	vor.u32 v17, v9;
	v30 =	vmul.f32 v45, v8;
	v37 =	vld.idx.msk [tilespmem:v55+s15+$0x0], $0xffff  }
0x179: {  	v27 =	vand.u32 $0x1F80, v27;
	v17 =	vor.u32 v32, v9;
	v31 =	vmul.f32 v34, v8;
	v36 =	vld.idx.msk [tilespmem:v36+s15+$0x0], $0xffff  }
0x17a: {  	v32 =	vmul.f32 v29, v24;
	v33 =	vsub.f32 v30, v7;
	v24 =	vor.u32 v25, v9;
	v30 =	vld.idx.msk [tilespmem:v42+s12+$0x0], $0xffff  }
.Ltmp1:
0x17b: {  	v34 =	vsub.f32 v31, v7;
	v31 =	vor.u32 v26, v9;
	v21 =	vmul.f32 v21, v8;
	v29 =	vld.idx.msk [tilespmem:v35+s12+$0x0], $0xffff;
	(pc) =	sbr.rel @p0 .LBB2_6-.Ltmp1, $4  }
0x17c: {  	v25 =	vadd.f32 v32, v60;
	v35 =	vmul.f32 v28, v8;
	v26 =	vmul.f32 v33, v44;
	v28 =	vld.idx.msk [tilespmem:v13+s10+$0x0], $0xffff  }
0x17d: {  	v27 =	vor.u32 v27, v9;
	v21 =	vsub.f32 v21, v7;
	v38 =	vmul.f32 v23, v8  }
0x17e: {  	v33 =	vmul.f32 v34, v22;
	v32 =	vmul.f32 v37, v8;
	v23 =	vsub.f32 v35, v7  }
0x17f: {  	v21 =	vmul.f32 v21, v43;
	v34 =	vsub.f32 v38, v7;
	v35 =	vmul.f32 v36, v8;
	v22 =	vld.idx.msk [tilespmem:v14+s12+$0x0], $0xffff  }
0x180: {  	_ =	sdelay $0x3  }
0x181: {  	v6 =	vld.idx.msk [tilespmem:v15+s10+$0x0], $0xffff  }
0x182: {  	v8 =	vld.idx.msk [tilespmem:v14+s10+$0x0], $0xffff  }
0x183: {  	v12 =	vld.idx.msk [tilespmem:v12+s12+$0x0], $0xffff  }
0x184: {  	v10 =	vld.idx.msk [tilespmem:v15+s12+$0x0], $0xffff  }
0x185: {  	v52 =	vld.idx.msk [tilespmem:v11+s10+$0x0], $0xffff;
	v53 =	vsub.f32 v35, v7  }
0x186: {  	v9 =	vor.u32 v20, v9;
	v54 =	vadd.f32 v26, v30;
	v13 =	vld.idx.msk [tilespmem:v13+s12+$0x0], $0xffff;
	v7 =	vsub.f32 v32, v7  }
0x187: {  	[tilespmem:v31+s18+$0x0] =	vst.idx.msk $0xffff, v25;
	v55 =	vadd.f32 v33, v29;
	v58 =	vld.idx.msk [tilespmem:v11+s12+$0x0], $0xffff;
	v6 =	vmul.f32 v53, v6  }
0x188: {  	s14 =	sadd.s32 $0x1, s14;
	[tilespmem:v24+s18+$0x0] =	vst.idx.msk $0xffff, v54;
	v7 =	vmul.f32 v7, v8;
	v12 =	vadd.f32 v21, v12  }
0x189: {  	v59 =	vmul.f32 v34, v28;
	p0 =	sne.s32 s14, $0x10;
	[tilespmem:v27+s18+$0x0] =	vst.idx.msk $0xffff, v55;
	v6 =	vadd.f32 v6, v10  }
.Ltmp2:
0x18a: {  	v60 =	vmul.f32 v23, v52;
	v7 =	vadd.f32 v7, v22;
	[tilespmem:v18+s18+$0x0] =	vst.idx.msk $0xffff, v12;
	(pc) =	sbr.rel @p0 .LBB2_5-.Ltmp2, $4  }
0x18b: {  	[tilespmem:v9+s18+$0x0] =	vst.idx.msk $0xffff, v6;
	v6 =	vadd.f32 v59, v13  }
0x18c: {  	[tilespmem:v19+s18+$0x0] =	vst.idx.msk $0xffff, v7;
	v7 =	vadd.f32 v60, v58  }
0x18d: {  	[tilespmem:v16+s18+$0x0] =	vst.idx.msk $0xffff, v6  }
0x18e: {  	[tilespmem:v17+s18+$0x0] =	vst.idx.msk $0xffff, v7  }
0x18f: {  	s7 =	smulhi.u32 $0x51EB851F, s0;
	_ =	sdelay $0x1  }
0x190: {  	s7 =	sshrl.u32 s7, $0x3  }
0x191: {  	s9 =	smul.u32 $0x19, s7;
	_ =	sdelay $0x1  }
0x192: {  	s7 =	sadd.s32 s8, s7;
	s14 =	ssub.s32 s0, s9  }
0x193: {  	s7 =	sshll.u32 s7, $0xA;
	s0 =	sshll.u32 s14, $0x15  }
0x194: {  	s0 =	sadd.s32 s0, s7  }
0x195: {  	s0 =	sshrl.u32 s0, $0x3  }
0x196: {  	s7 =	sadd.s32 s4, s0  }
0x197: {  	[hbm4b:s7+s5] =	stream.linear.scatter [tilespmem:s18], [sflag:$0x2], $0x400, $0x38;
	[tilespmem:$0x1C880] =	vst v63  }
0x198: {  	s11 =	simm.s32 $0x14C00;
	s19 =	sadd.s32 $0x4000, s7  }
0x199: {  	[hbm4b:s19+s5] =	stream.linear.scatter [tilespmem:s11], [sflag:$0x2], $0x400, $0x38;
	[tilespmem:$0x1C880] =	vst v63  }
0x19a: {  	s13 =	simm.s32 $0x15000;
	s11 =	sadd.s32 $0x8000, s7  }
0x19b: {  	[hbm4b:s11+s5] =	stream.linear.scatter [tilespmem:s13], [sflag:$0x2], $0x400, $0x38;
	[tilespmem:$0x1C880] =	vst v63  }
0x19c: {  	s14 =	sadd.s32 $0xC000, s7;
	s19 =	simm.s32 $0x15400  }
0x19d: {  	[hbm4b:s14+s5] =	stream.linear.scatter [tilespmem:s19], [sflag:$0x2], $0x400, $0x38;
	[tilespmem:$0x1C880] =	vst v63  }
0x19e: {  	s11 =	sadd.s32 $0x10000, s7;
	s13 =	simm.s32 $0x15800  }
0x19f: {  	[hbm4b:s11+s5] =	stream.linear.scatter [tilespmem:s13], [sflag:$0x2], $0x400, $0x38;
	[tilespmem:$0x1C880] =	vst v63  }
0x1a0: {  	s14 =	sadd.s32 $0x14000, s7;
	s19 =	simm.s32 $0x15C00  }
0x1a1: {  	[hbm4b:s14+s5] =	stream.linear.scatter [tilespmem:s19], [sflag:$0x2], $0x400, $0x38;
	[tilespmem:$0x1C880] =	vst v63  }
0x1a2: {  	s11 =	sadd.s32 $0x18000, s7;
	s13 =	simm.s32 $0x16000  }
0x1a3: {  	[hbm4b:s11+s5] =	stream.linear.scatter [tilespmem:s13], [sflag:$0x2], $0x400, $0x38;
	[tilespmem:$0x1C880] =	vst v63  }
0x1a4: {  	s0 =	sor.u32 $0x20000, s0;
	s14 =	sadd.s32 $0x1C000, s7;
	s19 =	simm.s32 $0x16400  }
0x1a5: {  	[hbm4b:s14+s5] =	stream.linear.scatter [tilespmem:s19], [sflag:$0x2], $0x400, $0x38;
	[tilespmem:$0x1C880] =	vst v63  }
0x1a6: {  	s0 =	sadd.s32 s4, s0;
	s13 =	simm.s32 $0x16800  }
0x1a7: {  	[hbm4b:s0+s5] =	stream.linear.scatter [tilespmem:s13], [sflag:$0x2], $0x400, $0x38;
	[tilespmem:$0x1C880] =	vst v63  }
0x1a8: {  	s14 =	sadd.s32 $0x24000, s7;
	s19 =	simm.s32 $0x16C00  }
0x1a9: {  	[hbm4b:s14+s5] =	stream.linear.scatter [tilespmem:s19], [sflag:$0x2], $0x400, $0x38;
	[tilespmem:$0x1C880] =	vst v63  }
0x1aa: {  	s11 =	sadd.s32 $0x28000, s7;
	s13 =	simm.s32 $0x17000  }
0x1ab: {  	[hbm4b:s11+s5] =	stream.linear.scatter [tilespmem:s13], [sflag:$0x2], $0x400, $0x38;
	[tilespmem:$0x1C880] =	vst v63  }
0x1ac: {  	s14 =	sadd.s32 $0x2C000, s7;
	s19 =	simm.s32 $0x17400  }
0x1ad: {  	[hbm4b:s14+s5] =	stream.linear.scatter [tilespmem:s19], [sflag:$0x2], $0x400, $0x38;
	[tilespmem:$0x1C880] =	vst v63  }
0x1ae: {  	s11 =	sadd.s32 $0x30000, s7;
	s13 =	simm.s32 $0x17800  }
0x1af: {  	[hbm4b:s11+s5] =	stream.linear.scatter [tilespmem:s13], [sflag:$0x2], $0x400, $0x38;
	[tilespmem:$0x1C880] =	vst v63  }
0x1b0: {  	s14 =	sadd.s32 $0x34000, s7;
	s19 =	simm.s32 $0x17C00  }
0x1b1: {  	[hbm4b:s14+s5] =	stream.linear.scatter [tilespmem:s19], [sflag:$0x2], $0x400, $0x38;
	[tilespmem:$0x1C880] =	vst v63  }
0x1b2: {  	s11 =	sadd.s32 $0x38000, s7;
	s13 =	simm.s32 $0x18000  }
0x1b3: {  	[hbm4b:s11+s5] =	stream.linear.scatter [tilespmem:s13], [sflag:$0x2], $0x400, $0x38;
	[tilespmem:$0x1C880] =	vst v63  }
0x1b4: {  	p0 =	seq.s32 s3, $0x31;
	s14 =	sadd.s32 $0x3C000, s7;
	s19 =	simm.s32 $0x18400  }
0x1b5: {  	[hbm4b:s14+s5] =	stream.linear.scatter [tilespmem:s19], [sflag:$0x2], $0x400, $0x38;
	[tilespmem:$0x1C880] =	vst v63  }
0x1b6: {  	p1 =	seq.s32 @!p0 s3, $0x0;
	s0 =	sshll.u32 @!p0 s3, $0x9;
	_ =	swait.ge [sflag:s16], $0x4000  }
0x1b7: {  	s9 =	simm.s32 @!p0 $0xC800;
	s0 =	sand.u32 @!p0 $0x3FFFFE00, s0;
	[sflag:s16] =	ssyncset.done $0x0  }
0x1b8: {  	s0 =	sadd.s32 @!p0 $0x6600, s0;
	s7 =	simm.s32 @!p0 $0x100;
	[sflag:s16] =	ssyncadd.s32 $0xFFFFC000  }
0x1b9: {  	[tilespmem:s9], [sflag:$0x1] =	stream.indirect.gather @!p0 [hbm4b:s6+s7], $0x40, s0, s7, $0xb8;
	[tilespmem:$0x1C880] =	vst v63  }
0x1ba: {  	p0 =	por p0, !p1  }
0x1bb: {  	_ =	swait.ge @p0 [sflag:s31], $0x4000  }
0x1bc: {  	[sflag:s31] =	ssyncset.done @p0 $0x0  }
0x1bd: {  	s14 =	simm.s32 $0x0;
	s0 =	simm.s32 $0x0;
	[sflag:s31] =	ssyncadd.s32 @p0 $0xFFFFC000  }
.LBB2_9:
0x1be: {  	v7 =	vld [tilespmem:$0x1FC00]  }
0x1bf: {  	v8 =	vld [tilespmem:$0x1FC10]  }
0x1c0: {  	v9 =	vld [tilespmem:$0x1FC20]  }
0x1c1: {  	v10 =	vld [tilespmem:$0x1FC40]  }
0x1c2: {  	s7 =	sshll.u32 s14, $0x4;
	v11 =	vld [tilespmem:$0x1FC30]  }
0x1c3: {  	v12 =	vld [tilespmem:$0x1FC50];
	v6 =	vmov s7  }
0x1c4: {  	v13 =	vld [tilespmem:$0x1FC60];
	v6 =	vshll.u32 v6, $0x6  }
0x1c5: {  	v14 =	vld [tilespmem:$0x1FC70];
	v6 =	vor.u32 v7, v6  }
0x1c6: {  	v15 =	vld [tilespmem:$0x1FC80];
	v7 =	vor.u32 v0, v6  }
0x1c7: {  	v16 =	vld [tilespmem:$0x1FC90];
	v8 =	vor.u32 v8, v6  }
0x1c8: {  	v19 =	vld [tilespmem:$0x1FCA0];
	v10 =	vor.u32 v10, v6  }
0x1c9: {  	v22 =	vld [tilespmem:$0x1FCB0];
	v9 =	vor.u32 v9, v6  }
0x1ca: {  	v24 =	vld [tilespmem:$0x1FCD0];
	v11 =	vor.u32 v11, v6  }
0x1cb: {  	v12 =	vor.u32 v12, v6;
	v7 =	vld.idx.msk [tilespmem:v7+s17+$0x0], $0xffff  }
0x1cc: {  	v13 =	vor.u32 v13, v6;
	v8 =	vld.idx.msk [tilespmem:v8+s17+$0x0], $0xffff  }
0x1cd: {  	v14 =	vor.u32 v14, v6;
	v10 =	vld.idx.msk [tilespmem:v10+s17+$0x0], $0xffff  }
0x1ce: {  	v15 =	vor.u32 v15, v6;
	v9 =	vld.idx.msk [tilespmem:v9+s17+$0x0], $0xffff  }
0x1cf: {  	v11 =	vld.idx.msk [tilespmem:v11+s17+$0x0], $0xffff  }
0x1d0: {  	v12 =	vld.idx.msk [tilespmem:v12+s17+$0x0], $0xffff  }
0x1d1: {  	v16 =	vor.u32 v16, v6;
	v19 =	vor.u32 v19, v6;
	v13 =	vld.idx.msk [tilespmem:v13+s17+$0x0], $0xffff  }
0x1d2: {  	v14 =	vld.idx.msk [tilespmem:v14+s17+$0x0], $0xffff;
	v17 =	vadd.f32 $0.0e+00, v7;
	v7 =	vmul.f32 v7, v7;
	v21 =	vmul.f32 v10, v10  }
0x1d3: {  	v22 =	vor.u32 v22, v6;
	v15 =	vld.idx.msk [tilespmem:v15+s17+$0x0], $0xffff;
	v18 =	vadd.f32 $0.0e+00, v8  }
0x1d4: {  	v8 =	vmul.f32 v8, v8;
	v20 =	vadd.f32 $0.0e+00, v9;
	v7 =	vadd.f32 v21, v7;
	v21 =	vld [tilespmem:$0x1FCC0]  }
0x1d5: {  	v9 =	vmul.f32 v9, v9;
	v10 =	vadd.f32 v10, v17;
	v17 =	vmul.f32 v12, v12  }
0x1d6: {  	v16 =	vld.idx.msk [tilespmem:v16+s17+$0x0], $0xffff;
	v23 =	vadd.f32 $0.0e+00, v11;
	v12 =	vadd.f32 v12, v18;
	v18 =	vmul.f32 v13, v13  }
0x1d7: {  	v24 =	vor.u32 v24, v6;
	v8 =	vadd.f32 v17, v8;
	v17 =	vld.idx.msk [tilespmem:v19+s17+$0x0], $0xffff  }
0x1d8: {  	v9 =	vadd.f32 v18, v9;
	v18 =	vmul.f32 v14, v14;
	v14 =	vadd.f32 v14, v23;
	v23 =	vld [tilespmem:$0x1FCF0]  }
0x1d9: {  	v19 =	vld.idx.msk [tilespmem:v22+s17+$0x0], $0xffff;
	v22 =	vmul.f32 v15, v15;
	v21 =	vor.u32 v21, v6  }
0x1da: {  	v13 =	vadd.f32 v13, v20;
	v20 =	vld [tilespmem:$0x1FCE0]  }
0x1db: {  	v11 =	vmul.f32 v11, v11;
	v7 =	vadd.f32 v22, v7;
	v22 =	vld [tilespmem:$0x1FD10]  }
0x1dc: {  	v10 =	vadd.f32 v15, v10;
	v15 =	vmul.f32 v16, v16;
	v12 =	vadd.f32 v16, v12;
	v16 =	vld.idx.msk [tilespmem:v24+s17+$0x0], $0xffff  }
0x1dd: {  	v24 =	vld [tilespmem:$0x1FD20];
	v23 =	vor.u32 v23, v6  }
0x1de: {  	v11 =	vadd.f32 v18, v11;
	v18 =	vld.idx.msk [tilespmem:v21+s17+$0x0], $0xffff  }
0x1df: {  	v20 =	vor.u32 v20, v6;
	v21 =	vld [tilespmem:$0x1FD00]  }
0x1e0: {  	v8 =	vadd.f32 v15, v8;
	v15 =	vmul.f32 v17, v17;
	v22 =	vor.u32 v22, v6  }
0x1e1: {  	v13 =	vadd.f32 v17, v13;
	v17 =	vmul.f32 v19, v19;
	v14 =	vadd.f32 v19, v14;
	v19 =	vld [tilespmem:$0x1FD30]  }
0x1e2: {  	v24 =	vor.u32 v24, v6;
	v9 =	vadd.f32 v15, v9;
	v15 =	vld.idx.msk [tilespmem:v23+s17+$0x0], $0xffff  }
0x1e3: {  	v23 =	vld [tilespmem:$0x1FD40]  }
0x1e4: {  	v12 =	vadd.f32 v16, v12;
	v11 =	vadd.f32 v17, v11;
	v20 =	vld.idx.msk [tilespmem:v20+s17+$0x0], $0xffff;
	v21 =	vor.u32 v21, v6  }
0x1e5: {  	v17 =	vmul.f32 v18, v18;
	v10 =	vadd.f32 v18, v10;
	v18 =	vmul.f32 v16, v16;
	v16 =	vld.idx.msk [tilespmem:v22+s17+$0x0], $0xffff  }
0x1e6: {  	v22 =	vld [tilespmem:$0x1FD50]  }
0x1e7: {  	v19 =	vor.u32 v19, v6;
	v8 =	vadd.f32 v18, v8;
	v18 =	vld.idx.msk [tilespmem:v24+s17+$0x0], $0xffff  }
0x1e8: {  	v23 =	vor.u32 v23, v6;
	v24 =	vld [tilespmem:$0x1FD60]  }
0x1e9: {  	v21 =	vld.idx.msk [tilespmem:v21+s17+$0x0], $0xffff;
	_ =	sdelay $0x1  }
0x1ea: {  	v13 =	vadd.f32 v20, v13;
	v7 =	vadd.f32 v17, v7;
	v22 =	vor.u32 v22, v6  }
0x1eb: {  	v17 =	vmul.f32 v20, v20;
	v20 =	vmul.f32 v15, v15;
	v14 =	vadd.f32 v15, v14;
	v15 =	vld.idx.msk [tilespmem:v19+s17+$0x0], $0xffff  }
0x1ec: {  	v19 =	vld.idx.msk [tilespmem:v23+s17+$0x0], $0xffff  }
0x1ed: {  	v9 =	vadd.f32 v17, v9;
	v24 =	vor.u32 v24, v6;
	v23 =	vld [tilespmem:$0x1FD80];
	v17 =	vmul.f32 v21, v21  }
0x1ee: {  	v11 =	vadd.f32 v20, v11;
	v20 =	vld [tilespmem:$0x1FD70]  }
0x1ef: {  	v7 =	vadd.f32 v17, v7;
	v17 =	vld.idx.msk [tilespmem:v22+s17+$0x0], $0xffff  }
0x1f0: {  	v22 =	vld [tilespmem:$0x1FDA0]  }
0x1f1: {  	v12 =	vadd.f32 v16, v12;
	v10 =	vadd.f32 v21, v10;
	v21 =	vmul.f32 v16, v16  }
0x1f2: {  	v13 =	vadd.f32 v18, v13;
	v16 =	vmul.f32 v18, v18;
	v23 =	vor.u32 v23, v6;
	v18 =	vld.idx.msk [tilespmem:v24+s17+$0x0], $0xffff  }
0x1f3: {  	v8 =	vadd.f32 v21, v8;
	v21 =	vld [tilespmem:$0x1FD90]  }
0x1f4: {  	v20 =	vor.u32 v20, v6;
	v24 =	vld [tilespmem:$0x1FDB0]  }
0x1f5: {  	v9 =	vadd.f32 v16, v9;
	v16 =	vmul.f32 v15, v15;
	v22 =	vor.u32 v22, v6  }
0x1f6: {  	v14 =	vadd.f32 v15, v14;
	v15 =	vmul.f32 v19, v19;
	v10 =	vadd.f32 v19, v10;
	v19 =	vld [tilespmem:$0x1FDC0]  }
0x1f7: {  	v11 =	vadd.f32 v16, v11;
	v16 =	vld.idx.msk [tilespmem:v23+s17+$0x0], $0xffff  }
0x1f8: {  	v7 =	vadd.f32 v15, v7;
	v21 =	vor.u32 v21, v6;
	v15 =	vmul.f32 v17, v17;
	v23 =	vld [tilespmem:$0x1FDD0]  }
0x1f9: {  	v20 =	vld.idx.msk [tilespmem:v20+s17+$0x0], $0xffff;
	v24 =	vor.u32 v24, v6  }
0x1fa: {  	v8 =	vadd.f32 v15, v8;
	v15 =	vld.idx.msk [tilespmem:v22+s17+$0x0], $0xffff  }
0x1fb: {  	v22 =	vld [tilespmem:$0x1FDE0]  }
0x1fc: {  	v19 =	vor.u32 v19, v6  }
0x1fd: {  	v21 =	vld.idx.msk [tilespmem:v21+s17+$0x0], $0xffff;
	v23 =	vor.u32 v23, v6  }
0x1fe: {  	v12 =	vadd.f32 v17, v12;
	v17 =	vmul.f32 v18, v18;
	v13 =	vadd.f32 v18, v13;
	v18 =	vld.idx.msk [tilespmem:v24+s17+$0x0], $0xffff  }
0x1ff: {  	v24 =	vld [tilespmem:$0x1FDF0]  }
0x200: {  	v9 =	vadd.f32 v17, v9;
	v17 =	vmul.f32 v20, v20;
	v22 =	vor.u32 v22, v6  }
0x201: {  	v14 =	vadd.f32 v20, v14;
	v20 =	vmul.f32 v16, v16;
	v10 =	vadd.f32 v16, v10;
	v16 =	vld.idx.msk [tilespmem:v19+s17+$0x0], $0xffff  }
0x202: {  	v19 =	vld.idx.msk [tilespmem:v23+s17+$0x0], $0xffff  }
0x203: {  	v11 =	vadd.f32 v17, v11;
	v17 =	vmul.f32 v21, v21;
	v23 =	vld [tilespmem:$0x1FE10]  }
0x204: {  	v7 =	vadd.f32 v20, v7;
	v20 =	vld [tilespmem:$0x1FE00];
	v24 =	vor.u32 v24, v6  }
0x205: {  	v8 =	vadd.f32 v17, v8;
	v17 =	vld.idx.msk [tilespmem:v22+s17+$0x0], $0xffff  }
0x206: {  	v12 =	vadd.f32 v21, v12;
	v21 =	vmul.f32 v15, v15;
	v22 =	vld [tilespmem:$0x1FE30];
	_ =	sdelay $0x1  }
0x207: {  	v9 =	vadd.f32 v21, v9;
	v21 =	vld [tilespmem:$0x1FE20];
	v23 =	vor.u32 v23, v6  }
0x208: {  	v13 =	vadd.f32 v15, v13;
	v15 =	vmul.f32 v18, v18;
	v14 =	vadd.f32 v18, v14;
	v18 =	vld.idx.msk [tilespmem:v24+s17+$0x0], $0xffff  }
0x209: {  	v20 =	vor.u32 v20, v6;
	v24 =	vld [tilespmem:$0x1FE40]  }
0x20a: {  	v11 =	vadd.f32 v15, v11;
	v15 =	vmul.f32 v16, v16;
	v22 =	vor.u32 v22, v6  }
0x20b: {  	v10 =	vadd.f32 v16, v10;
	v16 =	vmul.f32 v19, v19;
	v12 =	vadd.f32 v19, v12;
	v19 =	vld [tilespmem:$0x1FE50]  }
0x20c: {  	v7 =	vadd.f32 v15, v7;
	v15 =	vld.idx.msk [tilespmem:v23+s17+$0x0], $0xffff  }
0x20d: {  	v21 =	vor.u32 v21, v6;
	v8 =	vadd.f32 v16, v8;
	v16 =	vmul.f32 v17, v17;
	v23 =	vld [tilespmem:$0x1FFE0]  }
0x20e: {  	v20 =	vld.idx.msk [tilespmem:v20+s17+$0x0], $0xffff;
	v24 =	vor.u32 v24, v6  }
0x20f: {  	v9 =	vadd.f32 v16, v9;
	v16 =	vld.idx.msk [tilespmem:v22+s17+$0x0], $0xffff  }
0x210: {  	v22 =	vld [tilespmem:$0x1FFF0]  }
0x211: {  	v19 =	vor.u32 v19, v6;
	v13 =	vadd.f32 v17, v13;
	v17 =	vmul.f32 v18, v18  }
0x212: {  	v21 =	vld.idx.msk [tilespmem:v21+s17+$0x0], $0xffff;
	v23 =	vor.u32 v23, v6  }
0x213: {  	v14 =	vadd.f32 v18, v14;
	v11 =	vadd.f32 v17, v11;
	v17 =	vmul.f32 v20, v20;
	v18 =	vld.idx.msk [tilespmem:v24+s17+$0x0], $0xffff  }
0x214: {  	v10 =	vadd.f32 v20, v10;
	v20 =	vmul.f32 v15, v15;
	v24 =	vor.u32 v40, v6  }
0x215: {  	v7 =	vadd.f32 v17, v7;
	v22 =	vor.u32 v22, v6  }
0x216: {  	v12 =	vadd.f32 v15, v12;
	v15 =	vld.idx.msk [tilespmem:v19+s17+$0x0], $0xffff;
	v8 =	vadd.f32 v20, v8;
	v20 =	vor.u32 v41, v6  }
0x217: {  	v17 =	vmul.f32 v21, v21;
	v13 =	vadd.f32 v21, v13;
	v19 =	vld.idx.msk [tilespmem:v23+s17+$0x0], $0xffff;
	v21 =	vmul.f32 v16, v16  }
0x218: {  	v23 =	vor.u32 v46, v6;
	v14 =	vadd.f32 v16, v14;
	v16 =	vmul.f32 v18, v18  }
0x219: {  	v10 =	vadd.f32 v18, v10;
	v18 =	vld.idx.msk [tilespmem:v24+s17+$0x0], $0xffff;
	v11 =	vadd.f32 v21, v11;
	v21 =	vor.u32 v47, v6  }
0x21a: {  	v9 =	vadd.f32 v17, v9;
	v24 =	vor.u32 v49, v6;
	v17 =	vld.idx.msk [tilespmem:v22+s17+$0x0], $0xffff  }
0x21b: {  	v7 =	vadd.f32 v16, v7;
	v16 =	vmul.f32 v15, v15;
	v20 =	vld.idx.msk [tilespmem:v20+s17+$0x0], $0xffff  }
0x21c: {  	v12 =	vadd.f32 v15, v12;
	v22 =	vor.u32 v48, v6;
	v15 =	vmul.f32 v19, v19  }
0x21d: {  	v8 =	vadd.f32 v16, v8;
	v16 =	vld.idx.msk [tilespmem:v23+s17+$0x0], $0xffff  }
0x21e: {  	v10 =	vadd.f32 v18, v10;
	v9 =	vadd.f32 v15, v9;
	v21 =	vld.idx.msk [tilespmem:v21+s17+$0x0], $0xffff  }
0x21f: {  	v15 =	vmul.f32 v17, v17;
	v14 =	vadd.f32 v17, v14;
	v17 =	vmul.f32 v18, v18;
	v18 =	vld.idx.msk [tilespmem:v24+s17+$0x0], $0xffff  }
0x220: {  	v13 =	vadd.f32 v19, v13;
	v19 =	vor.u32 v51, v6;
	v12 =	vadd.f32 v20, v12;
	v24 =	vld [tilespmem:$0x1FEA0]  }
0x221: {  	v23 =	vor.u32 v56, v6;
	v11 =	vadd.f32 v15, v11;
	v15 =	vld.idx.msk [tilespmem:v22+s17+$0x0], $0xffff;
	v7 =	vadd.f32 v17, v7  }
0x222: {  	v17 =	vmul.f32 v20, v20;
	v22 =	vor.u32 v57, v6;
	v20 =	vmul.f32 v16, v16;
	_ =	sdelay $0x1  }
0x223: {  	v9 =	vadd.f32 v20, v9;
	v20 =	vld [tilespmem:$0x1FEB0]  }
0x224: {  	v13 =	vadd.f32 v16, v13;
	v16 =	vld.idx.msk [tilespmem:v19+s17+$0x0], $0xffff;
	v8 =	vadd.f32 v17, v8;
	v17 =	vmul.f32 v21, v21  }
0x225: {  	v19 =	vld.idx.msk [tilespmem:v23+s17+$0x0], $0xffff;
	v14 =	vadd.f32 v21, v14;
	v24 =	vor.u32 v24, v6;
	v21 =	vmul.f32 v15, v15  }
0x226: {  	v23 =	vor.u32 v61, v6;
	v11 =	vadd.f32 v17, v11;
	v17 =	vld.idx.msk [tilespmem:v22+s17+$0x0], $0xffff  }
0x227: {  	v10 =	vadd.f32 v15, v10;
	v15 =	vmul.f32 v18, v18;
	v7 =	vadd.f32 v21, v7;
	v21 =	vld [tilespmem:$0x1FEF0]  }
0x228: {  	v25 =	vld [tilespmem:$0x1FF10];
	v20 =	vor.u32 v20, v6  }
0x229: {  	v26 =	vld [tilespmem:$0x1FF40];
	v22 =	vor.u32 v62, v6;
	v8 =	vadd.f32 v15, v8;
	v15 =	vmul.f32 v16, v16  }
0x22a: {  	v12 =	vadd.f32 v18, v12;
	v13 =	vadd.f32 v16, v13;
	v16 =	vmul.f32 v19, v19;
	v18 =	vld.idx.msk [tilespmem:v24+s17+$0x0], $0xffff  }
0x22b: {  	v27 =	vld [tilespmem:$0x1FF80];
	v24 =	vor.u32 v63, v6;
	v9 =	vadd.f32 v15, v9  }
0x22c: {  	v15 =	vld.idx.msk [tilespmem:v23+s17+$0x0], $0xffff;
	v11 =	vadd.f32 v16, v11;
	v16 =	vmul.f32 v17, v17;
	v21 =	vor.u32 v21, v6  }
0x22d: {  	v23 =	vor.u32 v3, v6;
	v20 =	vld.idx.msk [tilespmem:v20+s17+$0x0], $0xffff  }
0x22e: {  	v25 =	vor.u32 v25, v6;
	v14 =	vadd.f32 v19, v14;
	v7 =	vadd.f32 v16, v7;
	v16 =	vld.idx.msk [tilespmem:v22+s17+$0x0], $0xffff  }
0x22f: {  	v10 =	vadd.f32 v17, v10;
	v17 =	vmul.f32 v18, v18;
	v12 =	vadd.f32 v18, v12;
	v18 =	vld [tilespmem:$0x1FF20]  }
0x230: {  	v22 =	vld.idx.msk [tilespmem:v24+s17+$0x0], $0xffff  }
0x231: {  	v19 =	vor.u32 v2, v6;
	v14 =	vadd.f32 v15, v14;
	v8 =	vadd.f32 v17, v8;
	v21 =	vld.idx.msk [tilespmem:v21+s17+$0x0], $0xffff  }
0x232: {  	v17 =	vmul.f32 v20, v20;
	v13 =	vadd.f32 v20, v13;
	v20 =	vmul.f32 v15, v15;
	v15 =	vld.idx.msk [tilespmem:v23+s17+$0x0], $0xffff  }
0x233: {  	v23 =	vld.idx.msk [tilespmem:v25+s17+$0x0], $0xffff  }
0x234: {  	v26 =	vor.u32 v26, v6;
	v9 =	vadd.f32 v17, v9;
	v17 =	vld [tilespmem:$0x1FF50]  }
0x235: {  	v25 =	vld [tilespmem:$0x1FF70];
	v18 =	vor.u32 v18, v6  }
0x236: {  	v19 =	vld.idx.msk [tilespmem:v19+s17+$0x0], $0xffff;
	v24 =	vor.u32 v4, v6  }
0x237: {  	v27 =	vor.u32 v27, v6;
	v12 =	vadd.f32 v16, v12;
	v11 =	vadd.f32 v20, v11  }
0x238: {  	v13 =	vadd.f32 v22, v13;
	v20 =	vmul.f32 v21, v21;
	v10 =	vadd.f32 v21, v10  }
0x239: {  	v21 =	vmul.f32 v16, v16;
	v16 =	vmul.f32 v22, v22;
	v22 =	vld.idx.msk [tilespmem:v26+s17+$0x0], $0xffff;
	v17 =	vor.u32 v17, v6  }
0x23a: {  	v25 =	vor.u32 v25, v6;
	v18 =	vld.idx.msk [tilespmem:v18+s17+$0x0], $0xffff  }
0x23b: {  	v7 =	vadd.f32 v20, v7;
	v20 =	vld.idx.msk [tilespmem:v24+s17+$0x0], $0xffff;
	v8 =	vadd.f32 v21, v8;
	v21 =	vmul.f32 v19, v19;
	_ =	sdelay $0x1  }
0x23c: {  	v9 =	vadd.f32 v16, v9;
	v16 =	vmul.f32 v15, v15;
	v11 =	vadd.f32 v21, v11;
	v21 =	vld.idx.msk [tilespmem:v27+s17+$0x0], $0xffff  }
0x23d: {  	v14 =	vadd.f32 v19, v14;
	v10 =	vadd.f32 v15, v10;
	v15 =	vmul.f32 v23, v23;
	v17 =	vld.idx.msk [tilespmem:v17+s17+$0x0], $0xffff  }
0x23e: {  	v12 =	vadd.f32 v23, v12;
	v7 =	vadd.f32 v16, v7;
	v19 =	vld.idx.msk [tilespmem:v25+s17+$0x0], $0xffff;
	v16 =	vmul.f32 v18, v18  }
0x23f: {  	v8 =	vadd.f32 v15, v8;
	v10 =	vadd.f32 v22, v10;
	v15 =	vmul.f32 v20, v20  }
0x240: {  	v14 =	vadd.f32 v20, v14;
	v9 =	vadd.f32 v16, v9;
	v16 =	vmul.f32 v22, v22  }
0x241: {  	v13 =	vadd.f32 v18, v13;
	v11 =	vadd.f32 v15, v11  }
0x242: {  	v14 =	vadd.f32 v21, v14;
	v7 =	vadd.f32 v16, v7;
	v15 =	vmul.f32 v17, v17  }
0x243: {  	v13 =	vadd.f32 v19, v13;
	v12 =	vadd.f32 v17, v12  }
0x244: {  	v16 =	vmul.f32 v21, v21;
	v8 =	vadd.f32 v15, v8;
	v15 =	vmul.f32 v19, v19  }
0x245: {  	v10 =	vadd.f32 v12, v10;
	v12 =	vadd.f32 v14, v13  }
0x246: {  	v11 =	vadd.f32 v16, v11;
	v9 =	vadd.f32 v15, v9  }
0x247: {  	v10 =	vadd.f32 v12, v10  }
0x248: {  	v7 =	vadd.f32 v8, v7;
	v8 =	vadd.f32 v11, v9;
	_ =	sdelay $0x1  }
0x249: {  	v9 =	vmul.f32 $1.562500000e-02, v10;
	v7 =	vadd.f32 v8, v7;
	_ =	sdelay $0x1  }
0x24a: {  	v8 =	vmul.f32 v9, v9;
	v7 =	vmul.f32 $1.562500000e-02, v7;
	_ =	sdelay $0x1  }
0x24b: {  	v7 =	vsub.f32 v7, v8;
	_ =	sdelay $0x1  }
0x24c: {  	v7 =	vadd.f32 $9.999999740e-06, v7;
	_ =	sdelay $0x1  }
0x24d: {  	v8 =	vshra.s32 v7, $0x1;
	v7 =	vmul.f32 $5.000000000e-01, v7  }
0x24e: {  	v8 =	vsub.s32 $0x5F3759DF, v8  }
0x24f: {  	v10 =	vmul.f32 v8, v7;
	_ =	sdelay $0x1  }
0x250: {  	v10 =	vmul.f32 v8, v10;
	_ =	sdelay $0x1  }
0x251: {  	v10 =	vsub.f32 $1.500000000e+00, v10;
	_ =	sdelay $0x1  }
0x252: {  	v8 =	vmul.f32 v8, v10;
	_ =	sdelay $0x1  }
0x253: {  	v10 =	vmul.f32 v8, v7;
	_ =	sdelay $0x1  }
0x254: {  	v10 =	vmul.f32 v10, v8  }
0x255: {  	s9 =	simm.s32 $0x1  }
0x256: {  	v16 =	vadd.s32 s9, v0;
	v10 =	vsub.f32 $1.500000000e+00, v10  }
0x257: {  	v13 =	vand.u32 $0x3F, v16  }
0x258: {  	s13 =	simm.s32 $0x7;
	v8 =	vmul.f32 v10, v8;
	v10 =	vor.u32 v6, v13  }
0x259: {  	v17 =	vadd.s32 s13, v0  }
0x25a: {  	v21 =	vand.u32 $0x3F, v17;
	v7 =	vmul.f32 v8, v7  }
0x25b: {  	v11 =	vor.u32 v6, v21  }
0x25c: {  	s19 =	sshll.u32 s14, $0xA;
	s11 =	simm.s32 $0x5;
	s7 =	sand.u32 $0x70, s7;
	v18 =	vadd.s32 s0, v0;
	v7 =	vmul.f32 v7, v8  }
0x25d: {  	v23 =	vadd.s32 s11, v0;
	v25 =	vand.u32 $0x38, v18;
	s9 =	sand.u32 $0x2000, s19;
	s19 =	simm.s32 $0x4;
	s13 =	simm.s32 $0x3;
	v15 =	vld.idx.msk [tilespmem:v10+s17+$0x0], $0xffff  }
0x25e: {  	v33 =	vor.u32 v5, v25;
	s7 =	sor.u32 s7, s9;
	s9 =	simm.s32 $0x2;
	v22 =	vadd.s32 s19, v0;
	s19 =	simm.s32 $0x6;
	v7 =	vsub.f32 $1.500000000e+00, v7  }
0x25f: {  	v24 =	vadd.s32 s13, v0;
	v19 =	vadd.s32 s9, v0;
	v26 =	vadd.s32 s19, v0;
	v27 =	vld.idx.msk [tilespmem:v13+s10+$0x0], $0xffff  }
0x260: {  	v16 =	vshll.u32 v16, $0x7;
	v14 =	vand.u32 $0x3F, v19;
	v20 =	vld.idx.msk [tilespmem:v11+s17+$0x0], $0xffff;
	v8 =	vmul.f32 v7, v8  }
0x261: {  	v36 =	vand.u32 $0x1F80, v16;
	v30 =	vld.idx.msk [tilespmem:v13+s12+$0x0], $0xffff;
	v13 =	vand.u32 $0x3F, v23;
	v10 =	vor.u32 v5, v6  }
0x262: {  	v29 =	vor.u32 v25, v10;
	v7 =	vmul.f32 v8, v9;
	v31 =	vmul.f32 v15, v8  }
0x263: {  	v12 =	vand.u32 $0x3F, v22;
	v28 =	vor.u32 v6, v14;
	v35 =	vor.u32 v6, v13  }
0x264: {  	v32 =	vor.u32 v6, v12;
	v34 =	vld.idx.msk [tilespmem:v21+s10+$0x0], $0xffff;
	v11 =	vand.u32 $0x3F, v24;
	v25 =	vsub.f32 v31, v7  }
0x265: {  	v24 =	vshll.u32 v24, $0x7;
	v23 =	vshll.u32 v23, $0x7;
	v20 =	vmul.f32 v20, v8  }
0x266: {  	v38 =	vld.idx.msk [tilespmem:v33+s10+$0x0], $0xffff;
	v9 =	vor.u32 s7, v0;
	v31 =	vor.u32 v6, v11;
	v16 =	vmul.f32 v25, v27  }
0x267: {  	v15 =	vand.u32 $0x3F, v26;
	v29 =	vld.idx.msk [tilespmem:v29+s17+$0x0], $0xffff;
	v20 =	vsub.f32 v20, v7;
	v27 =	vshll.u32 v18, $0x7  }
0x268: {  	v59 =	vld.idx.msk [tilespmem:v35+s17+$0x0], $0xffff;
	v18 =	vshll.u32 v26, $0x7;
	v25 =	vadd.f32 v16, v30;
	v30 =	vor.u32 v6, v15  }
0x269: {  	v26 =	vmul.f32 v20, v34;
	v16 =	vshll.u32 v17, $0x7;
	v17 =	vand.u32 $0x1F80, v24;
	v24 =	vld.idx.msk [tilespmem:v32+s17+$0x0], $0xffff  }
0x26a: {  	v37 =	vld.idx.msk [tilespmem:v12+s10+$0x0], $0xffff;
	v20 =	vand.u32 $0x1F80, v18;
	v58 =	vand.u32 $0x1F80, v16;
	v16 =	vshll.u32 v19, $0x7  }
0x26b: {  	v18 =	vshll.u32 v22, $0x7;
	v27 =	vand.u32 $0x1F80, v27;
	v22 =	vld.idx.msk [tilespmem:v31+s17+$0x0], $0xffff;
	v16 =	vand.u32 $0x1F80, v16  }
0x26c: {  	v19 =	vor.u32 v16, v9;
	v16 =	vand.u32 $0x1F80, v23;
	v23 =	vld.idx.msk [tilespmem:v28+s17+$0x0], $0xffff;
	v28 =	vmul.f32 v29, v8  }
0x26d: {  	v34 =	vmul.f32 v59, v8;
	v18 =	vand.u32 $0x1F80, v18;
	v27 =	vor.u32 v27, v9;
	v60 =	vld.idx.msk [tilespmem:v30+s17+$0x0], $0xffff  }
0x26e: {  	v31 =	vor.u32 v36, v9;
	v28 =	vsub.f32 v28, v7;
	v39 =	vmul.f32 v24, v8;
	v30 =	vld.idx.msk [tilespmem:v21+s12+$0x0], $0xffff  }
0x26f: {  	v34 =	vsub.f32 v34, v7;
	v18 =	vor.u32 v18, v9;
	v29 =	vld.idx.msk [tilespmem:v33+s12+$0x0], $0xffff;
	v24 =	vor.u32 v58, v9  }
0x270: {  	v21 =	vmul.f32 v22, v8;
	v22 =	vsub.f32 v39, v7;
	v33 =	vmul.f32 v28, v38;
	v28 =	vld.idx.msk [tilespmem:v13+s10+$0x0], $0xffff  }
0x271: {  	v17 =	vor.u32 v17, v9;
	v16 =	vor.u32 v16, v9;
	v32 =	vmul.f32 v23, v8  }
0x272: {  	s7 =	simm.s32 $0x8;
	v23 =	vsub.f32 v21, v7;
	v21 =	vmul.f32 v22, v37;
	v22 =	vld.idx.msk [tilespmem:v14+s12+$0x0], $0xffff;
	v35 =	vmul.f32 v60, v8  }
.LBB2_10:
0x273: {  	v36 =	vadd.s32 s7, v0;
	s9 =	sadd.s32 $0x1, s7;
	s11 =	sadd.s32 $0x2, s7;
	s13 =	sadd.s32 $0x3, s7;
	[tilespmem:v31+s1+$0x0] =	vst.idx.msk $0xffff, v25;
	v20 =	vor.u32 v20, v9;
	v25 =	vadd.f32 v26, v30  }
0x274: {  	s19 =	sadd.s32 $0x6, s7;
	v29 =	vadd.f32 v33, v29;
	v26 =	vadd.s32 s9, v0;
	v30 =	vadd.s32 s11, v0;
	s9 =	sadd.s32 $0x4, s7;
	s11 =	sadd.s32 $0x5, s7;
	v31 =	vld.idx.msk [tilespmem:v14+s10+$0x0], $0xffff  }
0x275: {  	p0 =	slt.u32 s7, $0x38;
	v28 =	vmul.f32 v34, v28;
	v33 =	vadd.s32 s9, v0;
	v37 =	vadd.s32 s11, v0;
	s9 =	sadd.s32 $0x7, s7;
	s7 =	sadd.s32 $0x8, s7;
	v34 =	vld.idx.msk [tilespmem:v15+s10+$0x0], $0xffff;
	[tilespmem:v24+s1+$0x0] =	vst.idx.msk $0xffff, v25  }
0x276: {  	v24 =	vand.u32 $0x3F, v26;
	v25 =	vadd.s32 s9, v0;
	[tilespmem:v27+s1+$0x0] =	vst.idx.msk $0xffff, v29;
	v27 =	vsub.f32 v32, v7;
	v29 =	vld.idx.msk [tilespmem:v11+s10+$0x0], $0xffff  }
0x277: {  	v35 =	vsub.f32 v35, v7;
	v32 =	vadd.s32 s13, v0;
	v38 =	vand.u32 $0x3F, v25;
	v39 =	vld.idx.msk [tilespmem:v13+s12+$0x0], $0xffff  }
0x278: {  	v42 =	vand.u32 $0x38, v36;
	v14 =	vand.u32 $0x3F, v30;
	v43 =	vor.u32 v6, v38;
	v44 =	vld.idx.msk [tilespmem:v15+s12+$0x0], $0xffff  }
0x279: {  	v50 =	vadd.s32 s19, v0;
	v45 =	vor.u32 v6, v24;
	v52 =	vld.idx.msk [tilespmem:v11+s12+$0x0], $0xffff;
	v11 =	vand.u32 $0x3F, v32  }
0x27a: {  	v53 =	vor.u32 v6, v14;
	v13 =	vand.u32 $0x3F, v37;
	v54 =	vld.idx.msk [tilespmem:v12+s12+$0x0], $0xffff;
	v12 =	vand.u32 $0x3F, v33  }
0x27b: {  	v55 =	vor.u32 v42, v10;
	v34 =	vmul.f32 v35, v34;
	v58 =	vld.idx.msk [tilespmem:v24+s12+$0x0], $0xffff;
	v59 =	vor.u32 v6, v12  }
0x27c: {  	v15 =	vand.u32 $0x3F, v50;
	v35 =	vor.u32 v5, v42;
	v23 =	vmul.f32 v23, v29;
	v42 =	vld.idx.msk [tilespmem:v38+s10+$0x0], $0xffff  }
0x27d: {  	v60 =	vor.u32 v6, v13;
	v27 =	vmul.f32 v27, v31;
	v29 =	vor.u32 v6, v11;
	v24 =	vld.idx.msk [tilespmem:v24+s10+$0x0], $0xffff  }
0x27e: {  	v26 =	vshll.u32 v26, $0x7;
	v28 =	vadd.f32 v28, v39;
	v34 =	vadd.f32 v34, v44;
	v31 =	vld.idx.msk [tilespmem:v45+s17+$0x0], $0xffff  }
0x27f: {  	v26 =	vand.u32 $0x1F80, v26;
	v22 =	vadd.f32 v27, v22;
	v23 =	vadd.f32 v23, v52;
	v39 =	vld.idx.msk [tilespmem:v12+s10+$0x0], $0xffff  }
0x280: {  	v27 =	vshll.u32 v36, $0x7;
	v36 =	vshll.u32 v50, $0x7;
	v21 =	vadd.f32 v21, v54;
	v43 =	vld.idx.msk [tilespmem:v43+s17+$0x0], $0xffff;
	[tilespmem:v20+s1+$0x0] =	vst.idx.msk $0xffff, v34  }
0x281: {  	v25 =	vshll.u32 v25, $0x7;
	v32 =	vshll.u32 v32, $0x7;
	v20 =	vand.u32 $0x1F80, v36;
	v34 =	vld.idx.msk [tilespmem:v55+s17+$0x0], $0xffff;
	[tilespmem:v19+s1+$0x0] =	vst.idx.msk $0xffff, v22  }
0x282: {  	v25 =	vand.u32 $0x1F80, v25;
	v32 =	vand.u32 $0x1F80, v32;
	v36 =	vor.u32 v6, v15;
	v22 =	vld.idx.msk [tilespmem:v35+s10+$0x0], $0xffff;
	[tilespmem:v18+s1+$0x0] =	vst.idx.msk $0xffff, v21  }
0x283: {  	v19 =	vshll.u32 v33, $0x7;
	v18 =	vshll.u32 v30, $0x7;
	v30 =	vshll.u32 v37, $0x7;
	v21 =	vld.idx.msk [tilespmem:v59+s17+$0x0], $0xffff;
	[tilespmem:v16+s1+$0x0] =	vst.idx.msk $0xffff, v28  }
0x284: {  	v16 =	vmul.f32 v31, v8;
	v18 =	vand.u32 $0x1F80, v18;
	v28 =	vld.idx.msk [tilespmem:v29+s17+$0x0], $0xffff;
	v29 =	vand.u32 $0x1F80, v19;
	[tilespmem:v17+s1+$0x0] =	vst.idx.msk $0xffff, v23  }
0x285: {  	v19 =	vor.u32 v18, v9;
	v17 =	vand.u32 $0x1F80, v30;
	v18 =	vor.u32 v29, v9;
	v23 =	vld.idx.msk [tilespmem:v60+s17+$0x0], $0xffff  }
0x286: {  	v29 =	vsub.f32 v16, v7;
	v16 =	vor.u32 v17, v9;
	v30 =	vmul.f32 v43, v8;
	v37 =	vld.idx.msk [tilespmem:v53+s17+$0x0], $0xffff  }
0x287: {  	v27 =	vand.u32 $0x1F80, v27;
	v17 =	vor.u32 v32, v9;
	v31 =	vmul.f32 v34, v8;
	v36 =	vld.idx.msk [tilespmem:v36+s17+$0x0], $0xffff  }
0x288: {  	v32 =	vmul.f32 v29, v24;
	v33 =	vsub.f32 v30, v7;
	v24 =	vor.u32 v25, v9;
	v30 =	vld.idx.msk [tilespmem:v38+s12+$0x0], $0xffff  }
.Ltmp3:
0x289: {  	v34 =	vsub.f32 v31, v7;
	v31 =	vor.u32 v26, v9;
	v21 =	vmul.f32 v21, v8;
	v29 =	vld.idx.msk [tilespmem:v35+s12+$0x0], $0xffff;
	(pc) =	sbr.rel @p0 .LBB2_10-.Ltmp3, $4  }
0x28a: {  	v25 =	vadd.f32 v32, v58;
	v35 =	vmul.f32 v28, v8;
	v26 =	vmul.f32 v33, v42;
	v28 =	vld.idx.msk [tilespmem:v13+s10+$0x0], $0xffff  }
0x28b: {  	v27 =	vor.u32 v27, v9;
	v21 =	vsub.f32 v21, v7;
	v38 =	vmul.f32 v23, v8  }
0x28c: {  	v33 =	vmul.f32 v34, v22;
	v32 =	vmul.f32 v37, v8;
	v23 =	vsub.f32 v35, v7  }
0x28d: {  	v21 =	vmul.f32 v21, v39;
	v34 =	vsub.f32 v38, v7;
	v35 =	vmul.f32 v36, v8;
	v22 =	vld.idx.msk [tilespmem:v14+s12+$0x0], $0xffff  }
0x28e: {  	_ =	sdelay $0x3  }
0x28f: {  	v6 =	vld.idx.msk [tilespmem:v15+s10+$0x0], $0xffff  }
0x290: {  	v8 =	vld.idx.msk [tilespmem:v14+s10+$0x0], $0xffff  }
0x291: {  	v12 =	vld.idx.msk [tilespmem:v12+s12+$0x0], $0xffff  }
0x292: {  	v10 =	vld.idx.msk [tilespmem:v15+s12+$0x0], $0xffff  }
0x293: {  	v52 =	vld.idx.msk [tilespmem:v11+s10+$0x0], $0xffff;
	v53 =	vsub.f32 v35, v7  }
0x294: {  	v9 =	vor.u32 v20, v9;
	v54 =	vadd.f32 v26, v30;
	v13 =	vld.idx.msk [tilespmem:v13+s12+$0x0], $0xffff;
	v7 =	vsub.f32 v32, v7  }
0x295: {  	[tilespmem:v31+s1+$0x0] =	vst.idx.msk $0xffff, v25;
	v55 =	vadd.f32 v33, v29;
	v58 =	vld.idx.msk [tilespmem:v11+s12+$0x0], $0xffff;
	v6 =	vmul.f32 v53, v6  }
0x296: {  	s14 =	sadd.s32 $0x1, s14;
	[tilespmem:v24+s1+$0x0] =	vst.idx.msk $0xffff, v54;
	v7 =	vmul.f32 v7, v8;
	v12 =	vadd.f32 v21, v12  }
0x297: {  	v59 =	vmul.f32 v34, v28;
	p0 =	sne.s32 s14, $0x10;
	[tilespmem:v27+s1+$0x0] =	vst.idx.msk $0xffff, v55;
	v6 =	vadd.f32 v6, v10  }
.Ltmp4:
0x298: {  	v60 =	vmul.f32 v23, v52;
	v7 =	vadd.f32 v7, v22;
	[tilespmem:v18+s1+$0x0] =	vst.idx.msk $0xffff, v12;
	(pc) =	sbr.rel @p0 .LBB2_9-.Ltmp4, $4  }
0x299: {  	[tilespmem:v9+s1+$0x0] =	vst.idx.msk $0xffff, v6;
	v6 =	vadd.f32 v59, v13  }
0x29a: {  	[tilespmem:v19+s1+$0x0] =	vst.idx.msk $0xffff, v7;
	v7 =	vadd.f32 v60, v58  }
0x29b: {  	[tilespmem:v16+s1+$0x0] =	vst.idx.msk $0xffff, v6  }
0x29c: {  	[tilespmem:v17+s1+$0x0] =	vst.idx.msk $0xffff, v7  }
0x29d: {  	s0 =	smulhi.u32 $0x51EB851F, s2;
	_ =	sdelay $0x1  }
0x29e: {  	s0 =	sshrl.u32 s0, $0x3  }
0x29f: {  	s7 =	smul.u32 $0x19, s0;
	_ =	sdelay $0x1  }
0x2a0: {  	s0 =	sadd.s32 s8, s0;
	s14 =	ssub.s32 s2, s7  }
0x2a1: {  	s0 =	sshll.u32 s0, $0xA;
	s2 =	sshll.u32 s14, $0x15  }
0x2a2: {  	s0 =	sadd.s32 s2, s0  }
0x2a3: {  	s0 =	sshrl.u32 s0, $0x3  }
0x2a4: {  	s2 =	sadd.s32 s4, s0  }
0x2a5: {  	[hbm4b:s2+s5] =	stream.linear.scatter [tilespmem:s1], [sflag:$0x2], $0x400, $0x38;
	[tilespmem:$0x1C880] =	vst v63  }
0x2a6: {  	s9 =	simm.s32 $0x18C00;
	s19 =	sadd.s32 $0x4000, s2  }
0x2a7: {  	[hbm4b:s19+s5] =	stream.linear.scatter [tilespmem:s9], [sflag:$0x2], $0x400, $0x38;
	[tilespmem:$0x1C880] =	vst v63  }
0x2a8: {  	s13 =	simm.s32 $0x19000;
	s11 =	sadd.s32 $0x8000, s2  }
0x2a9: {  	[hbm4b:s11+s5] =	stream.linear.scatter [tilespmem:s13], [sflag:$0x2], $0x400, $0x38;
	[tilespmem:$0x1C880] =	vst v63  }
0x2aa: {  	s14 =	sadd.s32 $0xC000, s2;
	s19 =	simm.s32 $0x19400  }
0x2ab: {  	[hbm4b:s14+s5] =	stream.linear.scatter [tilespmem:s19], [sflag:$0x2], $0x400, $0x38;
	[tilespmem:$0x1C880] =	vst v63  }
0x2ac: {  	s11 =	sadd.s32 $0x10000, s2;
	s13 =	simm.s32 $0x19800  }
0x2ad: {  	[hbm4b:s11+s5] =	stream.linear.scatter [tilespmem:s13], [sflag:$0x2], $0x400, $0x38;
	[tilespmem:$0x1C880] =	vst v63  }
0x2ae: {  	s14 =	sadd.s32 $0x14000, s2;
	s19 =	simm.s32 $0x19C00  }
0x2af: {  	[hbm4b:s14+s5] =	stream.linear.scatter [tilespmem:s19], [sflag:$0x2], $0x400, $0x38;
	[tilespmem:$0x1C880] =	vst v63  }
0x2b0: {  	s11 =	sadd.s32 $0x18000, s2;
	s13 =	simm.s32 $0x1A000  }
0x2b1: {  	[hbm4b:s11+s5] =	stream.linear.scatter [tilespmem:s13], [sflag:$0x2], $0x400, $0x38;
	[tilespmem:$0x1C880] =	vst v63  }
0x2b2: {  	s0 =	sor.u32 $0x20000, s0;
	s14 =	sadd.s32 $0x1C000, s2  }
0x2b3: {  	[hbm4b:s14+s5] =	stream.linear.scatter [tilespmem:s21], [sflag:$0x2], $0x400, $0x38;
	[tilespmem:$0x1C880] =	vst v63  }
0x2b4: {  	s0 =	sadd.s32 s4, s0  }
0x2b5: {  	[hbm4b:s0+s5] =	stream.linear.scatter [tilespmem:s22], [sflag:$0x2], $0x400, $0x38;
	[tilespmem:$0x1C880] =	vst v63  }
0x2b6: {  	s19 =	sadd.s32 $0x24000, s2  }
0x2b7: {  	[hbm4b:s19+s5] =	stream.linear.scatter [tilespmem:s23], [sflag:$0x2], $0x400, $0x38;
	[tilespmem:$0x1C880] =	vst v63  }
0x2b8: {  	s7 =	sadd.s32 $0x28000, s2  }
0x2b9: {  	[hbm4b:s7+s5] =	stream.linear.scatter [tilespmem:s24], [sflag:$0x2], $0x400, $0x38;
	[tilespmem:$0x1C880] =	vst v63  }
0x2ba: {  	s9 =	sadd.s32 $0x2C000, s2  }
0x2bb: {  	[hbm4b:s9+s5] =	stream.linear.scatter [tilespmem:s25], [sflag:$0x2], $0x400, $0x38;
	[tilespmem:$0x1C880] =	vst v63  }
0x2bc: {  	s3 =	sadd.s32 $0x1, s3;
	s11 =	sadd.s32 $0x30000, s2  }
0x2bd: {  	[hbm4b:s11+s5] =	stream.linear.scatter [tilespmem:s26], [sflag:$0x2], $0x400, $0x38;
	[tilespmem:$0x1C880] =	vst v63  }
0x2be: {  	p0 =	sne.s32 s3, $0x32;
	s13 =	sadd.s32 $0x34000, s2  }
0x2bf: {  	[hbm4b:s13+s5] =	stream.linear.scatter [tilespmem:s28], [sflag:$0x2], $0x400, $0x38;
	[tilespmem:$0x1C880] =	vst v63  }
.Ltmp5:
0x2c0: {  	_ = 	snop;
	(pc) =	sbr.rel @p0 .LBB2_4-.Ltmp5, $4  }
0x2c1: {  	s14 =	sadd.s32 $0x38000, s2  }
0x2c2: {  	[hbm4b:s14+s5] =	stream.linear.scatter [tilespmem:s29], [sflag:$0x2], $0x400, $0x38;
	[tilespmem:$0x1C880] =	vst v63  }
0x2c3: {  	s19 =	sadd.s32 $0x3C000, s2  }
0x2c4: {  	[hbm4b:s19+s5] =	stream.linear.scatter [tilespmem:s30], [sflag:$0x2], $0x400, $0x38;
	[tilespmem:$0x1C880] =	vst v63  }
0x2c5: {  	_ =	swait.ge [sflag:s31], $0x4000  }
0x2c6: {  	[sflag:s31] =	ssyncset.done $0x0  }
0x2c7: {  	[sflag:s31] =	ssyncadd.s32 $0xFFFFC000  }
0x2c8: {  	_ =	swait.ge [sflag:s31], $0x4000  }
0x2c9: {  	s2 =	rddreg [dreg:$0x7]  }
0x2ca: {  	s0 =	rddreg [dreg:$0x6];
	s2 =	sadd.s32 $0x1, s2  }
0x2cb: {  	p0 =	sne.s32 s2, s0  }
.Ltmp6:
0x2cc: {  	_ = 	snop;
	(pc) =	sbr.rel @p0 .LBB2_1-.Ltmp6, $3  }
0x2cd: {  	_ =	sdelay $0x1  }
0x2ce: {  	[sflag:s31] =	ssyncset.done $0x0  }
0x2cf: {  	[sflag:s31] =	ssyncadd.s32 $0xFFFFC000  }
0x2d0: {  	_ =	sfence.sel $0x180000  }
0x2d1: {  	[bflag:$0x0] =	sbarrier.arrive $0xFFFF  }
0x2d2: {  	_ =	strace $0x90000047  }
0x2d3: {  	s0 =	stileid.u32;
	[bflag:$0x2] =	sbarrier.arrive $0xFFFF  }
0x2d4: {  	p0 =	sne.s32 s0, $0x0;
	s0 =	rddreg [dreg:$0x4]  }
0x2d5: {  	s0 =	sadd.s32 @!p0 $0x100000, s0  }
0x2d6: {  	[sflag:s0] =	ssyncadd.tile.s32 @!p0 $0x1;
	_ =	shalt  }
.Lfunc_end2:
_tile_overlayer_lowered:
.L_overlay_start_2:
0x2d7: {  	(tag) =	ssettag $0x2  }
0x2d8: {  	s0 =	rddreg [dreg:$0x0];
	s2 =	stileid.u32  }
0x2d9: {  	s1 =	rddreg [dreg:$0x1];
	p0 =	sne.s32 s2, $0x0  }
0x2da: {  	s3 =	rddreg [dreg:$0x2];
	[bflag:$0x3] =	sbarrier.arrive $0xFFFF;
	s2 =	simm.s32 @!p0 $0x1C03  }
0x2db: {  	[timem:s3], [sflag:s2] =	dma.local @!p0 [hbm:s0], s1  }
0x2dc: {  	s0 =	simm.s32 @!p0 $0x3  }
0x2dd: {  	_ =	swait.ge @!p0 [sflag:s0], s1  }
0x2de: {  	s1 =	ssub.s32 @!p0 $0x0, s1;
	[sflag:s0] =	ssyncset.done @!p0 $0x0  }
0x2df: {  	[sflag:s0] =	ssyncadd.s32 @!p0 s1  }
0x2e0: {  	[bflag:$0x3] =	sbarrier.arrive $0xFFFF  }
0x2e1: {  	_ =	shalt  }

</sc_bundles>
